<compile_context>
chip_gen: v7x
topology: tpu7x:2x2x1
jax: 0.10.2.dev20260603
libtpu: 0.0.44.dev20260713+nightly
codegen_flags: <defaults>
</compile_context>

<pallas_src>
import functools

import jax
import jax.numpy as jnp
from jax import lax
from jax.experimental import pallas as pl
from jax.experimental.pallas import tpu as pltpu
from jax.experimental.pallas import tpu_sc as plsc

RACE_CARD = 1000
ETH_CARD = 1000
D = 32
BATCH = 16384
NTAB = RACE_CARD * ETH_CARD

NUM_CORES = 2
NUM_SUBCORES = 16
LANES = 16
NW = NUM_CORES * NUM_SUBCORES
B_PER_W = BATCH // NW

NBLK = NTAB // 128
BLK_PER_W = NBLK // NW
CHUNK_BLKS = 4
CHUNK_COLS = CHUNK_BLKS * 128
TAIL0 = NBLK * 128
NDUMP = 64
SCRATCH_ROWS = BATCH + NDUMP
XCHUNK = 2048
SBATCH = 64
SCHUNK = 32


def _make_scan_kernel():
    mesh = plsc.VectorSubcoreMesh(core_axis_name="c", subcore_axis_name="s")

    @functools.partial(
        pl.kernel,
        mesh=mesh,
        compiler_params=pltpu.CompilerParams(needs_layout_passes=False),
        out_type=jax.ShapeDtypeStruct((SCRATCH_ROWS, 128), jnp.float32),
        scratch_types=[
            pltpu.VMEM((XCHUNK,), jnp.int32),
            pltpu.VMEM((XCHUNK,), jnp.int32),
            pltpu.VMEM((BATCH,), jnp.int32),
            pltpu.VMEM((BATCH,), jnp.int32),
            pltpu.VMEM((3, D // 8, 8, CHUNK_COLS), jnp.float32),
            pltpu.VMEM((BATCH,), jnp.int32),
            pltpu.VMEM((BATCH,), jnp.int32),
            pltpu.VMEM((1, SBATCH, 128), jnp.float32),
            pltpu.VMEM((SBATCH,), jnp.int32),
            pltpu.SemaphoreType.DMA,
            pltpu.SemaphoreType.DMA,
            pltpu.SemaphoreType.DMA,
        ],
    )
    def k(xr_hbm, xe_hbm, tab_hbm, scr_hbm,
          xr_v, xe_v, wl_ii, wl_b, cbuf, h_ii, h_b, sstage, bstage,
          sem_in, sem_x2, sem_out):
        wid = lax.axis_index("s") * NUM_CORES + lax.axis_index("c")
        nblk_w = BLK_PER_W + jnp.where(wid == NW - 1, NBLK - BLK_PER_W * NW,
                                       0)
        cstart = wid * BLK_PER_W * 128
        cend = cstart + nblk_w * 128
        lanes = lax.iota(jnp.int32, LANES)
        zeros = jnp.zeros((LANES,), jnp.int32)

        def xchunk_body(g, wlfill):
            c1 = pltpu.async_copy(
                xr_hbm.at[pl.ds(g * XCHUNK, XCHUNK)],
                xr_v.at[pl.ds(0, XCHUNK)], sem_in)
            c2 = pltpu.async_copy(
                xe_hbm.at[pl.ds(g * XCHUNK, XCHUNK)],
                xe_v.at[pl.ds(0, XCHUNK)], sem_x2)
            c1.wait()
            c2.wait()

            def vbody(j, fill):
                sl = pl.ds(j * LANES, LANES)
                ii = xr_v[sl] * ETH_CARD + xe_v[sl]
                m = jnp.logical_and(ii >= cstart, ii < cend)
                mi = m.astype(jnp.int32)
                pos = fill + jnp.cumsum(mi) - 1
                bpos = g * XCHUNK + j * LANES + lanes
                plsc.store_scatter(wl_ii, [pos], ii, mask=m)
                plsc.store_scatter(wl_b, [pos], bpos, mask=m)
                return fill + jnp.sum(mi)

            return lax.fori_loop(0, XCHUNK // LANES, vbody, wlfill)

        wlfill = lax.fori_loop(0, BATCH // XCHUNK, xchunk_body, 0)

        for kk in range(SBATCH // LANES):
            bstage[pl.ds(kk * LANES, LANES)] = BATCH + kk * LANES + lanes

        def flush():
            pltpu.async_copy(sstage.at[0], scr_hbm.at[bstage],
                             sem_out).wait()

        def extract(k16, sfill, hfill, c0, par):
            sl = pl.ds(k16 * LANES, LANES)
            hv = h_ii[sl]
            bv = h_b[sl]
            nrem = hfill - k16 * LANES
            vm = lanes < nrem
            col = hv - c0
            spos = sfill + lanes
            parv = jnp.full((LANES,), 0, jnp.int32) + par
            for f in range(D):
                g = plsc.load_gather(
                    cbuf, [parv, jnp.full((LANES,), f // 8, jnp.int32),
                           jnp.full((LANES,), f % 8, jnp.int32), col],
                    mask=vm)
                plsc.store_scatter(
                    sstage, [zeros, spos,
                             jnp.full((LANES,), f, jnp.int32)], g, mask=vm)
            plsc.store_scatter(bstage, [spos], bv, mask=vm)
            sfill = sfill + jnp.minimum(nrem, LANES)
            do_flush = sfill > SBATCH - LANES
            pl.when(do_flush)(flush)
            return jnp.where(do_flush, 0, sfill)

        nchunks = lax.div(nblk_w, CHUNK_BLKS)

        def start_fetch(t, par):
            c0 = pl.multiple_of(cstart + t * CHUNK_COLS, 128)
            return [
                pltpu.async_copy(
                    tab_hbm.at[pl.ds(8 * s, 8), pl.ds(c0, CHUNK_COLS)],
                    cbuf.at[par, s], sem_in)
                for s in range(D // 8)
            ]

        start_fetch(0, 0)
        pl.when(1 < nchunks)(lambda: (start_fetch(1, 1), None)[1])

        def chunk_body(t, sfill):
            par = lax.rem(t, 3)
            for s in range(D // 8):
                pltpu.make_async_copy(
                    tab_hbm.at[pl.ds(8 * s, 8), pl.ds(0, CHUNK_COLS)],
                    cbuf.at[par, s], sem_in).wait()
            pl.when(t + 2 < nchunks)(
                lambda: (start_fetch(t + 2, lax.rem(t + 2, 3)), None)[1])

            c0 = pl.multiple_of(cstart + t * CHUNK_COLS, 128)
            nv = lax.div(wlfill + LANES - 1, LANES)

            def mbody(j, hfill):
                sl = pl.ds(j * LANES, LANES)
                ii = wl_ii[sl]
                bv = wl_b[sl]
                vm = lanes < (wlfill - j * LANES)
                m = jnp.logical_and(
                    vm, jnp.logical_and(ii >= c0, ii < c0 + CHUNK_COLS))
                mi = m.astype(jnp.int32)
                pos = hfill + jnp.cumsum(mi) - 1
                plsc.store_scatter(h_ii, [pos], ii, mask=m)
                plsc.store_scatter(h_b, [pos], bv, mask=m)
                return hfill + jnp.sum(mi)

            hfill = lax.fori_loop(0, nv, mbody, 0)

            nh = lax.div(hfill + LANES - 1, LANES)
            sfill = lax.fori_loop(
                0, nh, lambda k16, s: extract(k16, s, hfill, c0, par),
                sfill)
            return sfill

        sfill = lax.fori_loop(0, nchunks, chunk_body, 0)
        flush()

    return k


def _make_assemble_kernel():
    mesh = plsc.VectorSubcoreMesh(core_axis_name="c", subcore_axis_name="s")

    @functools.partial(
        pl.kernel,
        mesh=mesh,
        compiler_params=pltpu.CompilerParams(needs_layout_passes=False),
        out_type=jax.ShapeDtypeStruct((3 * D, BATCH), jnp.float32),
        scratch_types=[
            pltpu.VMEM((D * RACE_CARD,), jnp.float32),
            pltpu.VMEM((D * ETH_CARD,), jnp.float32),
            pltpu.VMEM(((NTAB - TAIL0) * D,), jnp.float32),
            pltpu.VMEM((B_PER_W,), jnp.int32),
            pltpu.VMEM((B_PER_W,), jnp.int32),
            pltpu.VMEM((2, SCHUNK, 128), jnp.float32),
            pltpu.VMEM((3 * D, B_PER_W), jnp.float32),
            pltpu.SemaphoreType.DMA,
            pltpu.SemaphoreType.DMA,
        ],
    )
    def k(xr_hbm, xe_hbm, racef_hbm, ethf_hbm, tailf_hbm, scr_hbm, out_hbm,
          race_v, eth_v, tail_v, r_idx, e_idx, sbuf, out_v, sem_in,
          sem_out):
        wid = lax.axis_index("s") * NUM_CORES + lax.axis_index("c")
        base = wid * B_PER_W
        lanes = lax.iota(jnp.int32, LANES)

        ct_r = pltpu.async_copy(racef_hbm, race_v, sem_in)
        ct_e = pltpu.async_copy(ethf_hbm, eth_v, sem_in)
        ct_t = pltpu.async_copy(tailf_hbm, tail_v, sem_in)
        pltpu.sync_copy(xr_hbm.at[pl.ds(base, B_PER_W)], r_idx)
        pltpu.sync_copy(xe_hbm.at[pl.ds(base, B_PER_W)], e_idx)

        def sfetch(t, par):
            return pltpu.async_copy(
                scr_hbm.at[pl.ds(base + t * SCHUNK, SCHUNK)], sbuf.at[par],
                sem_out)

        sfetch(0, 0)
        sfetch(1, 1)

        ct_r.wait()
        ct_e.wait()

        def small_body(j, carry):
            sl = pl.ds(j * LANES, LANES)
            r_vec = r_idx[sl]
            e_vec = e_idx[sl]
            for f in range(D):
                out_v[f, pl.ds(j * LANES, LANES)] = (
                    plsc.load_gather(race_v, [r_vec * D + f]))
                out_v[D + f, pl.ds(j * LANES, LANES)] = (
                    plsc.load_gather(eth_v, [e_vec * D + f]))
            return carry

        lax.fori_loop(0, B_PER_W // LANES, small_body, 0)
        ct_t.wait()

        nsc = B_PER_W // SCHUNK

        def schunk_body(t, carry):
            par = lax.rem(t, 2)
            pltpu.make_async_copy(
                scr_hbm.at[pl.ds(base, SCHUNK)], sbuf.at[par],
                sem_out).wait()
            parv = jnp.full((LANES,), 0, jnp.int32) + par

            def blk_body(b, carry2):
                g0 = t * SCHUNK + b * LANES
                sl = pl.ds(g0, LANES)
                ii = r_idx[sl] * ETH_CARD + e_idx[sl]
                tmask = ii >= TAIL0
                taddr = jnp.maximum(ii - TAIL0, 0) * D
                rows = lanes + b * LANES
                for c in range(D):
                    v = plsc.load_gather(
                        sbuf, [parv, rows,
                               jnp.full((LANES,), c, jnp.int32)])
                    tv = plsc.load_gather(tail_v, [taddr + c])
                    v = jnp.where(tmask, tv, v)
                    out_v[2 * D + c, pl.ds(g0, LANES)] = v
                return carry2

            lax.fori_loop(0, SCHUNK // LANES, blk_body, 0)
            pl.when(t + 2 < nsc)(
                lambda: (sfetch(t + 2, par), None)[1])
            return carry

        lax.fori_loop(0, nsc, schunk_body, 0)

        pltpu.sync_copy(out_v, out_hbm.at[:, pl.ds(base, B_PER_W)])

    return k


_scan_kernel = _make_scan_kernel()
_assemble_kernel = _make_assemble_kernel()


@jax.jit
def kernel(x, race_table, ethnicity_table, interaction_table):
    xc = x.astype(jnp.int32).T.reshape(-1)
    xr = xc[:BATCH]
    xe = xc[BATCH:]
    racef = race_table.reshape(-1)
    ethf = ethnicity_table.reshape(-1)
    tailf = interaction_table[TAIL0:].reshape(-1)
    tab_t = interaction_table.T
    scratch = _scan_kernel(xr, xe, tab_t)
    out = _assemble_kernel(xr, xe, racef, ethf, tailf, scratch)
    return out.T

# --- scband reference (transcript-rebuilt; emitter-appended) ---
"""Pipeline reference for scband-ethnicity-model-40054865003178 (READ-ONLY COPY).

The authoritative reference and input builder live on the scoring server;
editing this copy changes nothing except your own understanding.
"""

import jax, jax.numpy as jnp
import numpy as np

RACE_CARD = 1000
ETH_CARD = 1000
D_RACE = 32
D_ETH = 32
D_INTER = 32
BATCH = 16384


def setup_inputs(seed: int = 0) -> dict:
    key = jax.random.key(seed)
    k_x, k_r, k_e, k_i = jax.random.split(key, 4)
    x = jax.random.randint(k_x, (BATCH, 2), 0, 1000, dtype=jnp.int64 if jax.config.jax_enable_x64 else jnp.int32)
    race_table = jax.random.normal(k_r, (RACE_CARD, D_RACE), dtype=jnp.float32)
    ethnicity_table = jax.random.normal(k_e, (ETH_CARD, D_ETH), dtype=jnp.float32)
    interaction_table = jax.random.normal(k_i, (RACE_CARD * ETH_CARD, D_INTER), dtype=jnp.float32)
    return {"x": x, "race_table": race_table, "ethnicity_table": ethnicity_table, "interaction_table": interaction_table}


def reference(x, race_table, ethnicity_table, interaction_table):
    race = jnp.take(race_table, x[:, 0], axis=0)
    ethnicity = jnp.take(ethnicity_table, x[:, 1], axis=0)
    interaction_x = x[:, 0] * ETH_CARD + x[:, 1]
    interaction_emb = jnp.take(interaction_table, interaction_x, axis=0)
    return jnp.concatenate([race, ethnicity, interaction_emb], axis=1)

if __name__ == "__main__":
    import jax
    _d = setup_inputs()
    print(jax.jit(kernel)(*tuple(_d.values())))

</pallas_src>

<mosaic_0001>
#map = affine_map<(d0, d1) -> (0)>
#map1 = affine_map<(d0, d1) -> (0, 0)>
module attributes {stable_mosaic.version = 14 : i64} {
  func.func @k(%arg0: i32, %arg1: i32, %arg2: memref<16384xi32, #tpu.memory_space<hbm>>, %arg3: memref<16384xi32, #tpu.memory_space<hbm>>, %arg4: memref<32x1000000xf32, #tpu.memory_space<hbm>>, %arg5: memref<16448x128xf32, #tpu.memory_space<hbm>>, %arg6: memref<2048xi32, #tpu.memory_space<vmem>>, %arg7: memref<2048xi32, #tpu.memory_space<vmem>>, %arg8: memref<16384xi32, #tpu.memory_space<vmem>>, %arg9: memref<16384xi32, #tpu.memory_space<vmem>>, %arg10: memref<3x4x8x512xf32, #tpu.memory_space<vmem>>, %arg11: memref<16384xi32, #tpu.memory_space<vmem>>, %arg12: memref<16384xi32, #tpu.memory_space<vmem>>, %arg13: memref<1x64x128xf32, #tpu.memory_space<vmem>>, %arg14: memref<64xi32, #tpu.memory_space<vmem>>, %arg15: memref<!tpu.dma_semaphore, #tpu.memory_space<semaphore_mem>>, %arg16: memref<!tpu.dma_semaphore, #tpu.memory_space<semaphore_mem>>, %arg17: memref<!tpu.dma_semaphore, #tpu.memory_space<semaphore_mem>>) attributes {dimension_semantics = [#tpu.dimension_semantics<core_parallel>, #tpu.dimension_semantics<subcore_parallel>], iteration_bounds = array<i64: 2, 16>, scalar_prefetch = 0 : i64, scratch_operands = 12 : i64, tpu.core_type = #tpu.core_type<sc_vector_subcore>, window_params = [{transform_indices = #map}, {transform_indices = #map}, {transform_indices = #map1}, {transform_indices = #map1}]} {
    %mul3A = arith.constant 2 : i32
    %mul3A_0 = arith.muli %arg1, %mul3A : i32
    %add3A = arith.addi %mul3A_0, %arg0 : i32
    %eq3A = arith.constant 31 : i32
    %eq3A_1 = arith.cmpi eq, %add3A, %eq3A : i32
    %jit3A = arith.constant 4 : i32
    %jit3A_2 = arith.constant 0 : i32
    %select_n3A = arith.select %eq3A_1, %jit3A, %jit3A_2 : i32
    %add3A_3 = arith.constant 244 : i32
    %add3A_4 = arith.addi %add3A_3, %select_n3A : i32
    %mul3A_5 = arith.constant 244 : i32
    %mul3A_6 = arith.muli %add3A, %mul3A_5 : i32
    %mul3A_7 = arith.constant 128 : i32
    %mul3A_8 = arith.muli %mul3A_6, %mul3A_7 : i32
    %mul3A_9 = arith.constant 128 : i32
    %mul3A_10 = arith.muli %add3A_4, %mul3A_9 : i32
    %add3A_11 = arith.addi %mul3A_8, %mul3A_10 : i32
    %iota3A = tpu.iota {dimensions = array<i32: 0>} : vector<16xi32>
    %broadcast_in_dim3A = arith.constant 0 : i32
    %broadcast_in_dim3A_12 = vector.broadcast %broadcast_in_dim3A : i32 to vector<16xi32>
    %scan3A = arith.constant 0 : i32
    %scan3A_13 = arith.constant 0 : i32
    %scan3A_14 = arith.constant 8 : i32
    %scan3A_15 = arith.addi %scan3A_13, %scan3A_14 : i32
    %scan3A_16 = arith.constant 1 : i32
    %scan3A_17 = scf.for %scan3A_124 = %scan3A_13 to %scan3A_15 step %scan3A_16 iter_args(%scan3A_125 = %scan3A) -> (i32)  : i32 {
      %mul3A_126 = arith.constant 2048 : i32
      %mul3A_127 = arith.muli %scan3A_124, %mul3A_126 : i32
      %dma_start3A_128 = arith.constant 0 : i32
      %dma_start3A_129 = tpu.memref_slice %arg6[%dma_start3A_128] : memref<2048xi32, #tpu.memory_space<vmem>> -> memref<2048xi32, #tpu.memory_space<vmem>>
      %dma_start3A_130 = tpu.memref_slice %arg2[%mul3A_127] : memref<16384xi32, #tpu.memory_space<hbm>> -> memref<2048xi32, #tpu.memory_space<hbm>>
      %dma_start3A_131 = arith.constant 0 : i32
      %dma_start3A_132 = tpu.memref_slice %arg6[%dma_start3A_131] : memref<2048xi32, #tpu.memory_space<vmem>> -> memref<2048xi32, #tpu.memory_space<vmem>>
      %dma_start3A_133 = tpu.memref_slice %arg2[%mul3A_127] : memref<16384xi32, #tpu.memory_space<hbm>> -> memref<2048xi32, #tpu.memory_space<hbm>>
      tpu.enqueue_dma source(%dma_start3A_133 : memref<2048xi32, #tpu.memory_space<hbm>>) target(%dma_start3A_132 : memref<2048xi32, #tpu.memory_space<vmem>>) target_semaphore(%arg15 : memref<!tpu.dma_semaphore, #tpu.memory_space<semaphore_mem>>)
      %mul3A_134 = arith.constant 2048 : i32
      %mul3A_135 = arith.muli %scan3A_124, %mul3A_134 : i32
      %dma_start3A_136 = arith.constant 0 : i32
      %dma_start3A_137 = tpu.memref_slice %arg7[%dma_start3A_136] : memref<2048xi32, #tpu.memory_space<vmem>> -> memref<2048xi32, #tpu.memory_space<vmem>>
      %dma_start3A_138 = tpu.memref_slice %arg3[%mul3A_135] : memref<16384xi32, #tpu.memory_space<hbm>> -> memref<2048xi32, #tpu.memory_space<hbm>>
      %dma_start3A_139 = arith.constant 0 : i32
      %dma_start3A_140 = tpu.memref_slice %arg7[%dma_start3A_139] : memref<2048xi32, #tpu.memory_space<vmem>> -> memref<2048xi32, #tpu.memory_space<vmem>>
      %dma_start3A_141 = tpu.memref_slice %arg3[%mul3A_135] : memref<16384xi32, #tpu.memory_space<hbm>> -> memref<2048xi32, #tpu.memory_space<hbm>>
      tpu.enqueue_dma source(%dma_start3A_141 : memref<2048xi32, #tpu.memory_space<hbm>>) target(%dma_start3A_140 : memref<2048xi32, #tpu.memory_space<vmem>>) target_semaphore(%arg16 : memref<!tpu.dma_semaphore, #tpu.memory_space<semaphore_mem>>)
      %dma_wait3A_142 = arith.constant 0 : i32
      %dma_wait3A_143 = tpu.memref_slice %arg6[%dma_wait3A_142] : memref<2048xi32, #tpu.memory_space<vmem>> -> memref<2048xi32, #tpu.memory_space<vmem>>
      %dma_wait3A_144 = tpu.memref_slice %arg2[%mul3A_127] : memref<16384xi32, #tpu.memory_space<hbm>> -> memref<2048xi32, #tpu.memory_space<hbm>>
      %dma_wait3A_145 = arith.constant 0 : i32
      %dma_wait3A_146 = tpu.memref_slice %arg6[%dma_wait3A_145] : memref<2048xi32, #tpu.memory_space<vmem>> -> memref<2048xi32, #tpu.memory_space<vmem>>
      %dma_wait3A_147 = tpu.memref_slice %arg2[%mul3A_127] : memref<16384xi32, #tpu.memory_space<hbm>> -> memref<2048xi32, #tpu.memory_space<hbm>>
      tpu.wait_dma2 semaphore(%arg15 : memref<!tpu.dma_semaphore, #tpu.memory_space<semaphore_mem>>) src(%dma_wait3A_147 : memref<2048xi32, #tpu.memory_space<hbm>>) dst(%dma_wait3A_146 : memref<2048xi32, #tpu.memory_space<vmem>>)
      %dma_wait3A_148 = arith.constant 0 : i32
      %dma_wait3A_149 = tpu.memref_slice %arg7[%dma_wait3A_148] : memref<2048xi32, #tpu.memory_space<vmem>> -> memref<2048xi32, #tpu.memory_space<vmem>>
      %dma_wait3A_150 = tpu.memref_slice %arg3[%mul3A_135] : memref<16384xi32, #tpu.memory_space<hbm>> -> memref<2048xi32, #tpu.memory_space<hbm>>
      %dma_wait3A_151 = arith.constant 0 : i32
      %dma_wait3A_152 = tpu.memref_slice %arg7[%dma_wait3A_151] : memref<2048xi32, #tpu.memory_space<vmem>> -> memref<2048xi32, #tpu.memory_space<vmem>>
      %dma_wait3A_153 = tpu.memref_slice %arg3[%mul3A_135] : memref<16384xi32, #tpu.memory_space<hbm>> -> memref<2048xi32, #tpu.memory_space<hbm>>
      tpu.wait_dma2 semaphore(%arg16 : memref<!tpu.dma_semaphore, #tpu.memory_space<semaphore_mem>>) src(%dma_wait3A_153 : memref<2048xi32, #tpu.memory_space<hbm>>) dst(%dma_wait3A_152 : memref<2048xi32, #tpu.memory_space<vmem>>)
      %scan3A_154 = arith.constant 0 : i32
      %scan3A_155 = arith.constant 128 : i32
      %scan3A_156 = arith.addi %scan3A_154, %scan3A_155 : i32
      %scan3A_157 = arith.constant 1 : i32
      %scan3A_158 = scf.for %scan3A_160 = %scan3A_154 to %scan3A_156 step %scan3A_157 iter_args(%scan3A_161 = %scan3A_125) -> (i32)  : i32 {
        %mul3A_162 = arith.constant 16 : i32
        %mul3A_163 = arith.muli %scan3A_160, %mul3A_162 : i32
        %get3A = arith.index_cast %mul3A_163 : i32 to index
        %get3A_164 = tpu.vector_load %arg6[%get3A] {strides = array<i32>} : memref<2048xi32, #tpu.memory_space<vmem>>, vector<16xi32>,
        %mul3A_165 = arith.constant 1000 : i32
        %mul3A_166 = vector.broadcast %mul3A_165 : i32 to vector<16xi32>
        %mul3A_167 = arith.muli %get3A_164, %mul3A_166 : vector<16xi32>
        %get3A_168 = arith.index_cast %mul3A_163 : i32 to index
        %get3A_169 = tpu.vector_load %arg7[%get3A_168] {strides = array<i32>} : memref<2048xi32, #tpu.memory_space<vmem>>, vector<16xi32>,
        %add3A_170 = arith.addi %mul3A_167, %get3A_169 : vector<16xi32>
        %ge3A = vector.broadcast %mul3A_8 : i32 to vector<16xi32>
        %ge3A_171 = arith.cmpi sge, %add3A_170, %ge3A : vector<16xi32>
        %lt3A = vector.broadcast %add3A_11 : i32 to vector<16xi32>
        %lt3A_172 = arith.cmpi slt, %add3A_170, %lt3A : vector<16xi32>
        %and3A = arith.andi %ge3A_171, %lt3A_172 : vector<16xi1>
        %convert_element_type3A_173 = arith.extui %and3A : vector<16xi1> to vector<16xi32>
        %cumsum3A = arith.constant true
        %cumsum3A_174 = vector.broadcast %cumsum3A : i1 to vector<16xi1>
        %cumsum3A_175 = tpu.scan <sum>, %convert_element_type3A_173 masked %cumsum3A_174 : vector<16xi32>, vector<16xi1> -> vector<16xi32>
        %add3A_176 = vector.broadcast %scan3A_161 : i32 to vector<16xi32>
        %add3A_177 = arith.addi %add3A_176, %cumsum3A_175 : vector<16xi32>
        %sub3A = arith.constant 1 : i32
        %sub3A_178 = vector.broadcast %sub3A : i32 to vector<16xi32>
        %sub3A_179 = arith.subi %add3A_177, %sub3A_178 : vector<16xi32>
        %mul3A_180 = arith.constant 2048 : i32
        %mul3A_181 = arith.muli %scan3A_124, %mul3A_180 : i32
        %mul3A_182 = arith.constant 16 : i32
        %mul3A_183 = arith.muli %scan3A_160, %mul3A_182 : i32
        %add3A_184 = arith.addi %mul3A_181, %mul3A_183 : i32
        %add3A_185 = vector.broadcast %add3A_184 : i32 to vector<16xi32>
        %add3A_186 = arith.addi %add3A_185, %iota3A : vector<16xi32>
        tpu.vector_store_idx %arg8[%sub3A_179], %add3A_170 masked %and3A : memref<16384xi32, #tpu.memory_space<vmem>>[vector<16xi32>], vector<16xi32>, vector<16xi1>
        tpu.vector_store_idx %arg9[%sub3A_179], %add3A_186 masked %and3A : memref<16384xi32, #tpu.memory_space<vmem>>[vector<16xi32>], vector<16xi32>, vector<16xi1>
        %reduce_sum3A = arith.constant true
        %reduce_sum3A_187 = vector.broadcast %reduce_sum3A : i1 to vector<16xi1>
        %reduce_sum3A_188 = tpu.scan <sum>, %convert_element_type3A_173 masked %reduce_sum3A_187 : vector<16xi32>, vector<16xi1> -> vector<16xi32>
        %reduce_sum3A_189 = vector.extract %reduce_sum3A_188[15] : i32 from vector<16xi32>
        %add3A_190 = arith.addi %scan3A_161, %reduce_sum3A_189 : i32
        scf.yield %add3A_190 : i32
      }
      %scan3A_159 = arith.constant 128 : i32
      scf.yield %scan3A_158 : i32
    }
    %scan3A_18 = arith.constant 8 : i32
    %add3A_19 = arith.constant 16384 : i32
    %add3A_20 = vector.broadcast %add3A_19 : i32 to vector<16xi32>
    %add3A_21 = arith.addi %add3A_20, %iota3A : vector<16xi32>
    %swap3A = arith.constant 0 : index
    %swap3A_22 = tpu.vector_load %arg14[%swap3A] {strides = array<i32>} : memref<64xi32, #tpu.memory_space<vmem>>, vector<16xi32>,
    tpu.vector_store %arg14[%swap3A], %add3A_21 {strides = array<i32>} : memref<64xi32, #tpu.memory_space<vmem>>, vector<16xi32>,
    %add3A_23 = arith.constant 16400 : i32
    %add3A_24 = vector.broadcast %add3A_23 : i32 to vector<16xi32>
    %add3A_25 = arith.addi %add3A_24, %iota3A : vector<16xi32>
    %swap3A_26 = arith.constant 16 : index
    %swap3A_27 = tpu.vector_load %arg14[%swap3A_26] {strides = array<i32>} : memref<64xi32, #tpu.memory_space<vmem>>, vector<16xi32>,
    tpu.vector_store %arg14[%swap3A_26], %add3A_25 {strides = array<i32>} : memref<64xi32, #tpu.memory_space<vmem>>, vector<16xi32>,
    %add3A_28 = arith.constant 16416 : i32
    %add3A_29 = vector.broadcast %add3A_28 : i32 to vector<16xi32>
    %add3A_30 = arith.addi %add3A_29, %iota3A : vector<16xi32>
    %swap3A_31 = arith.constant 32 : index
    %swap3A_32 = tpu.vector_load %arg14[%swap3A_31] {strides = array<i32>} : memref<64xi32, #tpu.memory_space<vmem>>, vector<16xi32>,
    tpu.vector_store %arg14[%swap3A_31], %add3A_30 {strides = array<i32>} : memref<64xi32, #tpu.memory_space<vmem>>, vector<16xi32>,
    %add3A_33 = arith.constant 16432 : i32
    %add3A_34 = vector.broadcast %add3A_33 : i32 to vector<16xi32>
    %add3A_35 = arith.addi %add3A_34, %iota3A : vector<16xi32>
    %swap3A_36 = arith.constant 48 : index
    %swap3A_37 = tpu.vector_load %arg14[%swap3A_36] {strides = array<i32>} : memref<64xi32, #tpu.memory_space<vmem>>, vector<16xi32>,
    tpu.vector_store %arg14[%swap3A_36], %add3A_35 {strides = array<i32>} : memref<64xi32, #tpu.memory_space<vmem>>, vector<16xi32>,
    %div3A = arith.constant 4 : i32
    %div3A_38 = arith.divsi %add3A_4, %div3A : i32
    %add3A_39 = arith.constant 0 : i32
    %add3A_40 = arith.addi %mul3A_8, %add3A_39 : i32
    %multiple_of3A = tpu.assume_multiple %add3A_40, 128 : i32
    %dma_start3A = arith.constant 0 : i32
    %dma_start3A_41 = arith.constant 0 : i32
    %dma_start3A_42 = arith.constant 0 : i32
    %dma_start3A_43 = arith.constant 0 : i32
    %dma_start3A_44 = tpu.memref_slice %arg10[%dma_start3A, %dma_start3A_41, %dma_start3A_42, %dma_start3A_43] : memref<3x4x8x512xf32, #tpu.memory_space<vmem>> -> memref<1x1x8x512xf32, #tpu.memory_space<vmem>>
    %dma_start3A_45 = tpu.memref_squeeze %dma_start3A_44 : memref<1x1x8x512xf32, #tpu.memory_space<vmem>> -> memref<8x512xf32, #tpu.memory_space<vmem>>
    %dma_start3A_46 = arith.constant 0 : i32
    %dma_start3A_47 = tpu.memref_slice %arg4[%dma_start3A_46, %multiple_of3A] : memref<32x1000000xf32, #tpu.memory_space<hbm>> -> memref<8x512xf32, #tpu.memory_space<hbm>>
    %dma_start3A_48 = arith.constant 0 : i32
    %dma_start3A_49 = arith.constant 0 : i32
    %dma_start3A_50 = tpu.memref_slice %arg10[%dma_start3A, %dma_start3A_41, %dma_start3A_48, %dma_start3A_49] : memref<3x4x8x512xf32, #tpu.memory_space<vmem>> -> memref<1x1x8x512xf32, #tpu.memory_space<vmem>>
    %dma_start3A_51 = tpu.memref_squeeze %dma_start3A_50 : memref<1x1x8x512xf32, #tpu.memory_space<vmem>> -> memref<8x512xf32, #tpu.memory_space<vmem>>
    %dma_start3A_52 = arith.constant 0 : i32
    %dma_start3A_53 = tpu.memref_slice %arg4[%dma_start3A_52, %multiple_of3A] : memref<32x1000000xf32, #tpu.memory_space<hbm>> -> memref<8x512xf32, #tpu.memory_space<hbm>>
    tpu.enqueue_dma source(%dma_start3A_53 : memref<8x512xf32, #tpu.memory_space<hbm>>) target(%dma_start3A_51 : memref<8x512xf32, #tpu.memory_space<vmem>>) target_semaphore(%arg15 : memref<!tpu.dma_semaphore, #tpu.memory_space<semaphore_mem>>)
    %dma_start3A_54 = arith.constant 0 : i32
    %dma_start3A_55 = arith.constant 1 : i32
    %dma_start3A_56 = arith.constant 0 : i32
    %dma_start3A_57 = arith.constant 0 : i32
    %dma_start3A_58 = tpu.memref_slice %arg10[%dma_start3A_54, %dma_start3A_55, %dma_start3A_56, %dma_start3A_57] : memref<3x4x8x512xf32, #tpu.memory_space<vmem>> -> memref<1x1x8x512xf32, #tpu.memory_space<vmem>>
    %dma_start3A_59 = tpu.memref_squeeze %dma_start3A_58 : memref<1x1x8x512xf32, #tpu.memory_space<vmem>> -> memref<8x512xf32, #tpu.memory_space<vmem>>
    %dma_start3A_60 = arith.constant 8 : i32
    %dma_start3A_61 = tpu.memref_slice %arg4[%dma_start3A_60, %multiple_of3A] : memref<32x1000000xf32, #tpu.memory_space<hbm>> -> memref<8x512xf32, #tpu.memory_space<hbm>>
    %dma_start3A_62 = arith.constant 0 : i32
    %dma_start3A_63 = arith.constant 0 : i32
    %dma_start3A_64 = tpu.memref_slice %arg10[%dma_start3A_54, %dma_start3A_55, %dma_start3A_62, %dma_start3A_63] : memref<3x4x8x512xf32, #tpu.memory_space<vmem>> -> memref<1x1x8x512xf32, #tpu.memory_space<vmem>>
    %dma_start3A_65 = tpu.memref_squeeze %dma_start3A_64 : memref<1x1x8x512xf32, #tpu.memory_space<vmem>> -> memref<8x512xf32, #tpu.memory_space<vmem>>
    %dma_start3A_66 = arith.constant 8 : i32
    %dma_start3A_67 = tpu.memref_slice %arg4[%dma_start3A_66, %multiple_of3A] : memref<32x1000000xf32, #tpu.memory_space<hbm>> -> memref<8x512xf32, #tpu.memory_space<hbm>>
    tpu.enqueue_dma source(%dma_start3A_67 : memref<8x512xf32, #tpu.memory_space<hbm>>) target(%dma_start3A_65 : memref<8x512xf32, #tpu.memory_space<vmem>>) target_semaphore(%arg15 : memref<!tpu.dma_semaphore, #tpu.memory_space<semaphore_mem>>)
    %dma_start3A_68 = arith.constant 0 : i32
    %dma_start3A_69 = arith.constant 2 : i32
    %dma_start3A_70 = arith.constant 0 : i32
    %dma_start3A_71 = arith.constant 0 : i32
    %dma_start3A_72 = tpu.memref_slice %arg10[%dma_start3A_68, %dma_start3A_69, %dma_start3A_70, %dma_start3A_71] : memref<3x4x8x512xf32, #tpu.memory_space<vmem>> -> memref<1x1x8x512xf32, #tpu.memory_space<vmem>>
    %dma_start3A_73 = tpu.memref_squeeze %dma_start3A_72 : memref<1x1x8x512xf32, #tpu.memory_space<vmem>> -> memref<8x512xf32, #tpu.memory_space<vmem>>
    %dma_start3A_74 = arith.constant 16 : i32
    %dma_start3A_75 = tpu.memref_slice %arg4[%dma_start3A_74, %multiple_of3A] : memref<32x1000000xf32, #tpu.memory_space<hbm>> -> memref<8x512xf32, #tpu.memory_space<hbm>>
    %dma_start3A_76 = arith.constant 0 : i32
    %dma_start3A_77 = arith.constant 0 : i32
    %dma_start3A_78 = tpu.memref_slice %arg10[%dma_start3A_68, %dma_start3A_69, %dma_start3A_76, %dma_start3A_77] : memref<3x4x8x512xf32, #tpu.memory_space<vmem>> -> memref<1x1x8x512xf32, #tpu.memory_space<vmem>>
    %dma_start3A_79 = tpu.memref_squeeze %dma_start3A_78 : memref<1x1x8x512xf32, #tpu.memory_space<vmem>> -> memref<8x512xf32, #tpu.memory_space<vmem>>
    %dma_start3A_80 = arith.constant 16 : i32
    %dma_start3A_81 = tpu.memref_slice %arg4[%dma_start3A_80, %multiple_of3A] : memref<32x1000000xf32, #tpu.memory_space<hbm>> -> memref<8x512xf32, #tpu.memory_space<hbm>>
    tpu.enqueue_dma source(%dma_start3A_81 : memref<8x512xf32, #tpu.memory_space<hbm>>) target(%dma_start3A_79 : memref<8x512xf32, #tpu.memory_space<vmem>>) target_semaphore(%arg15 : memref<!tpu.dma_semaphore, #tpu.memory_space<semaphore_mem>>)
    %dma_start3A_82 = arith.constant 0 : i32
    %dma_start3A_83 = arith.constant 3 : i32
    %dma_start3A_84 = arith.constant 0 : i32
    %dma_start3A_85 = arith.constant 0 : i32
    %dma_start3A_86 = tpu.memref_slice %arg10[%dma_start3A_82, %dma_start3A_83, %dma_start3A_84, %dma_start3A_85] : memref<3x4x8x512xf32, #tpu.memory_space<vmem>> -> memref<1x1x8x512xf32, #tpu.memory_space<vmem>>
    %dma_start3A_87 = tpu.memref_squeeze %dma_start3A_86 : memref<1x1x8x512xf32, #tpu.memory_space<vmem>> -> memref<8x512xf32, #tpu.memory_space<vmem>>
    %dma_start3A_88 = arith.constant 24 : i32
    %dma_start3A_89 = tpu.memref_slice %arg4[%dma_start3A_88, %multiple_of3A] : memref<32x1000000xf32, #tpu.memory_space<hbm>> -> memref<8x512xf32, #tpu.memory_space<hbm>>
    %dma_start3A_90 = arith.constant 0 : i32
    %dma_start3A_91 = arith.constant 0 : i32
    %dma_start3A_92 = tpu.memref_slice %arg10[%dma_start3A_82, %dma_start3A_83, %dma_start3A_90, %dma_start3A_91] : memref<3x4x8x512xf32, #tpu.memory_space<vmem>> -> memref<1x1x8x512xf32, #tpu.memory_space<vmem>>
    %dma_start3A_93 = tpu.memref_squeeze %dma_start3A_92 : memref<1x1x8x512xf32, #tpu.memory_space<vmem>> -> memref<8x512xf32, #tpu.memory_space<vmem>>
    %dma_start3A_94 = arith.constant 24 : i32
    %dma_start3A_95 = tpu.memref_slice %arg4[%dma_start3A_94, %multiple_of3A] : memref<32x1000000xf32, #tpu.memory_space<hbm>> -> memref<8x512xf32, #tpu.memory_space<hbm>>
    tpu.enqueue_dma source(%dma_start3A_95 : memref<8x512xf32, #tpu.memory_space<hbm>>) target(%dma_start3A_93 : memref<8x512xf32, #tpu.memory_space<vmem>>) target_semaphore(%arg15 : memref<!tpu.dma_semaphore, #tpu.memory_space<semaphore_mem>>)
    %gt3A = arith.constant 1 : i32
    %gt3A_96 = arith.cmpi sgt, %div3A_38, %gt3A : i32
    %convert_element_type3A = arith.extui %gt3A_96 : i1 to i32
    %cond3A = arith.constant 0 : i32
    %cond3A_97 = arith.cmpi ne, %convert_element_type3A, %cond3A : i32
    scf.if %cond3A_97 {
      %add3A_124 = arith.constant 512 : i32
      %add3A_125 = arith.addi %mul3A_8, %add3A_124 : i32
      %multiple_of3A_126 = tpu.assume_multiple %add3A_125, 128 : i32
      %dma_start3A_127 = arith.constant 1 : i32
      %dma_start3A_128 = arith.constant 0 : i32
      %dma_start3A_129 = arith.constant 0 : i32
      %dma_start3A_130 = arith.constant 0 : i32
      %dma_start3A_131 = tpu.memref_slice %arg10[%dma_start3A_127, %dma_start3A_128, %dma_start3A_129, %dma_start3A_130] : memref<3x4x8x512xf32, #tpu.memory_space<vmem>> -> memref<1x1x8x512xf32, #tpu.memory_space<vmem>>
      %dma_start3A_132 = tpu.memref_squeeze %dma_start3A_131 : memref<1x1x8x512xf32, #tpu.memory_space<vmem>> -> memref<8x512xf32, #tpu.memory_space<vmem>>
      %dma_start3A_133 = arith.constant 0 : i32
      %dma_start3A_134 = tpu.memref_slice %arg4[%dma_start3A_133, %multiple_of3A_126] : memref<32x1000000xf32, #tpu.memory_space<hbm>> -> memref<8x512xf32, #tpu.memory_space<hbm>>
      %dma_start3A_135 = arith.constant 0 : i32
      %dma_start3A_136 = arith.constant 0 : i32
      %dma_start3A_137 = tpu.memref_slice %arg10[%dma_start3A_127, %dma_start3A_128, %dma_start3A_135, %dma_start3A_136] : memref<3x4x8x512xf32, #tpu.memory_space<vmem>> -> memref<1x1x8x512xf32, #tpu.memory_space<vmem>>
      %dma_start3A_138 = tpu.memref_squeeze %dma_start3A_137 : memref<1x1x8x512xf32, #tpu.memory_space<vmem>> -> memref<8x512xf32, #tpu.memory_space<vmem>>
      %dma_start3A_139 = arith.constant 0 : i32
      %dma_start3A_140 = tpu.memref_slice %arg4[%dma_start3A_139, %multiple_of3A_126] : memref<32x1000000xf32, #tpu.memory_space<hbm>> -> memref<8x512xf32, #tpu.memory_space<hbm>>
      tpu.enqueue_dma source(%dma_start3A_140 : memref<8x512xf32, #tpu.memory_space<hbm>>) target(%dma_start3A_138 : memref<8x512xf32, #tpu.memory_space<vmem>>) target_semaphore(%arg15 : memref<!tpu.dma_semaphore, #tpu.memory_space<semaphore_mem>>)
      %dma_start3A_141 = arith.constant 1 : i32
      %dma_start3A_142 = arith.constant 1 : i32
      %dma_start3A_143 = arith.constant 0 : i32
      %dma_start3A_144 = arith.constant 0 : i32
      %dma_start3A_145 = tpu.memref_slice %arg10[%dma_start3A_141, %dma_start3A_142, %dma_start3A_143, %dma_start3A_144] : memref<3x4x8x512xf32, #tpu.memory_space<vmem>> -> memref<1x1x8x512xf32, #tpu.memory_space<vmem>>
      %dma_start3A_146 = tpu.memref_squeeze %dma_start3A_145 : memref<1x1x8x512xf32, #tpu.memory_space<vmem>> -> memref<8x512xf32, #tpu.memory_space<vmem>>
      %dma_start3A_147 = arith.constant 8 : i32
      %dma_start3A_148 = tpu.memref_slice %arg4[%dma_start3A_147, %multiple_of3A_126] : memref<32x1000000xf32, #tpu.memory_space<hbm>> -> memref<8x512xf32, #tpu.memory_space<hbm>>
      %dma_start3A_149 = arith.constant 0 : i32
      %dma_start3A_150 = arith.constant 0 : i32
      %dma_start3A_151 = tpu.memref_slice %arg10[%dma_start3A_141, %dma_start3A_142, %dma_start3A_149, %dma_start3A_150] : memref<3x4x8x512xf32, #tpu.memory_space<vmem>> -> memref<1x1x8x512xf32, #tpu.memory_space<vmem>>
      %dma_start3A_152 = tpu.memref_squeeze %dma_start3A_151 : memref<1x1x8x512xf32, #tpu.memory_space<vmem>> -> memref<8x512xf32, #tpu.memory_space<vmem>>
      %dma_start3A_153 = arith.constant 8 : i32
      %dma_start3A_154 = tpu.memref_slice %arg4[%dma_start3A_153, %multiple_of3A_126] : memref<32x1000000xf32, #tpu.memory_space<hbm>> -> memref<8x512xf32, #tpu.memory_space<hbm>>
      tpu.enqueue_dma source(%dma_start3A_154 : memref<8x512xf32, #tpu.memory_space<hbm>>) target(%dma_start3A_152 : memref<8x512xf32, #tpu.memory_space<vmem>>) target_semaphore(%arg15 : memref<!tpu.dma_semaphore, #tpu.memory_space<semaphore_mem>>)
      %dma_start3A_155 = arith.constant 1 : i32
      %dma_start3A_156 = arith.constant 2 : i32
      %dma_start3A_157 = arith.constant 0 : i32
      %dma_start3A_158 = arith.constant 0 : i32
      %dma_start3A_159 = tpu.memref_slice %arg10[%dma_start3A_155, %dma_start3A_156, %dma_start3A_157, %dma_start3A_158] : memref<3x4x8x512xf32, #tpu.memory_space<vmem>> -> memref<1x1x8x512xf32, #tpu.memory_space<vmem>>
      %dma_start3A_160 = tpu.memref_squeeze %dma_start3A_159 : memref<1x1x8x512xf32, #tpu.memory_space<vmem>> -> memref<8x512xf32, #tpu.memory_space<vmem>>
      %dma_start3A_161 = arith.constant 16 : i32
      %dma_start3A_162 = tpu.memref_slice %arg4[%dma_start3A_161, %multiple_of3A_126] : memref<32x1000000xf32, #tpu.memory_space<hbm>> -> memref<8x512xf32, #tpu.memory_space<hbm>>
      %dma_start3A_163 = arith.constant 0 : i32
      %dma_start3A_164 = arith.constant 0 : i32
      %dma_start3A_165 = tpu.memref_slice %arg10[%dma_start3A_155, %dma_start3A_156, %dma_start3A_163, %dma_start3A_164] : memref<3x4x8x512xf32, #tpu.memory_space<vmem>> -> memref<1x1x8x512xf32, #tpu.memory_space<vmem>>
      %dma_start3A_166 = tpu.memref_squeeze %dma_start3A_165 : memref<1x1x8x512xf32, #tpu.memory_space<vmem>> -> memref<8x512xf32, #tpu.memory_space<vmem>>
      %dma_start3A_167 = arith.constant 16 : i32
      %dma_start3A_168 = tpu.memref_slice %arg4[%dma_start3A_167, %multiple_of3A_126] : memref<32x1000000xf32, #tpu.memory_space<hbm>> -> memref<8x512xf32, #tpu.memory_space<hbm>>
      tpu.enqueue_dma source(%dma_start3A_168 : memref<8x512xf32, #tpu.memory_space<hbm>>) target(%dma_start3A_166 : memref<8x512xf32, #tpu.memory_space<vmem>>) target_semaphore(%arg15 : memref<!tpu.dma_semaphore, #tpu.memory_space<semaphore_mem>>)
      %dma_start3A_169 = arith.constant 1 : i32
      %dma_start3A_170 = arith.constant 3 : i32
      %dma_start3A_171 = arith.constant 0 : i32
      %dma_start3A_172 = arith.constant 0 : i32
      %dma_start3A_173 = tpu.memref_slice %arg10[%dma_start3A_169, %dma_start3A_170, %dma_start3A_171, %dma_start3A_172] : memref<3x4x8x512xf32, #tpu.memory_space<vmem>> -> memref<1x1x8x512xf32, #tpu.memory_space<vmem>>
      %dma_start3A_174 = tpu.memref_squeeze %dma_start3A_173 : memref<1x1x8x512xf32, #tpu.memory_space<vmem>> -> memref<8x512xf32, #tpu.memory_space<vmem>>
      %dma_start3A_175 = arith.constant 24 : i32
      %dma_start3A_176 = tpu.memref_slice %arg4[%dma_start3A_175, %multiple_of3A_126] : memref<32x1000000xf32, #tpu.memory_space<hbm>> -> memref<8x512xf32, #tpu.memory_space<hbm>>
      %dma_start3A_177 = arith.constant 0 : i32
      %dma_start3A_178 = arith.constant 0 : i32
      %dma_start3A_179 = tpu.memref_slice %arg10[%dma_start3A_169, %dma_start3A_170, %dma_start3A_177, %dma_start3A_178] : memref<3x4x8x512xf32, #tpu.memory_space<vmem>> -> memref<1x1x8x512xf32, #tpu.memory_space<vmem>>
      %dma_start3A_180 = tpu.memref_squeeze %dma_start3A_179 : memref<1x1x8x512xf32, #tpu.memory_space<vmem>> -> memref<8x512xf32, #tpu.memory_space<vmem>>
      %dma_start3A_181 = arith.constant 24 : i32
      %dma_start3A_182 = tpu.memref_slice %arg4[%dma_start3A_181, %multiple_of3A_126] : memref<32x1000000xf32, #tpu.memory_space<hbm>> -> memref<8x512xf32, #tpu.memory_space<hbm>>
      tpu.enqueue_dma source(%dma_start3A_182 : memref<8x512xf32, #tpu.memory_space<hbm>>) target(%dma_start3A_180 : memref<8x512xf32, #tpu.memory_space<vmem>>) target_semaphore(%arg15 : memref<!tpu.dma_semaphore, #tpu.memory_space<semaphore_mem>>)
    } else {
    }
    %while3A = arith.constant 0 : i32
    %while3A_98 = arith.constant 0 : i32
    %while3A_99 = arith.subi %div3A_38, %while3A : i32
    %while3A_100 = arith.addi %while3A, %while3A_99 : i32
    %while3A_101 = arith.constant 1 : i32
    %while3A_102 = arith.divsi %while3A_99, %while3A_101 : i32
    %while3A_103 = arith.muli %while3A_102, %while3A_101 : i32
    %while3A_104 = arith.addi %while3A, %while3A_103 : i32
    %while3A_105 = arith.constant 1 : i32
    %while3A_106 = scf.for %while3A_124 = %while3A to %while3A_104 step %while3A_105 iter_args(%while3A_125 = %while3A_98) -> (i32)  : i32 {
      %rem3A = arith.constant 3 : i32
      %rem3A_126 = arith.remsi %while3A_124, %rem3A : i32
      %dma_wait3A_127 = arith.constant 0 : i32
      %dma_wait3A_128 = arith.constant 0 : i32
      %dma_wait3A_129 = arith.constant 0 : i32
      %dma_wait3A_130 = tpu.memref_slice %arg10[%rem3A_126, %dma_wait3A_127, %dma_wait3A_128, %dma_wait3A_129] : memref<3x4x8x512xf32, #tpu.memory_space<vmem>> -> memref<1x1x8x512xf32, #tpu.memory_space<vmem>>
      %dma_wait3A_131 = tpu.memref_squeeze %dma_wait3A_130 : memref<1x1x8x512xf32, #tpu.memory_space<vmem>> -> memref<8x512xf32, #tpu.memory_space<vmem>>
      %dma_wait3A_132 = arith.constant 0 : i32
      %dma_wait3A_133 = arith.constant 0 : i32
      %dma_wait3A_134 = tpu.memref_slice %arg4[%dma_wait3A_132, %dma_wait3A_133] : memref<32x1000000xf32, #tpu.memory_space<hbm>> -> memref<8x512xf32, #tpu.memory_space<hbm>>
      %dma_wait3A_135 = arith.constant 0 : i32
      %dma_wait3A_136 = arith.constant 0 : i32
      %dma_wait3A_137 = tpu.memref_slice %arg10[%rem3A_126, %dma_wait3A_127, %dma_wait3A_135, %dma_wait3A_136] : memref<3x4x8x512xf32, #tpu.memory_space<vmem>> -> memref<1x1x8x512xf32, #tpu.memory_space<vmem>>
      %dma_wait3A_138 = tpu.memref_squeeze %dma_wait3A_137 : memref<1x1x8x512xf32, #tpu.memory_space<vmem>> -> memref<8x512xf32, #tpu.memory_space<vmem>>
      %dma_wait3A_139 = arith.constant 0 : i32
      %dma_wait3A_140 = arith.constant 0 : i32
      %dma_wait3A_141 = tpu.memref_slice %arg4[%dma_wait3A_139, %dma_wait3A_140] : memref<32x1000000xf32, #tpu.memory_space<hbm>> -> memref<8x512xf32, #tpu.memory_space<hbm>>
      tpu.wait_dma2 semaphore(%arg15 : memref<!tpu.dma_semaphore, #tpu.memory_space<semaphore_mem>>) src(%dma_wait3A_141 : memref<8x512xf32, #tpu.memory_space<hbm>>) dst(%dma_wait3A_138 : memref<8x512xf32, #tpu.memory_space<vmem>>)
      %dma_wait3A_142 = arith.constant 1 : i32
      %dma_wait3A_143 = arith.constant 0 : i32
      %dma_wait3A_144 = arith.constant 0 : i32
      %dma_wait3A_145 = tpu.memref_slice %arg10[%rem3A_126, %dma_wait3A_142, %dma_wait3A_143, %dma_wait3A_144] : memref<3x4x8x512xf32, #tpu.memory_space<vmem>> -> memref<1x1x8x512xf32, #tpu.memory_space<vmem>>
      %dma_wait3A_146 = tpu.memref_squeeze %dma_wait3A_145 : memref<1x1x8x512xf32, #tpu.memory_space<vmem>> -> memref<8x512xf32, #tpu.memory_space<vmem>>
      %dma_wait3A_147 = arith.constant 8 : i32
      %dma_wait3A_148 = arith.constant 0 : i32
      %dma_wait3A_149 = tpu.memref_slice %arg4[%dma_wait3A_147, %dma_wait3A_148] : memref<32x1000000xf32, #tpu.memory_space<hbm>> -> memref<8x512xf32, #tpu.memory_space<hbm>>
      %dma_wait3A_150 = arith.constant 0 : i32
      %dma_wait3A_151 = arith.constant 0 : i32
      %dma_wait3A_152 = tpu.memref_slice %arg10[%rem3A_126, %dma_wait3A_142, %dma_wait3A_150, %dma_wait3A_151] : memref<3x4x8x512xf32, #tpu.memory_space<vmem>> -> memref<1x1x8x512xf32, #tpu.memory_space<vmem>>
      %dma_wait3A_153 = tpu.memref_squeeze %dma_wait3A_152 : memref<1x1x8x512xf32, #tpu.memory_space<vmem>> -> memref<8x512xf32, #tpu.memory_space<vmem>>
      %dma_wait3A_154 = arith.constant 8 : i32
      %dma_wait3A_155 = arith.constant 0 : i32
      %dma_wait3A_156 = tpu.memref_slice %arg4[%dma_wait3A_154, %dma_wait3A_155] : memref<32x1000000xf32, #tpu.memory_space<hbm>> -> memref<8x512xf32, #tpu.memory_space<hbm>>
      tpu.wait_dma2 semaphore(%arg15 : memref<!tpu.dma_semaphore, #tpu.memory_space<semaphore_mem>>) src(%dma_wait3A_156 : memref<8x512xf32, #tpu.memory_space<hbm>>) dst(%dma_wait3A_153 : memref<8x512xf32, #tpu.memory_space<vmem>>)
      %dma_wait3A_157 = arith.constant 2 : i32
      %dma_wait3A_158 = arith.constant 0 : i32
      %dma_wait3A_159 = arith.constant 0 : i32
      %dma_wait3A_160 = tpu.memref_slice %arg10[%rem3A_126, %dma_wait3A_157, %dma_wait3A_158, %dma_wait3A_159] : memref<3x4x8x512xf32, #tpu.memory_space<vmem>> -> memref<1x1x8x512xf32, #tpu.memory_space<vmem>>
      %dma_wait3A_161 = tpu.memref_squeeze %dma_wait3A_160 : memref<1x1x8x512xf32, #tpu.memory_space<vmem>> -> memref<8x512xf32, #tpu.memory_space<vmem>>
      %dma_wait3A_162 = arith.constant 16 : i32
      %dma_wait3A_163 = arith.constant 0 : i32
      %dma_wait3A_164 = tpu.memref_slice %arg4[%dma_wait3A_162, %dma_wait3A_163] : memref<32x1000000xf32, #tpu.memory_space<hbm>> -> memref<8x512xf32, #tpu.memory_space<hbm>>
      %dma_wait3A_165 = arith.constant 0 : i32
      %dma_wait3A_166 = arith.constant 0 : i32
      %dma_wait3A_167 = tpu.memref_slice %arg10[%rem3A_126, %dma_wait3A_157, %dma_wait3A_165, %dma_wait3A_166] : memref<3x4x8x512xf32, #tpu.memory_space<vmem>> -> memref<1x1x8x512xf32, #tpu.memory_space<vmem>>
      %dma_wait3A_168 = tpu.memref_squeeze %dma_wait3A_167 : memref<1x1x8x512xf32, #tpu.memory_space<vmem>> -> memref<8x512xf32, #tpu.memory_space<vmem>>
      %dma_wait3A_169 = arith.constant 16 : i32
      %dma_wait3A_170 = arith.constant 0 : i32
      %dma_wait3A_171 = tpu.memref_slice %arg4[%dma_wait3A_169, %dma_wait3A_170] : memref<32x1000000xf32, #tpu.memory_space<hbm>> -> memref<8x512xf32, #tpu.memory_space<hbm>>
      tpu.wait_dma2 semaphore(%arg15 : memref<!tpu.dma_semaphore, #tpu.memory_space<semaphore_mem>>) src(%dma_wait3A_171 : memref<8x512xf32, #tpu.memory_space<hbm>>) dst(%dma_wait3A_168 : memref<8x512xf32, #tpu.memory_space<vmem>>)
      %dma_wait3A_172 = arith.constant 3 : i32
      %dma_wait3A_173 = arith.constant 0 : i32
      %dma_wait3A_174 = arith.constant 0 : i32
      %dma_wait3A_175 = tpu.memref_slice %arg10[%rem3A_126, %dma_wait3A_172, %dma_wait3A_173, %dma_wait3A_174] : memref<3x4x8x512xf32, #tpu.memory_space<vmem>> -> memref<1x1x8x512xf32, #tpu.memory_space<vmem>>
      %dma_wait3A_176 = tpu.memref_squeeze %dma_wait3A_175 : memref<1x1x8x512xf32, #tpu.memory_space<vmem>> -> memref<8x512xf32, #tpu.memory_space<vmem>>
      %dma_wait3A_177 = arith.constant 24 : i32
      %dma_wait3A_178 = arith.constant 0 : i32
      %dma_wait3A_179 = tpu.memref_slice %arg4[%dma_wait3A_177, %dma_wait3A_178] : memref<32x1000000xf32, #tpu.memory_space<hbm>> -> memref<8x512xf32, #tpu.memory_space<hbm>>
      %dma_wait3A_180 = arith.constant 0 : i32
      %dma_wait3A_181 = arith.constant 0 : i32
      %dma_wait3A_182 = tpu.memref_slice %arg10[%rem3A_126, %dma_wait3A_172, %dma_wait3A_180, %dma_wait3A_181] : memref<3x4x8x512xf32, #tpu.memory_space<vmem>> -> memref<1x1x8x512xf32, #tpu.memory_space<vmem>>
      %dma_wait3A_183 = tpu.memref_squeeze %dma_wait3A_182 : memref<1x1x8x512xf32, #tpu.memory_space<vmem>> -> memref<8x512xf32, #tpu.memory_space<vmem>>
      %dma_wait3A_184 = arith.constant 24 : i32
      %dma_wait3A_185 = arith.constant 0 : i32
      %dma_wait3A_186 = tpu.memref_slice %arg4[%dma_wait3A_184, %dma_wait3A_185] : memref<32x1000000xf32, #tpu.memory_space<hbm>> -> memref<8x512xf32, #tpu.memory_space<hbm>>
      tpu.wait_dma2 semaphore(%arg15 : memref<!tpu.dma_semaphore, #tpu.memory_space<semaphore_mem>>) src(%dma_wait3A_186 : memref<8x512xf32, #tpu.memory_space<hbm>>) dst(%dma_wait3A_183 : memref<8x512xf32, #tpu.memory_space<vmem>>)
      %add3A_187 = arith.constant 2 : i32
      %add3A_188 = arith.addi %while3A_124, %add3A_187 : i32
      %lt3A = arith.cmpi slt, %add3A_188, %div3A_38 : i32
      %convert_element_type3A_189 = arith.extui %lt3A : i1 to i32
      %cond3A_190 = arith.constant 0 : i32
      %cond3A_191 = arith.cmpi ne, %convert_element_type3A_189, %cond3A_190 : i32
      scf.if %cond3A_191 {
        %add3A_230 = arith.constant 2 : i32
        %add3A_231 = arith.addi %while3A_124, %add3A_230 : i32
        %add3A_232 = arith.constant 2 : i32
        %add3A_233 = arith.addi %while3A_124, %add3A_232 : i32
        %rem3A_234 = arith.constant 3 : i32
        %rem3A_235 = arith.remsi %add3A_233, %rem3A_234 : i32
        %mul3A_236 = arith.constant 512 : i32
        %mul3A_237 = arith.muli %add3A_231, %mul3A_236 : i32
        %add3A_238 = arith.addi %mul3A_8, %mul3A_237 : i32
        %multiple_of3A_239 = tpu.assume_multiple %add3A_238, 128 : i32
        %dma_start3A_240 = arith.constant 0 : i32
        %dma_start3A_241 = arith.constant 0 : i32
        %dma_start3A_242 = arith.constant 0 : i32
        %dma_start3A_243 = tpu.memref_slice %arg10[%rem3A_235, %dma_start3A_240, %dma_start3A_241, %dma_start3A_242] : memref<3x4x8x512xf32, #tpu.memory_space<vmem>> -> memref<1x1x8x512xf32, #tpu.memory_space<vmem>>
        %dma_start3A_244 = tpu.memref_squeeze %dma_start3A_243 : memref<1x1x8x512xf32, #tpu.memory_space<vmem>> -> memref<8x512xf32, #tpu.memory_space<vmem>>
        %dma_start3A_245 = arith.constant 0 : i32
        %dma_start3A_246 = tpu.memref_slice %arg4[%dma_start3A_245, %multiple_of3A_239] : memref<32x1000000xf32, #tpu.memory_space<hbm>> -> memref<8x512xf32, #tpu.memory_space<hbm>>
        %dma_start3A_247 = arith.constant 0 : i32
        %dma_start3A_248 = arith.constant 0 : i32
        %dma_start3A_249 = tpu.memref_slice %arg10[%rem3A_235, %dma_start3A_240, %dma_start3A_247, %dma_start3A_248] : memref<3x4x8x512xf32, #tpu.memory_space<vmem>> -> memref<1x1x8x512xf32, #tpu.memory_space<vmem>>
        %dma_start3A_250 = tpu.memref_squeeze %dma_start3A_249 : memref<1x1x8x512xf32, #tpu.memory_space<vmem>> -> memref<8x512xf32, #tpu.memory_space<vmem>>
        %dma_start3A_251 = arith.constant 0 : i32
        %dma_start3A_252 = tpu.memref_slice %arg4[%dma_start3A_251, %multiple_of3A_239] : memref<32x1000000xf32, #tpu.memory_space<hbm>> -> memref<8x512xf32, #tpu.memory_space<hbm>>
        tpu.enqueue_dma source(%dma_start3A_252 : memref<8x512xf32, #tpu.memory_space<hbm>>) target(%dma_start3A_250 : memref<8x512xf32, #tpu.memory_space<vmem>>) target_semaphore(%arg15 : memref<!tpu.dma_semaphore, #tpu.memory_space<semaphore_mem>>)
        %dma_start3A_253 = arith.constant 1 : i32
        %dma_start3A_254 = arith.constant 0 : i32
        %dma_start3A_255 = arith.constant 0 : i32
        %dma_start3A_256 = tpu.memref_slice %arg10[%rem3A_235, %dma_start3A_253, %dma_start3A_254, %dma_start3A_255] : memref<3x4x8x512xf32, #tpu.memory_space<vmem>> -> memref<1x1x8x512xf32, #tpu.memory_space<vmem>>
        %dma_start3A_257 = tpu.memref_squeeze %dma_start3A_256 : memref<1x1x8x512xf32, #tpu.memory_space<vmem>> -> memref<8x512xf32, #tpu.memory_space<vmem>>
        %dma_start3A_258 = arith.constant 8 : i32
        %dma_start3A_259 = tpu.memref_slice %arg4[%dma_start3A_258, %multiple_of3A_239] : memref<32x1000000xf32, #tpu.memory_space<hbm>> -> memref<8x512xf32, #tpu.memory_space<hbm>>
        %dma_start3A_260 = arith.constant 0 : i32
        %dma_start3A_261 = arith.constant 0 : i32
        %dma_start3A_262 = tpu.memref_slice %arg10[%rem3A_235, %dma_start3A_253, %dma_start3A_260, %dma_start3A_261] : memref<3x4x8x512xf32, #tpu.memory_space<vmem>> -> memref<1x1x8x512xf32, #tpu.memory_space<vmem>>
        %dma_start3A_263 = tpu.memref_squeeze %dma_start3A_262 : memref<1x1x8x512xf32, #tpu.memory_space<vmem>> -> memref<8x512xf32, #tpu.memory_space<vmem>>
        %dma_start3A_264 = arith.constant 8 : i32
        %dma_start3A_265 = tpu.memref_slice %arg4[%dma_start3A_264, %multiple_of3A_239] : memref<32x1000000xf32, #tpu.memory_space<hbm>> -> memref<8x512xf32, #tpu.memory_space<hbm>>
        tpu.enqueue_dma source(%dma_start3A_265 : memref<8x512xf32, #tpu.memory_space<hbm>>) target(%dma_start3A_263 : memref<8x512xf32, #tpu.memory_space<vmem>>) target_semaphore(%arg15 : memref<!tpu.dma_semaphore, #tpu.memory_space<semaphore_mem>>)
        %dma_start3A_266 = arith.constant 2 : i32
        %dma_start3A_267 = arith.constant 0 : i32
        %dma_start3A_268 = arith.constant 0 : i32
        %dma_start3A_269 = tpu.memref_slice %arg10[%rem3A_235, %dma_start3A_266, %dma_start3A_267, %dma_start3A_268] : memref<3x4x8x512xf32, #tpu.memory_space<vmem>> -> memref<1x1x8x512xf32, #tpu.memory_space<vmem>>
        %dma_start3A_270 = tpu.memref_squeeze %dma_start3A_269 : memref<1x1x8x512xf32, #tpu.memory_space<vmem>> -> memref<8x512xf32, #tpu.memory_space<vmem>>
        %dma_start3A_271 = arith.constant 16 : i32
        %dma_start3A_272 = tpu.memref_slice %arg4[%dma_start3A_271, %multiple_of3A_239] : memref<32x1000000xf32, #tpu.memory_space<hbm>> -> memref<8x512xf32, #tpu.memory_space<hbm>>
        %dma_start3A_273 = arith.constant 0 : i32
        %dma_start3A_274 = arith.constant 0 : i32
        %dma_start3A_275 = tpu.memref_slice %arg10[%rem3A_235, %dma_start3A_266, %dma_start3A_273, %dma_start3A_274] : memref<3x4x8x512xf32, #tpu.memory_space<vmem>> -> memref<1x1x8x512xf32, #tpu.memory_space<vmem>>
        %dma_start3A_276 = tpu.memref_squeeze %dma_start3A_275 : memref<1x1x8x512xf32, #tpu.memory_space<vmem>> -> memref<8x512xf32, #tpu.memory_space<vmem>>
        %dma_start3A_277 = arith.constant 16 : i32
        %dma_start3A_278 = tpu.memref_slice %arg4[%dma_start3A_277, %multiple_of3A_239] : memref<32x1000000xf32, #tpu.memory_space<hbm>> -> memref<8x512xf32, #tpu.memory_space<hbm>>
        tpu.enqueue_dma source(%dma_start3A_278 : memref<8x512xf32, #tpu.memory_space<hbm>>) target(%dma_start3A_276 : memref<8x512xf32, #tpu.memory_space<vmem>>) target_semaphore(%arg15 : memref<!tpu.dma_semaphore, #tpu.memory_space<semaphore_mem>>)
        %dma_start3A_279 = arith.constant 3 : i32
        %dma_start3A_280 = arith.constant 0 : i32
        %dma_start3A_281 = arith.constant 0 : i32
        %dma_start3A_282 = tpu.memref_slice %arg10[%rem3A_235, %dma_start3A_279, %dma_start3A_280, %dma_start3A_281] : memref<3x4x8x512xf32, #tpu.memory_space<vmem>> -> memref<1x1x8x512xf32, #tpu.memory_space<vmem>>
        %dma_start3A_283 = tpu.memref_squeeze %dma_start3A_282 : memref<1x1x8x512xf32, #tpu.memory_space<vmem>> -> memref<8x512xf32, #tpu.memory_space<vmem>>
        %dma_start3A_284 = arith.constant 24 : i32
        %dma_start3A_285 = tpu.memref_slice %arg4[%dma_start3A_284, %multiple_of3A_239] : memref<32x1000000xf32, #tpu.memory_space<hbm>> -> memref<8x512xf32, #tpu.memory_space<hbm>>
        %dma_start3A_286 = arith.constant 0 : i32
        %dma_start3A_287 = arith.constant 0 : i32
        %dma_start3A_288 = tpu.memref_slice %arg10[%rem3A_235, %dma_start3A_279, %dma_start3A_286, %dma_start3A_287] : memref<3x4x8x512xf32, #tpu.memory_space<vmem>> -> memref<1x1x8x512xf32, #tpu.memory_space<vmem>>
        %dma_start3A_289 = tpu.memref_squeeze %dma_start3A_288 : memref<1x1x8x512xf32, #tpu.memory_space<vmem>> -> memref<8x512xf32, #tpu.memory_space<vmem>>
        %dma_start3A_290 = arith.constant 24 : i32
        %dma_start3A_291 = tpu.memref_slice %arg4[%dma_start3A_290, %multiple_of3A_239] : memref<32x1000000xf32, #tpu.memory_space<hbm>> -> memref<8x512xf32, #tpu.memory_space<hbm>>
        tpu.enqueue_dma source(%dma_start3A_291 : memref<8x512xf32, #tpu.memory_space<hbm>>) target(%dma_start3A_289 : memref<8x512xf32, #tpu.memory_space<vmem>>) target_semaphore(%arg15 : memref<!tpu.dma_semaphore, #tpu.memory_space<semaphore_mem>>)
      } else {
      }
      %mul3A_192 = arith.constant 512 : i32
      %mul3A_193 = arith.muli %while3A_124, %mul3A_192 : i32
      %add3A_194 = arith.addi %mul3A_8, %mul3A_193 : i32
      %multiple_of3A_195 = tpu.assume_multiple %add3A_194, 128 : i32
      %add3A_196 = arith.constant 16 : i32
      %add3A_197 = arith.addi %scan3A_17, %add3A_196 : i32
      %sub3A = arith.constant 1 : i32
      %sub3A_198 = arith.subi %add3A_197, %sub3A : i32
      %div3A_199 = arith.constant 16 : i32
      %div3A_200 = arith.divsi %sub3A_198, %div3A_199 : i32
      %while3A_201 = arith.constant 0 : i32
      %while3A_202 = arith.constant 0 : i32
      %while3A_203 = arith.subi %div3A_200, %while3A_201 : i32
      %while3A_204 = arith.addi %while3A_201, %while3A_203 : i32
      %while3A_205 = arith.constant 1 : i32
      %while3A_206 = arith.divsi %while3A_203, %while3A_205 : i32
      %while3A_207 = arith.muli %while3A_206, %while3A_205 : i32
      %while3A_208 = arith.addi %while3A_201, %while3A_207 : i32
      %while3A_209 = arith.constant 1 : i32
      %while3A_210 = scf.for %while3A_230 = %while3A_201 to %while3A_208 step %while3A_209 iter_args(%while3A_231 = %while3A_202) -> (i32)  : i32 {
        %mul3A_232 = arith.constant 16 : i32
        %mul3A_233 = arith.muli %while3A_230, %mul3A_232 : i32
        %get3A = arith.index_cast %mul3A_233 : i32 to index
        %get3A_234 = tpu.vector_load %arg8[%get3A] {strides = array<i32>} : memref<16384xi32, #tpu.memory_space<vmem>>, vector<16xi32>,
        %get3A_235 = arith.index_cast %mul3A_233 : i32 to index
        %get3A_236 = tpu.vector_load %arg9[%get3A_235] {strides = array<i32>} : memref<16384xi32, #tpu.memory_space<vmem>>, vector<16xi32>,
        %mul3A_237 = arith.constant 16 : i32
        %mul3A_238 = arith.muli %while3A_230, %mul3A_237 : i32
        %sub3A_239 = arith.subi %scan3A_17, %mul3A_238 : i32
        %lt3A_240 = vector.broadcast %sub3A_239 : i32 to vector<16xi32>
        %lt3A_241 = arith.cmpi slt, %iota3A, %lt3A_240 : vector<16xi32>
        %ge3A = vector.broadcast %multiple_of3A_195 : i32 to vector<16xi32>
        %ge3A_242 = arith.cmpi sge, %get3A_234, %ge3A : vector<16xi32>
        %add3A_243 = arith.constant 512 : i32
        %add3A_244 = arith.addi %multiple_of3A_195, %add3A_243 : i32
        %lt3A_245 = vector.broadcast %add3A_244 : i32 to vector<16xi32>
        %lt3A_246 = arith.cmpi slt, %get3A_234, %lt3A_245 : vector<16xi32>
        %and3A = arith.andi %ge3A_242, %lt3A_246 : vector<16xi1>
        %and3A_247 = arith.andi %lt3A_241, %and3A : vector<16xi1>
        %convert_element_type3A_248 = arith.extui %and3A_247 : vector<16xi1> to vector<16xi32>
        %cumsum3A = arith.constant true
        %cumsum3A_249 = vector.broadcast %cumsum3A : i1 to vector<16xi1>
        %cumsum3A_250 = tpu.scan <sum>, %convert_element_type3A_248 masked %cumsum3A_249 : vector<16xi32>, vector<16xi1> -> vector<16xi32>
        %add3A_251 = vector.broadcast %while3A_231 : i32 to vector<16xi32>
        %add3A_252 = arith.addi %add3A_251, %cumsum3A_250 : vector<16xi32>
        %sub3A_253 = arith.constant 1 : i32
        %sub3A_254 = vector.broadcast %sub3A_253 : i32 to vector<16xi32>
        %sub3A_255 = arith.subi %add3A_252, %sub3A_254 : vector<16xi32>
        tpu.vector_store_idx %arg11[%sub3A_255], %get3A_234 masked %and3A_247 : memref<16384xi32, #tpu.memory_space<vmem>>[vector<16xi32>], vector<16xi32>, vector<16xi1>
        tpu.vector_store_idx %arg12[%sub3A_255], %get3A_236 masked %and3A_247 : memref<16384xi32, #tpu.memory_space<vmem>>[vector<16xi32>], vector<16xi32>, vector<16xi1>
        %reduce_sum3A = arith.constant true
        %reduce_sum3A_256 = vector.broadcast %reduce_sum3A : i1 to vector<16xi1>
        %reduce_sum3A_257 = tpu.scan <sum>, %convert_element_type3A_248 masked %reduce_sum3A_256 : vector<16xi32>, vector<16xi1> -> vector<16xi32>
        %reduce_sum3A_258 = vector.extract %reduce_sum3A_257[15] : i32 from vector<16xi32>
        %add3A_259 = arith.addi %while3A_231, %reduce_sum3A_258 : i32
        scf.yield %add3A_259 : i32
      }
      %while3A_211 = arith.constant 1 : i32
      %while3A_212 = scf.for %while3A_230 = %while3A_208 to %while3A_204 step %while3A_211 iter_args(%while3A_231 = %while3A_210) -> (i32)  : i32 {
        %mul3A_232 = arith.constant 16 : i32
        %mul3A_233 = arith.muli %while3A_230, %mul3A_232 : i32
        %get3A = arith.index_cast %mul3A_233 : i32 to index
        %get3A_234 = tpu.vector_load %arg8[%get3A] {strides = array<i32>} : memref<16384xi32, #tpu.memory_space<vmem>>, vector<16xi32>,
        %get3A_235 = arith.index_cast %mul3A_233 : i32 to index
        %get3A_236 = tpu.vector_load %arg9[%get3A_235] {strides = array<i32>} : memref<16384xi32, #tpu.memory_space<vmem>>, vector<16xi32>,
        %mul3A_237 = arith.constant 16 : i32
        %mul3A_238 = arith.muli %while3A_230, %mul3A_237 : i32
        %sub3A_239 = arith.subi %scan3A_17, %mul3A_238 : i32
        %lt3A_240 = vector.broadcast %sub3A_239 : i32 to vector<16xi32>
        %lt3A_241 = arith.cmpi slt, %iota3A, %lt3A_240 : vector<16xi32>
        %ge3A = vector.broadcast %multiple_of3A_195 : i32 to vector<16xi32>
        %ge3A_242 = arith.cmpi sge, %get3A_234, %ge3A : vector<16xi32>
        %add3A_243 = arith.constant 512 : i32
        %add3A_244 = arith.addi %multiple_of3A_195, %add3A_243 : i32
        %lt3A_245 = vector.broadcast %add3A_244 : i32 to vector<16xi32>
        %lt3A_246 = arith.cmpi slt, %get3A_234, %lt3A_245 : vector<16xi32>
        %and3A = arith.andi %ge3A_242, %lt3A_246 : vector<16xi1>
        %and3A_247 = arith.andi %lt3A_241, %and3A : vector<16xi1>
        %convert_element_type3A_248 = arith.extui %and3A_247 : vector<16xi1> to vector<16xi32>
        %cumsum3A = arith.constant true
        %cumsum3A_249 = vector.broadcast %cumsum3A : i1 to vector<16xi1>
        %cumsum3A_250 = tpu.scan <sum>, %convert_element_type3A_248 masked %cumsum3A_249 : vector<16xi32>, vector<16xi1> -> vector<16xi32>
        %add3A_251 = vector.broadcast %while3A_231 : i32 to vector<16xi32>
        %add3A_252 = arith.addi %add3A_251, %cumsum3A_250 : vector<16xi32>
        %sub3A_253 = arith.constant 1 : i32
        %sub3A_254 = vector.broadcast %sub3A_253 : i32 to vector<16xi32>
        %sub3A_255 = arith.subi %add3A_252, %sub3A_254 : vector<16xi32>
        tpu.vector_store_idx %arg11[%sub3A_255], %get3A_234 masked %and3A_247 : memref<16384xi32, #tpu.memory_space<vmem>>[vector<16xi32>], vector<16xi32>, vector<16xi1>
        tpu.vector_store_idx %arg12[%sub3A_255], %get3A_236 masked %and3A_247 : memref<16384xi32, #tpu.memory_space<vmem>>[vector<16xi32>], vector<16xi32>, vector<16xi1>
        %reduce_sum3A = arith.constant true
        %reduce_sum3A_256 = vector.broadcast %reduce_sum3A : i1 to vector<16xi1>
        %reduce_sum3A_257 = tpu.scan <sum>, %convert_element_type3A_248 masked %reduce_sum3A_256 : vector<16xi32>, vector<16xi1> -> vector<16xi32>
        %reduce_sum3A_258 = vector.extract %reduce_sum3A_257[15] : i32 from vector<16xi32>
        %add3A_259 = arith.addi %while3A_231, %reduce_sum3A_258 : i32
        scf.yield %add3A_259 : i32
      }
      %add3A_213 = arith.constant 16 : i32
      %add3A_214 = arith.addi %while3A_212, %add3A_213 : i32
      %sub3A_215 = arith.constant 1 : i32
      %sub3A_216 = arith.subi %add3A_214, %sub3A_215 : i32
      %div3A_217 = arith.constant 16 : i32
      %div3A_218 = arith.divsi %sub3A_216, %div3A_217 : i32
      %while3A_219 = arith.constant 0 : i32
      %while3A_220 = arith.subi %div3A_218, %while3A_219 : i32
      %while3A_221 = arith.addi %while3A_219, %while3A_220 : i32
      %while3A_222 = arith.constant 1 : i32
      %while3A_223 = arith.divsi %while3A_220, %while3A_222 : i32
      %while3A_224 = arith.muli %while3A_223, %while3A_222 : i32
      %while3A_225 = arith.addi %while3A_219, %while3A_224 : i32
      %while3A_226 = arith.constant 1 : i32
      %while3A_227 = scf.for %while3A_230 = %while3A_219 to %while3A_225 step %while3A_226 iter_args(%while3A_231 = %while3A_125) -> (i32)  : i32 {
        %mul3A_232 = arith.constant 16 : i32
        %mul3A_233 = arith.muli %while3A_230, %mul3A_232 : i32
        %get3A = arith.index_cast %mul3A_233 : i32 to index
        %get3A_234 = tpu.vector_load %arg11[%get3A] {strides = array<i32>} : memref<16384xi32, #tpu.memory_space<vmem>>, vector<16xi32>,
        %get3A_235 = arith.index_cast %mul3A_233 : i32 to index
        %get3A_236 = tpu.vector_load %arg12[%get3A_235] {strides = array<i32>} : memref<16384xi32, #tpu.memory_space<vmem>>, vector<16xi32>,
        %mul3A_237 = arith.constant 16 : i32
        %mul3A_238 = arith.muli %while3A_230, %mul3A_237 : i32
        %sub3A_239 = arith.subi %while3A_212, %mul3A_238 : i32
        %lt3A_240 = vector.broadcast %sub3A_239 : i32 to vector<16xi32>
        %lt3A_241 = arith.cmpi slt, %iota3A, %lt3A_240 : vector<16xi32>
        %sub3A_242 = vector.broadcast %multiple_of3A_195 : i32 to vector<16xi32>
        %sub3A_243 = arith.subi %get3A_234, %sub3A_242 : vector<16xi32>
        %add3A_244 = vector.broadcast %while3A_231 : i32 to vector<16xi32>
        %add3A_245 = arith.addi %add3A_244, %iota3A : vector<16xi32>
        %broadcast_in_dim3A_246 = arith.constant 0 : i32
        %broadcast_in_dim3A_247 = vector.broadcast %broadcast_in_dim3A_246 : i32 to vector<16xi32>
        %add3A_248 = vector.broadcast %rem3A_126 : i32 to vector<16xi32>
        %add3A_249 = arith.addi %broadcast_in_dim3A_247, %add3A_248 : vector<16xi32>
        %broadcast_in_dim3A_250 = arith.constant 0 : i32
        %broadcast_in_dim3A_251 = vector.broadcast %broadcast_in_dim3A_250 : i32 to vector<16xi32>
        %broadcast_in_dim3A_252 = arith.constant 0 : i32
        %broadcast_in_dim3A_253 = vector.broadcast %broadcast_in_dim3A_252 : i32 to vector<16xi32>
        %gather3A = tpu.vector_load_idx %arg10[%add3A_249, %broadcast_in_dim3A_251, %broadcast_in_dim3A_253, %sub3A_243] masked %lt3A_241 : memref<3x4x8x512xf32, #tpu.memory_space<vmem>>[vector<16xi32>, vector<16xi32>, vector<16xi32>, vector<16xi32>], vector<16xf32>, vector<16xi1>
        %broadcast_in_dim3A_254 = arith.constant 0 : i32
        %broadcast_in_dim3A_255 = vector.broadcast %broadcast_in_dim3A_254 : i32 to vector<16xi32>
        tpu.vector_store_idx %arg13[%broadcast_in_dim3A_12, %add3A_245, %broadcast_in_dim3A_255], %gather3A masked %lt3A_241 : memref<1x64x128xf32, #tpu.memory_space<vmem>>[vector<16xi32>, vector<16xi32>, vector<16xi32>], vector<16xf32>, vector<16xi1>
        %broadcast_in_dim3A_256 = arith.constant 0 : i32
        %broadcast_in_dim3A_257 = vector.broadcast %broadcast_in_dim3A_256 : i32 to vector<16xi32>
        %broadcast_in_dim3A_258 = arith.constant 1 : i32
        %broadcast_in_dim3A_259 = vector.broadcast %broadcast_in_dim3A_258 : i32 to vector<16xi32>
        %gather3A_260 = tpu.vector_load_idx %arg10[%add3A_249, %broadcast_in_dim3A_257, %broadcast_in_dim3A_259, %sub3A_243] masked %lt3A_241 : memref<3x4x8x512xf32, #tpu.memory_space<vmem>>[vector<16xi32>, vector<16xi32>, vector<16xi32>, vector<16xi32>], vector<16xf32>, vector<16xi1>
        %broadcast_in_dim3A_261 = arith.constant 1 : i32
        %broadcast_in_dim3A_262 = vector.broadcast %broadcast_in_dim3A_261 : i32 to vector<16xi32>
        tpu.vector_store_idx %arg13[%broadcast_in_dim3A_12, %add3A_245, %broadcast_in_dim3A_262], %gather3A_260 masked %lt3A_241 : memref<1x64x128xf32, #tpu.memory_space<vmem>>[vector<16xi32>, vector<16xi32>, vector<16xi32>], vector<16xf32>, vector<16xi1>
        %broadcast_in_dim3A_263 = arith.constant 0 : i32
        %broadcast_in_dim3A_264 = vector.broadcast %broadcast_in_dim3A_263 : i32 to vector<16xi32>
        %broadcast_in_dim3A_265 = arith.constant 2 : i32
        %broadcast_in_dim3A_266 = vector.broadcast %broadcast_in_dim3A_265 : i32 to vector<16xi32>
        %gather3A_267 = tpu.vector_load_idx %arg10[%add3A_249, %broadcast_in_dim3A_264, %broadcast_in_dim3A_266, %sub3A_243] masked %lt3A_241 : memref<3x4x8x512xf32, #tpu.memory_space<vmem>>[vector<16xi32>, vector<16xi32>, vector<16xi32>, vector<16xi32>], vector<16xf32>, vector<16xi1>
        %broadcast_in_dim3A_268 = arith.constant 2 : i32
        %broadcast_in_dim3A_269 = vector.broadcast %broadcast_in_dim3A_268 : i32 to vector<16xi32>
        tpu.vector_store_idx %arg13[%broadcast_in_dim3A_12, %add3A_245, %broadcast_in_dim3A_269], %gather3A_267 masked %lt3A_241 : memref<1x64x128xf32, #tpu.memory_space<vmem>>[vector<16xi32>, vector<16xi32>, vector<16xi32>], vector<16xf32>, vector<16xi1>
        %broadcast_in_dim3A_270 = arith.constant 0 : i32
        %broadcast_in_dim3A_271 = vector.broadcast %broadcast_in_dim3A_270 : i32 to vector<16xi32>
        %broadcast_in_dim3A_272 = arith.constant 3 : i32
        %broadcast_in_dim3A_273 = vector.broadcast %broadcast_in_dim3A_272 : i32 to vector<16xi32>
        %gather3A_274 = tpu.vector_load_idx %arg10[%add3A_249, %broadcast_in_dim3A_271, %broadcast_in_dim3A_273, %sub3A_243] masked %lt3A_241 : memref<3x4x8x512xf32, #tpu.memory_space<vmem>>[vector<16xi32>, vector<16xi32>, vector<16xi32>, vector<16xi32>], vector<16xf32>, vector<16xi1>
        %broadcast_in_dim3A_275 = arith.constant 3 : i32
        %broadcast_in_dim3A_276 = vector.broadcast %broadcast_in_dim3A_275 : i32 to vector<16xi32>
        tpu.vector_store_idx %arg13[%broadcast_in_dim3A_12, %add3A_245, %broadcast_in_dim3A_276], %gather3A_274 masked %lt3A_241 : memref<1x64x128xf32, #tpu.memory_space<vmem>>[vector<16xi32>, vector<16xi32>, vector<16xi32>], vector<16xf32>, vector<16xi1>
        %broadcast_in_dim3A_277 = arith.constant 0 : i32
        %broadcast_in_dim3A_278 = vector.broadcast %broadcast_in_dim3A_277 : i32 to vector<16xi32>
        %broadcast_in_dim3A_279 = arith.constant 4 : i32
        %broadcast_in_dim3A_280 = vector.broadcast %broadcast_in_dim3A_279 : i32 to vector<16xi32>
        %gather3A_281 = tpu.vector_load_idx %arg10[%add3A_249, %broadcast_in_dim3A_278, %broadcast_in_dim3A_280, %sub3A_243] masked %lt3A_241 : memref<3x4x8x512xf32, #tpu.memory_space<vmem>>[vector<16xi32>, vector<16xi32>, vector<16xi32>, vector<16xi32>], vector<16xf32>, vector<16xi1>
        %broadcast_in_dim3A_282 = arith.constant 4 : i32
        %broadcast_in_dim3A_283 = vector.broadcast %broadcast_in_dim3A_282 : i32 to vector<16xi32>
        tpu.vector_store_idx %arg13[%broadcast_in_dim3A_12, %add3A_245, %broadcast_in_dim3A_283], %gather3A_281 masked %lt3A_241 : memref<1x64x128xf32, #tpu.memory_space<vmem>>[vector<16xi32>, vector<16xi32>, vector<16xi32>], vector<16xf32>, vector<16xi1>
        %broadcast_in_dim3A_284 = arith.constant 0 : i32
        %broadcast_in_dim3A_285 = vector.broadcast %broadcast_in_dim3A_284 : i32 to vector<16xi32>
        %broadcast_in_dim3A_286 = arith.constant 5 : i32
        %broadcast_in_dim3A_287 = vector.broadcast %broadcast_in_dim3A_286 : i32 to vector<16xi32>
        %gather3A_288 = tpu.vector_load_idx %arg10[%add3A_249, %broadcast_in_dim3A_285, %broadcast_in_dim3A_287, %sub3A_243] masked %lt3A_241 : memref<3x4x8x512xf32, #tpu.memory_space<vmem>>[vector<16xi32>, vector<16xi32>, vector<16xi32>, vector<16xi32>], vector<16xf32>, vector<16xi1>
        %broadcast_in_dim3A_289 = arith.constant 5 : i32
        %broadcast_in_dim3A_290 = vector.broadcast %broadcast_in_dim3A_289 : i32 to vector<16xi32>
        tpu.vector_store_idx %arg13[%broadcast_in_dim3A_12, %add3A_245, %broadcast_in_dim3A_290], %gather3A_288 masked %lt3A_241 : memref<1x64x128xf32, #tpu.memory_space<vmem>>[vector<16xi32>, vector<16xi32>, vector<16xi32>], vector<16xf32>, vector<16xi1>
        %broadcast_in_dim3A_291 = arith.constant 0 : i32
        %broadcast_in_dim3A_292 = vector.broadcast %broadcast_in_dim3A_291 : i32 to vector<16xi32>
        %broadcast_in_dim3A_293 = arith.constant 6 : i32
        %broadcast_in_dim3A_294 = vector.broadcast %broadcast_in_dim3A_293 : i32 to vector<16xi32>
        %gather3A_295 = tpu.vector_load_idx %arg10[%add3A_249, %broadcast_in_dim3A_292, %broadcast_in_dim3A_294, %sub3A_243] masked %lt3A_241 : memref<3x4x8x512xf32, #tpu.memory_space<vmem>>[vector<16xi32>, vector<16xi32>, vector<16xi32>, vector<16xi32>], vector<16xf32>, vector<16xi1>
        %broadcast_in_dim3A_296 = arith.constant 6 : i32
        %broadcast_in_dim3A_297 = vector.broadcast %broadcast_in_dim3A_296 : i32 to vector<16xi32>
        tpu.vector_store_idx %arg13[%broadcast_in_dim3A_12, %add3A_245, %broadcast_in_dim3A_297], %gather3A_295 masked %lt3A_241 : memref<1x64x128xf32, #tpu.memory_space<vmem>>[vector<16xi32>, vector<16xi32>, vector<16xi32>], vector<16xf32>, vector<16xi1>
        %broadcast_in_dim3A_298 = arith.constant 0 : i32
        %broadcast_in_dim3A_299 = vector.broadcast %broadcast_in_dim3A_298 : i32 to vector<16xi32>
        %broadcast_in_dim3A_300 = arith.constant 7 : i32
        %broadcast_in_dim3A_301 = vector.broadcast %broadcast_in_dim3A_300 : i32 to vector<16xi32>
        %gather3A_302 = tpu.vector_load_idx %arg10[%add3A_249, %broadcast_in_dim3A_299, %broadcast_in_dim3A_301, %sub3A_243] masked %lt3A_241 : memref<3x4x8x512xf32, #tpu.memory_space<vmem>>[vector<16xi32>, vector<16xi32>, vector<16xi32>, vector<16xi32>], vector<16xf32>, vector<16xi1>
        %broadcast_in_dim3A_303 = arith.constant 7 : i32
        %broadcast_in_dim3A_304 = vector.broadcast %broadcast_in_dim3A_303 : i32 to vector<16xi32>
        tpu.vector_store_idx %arg13[%broadcast_in_dim3A_12, %add3A_245, %broadcast_in_dim3A_304], %gather3A_302 masked %lt3A_241 : memref<1x64x128xf32, #tpu.memory_space<vmem>>[vector<16xi32>, vector<16xi32>, vector<16xi32>], vector<16xf32>, vector<16xi1>
        %broadcast_in_dim3A_305 = arith.constant 1 : i32
        %broadcast_in_dim3A_306 = vector.broadcast %broadcast_in_dim3A_305 : i32 to vector<16xi32>
        %broadcast_in_dim3A_307 = arith.constant 0 : i32
        %broadcast_in_dim3A_308 = vector.broadcast %broadcast_in_dim3A_307 : i32 to vector<16xi32>
        %gather3A_309 = tpu.vector_load_idx %arg10[%add3A_249, %broadcast_in_dim3A_306, %broadcast_in_dim3A_308, %sub3A_243] masked %lt3A_241 : memref<3x4x8x512xf32, #tpu.memory_space<vmem>>[vector<16xi32>, vector<16xi32>, vector<16xi32>, vector<16xi32>], vector<16xf32>, vector<16xi1>
        %broadcast_in_dim3A_310 = arith.constant 8 : i32
        %broadcast_in_dim3A_311 = vector.broadcast %broadcast_in_dim3A_310 : i32 to vector<16xi32>
        tpu.vector_store_idx %arg13[%broadcast_in_dim3A_12, %add3A_245, %broadcast_in_dim3A_311], %gather3A_309 masked %lt3A_241 : memref<1x64x128xf32, #tpu.memory_space<vmem>>[vector<16xi32>, vector<16xi32>, vector<16xi32>], vector<16xf32>, vector<16xi1>
        %broadcast_in_dim3A_312 = arith.constant 1 : i32
        %broadcast_in_dim3A_313 = vector.broadcast %broadcast_in_dim3A_312 : i32 to vector<16xi32>
        %broadcast_in_dim3A_314 = arith.constant 1 : i32
        %broadcast_in_dim3A_315 = vector.broadcast %broadcast_in_dim3A_314 : i32 to vector<16xi32>
        %gather3A_316 = tpu.vector_load_idx %arg10[%add3A_249, %broadcast_in_dim3A_313, %broadcast_in_dim3A_315, %sub3A_243] masked %lt3A_241 : memref<3x4x8x512xf32, #tpu.memory_space<vmem>>[vector<16xi32>, vector<16xi32>, vector<16xi32>, vector<16xi32>], vector<16xf32>, vector<16xi1>
        %broadcast_in_dim3A_317 = arith.constant 9 : i32
        %broadcast_in_dim3A_318 = vector.broadcast %broadcast_in_dim3A_317 : i32 to vector<16xi32>
        tpu.vector_store_idx %arg13[%broadcast_in_dim3A_12, %add3A_245, %broadcast_in_dim3A_318], %gather3A_316 masked %lt3A_241 : memref<1x64x128xf32, #tpu.memory_space<vmem>>[vector<16xi32>, vector<16xi32>, vector<16xi32>], vector<16xf32>, vector<16xi1>
        %broadcast_in_dim3A_319 = arith.constant 1 : i32
        %broadcast_in_dim3A_320 = vector.broadcast %broadcast_in_dim3A_319 : i32 to vector<16xi32>
        %broadcast_in_dim3A_321 = arith.constant 2 : i32
        %broadcast_in_dim3A_322 = vector.broadcast %broadcast_in_dim3A_321 : i32 to vector<16xi32>
        %gather3A_323 = tpu.vector_load_idx %arg10[%add3A_249, %broadcast_in_dim3A_320, %broadcast_in_dim3A_322, %sub3A_243] masked %lt3A_241 : memref<3x4x8x512xf32, #tpu.memory_space<vmem>>[vector<16xi32>, vector<16xi32>, vector<16xi32>, vector<16xi32>], vector<16xf32>, vector<16xi1>
        %broadcast_in_dim3A_324 = arith.constant 10 : i32
        %broadcast_in_dim3A_325 = vector.broadcast %broadcast_in_dim3A_324 : i32 to vector<16xi32>
        tpu.vector_store_idx %arg13[%broadcast_in_dim3A_12, %add3A_245, %broadcast_in_dim3A_325], %gather3A_323 masked %lt3A_241 : memref<1x64x128xf32, #tpu.memory_space<vmem>>[vector<16xi32>, vector<16xi32>, vector<16xi32>], vector<16xf32>, vector<16xi1>
        %broadcast_in_dim3A_326 = arith.constant 1 : i32
        %broadcast_in_dim3A_327 = vector.broadcast %broadcast_in_dim3A_326 : i32 to vector<16xi32>
        %broadcast_in_dim3A_328 = arith.constant 3 : i32
        %broadcast_in_dim3A_329 = vector.broadcast %broadcast_in_dim3A_328 : i32 to vector<16xi32>
        %gather3A_330 = tpu.vector_load_idx %arg10[%add3A_249, %broadcast_in_dim3A_327, %broadcast_in_dim3A_329, %sub3A_243] masked %lt3A_241 : memref<3x4x8x512xf32, #tpu.memory_space<vmem>>[vector<16xi32>, vector<16xi32>, vector<16xi32>, vector<16xi32>], vector<16xf32>, vector<16xi1>
        %broadcast_in_dim3A_331 = arith.constant 11 : i32
        %broadcast_in_dim3A_332 = vector.broadcast %broadcast_in_dim3A_331 : i32 to vector<16xi32>
        tpu.vector_store_idx %arg13[%broadcast_in_dim3A_12, %add3A_245, %broadcast_in_dim3A_332], %gather3A_330 masked %lt3A_241 : memref<1x64x128xf32, #tpu.memory_space<vmem>>[vector<16xi32>, vector<16xi32>, vector<16xi32>], vector<16xf32>, vector<16xi1>
        %broadcast_in_dim3A_333 = arith.constant 1 : i32
        %broadcast_in_dim3A_334 = vector.broadcast %broadcast_in_dim3A_333 : i32 to vector<16xi32>
        %broadcast_in_dim3A_335 = arith.constant 4 : i32
        %broadcast_in_dim3A_336 = vector.broadcast %broadcast_in_dim3A_335 : i32 to vector<16xi32>
        %gather3A_337 = tpu.vector_load_idx %arg10[%add3A_249, %broadcast_in_dim3A_334, %broadcast_in_dim3A_336, %sub3A_243] masked %lt3A_241 : memref<3x4x8x512xf32, #tpu.memory_space<vmem>>[vector<16xi32>, vector<16xi32>, vector<16xi32>, vector<16xi32>], vector<16xf32>, vector<16xi1>
        %broadcast_in_dim3A_338 = arith.constant 12 : i32
        %broadcast_in_dim3A_339 = vector.broadcast %broadcast_in_dim3A_338 : i32 to vector<16xi32>
        tpu.vector_store_idx %arg13[%broadcast_in_dim3A_12, %add3A_245, %broadcast_in_dim3A_339], %gather3A_337 masked %lt3A_241 : memref<1x64x128xf32, #tpu.memory_space<vmem>>[vector<16xi32>, vector<16xi32>, vector<16xi32>], vector<16xf32>, vector<16xi1>
        %broadcast_in_dim3A_340 = arith.constant 1 : i32
        %broadcast_in_dim3A_341 = vector.broadcast %broadcast_in_dim3A_340 : i32 to vector<16xi32>
        %broadcast_in_dim3A_342 = arith.constant 5 : i32
        %broadcast_in_dim3A_343 = vector.broadcast %broadcast_in_dim3A_342 : i32 to vector<16xi32>
        %gather3A_344 = tpu.vector_load_idx %arg10[%add3A_249, %broadcast_in_dim3A_341, %broadcast_in_dim3A_343, %sub3A_243] masked %lt3A_241 : memref<3x4x8x512xf32, #tpu.memory_space<vmem>>[vector<16xi32>, vector<16xi32>, vector<16xi32>, vector<16xi32>], vector<16xf32>, vector<16xi1>
        %broadcast_in_dim3A_345 = arith.constant 13 : i32
        %broadcast_in_dim3A_346 = vector.broadcast %broadcast_in_dim3A_345 : i32 to vector<16xi32>
        tpu.vector_store_idx %arg13[%broadcast_in_dim3A_12, %add3A_245, %broadcast_in_dim3A_346], %gather3A_344 masked %lt3A_241 : memref<1x64x128xf32, #tpu.memory_space<vmem>>[vector<16xi32>, vector<16xi32>, vector<16xi32>], vector<16xf32>, vector<16xi1>
        %broadcast_in_dim3A_347 = arith.constant 1 : i32
        %broadcast_in_dim3A_348 = vector.broadcast %broadcast_in_dim3A_347 : i32 to vector<16xi32>
        %broadcast_in_dim3A_349 = arith.constant 6 : i32
        %broadcast_in_dim3A_350 = vector.broadcast %broadcast_in_dim3A_349 : i32 to vector<16xi32>
        %gather3A_351 = tpu.vector_load_idx %arg10[%add3A_249, %broadcast_in_dim3A_348, %broadcast_in_dim3A_350, %sub3A_243] masked %lt3A_241 : memref<3x4x8x512xf32, #tpu.memory_space<vmem>>[vector<16xi32>, vector<16xi32>, vector<16xi32>, vector<16xi32>], vector<16xf32>, vector<16xi1>
        %broadcast_in_dim3A_352 = arith.constant 14 : i32
        %broadcast_in_dim3A_353 = vector.broadcast %broadcast_in_dim3A_352 : i32 to vector<16xi32>
        tpu.vector_store_idx %arg13[%broadcast_in_dim3A_12, %add3A_245, %broadcast_in_dim3A_353], %gather3A_351 masked %lt3A_241 : memref<1x64x128xf32, #tpu.memory_space<vmem>>[vector<16xi32>, vector<16xi32>, vector<16xi32>], vector<16xf32>, vector<16xi1>
        %broadcast_in_dim3A_354 = arith.constant 1 : i32
        %broadcast_in_dim3A_355 = vector.broadcast %broadcast_in_dim3A_354 : i32 to vector<16xi32>
        %broadcast_in_dim3A_356 = arith.constant 7 : i32
        %broadcast_in_dim3A_357 = vector.broadcast %broadcast_in_dim3A_356 : i32 to vector<16xi32>
        %gather3A_358 = tpu.vector_load_idx %arg10[%add3A_249, %broadcast_in_dim3A_355, %broadcast_in_dim3A_357, %sub3A_243] masked %lt3A_241 : memref<3x4x8x512xf32, #tpu.memory_space<vmem>>[vector<16xi32>, vector<16xi32>, vector<16xi32>, vector<16xi32>], vector<16xf32>, vector<16xi1>
        %broadcast_in_dim3A_359 = arith.constant 15 : i32
        %broadcast_in_dim3A_360 = vector.broadcast %broadcast_in_dim3A_359 : i32 to vector<16xi32>
        tpu.vector_store_idx %arg13[%broadcast_in_dim3A_12, %add3A_245, %broadcast_in_dim3A_360], %gather3A_358 masked %lt3A_241 : memref<1x64x128xf32, #tpu.memory_space<vmem>>[vector<16xi32>, vector<16xi32>, vector<16xi32>], vector<16xf32>, vector<16xi1>
        %broadcast_in_dim3A_361 = arith.constant 2 : i32
        %broadcast_in_dim3A_362 = vector.broadcast %broadcast_in_dim3A_361 : i32 to vector<16xi32>
        %broadcast_in_dim3A_363 = arith.constant 0 : i32
        %broadcast_in_dim3A_364 = vector.broadcast %broadcast_in_dim3A_363 : i32 to vector<16xi32>
        %gather3A_365 = tpu.vector_load_idx %arg10[%add3A_249, %broadcast_in_dim3A_362, %broadcast_in_dim3A_364, %sub3A_243] masked %lt3A_241 : memref<3x4x8x512xf32, #tpu.memory_space<vmem>>[vector<16xi32>, vector<16xi32>, vector<16xi32>, vector<16xi32>], vector<16xf32>, vector<16xi1>
        %broadcast_in_dim3A_366 = arith.constant 16 : i32
        %broadcast_in_dim3A_367 = vector.broadcast %broadcast_in_dim3A_366 : i32 to vector<16xi32>
        tpu.vector_store_idx %arg13[%broadcast_in_dim3A_12, %add3A_245, %broadcast_in_dim3A_367], %gather3A_365 masked %lt3A_241 : memref<1x64x128xf32, #tpu.memory_space<vmem>>[vector<16xi32>, vector<16xi32>, vector<16xi32>], vector<16xf32>, vector<16xi1>
        %broadcast_in_dim3A_368 = arith.constant 2 : i32
        %broadcast_in_dim3A_369 = vector.broadcast %broadcast_in_dim3A_368 : i32 to vector<16xi32>
        %broadcast_in_dim3A_370 = arith.constant 1 : i32
        %broadcast_in_dim3A_371 = vector.broadcast %broadcast_in_dim3A_370 : i32 to vector<16xi32>
        %gather3A_372 = tpu.vector_load_idx %arg10[%add3A_249, %broadcast_in_dim3A_369, %broadcast_in_dim3A_371, %sub3A_243] masked %lt3A_241 : memref<3x4x8x512xf32, #tpu.memory_space<vmem>>[vector<16xi32>, vector<16xi32>, vector<16xi32>, vector<16xi32>], vector<16xf32>, vector<16xi1>
        %broadcast_in_dim3A_373 = arith.constant 17 : i32
        %broadcast_in_dim3A_374 = vector.broadcast %broadcast_in_dim3A_373 : i32 to vector<16xi32>
        tpu.vector_store_idx %arg13[%broadcast_in_dim3A_12, %add3A_245, %broadcast_in_dim3A_374], %gather3A_372 masked %lt3A_241 : memref<1x64x128xf32, #tpu.memory_space<vmem>>[vector<16xi32>, vector<16xi32>, vector<16xi32>], vector<16xf32>, vector<16xi1>
        %broadcast_in_dim3A_375 = arith.constant 2 : i32
        %broadcast_in_dim3A_376 = vector.broadcast %broadcast_in_dim3A_375 : i32 to vector<16xi32>
        %broadcast_in_dim3A_377 = arith.constant 2 : i32
        %broadcast_in_dim3A_378 = vector.broadcast %broadcast_in_dim3A_377 : i32 to vector<16xi32>
        %gather3A_379 = tpu.vector_load_idx %arg10[%add3A_249, %broadcast_in_dim3A_376, %broadcast_in_dim3A_378, %sub3A_243] masked %lt3A_241 : memref<3x4x8x512xf32, #tpu.memory_space<vmem>>[vector<16xi32>, vector<16xi32>, vector<16xi32>, vector<16xi32>], vector<16xf32>, vector<16xi1>
        %broadcast_in_dim3A_380 = arith.constant 18 : i32
        %broadcast_in_dim3A_381 = vector.broadcast %broadcast_in_dim3A_380 : i32 to vector<16xi32>
        tpu.vector_store_idx %arg13[%broadcast_in_dim3A_12, %add3A_245, %broadcast_in_dim3A_381], %gather3A_379 masked %lt3A_241 : memref<1x64x128xf32, #tpu.memory_space<vmem>>[vector<16xi32>, vector<16xi32>, vector<16xi32>], vector<16xf32>, vector<16xi1>
        %broadcast_in_dim3A_382 = arith.constant 2 : i32
        %broadcast_in_dim3A_383 = vector.broadcast %broadcast_in_dim3A_382 : i32 to vector<16xi32>
        %broadcast_in_dim3A_384 = arith.constant 3 : i32
        %broadcast_in_dim3A_385 = vector.broadcast %broadcast_in_dim3A_384 : i32 to vector<16xi32>
        %gather3A_386 = tpu.vector_load_idx %arg10[%add3A_249, %broadcast_in_dim3A_383, %broadcast_in_dim3A_385, %sub3A_243] masked %lt3A_241 : memref<3x4x8x512xf32, #tpu.memory_space<vmem>>[vector<16xi32>, vector<16xi32>, vector<16xi32>, vector<16xi32>], vector<16xf32>, vector<16xi1>
        %broadcast_in_dim3A_387 = arith.constant 19 : i32
        %broadcast_in_dim3A_388 = vector.broadcast %broadcast_in_dim3A_387 : i32 to vector<16xi32>
        tpu.vector_store_idx %arg13[%broadcast_in_dim3A_12, %add3A_245, %broadcast_in_dim3A_388], %gather3A_386 masked %lt3A_241 : memref<1x64x128xf32, #tpu.memory_space<vmem>>[vector<16xi32>, vector<16xi32>, vector<16xi32>], vector<16xf32>, vector<16xi1>
        %broadcast_in_dim3A_389 = arith.constant 2 : i32
        %broadcast_in_dim3A_390 = vector.broadcast %broadcast_in_dim3A_389 : i32 to vector<16xi32>
        %broadcast_in_dim3A_391 = arith.constant 4 : i32
        %broadcast_in_dim3A_392 = vector.broadcast %broadcast_in_dim3A_391 : i32 to vector<16xi32>
        %gather3A_393 = tpu.vector_load_idx %arg10[%add3A_249, %broadcast_in_dim3A_390, %broadcast_in_dim3A_392, %sub3A_243] masked %lt3A_241 : memref<3x4x8x512xf32, #tpu.memory_space<vmem>>[vector<16xi32>, vector<16xi32>, vector<16xi32>, vector<16xi32>], vector<16xf32>, vector<16xi1>
        %broadcast_in_dim3A_394 = arith.constant 20 : i32
        %broadcast_in_dim3A_395 = vector.broadcast %broadcast_in_dim3A_394 : i32 to vector<16xi32>
        tpu.vector_store_idx %arg13[%broadcast_in_dim3A_12, %add3A_245, %broadcast_in_dim3A_395], %gather3A_393 masked %lt3A_241 : memref<1x64x128xf32, #tpu.memory_space<vmem>>[vector<16xi32>, vector<16xi32>, vector<16xi32>], vector<16xf32>, vector<16xi1>
        %broadcast_in_dim3A_396 = arith.constant 2 : i32
        %broadcast_in_dim3A_397 = vector.broadcast %broadcast_in_dim3A_396 : i32 to vector<16xi32>
        %broadcast_in_dim3A_398 = arith.constant 5 : i32
        %broadcast_in_dim3A_399 = vector.broadcast %broadcast_in_dim3A_398 : i32 to vector<16xi32>
        %gather3A_400 = tpu.vector_load_idx %arg10[%add3A_249, %broadcast_in_dim3A_397, %broadcast_in_dim3A_399, %sub3A_243] masked %lt3A_241 : memref<3x4x8x512xf32, #tpu.memory_space<vmem>>[vector<16xi32>, vector<16xi32>, vector<16xi32>, vector<16xi32>], vector<16xf32>, vector<16xi1>
        %broadcast_in_dim3A_401 = arith.constant 21 : i32
        %broadcast_in_dim3A_402 = vector.broadcast %broadcast_in_dim3A_401 : i32 to vector<16xi32>
        tpu.vector_store_idx %arg13[%broadcast_in_dim3A_12, %add3A_245, %broadcast_in_dim3A_402], %gather3A_400 masked %lt3A_241 : memref<1x64x128xf32, #tpu.memory_space<vmem>>[vector<16xi32>, vector<16xi32>, vector<16xi32>], vector<16xf32>, vector<16xi1>
        %broadcast_in_dim3A_403 = arith.constant 2 : i32
        %broadcast_in_dim3A_404 = vector.broadcast %broadcast_in_dim3A_403 : i32 to vector<16xi32>
        %broadcast_in_dim3A_405 = arith.constant 6 : i32
        %broadcast_in_dim3A_406 = vector.broadcast %broadcast_in_dim3A_405 : i32 to vector<16xi32>
        %gather3A_407 = tpu.vector_load_idx %arg10[%add3A_249, %broadcast_in_dim3A_404, %broadcast_in_dim3A_406, %sub3A_243] masked %lt3A_241 : memref<3x4x8x512xf32, #tpu.memory_space<vmem>>[vector<16xi32>, vector<16xi32>, vector<16xi32>, vector<16xi32>], vector<16xf32>, vector<16xi1>
        %broadcast_in_dim3A_408 = arith.constant 22 : i32
        %broadcast_in_dim3A_409 = vector.broadcast %broadcast_in_dim3A_408 : i32 to vector<16xi32>
        tpu.vector_store_idx %arg13[%broadcast_in_dim3A_12, %add3A_245, %broadcast_in_dim3A_409], %gather3A_407 masked %lt3A_241 : memref<1x64x128xf32, #tpu.memory_space<vmem>>[vector<16xi32>, vector<16xi32>, vector<16xi32>], vector<16xf32>, vector<16xi1>
        %broadcast_in_dim3A_410 = arith.constant 2 : i32
        %broadcast_in_dim3A_411 = vector.broadcast %broadcast_in_dim3A_410 : i32 to vector<16xi32>
        %broadcast_in_dim3A_412 = arith.constant 7 : i32
        %broadcast_in_dim3A_413 = vector.broadcast %broadcast_in_dim3A_412 : i32 to vector<16xi32>
        %gather3A_414 = tpu.vector_load_idx %arg10[%add3A_249, %broadcast_in_dim3A_411, %broadcast_in_dim3A_413, %sub3A_243] masked %lt3A_241 : memref<3x4x8x512xf32, #tpu.memory_space<vmem>>[vector<16xi32>, vector<16xi32>, vector<16xi32>, vector<16xi32>], vector<16xf32>, vector<16xi1>
        %broadcast_in_dim3A_415 = arith.constant 23 : i32
        %broadcast_in_dim3A_416 = vector.broadcast %broadcast_in_dim3A_415 : i32 to vector<16xi32>
        tpu.vector_store_idx %arg13[%broadcast_in_dim3A_12, %add3A_245, %broadcast_in_dim3A_416], %gather3A_414 masked %lt3A_241 : memref<1x64x128xf32, #tpu.memory_space<vmem>>[vector<16xi32>, vector<16xi32>, vector<16xi32>], vector<16xf32>, vector<16xi1>
        %broadcast_in_dim3A_417 = arith.constant 3 : i32
        %broadcast_in_dim3A_418 = vector.broadcast %broadcast_in_dim3A_417 : i32 to vector<16xi32>
        %broadcast_in_dim3A_419 = arith.constant 0 : i32
        %broadcast_in_dim3A_420 = vector.broadcast %broadcast_in_dim3A_419 : i32 to vector<16xi32>
        %gather3A_421 = tpu.vector_load_idx %arg10[%add3A_249, %broadcast_in_dim3A_418, %broadcast_in_dim3A_420, %sub3A_243] masked %lt3A_241 : memref<3x4x8x512xf32, #tpu.memory_space<vmem>>[vector<16xi32>, vector<16xi32>, vector<16xi32>, vector<16xi32>], vector<16xf32>, vector<16xi1>
        %broadcast_in_dim3A_422 = arith.constant 24 : i32
        %broadcast_in_dim3A_423 = vector.broadcast %broadcast_in_dim3A_422 : i32 to vector<16xi32>
        tpu.vector_store_idx %arg13[%broadcast_in_dim3A_12, %add3A_245, %broadcast_in_dim3A_423], %gather3A_421 masked %lt3A_241 : memref<1x64x128xf32, #tpu.memory_space<vmem>>[vector<16xi32>, vector<16xi32>, vector<16xi32>], vector<16xf32>, vector<16xi1>
        %broadcast_in_dim3A_424 = arith.constant 3 : i32
        %broadcast_in_dim3A_425 = vector.broadcast %broadcast_in_dim3A_424 : i32 to vector<16xi32>
        %broadcast_in_dim3A_426 = arith.constant 1 : i32
        %broadcast_in_dim3A_427 = vector.broadcast %broadcast_in_dim3A_426 : i32 to vector<16xi32>
        %gather3A_428 = tpu.vector_load_idx %arg10[%add3A_249, %broadcast_in_dim3A_425, %broadcast_in_dim3A_427, %sub3A_243] masked %lt3A_241 : memref<3x4x8x512xf32, #tpu.memory_space<vmem>>[vector<16xi32>, vector<16xi32>, vector<16xi32>, vector<16xi32>], vector<16xf32>, vector<16xi1>
        %broadcast_in_dim3A_429 = arith.constant 25 : i32
        %broadcast_in_dim3A_430 = vector.broadcast %broadcast_in_dim3A_429 : i32 to vector<16xi32>
        tpu.vector_store_idx %arg13[%broadcast_in_dim3A_12, %add3A_245, %broadcast_in_dim3A_430], %gather3A_428 masked %lt3A_241 : memref<1x64x128xf32, #tpu.memory_space<vmem>>[vector<16xi32>, vector<16xi32>, vector<16xi32>], vector<16xf32>, vector<16xi1>
        %broadcast_in_dim3A_431 = arith.constant 3 : i32
        %broadcast_in_dim3A_432 = vector.broadcast %broadcast_in_dim3A_431 : i32 to vector<16xi32>
        %broadcast_in_dim3A_433 = arith.constant 2 : i32
        %broadcast_in_dim3A_434 = vector.broadcast %broadcast_in_dim3A_433 : i32 to vector<16xi32>
        %gather3A_435 = tpu.vector_load_idx %arg10[%add3A_249, %broadcast_in_dim3A_432, %broadcast_in_dim3A_434, %sub3A_243] masked %lt3A_241 : memref<3x4x8x512xf32, #tpu.memory_space<vmem>>[vector<16xi32>, vector<16xi32>, vector<16xi32>, vector<16xi32>], vector<16xf32>, vector<16xi1>
        %broadcast_in_dim3A_436 = arith.constant 26 : i32
        %broadcast_in_dim3A_437 = vector.broadcast %broadcast_in_dim3A_436 : i32 to vector<16xi32>
        tpu.vector_store_idx %arg13[%broadcast_in_dim3A_12, %add3A_245, %broadcast_in_dim3A_437], %gather3A_435 masked %lt3A_241 : memref<1x64x128xf32, #tpu.memory_space<vmem>>[vector<16xi32>, vector<16xi32>, vector<16xi32>], vector<16xf32>, vector<16xi1>
        %broadcast_in_dim3A_438 = arith.constant 3 : i32
        %broadcast_in_dim3A_439 = vector.broadcast %broadcast_in_dim3A_438 : i32 to vector<16xi32>
        %broadcast_in_dim3A_440 = arith.constant 3 : i32
        %broadcast_in_dim3A_441 = vector.broadcast %broadcast_in_dim3A_440 : i32 to vector<16xi32>
        %gather3A_442 = tpu.vector_load_idx %arg10[%add3A_249, %broadcast_in_dim3A_439, %broadcast_in_dim3A_441, %sub3A_243] masked %lt3A_241 : memref<3x4x8x512xf32, #tpu.memory_space<vmem>>[vector<16xi32>, vector<16xi32>, vector<16xi32>, vector<16xi32>], vector<16xf32>, vector<16xi1>
        %broadcast_in_dim3A_443 = arith.constant 27 : i32
        %broadcast_in_dim3A_444 = vector.broadcast %broadcast_in_dim3A_443 : i32 to vector<16xi32>
        tpu.vector_store_idx %arg13[%broadcast_in_dim3A_12, %add3A_245, %broadcast_in_dim3A_444], %gather3A_442 masked %lt3A_241 : memref<1x64x128xf32, #tpu.memory_space<vmem>>[vector<16xi32>, vector<16xi32>, vector<16xi32>], vector<16xf32>, vector<16xi1>
        %broadcast_in_dim3A_445 = arith.constant 3 : i32
        %broadcast_in_dim3A_446 = vector.broadcast %broadcast_in_dim3A_445 : i32 to vector<16xi32>
        %broadcast_in_dim3A_447 = arith.constant 4 : i32
        %broadcast_in_dim3A_448 = vector.broadcast %broadcast_in_dim3A_447 : i32 to vector<16xi32>
        %gather3A_449 = tpu.vector_load_idx %arg10[%add3A_249, %broadcast_in_dim3A_446, %broadcast_in_dim3A_448, %sub3A_243] masked %lt3A_241 : memref<3x4x8x512xf32, #tpu.memory_space<vmem>>[vector<16xi32>, vector<16xi32>, vector<16xi32>, vector<16xi32>], vector<16xf32>, vector<16xi1>
        %broadcast_in_dim3A_450 = arith.constant 28 : i32
        %broadcast_in_dim3A_451 = vector.broadcast %broadcast_in_dim3A_450 : i32 to vector<16xi32>
        tpu.vector_store_idx %arg13[%broadcast_in_dim3A_12, %add3A_245, %broadcast_in_dim3A_451], %gather3A_449 masked %lt3A_241 : memref<1x64x128xf32, #tpu.memory_space<vmem>>[vector<16xi32>, vector<16xi32>, vector<16xi32>], vector<16xf32>, vector<16xi1>
        %broadcast_in_dim3A_452 = arith.constant 3 : i32
        %broadcast_in_dim3A_453 = vector.broadcast %broadcast_in_dim3A_452 : i32 to vector<16xi32>
        %broadcast_in_dim3A_454 = arith.constant 5 : i32
        %broadcast_in_dim3A_455 = vector.broadcast %broadcast_in_dim3A_454 : i32 to vector<16xi32>
        %gather3A_456 = tpu.vector_load_idx %arg10[%add3A_249, %broadcast_in_dim3A_453, %broadcast_in_dim3A_455, %sub3A_243] masked %lt3A_241 : memref<3x4x8x512xf32, #tpu.memory_space<vmem>>[vector<16xi32>, vector<16xi32>, vector<16xi32>, vector<16xi32>], vector<16xf32>, vector<16xi1>
        %broadcast_in_dim3A_457 = arith.constant 29 : i32
        %broadcast_in_dim3A_458 = vector.broadcast %broadcast_in_dim3A_457 : i32 to vector<16xi32>
        tpu.vector_store_idx %arg13[%broadcast_in_dim3A_12, %add3A_245, %broadcast_in_dim3A_458], %gather3A_456 masked %lt3A_241 : memref<1x64x128xf32, #tpu.memory_space<vmem>>[vector<16xi32>, vector<16xi32>, vector<16xi32>], vector<16xf32>, vector<16xi1>
        %broadcast_in_dim3A_459 = arith.constant 3 : i32
        %broadcast_in_dim3A_460 = vector.broadcast %broadcast_in_dim3A_459 : i32 to vector<16xi32>
        %broadcast_in_dim3A_461 = arith.constant 6 : i32
        %broadcast_in_dim3A_462 = vector.broadcast %broadcast_in_dim3A_461 : i32 to vector<16xi32>
        %gather3A_463 = tpu.vector_load_idx %arg10[%add3A_249, %broadcast_in_dim3A_460, %broadcast_in_dim3A_462, %sub3A_243] masked %lt3A_241 : memref<3x4x8x512xf32, #tpu.memory_space<vmem>>[vector<16xi32>, vector<16xi32>, vector<16xi32>, vector<16xi32>], vector<16xf32>, vector<16xi1>
        %broadcast_in_dim3A_464 = arith.constant 30 : i32
        %broadcast_in_dim3A_465 = vector.broadcast %broadcast_in_dim3A_464 : i32 to vector<16xi32>
        tpu.vector_store_idx %arg13[%broadcast_in_dim3A_12, %add3A_245, %broadcast_in_dim3A_465], %gather3A_463 masked %lt3A_241 : memref<1x64x128xf32, #tpu.memory_space<vmem>>[vector<16xi32>, vector<16xi32>, vector<16xi32>], vector<16xf32>, vector<16xi1>
        %broadcast_in_dim3A_466 = arith.constant 3 : i32
        %broadcast_in_dim3A_467 = vector.broadcast %broadcast_in_dim3A_466 : i32 to vector<16xi32>
        %broadcast_in_dim3A_468 = arith.constant 7 : i32
        %broadcast_in_dim3A_469 = vector.broadcast %broadcast_in_dim3A_468 : i32 to vector<16xi32>
        %gather3A_470 = tpu.vector_load_idx %arg10[%add3A_249, %broadcast_in_dim3A_467, %broadcast_in_dim3A_469, %sub3A_243] masked %lt3A_241 : memref<3x4x8x512xf32, #tpu.memory_space<vmem>>[vector<16xi32>, vector<16xi32>, vector<16xi32>, vector<16xi32>], vector<16xf32>, vector<16xi1>
        %broadcast_in_dim3A_471 = arith.constant 31 : i32
        %broadcast_in_dim3A_472 = vector.broadcast %broadcast_in_dim3A_471 : i32 to vector<16xi32>
        tpu.vector_store_idx %arg13[%broadcast_in_dim3A_12, %add3A_245, %broadcast_in_dim3A_472], %gather3A_470 masked %lt3A_241 : memref<1x64x128xf32, #tpu.memory_space<vmem>>[vector<16xi32>, vector<16xi32>, vector<16xi32>], vector<16xf32>, vector<16xi1>
        tpu.vector_store_idx %arg14[%add3A_245], %get3A_236 masked %lt3A_241 : memref<64xi32, #tpu.memory_space<vmem>>[vector<16xi32>], vector<16xi32>, vector<16xi1>
        %min3A = arith.constant 16 : i32
        %min3A_473 = arith.minsi %sub3A_239, %min3A : i32
        %add3A_474 = arith.addi %while3A_231, %min3A_473 : i32
        %gt3A_475 = arith.constant 48 : i32
        %gt3A_476 = arith.cmpi sgt, %add3A_474, %gt3A_475 : i32
        %convert_element_type3A_477 = arith.extui %gt3A_476 : i1 to i32
        %cond3A_478 = arith.constant 0 : i32
        %cond3A_479 = arith.cmpi ne, %convert_element_type3A_477, %cond3A_478 : i32
        scf.if %cond3A_479 {
          %dma_start3A_482 = arith.constant 0 : i32
          %dma_start3A_483 = arith.constant 0 : i32
          %dma_start3A_484 = arith.constant 0 : i32
          %dma_start3A_485 = tpu.memref_slice %arg13[%dma_start3A_482, %dma_start3A_483, %dma_start3A_484] : memref<1x64x128xf32, #tpu.memory_space<vmem>> -> memref<1x64x128xf32, #tpu.memory_space<vmem>>
          %dma_start3A_486 = tpu.memref_squeeze %dma_start3A_485 : memref<1x64x128xf32, #tpu.memory_space<vmem>> -> memref<64x128xf32, #tpu.memory_space<vmem>>
          %dma_start3A_487 = arith.constant 0 : i32
          %dma_start3A_488 = arith.constant 0 : i32
          %dma_start3A_489 = tpu.memref_slice %arg5[%dma_start3A_487, %dma_start3A_488] : memref<16448x128xf32, #tpu.memory_space<hbm>> -> memref<16448x128xf32, #tpu.memory_space<hbm>>
          tpu.enqueue_indirect_dma source(%dma_start3A_486 : memref<64x128xf32, #tpu.memory_space<vmem>>) target(%dma_start3A_489 : memref<16448x128xf32, #tpu.memory_space<hbm>>) offsets(%arg14 : memref<64xi32, #tpu.memory_space<vmem>>) semaphore(%arg17 : memref<!tpu.dma_semaphore, #tpu.memory_space<semaphore_mem>>)
          %dma_wait3A_490 = arith.constant 0 : i32
          %dma_wait3A_491 = arith.constant 0 : i32
          %dma_wait3A_492 = arith.constant 0 : i32
          %dma_wait3A_493 = tpu.memref_slice %arg13[%dma_wait3A_490, %dma_wait3A_491, %dma_wait3A_492] : memref<1x64x128xf32, #tpu.memory_space<vmem>> -> memref<1x64x128xf32, #tpu.memory_space<vmem>>
          %dma_wait3A_494 = tpu.memref_squeeze %dma_wait3A_493 : memref<1x64x128xf32, #tpu.memory_space<vmem>> -> memref<64x128xf32, #tpu.memory_space<vmem>>
          %dma_wait3A_495 = arith.constant 0 : i32
          %dma_wait3A_496 = arith.constant 0 : i32
          %dma_wait3A_497 = tpu.memref_slice %arg5[%dma_wait3A_495, %dma_wait3A_496] : memref<16448x128xf32, #tpu.memory_space<hbm>> -> memref<16448x128xf32, #tpu.memory_space<hbm>>
          tpu.wait_indirect_dma semaphore(%arg17 : memref<!tpu.dma_semaphore, #tpu.memory_space<semaphore_mem>>) src(%dma_wait3A_494 : memref<64x128xf32, #tpu.memory_space<vmem>>) dst(%dma_wait3A_497 : memref<16448x128xf32, #tpu.memory_space<hbm>>)
        } else {
        }
        %jit3A_480 = arith.constant 0 : i32
        %select_n3A_481 = arith.select %gt3A_476, %jit3A_480, %add3A_474 : i32
        scf.yield %select_n3A_481 : i32
      }
      %while3A_228 = arith.constant 1 : i32
      %while3A_229 = scf.for %while3A_230 = %while3A_225 to %while3A_221 step %while3A_228 iter_args(%while3A_231 = %while3A_227) -> (i32)  : i32 {
        %mul3A_232 = arith.constant 16 : i32
        %mul3A_233 = arith.muli %while3A_230, %mul3A_232 : i32
        %get3A = arith.index_cast %mul3A_233 : i32 to index
        %get3A_234 = tpu.vector_load %arg11[%get3A] {strides = array<i32>} : memref<16384xi32, #tpu.memory_space<vmem>>, vector<16xi32>,
        %get3A_235 = arith.index_cast %mul3A_233 : i32 to index
        %get3A_236 = tpu.vector_load %arg12[%get3A_235] {strides = array<i32>} : memref<16384xi32, #tpu.memory_space<vmem>>, vector<16xi32>,
        %mul3A_237 = arith.constant 16 : i32
        %mul3A_238 = arith.muli %while3A_230, %mul3A_237 : i32
        %sub3A_239 = arith.subi %while3A_212, %mul3A_238 : i32
        %lt3A_240 = vector.broadcast %sub3A_239 : i32 to vector<16xi32>
        %lt3A_241 = arith.cmpi slt, %iota3A, %lt3A_240 : vector<16xi32>
        %sub3A_242 = vector.broadcast %multiple_of3A_195 : i32 to vector<16xi32>
        %sub3A_243 = arith.subi %get3A_234, %sub3A_242 : vector<16xi32>
        %add3A_244 = vector.broadcast %while3A_231 : i32 to vector<16xi32>
        %add3A_245 = arith.addi %add3A_244, %iota3A : vector<16xi32>
        %broadcast_in_dim3A_246 = arith.constant 0 : i32
        %broadcast_in_dim3A_247 = vector.broadcast %broadcast_in_dim3A_246 : i32 to vector<16xi32>
        %add3A_248 = vector.broadcast %rem3A_126 : i32 to vector<16xi32>
        %add3A_249 = arith.addi %broadcast_in_dim3A_247, %add3A_248 : vector<16xi32>
        %broadcast_in_dim3A_250 = arith.constant 0 : i32
        %broadcast_in_dim3A_251 = vector.broadcast %broadcast_in_dim3A_250 : i32 to vector<16xi32>
        %broadcast_in_dim3A_252 = arith.constant 0 : i32
        %broadcast_in_dim3A_253 = vector.broadcast %broadcast_in_dim3A_252 : i32 to vector<16xi32>
        %gather3A = tpu.vector_load_idx %arg10[%add3A_249, %broadcast_in_dim3A_251, %broadcast_in_dim3A_253, %sub3A_243] masked %lt3A_241 : memref<3x4x8x512xf32, #tpu.memory_space<vmem>>[vector<16xi32>, vector<16xi32>, vector<16xi32>, vector<16xi32>], vector<16xf32>, vector<16xi1>
        %broadcast_in_dim3A_254 = arith.constant 0 : i32
        %broadcast_in_dim3A_255 = vector.broadcast %broadcast_in_dim3A_254 : i32 to vector<16xi32>
        tpu.vector_store_idx %arg13[%broadcast_in_dim3A_12, %add3A_245, %broadcast_in_dim3A_255], %gather3A masked %lt3A_241 : memref<1x64x128xf32, #tpu.memory_space<vmem>>[vector<16xi32>, vector<16xi32>, vector<16xi32>], vector<16xf32>, vector<16xi1>
        %broadcast_in_dim3A_256 = arith.constant 0 : i32
        %broadcast_in_dim3A_257 = vector.broadcast %broadcast_in_dim3A_256 : i32 to vector<16xi32>
        %broadcast_in_dim3A_258 = arith.constant 1 : i32
        %broadcast_in_dim3A_259 = vector.broadcast %broadcast_in_dim3A_258 : i32 to vector<16xi32>
        %gather3A_260 = tpu.vector_load_idx %arg10[%add3A_249, %broadcast_in_dim3A_257, %broadcast_in_dim3A_259, %sub3A_243] masked %lt3A_241 : memref<3x4x8x512xf32, #tpu.memory_space<vmem>>[vector<16xi32>, vector<16xi32>, vector<16xi32>, vector<16xi32>], vector<16xf32>, vector<16xi1>
        %broadcast_in_dim3A_261 = arith.constant 1 : i32
        %broadcast_in_dim3A_262 = vector.broadcast %broadcast_in_dim3A_261 : i32 to vector<16xi32>
        tpu.vector_store_idx %arg13[%broadcast_in_dim3A_12, %add3A_245, %broadcast_in_dim3A_262], %gather3A_260 masked %lt3A_241 : memref<1x64x128xf32, #tpu.memory_space<vmem>>[vector<16xi32>, vector<16xi32>, vector<16xi32>], vector<16xf32>, vector<16xi1>
        %broadcast_in_dim3A_263 = arith.constant 0 : i32
        %broadcast_in_dim3A_264 = vector.broadcast %broadcast_in_dim3A_263 : i32 to vector<16xi32>
        %broadcast_in_dim3A_265 = arith.constant 2 : i32
        %broadcast_in_dim3A_266 = vector.broadcast %broadcast_in_dim3A_265 : i32 to vector<16xi32>
        %gather3A_267 = tpu.vector_load_idx %arg10[%add3A_249, %broadcast_in_dim3A_264, %broadcast_in_dim3A_266, %sub3A_243] masked %lt3A_241 : memref<3x4x8x512xf32, #tpu.memory_space<vmem>>[vector<16xi32>, vector<16xi32>, vector<16xi32>, vector<16xi32>], vector<16xf32>, vector<16xi1>
        %broadcast_in_dim3A_268 = arith.constant 2 : i32
        %broadcast_in_dim3A_269 = vector.broadcast %broadcast_in_dim3A_268 : i32 to vector<16xi32>
        tpu.vector_store_idx %arg13[%broadcast_in_dim3A_12, %add3A_245, %broadcast_in_dim3A_269], %gather3A_267 masked %lt3A_241 : memref<1x64x128xf32, #tpu.memory_space<vmem>>[vector<16xi32>, vector<16xi32>, vector<16xi32>], vector<16xf32>, vector<16xi1>
        %broadcast_in_dim3A_270 = arith.constant 0 : i32
        %broadcast_in_dim3A_271 = vector.broadcast %broadcast_in_dim3A_270 : i32 to vector<16xi32>
        %broadcast_in_dim3A_272 = arith.constant 3 : i32
        %broadcast_in_dim3A_273 = vector.broadcast %broadcast_in_dim3A_272 : i32 to vector<16xi32>
        %gather3A_274 = tpu.vector_load_idx %arg10[%add3A_249, %broadcast_in_dim3A_271, %broadcast_in_dim3A_273, %sub3A_243] masked %lt3A_241 : memref<3x4x8x512xf32, #tpu.memory_space<vmem>>[vector<16xi32>, vector<16xi32>, vector<16xi32>, vector<16xi32>], vector<16xf32>, vector<16xi1>
        %broadcast_in_dim3A_275 = arith.constant 3 : i32
        %broadcast_in_dim3A_276 = vector.broadcast %broadcast_in_dim3A_275 : i32 to vector<16xi32>
        tpu.vector_store_idx %arg13[%broadcast_in_dim3A_12, %add3A_245, %broadcast_in_dim3A_276], %gather3A_274 masked %lt3A_241 : memref<1x64x128xf32, #tpu.memory_space<vmem>>[vector<16xi32>, vector<16xi32>, vector<16xi32>], vector<16xf32>, vector<16xi1>
        %broadcast_in_dim3A_277 = arith.constant 0 : i32
        %broadcast_in_dim3A_278 = vector.broadcast %broadcast_in_dim3A_277 : i32 to vector<16xi32>
        %broadcast_in_dim3A_279 = arith.constant 4 : i32
        %broadcast_in_dim3A_280 = vector.broadcast %broadcast_in_dim3A_279 : i32 to vector<16xi32>
        %gather3A_281 = tpu.vector_load_idx %arg10[%add3A_249, %broadcast_in_dim3A_278, %broadcast_in_dim3A_280, %sub3A_243] masked %lt3A_241 : memref<3x4x8x512xf32, #tpu.memory_space<vmem>>[vector<16xi32>, vector<16xi32>, vector<16xi32>, vector<16xi32>], vector<16xf32>, vector<16xi1>
        %broadcast_in_dim3A_282 = arith.constant 4 : i32
        %broadcast_in_dim3A_283 = vector.broadcast %broadcast_in_dim3A_282 : i32 to vector<16xi32>
        tpu.vector_store_idx %arg13[%broadcast_in_dim3A_12, %add3A_245, %broadcast_in_dim3A_283], %gather3A_281 masked %lt3A_241 : memref<1x64x128xf32, #tpu.memory_space<vmem>>[vector<16xi32>, vector<16xi32>, vector<16xi32>], vector<16xf32>, vector<16xi1>
        %broadcast_in_dim3A_284 = arith.constant 0 : i32
        %broadcast_in_dim3A_285 = vector.broadcast %broadcast_in_dim3A_284 : i32 to vector<16xi32>
        %broadcast_in_dim3A_286 = arith.constant 5 : i32
        %broadcast_in_dim3A_287 = vector.broadcast %broadcast_in_dim3A_286 : i32 to vector<16xi32>
        %gather3A_288 = tpu.vector_load_idx %arg10[%add3A_249, %broadcast_in_dim3A_285, %broadcast_in_dim3A_287, %sub3A_243] masked %lt3A_241 : memref<3x4x8x512xf32, #tpu.memory_space<vmem>>[vector<16xi32>, vector<16xi32>, vector<16xi32>, vector<16xi32>], vector<16xf32>, vector<16xi1>
        %broadcast_in_dim3A_289 = arith.constant 5 : i32
        %broadcast_in_dim3A_290 = vector.broadcast %broadcast_in_dim3A_289 : i32 to vector<16xi32>
        tpu.vector_store_idx %arg13[%broadcast_in_dim3A_12, %add3A_245, %broadcast_in_dim3A_290], %gather3A_288 masked %lt3A_241 : memref<1x64x128xf32, #tpu.memory_space<vmem>>[vector<16xi32>, vector<16xi32>, vector<16xi32>], vector<16xf32>, vector<16xi1>
        %broadcast_in_dim3A_291 = arith.constant 0 : i32
        %broadcast_in_dim3A_292 = vector.broadcast %broadcast_in_dim3A_291 : i32 to vector<16xi32>
        %broadcast_in_dim3A_293 = arith.constant 6 : i32
        %broadcast_in_dim3A_294 = vector.broadcast %broadcast_in_dim3A_293 : i32 to vector<16xi32>
        %gather3A_295 = tpu.vector_load_idx %arg10[%add3A_249, %broadcast_in_dim3A_292, %broadcast_in_dim3A_294, %sub3A_243] masked %lt3A_241 : memref<3x4x8x512xf32, #tpu.memory_space<vmem>>[vector<16xi32>, vector<16xi32>, vector<16xi32>, vector<16xi32>], vector<16xf32>, vector<16xi1>
        %broadcast_in_dim3A_296 = arith.constant 6 : i32
        %broadcast_in_dim3A_297 = vector.broadcast %broadcast_in_dim3A_296 : i32 to vector<16xi32>
        tpu.vector_store_idx %arg13[%broadcast_in_dim3A_12, %add3A_245, %broadcast_in_dim3A_297], %gather3A_295 masked %lt3A_241 : memref<1x64x128xf32, #tpu.memory_space<vmem>>[vector<16xi32>, vector<16xi32>, vector<16xi32>], vector<16xf32>, vector<16xi1>
        %broadcast_in_dim3A_298 = arith.constant 0 : i32
        %broadcast_in_dim3A_299 = vector.broadcast %broadcast_in_dim3A_298 : i32 to vector<16xi32>
        %broadcast_in_dim3A_300 = arith.constant 7 : i32
        %broadcast_in_dim3A_301 = vector.broadcast %broadcast_in_dim3A_300 : i32 to vector<16xi32>
        %gather3A_302 = tpu.vector_load_idx %arg10[%add3A_249, %broadcast_in_dim3A_299, %broadcast_in_dim3A_301, %sub3A_243] masked %lt3A_241 : memref<3x4x8x512xf32, #tpu.memory_space<vmem>>[vector<16xi32>, vector<16xi32>, vector<16xi32>, vector<16xi32>], vector<16xf32>, vector<16xi1>
        %broadcast_in_dim3A_303 = arith.constant 7 : i32
        %broadcast_in_dim3A_304 = vector.broadcast %broadcast_in_dim3A_303 : i32 to vector<16xi32>
        tpu.vector_store_idx %arg13[%broadcast_in_dim3A_12, %add3A_245, %broadcast_in_dim3A_304], %gather3A_302 masked %lt3A_241 : memref<1x64x128xf32, #tpu.memory_space<vmem>>[vector<16xi32>, vector<16xi32>, vector<16xi32>], vector<16xf32>, vector<16xi1>
        %broadcast_in_dim3A_305 = arith.constant 1 : i32
        %broadcast_in_dim3A_306 = vector.broadcast %broadcast_in_dim3A_305 : i32 to vector<16xi32>
        %broadcast_in_dim3A_307 = arith.constant 0 : i32
        %broadcast_in_dim3A_308 = vector.broadcast %broadcast_in_dim3A_307 : i32 to vector<16xi32>
        %gather3A_309 = tpu.vector_load_idx %arg10[%add3A_249, %broadcast_in_dim3A_306, %broadcast_in_dim3A_308, %sub3A_243] masked %lt3A_241 : memref<3x4x8x512xf32, #tpu.memory_space<vmem>>[vector<16xi32>, vector<16xi32>, vector<16xi32>, vector<16xi32>], vector<16xf32>, vector<16xi1>
        %broadcast_in_dim3A_310 = arith.constant 8 : i32
        %broadcast_in_dim3A_311 = vector.broadcast %broadcast_in_dim3A_310 : i32 to vector<16xi32>
        tpu.vector_store_idx %arg13[%broadcast_in_dim3A_12, %add3A_245, %broadcast_in_dim3A_311], %gather3A_309 masked %lt3A_241 : memref<1x64x128xf32, #tpu.memory_space<vmem>>[vector<16xi32>, vector<16xi32>, vector<16xi32>], vector<16xf32>, vector<16xi1>
        %broadcast_in_dim3A_312 = arith.constant 1 : i32
        %broadcast_in_dim3A_313 = vector.broadcast %broadcast_in_dim3A_312 : i32 to vector<16xi32>
        %broadcast_in_dim3A_314 = arith.constant 1 : i32
        %broadcast_in_dim3A_315 = vector.broadcast %broadcast_in_dim3A_314 : i32 to vector<16xi32>
        %gather3A_316 = tpu.vector_load_idx %arg10[%add3A_249, %broadcast_in_dim3A_313, %broadcast_in_dim3A_315, %sub3A_243] masked %lt3A_241 : memref<3x4x8x512xf32, #tpu.memory_space<vmem>>[vector<16xi32>, vector<16xi32>, vector<16xi32>, vector<16xi32>], vector<16xf32>, vector<16xi1>
        %broadcast_in_dim3A_317 = arith.constant 9 : i32
        %broadcast_in_dim3A_318 = vector.broadcast %broadcast_in_dim3A_317 : i32 to vector<16xi32>
        tpu.vector_store_idx %arg13[%broadcast_in_dim3A_12, %add3A_245, %broadcast_in_dim3A_318], %gather3A_316 masked %lt3A_241 : memref<1x64x128xf32, #tpu.memory_space<vmem>>[vector<16xi32>, vector<16xi32>, vector<16xi32>], vector<16xf32>, vector<16xi1>
        %broadcast_in_dim3A_319 = arith.constant 1 : i32
        %broadcast_in_dim3A_320 = vector.broadcast %broadcast_in_dim3A_319 : i32 to vector<16xi32>
        %broadcast_in_dim3A_321 = arith.constant 2 : i32
        %broadcast_in_dim3A_322 = vector.broadcast %broadcast_in_dim3A_321 : i32 to vector<16xi32>
        %gather3A_323 = tpu.vector_load_idx %arg10[%add3A_249, %broadcast_in_dim3A_320, %broadcast_in_dim3A_322, %sub3A_243] masked %lt3A_241 : memref<3x4x8x512xf32, #tpu.memory_space<vmem>>[vector<16xi32>, vector<16xi32>, vector<16xi32>, vector<16xi32>], vector<16xf32>, vector<16xi1>
        %broadcast_in_dim3A_324 = arith.constant 10 : i32
        %broadcast_in_dim3A_325 = vector.broadcast %broadcast_in_dim3A_324 : i32 to vector<16xi32>
        tpu.vector_store_idx %arg13[%broadcast_in_dim3A_12, %add3A_245, %broadcast_in_dim3A_325], %gather3A_323 masked %lt3A_241 : memref<1x64x128xf32, #tpu.memory_space<vmem>>[vector<16xi32>, vector<16xi32>, vector<16xi32>], vector<16xf32>, vector<16xi1>
        %broadcast_in_dim3A_326 = arith.constant 1 : i32
        %broadcast_in_dim3A_327 = vector.broadcast %broadcast_in_dim3A_326 : i32 to vector<16xi32>
        %broadcast_in_dim3A_328 = arith.constant 3 : i32
        %broadcast_in_dim3A_329 = vector.broadcast %broadcast_in_dim3A_328 : i32 to vector<16xi32>
        %gather3A_330 = tpu.vector_load_idx %arg10[%add3A_249, %broadcast_in_dim3A_327, %broadcast_in_dim3A_329, %sub3A_243] masked %lt3A_241 : memref<3x4x8x512xf32, #tpu.memory_space<vmem>>[vector<16xi32>, vector<16xi32>, vector<16xi32>, vector<16xi32>], vector<16xf32>, vector<16xi1>
        %broadcast_in_dim3A_331 = arith.constant 11 : i32
        %broadcast_in_dim3A_332 = vector.broadcast %broadcast_in_dim3A_331 : i32 to vector<16xi32>
        tpu.vector_store_idx %arg13[%broadcast_in_dim3A_12, %add3A_245, %broadcast_in_dim3A_332], %gather3A_330 masked %lt3A_241 : memref<1x64x128xf32, #tpu.memory_space<vmem>>[vector<16xi32>, vector<16xi32>, vector<16xi32>], vector<16xf32>, vector<16xi1>
        %broadcast_in_dim3A_333 = arith.constant 1 : i32
        %broadcast_in_dim3A_334 = vector.broadcast %broadcast_in_dim3A_333 : i32 to vector<16xi32>
        %broadcast_in_dim3A_335 = arith.constant 4 : i32
        %broadcast_in_dim3A_336 = vector.broadcast %broadcast_in_dim3A_335 : i32 to vector<16xi32>
        %gather3A_337 = tpu.vector_load_idx %arg10[%add3A_249, %broadcast_in_dim3A_334, %broadcast_in_dim3A_336, %sub3A_243] masked %lt3A_241 : memref<3x4x8x512xf32, #tpu.memory_space<vmem>>[vector<16xi32>, vector<16xi32>, vector<16xi32>, vector<16xi32>], vector<16xf32>, vector<16xi1>
        %broadcast_in_dim3A_338 = arith.constant 12 : i32
        %broadcast_in_dim3A_339 = vector.broadcast %broadcast_in_dim3A_338 : i32 to vector<16xi32>
        tpu.vector_store_idx %arg13[%broadcast_in_dim3A_12, %add3A_245, %broadcast_in_dim3A_339], %gather3A_337 masked %lt3A_241 : memref<1x64x128xf32, #tpu.memory_space<vmem>>[vector<16xi32>, vector<16xi32>, vector<16xi32>], vector<16xf32>, vector<16xi1>
        %broadcast_in_dim3A_340 = arith.constant 1 : i32
        %broadcast_in_dim3A_341 = vector.broadcast %broadcast_in_dim3A_340 : i32 to vector<16xi32>
        %broadcast_in_dim3A_342 = arith.constant 5 : i32
        %broadcast_in_dim3A_343 = vector.broadcast %broadcast_in_dim3A_342 : i32 to vector<16xi32>
        %gather3A_344 = tpu.vector_load_idx %arg10[%add3A_249, %broadcast_in_dim3A_341, %broadcast_in_dim3A_343, %sub3A_243] masked %lt3A_241 : memref<3x4x8x512xf32, #tpu.memory_space<vmem>>[vector<16xi32>, vector<16xi32>, vector<16xi32>, vector<16xi32>], vector<16xf32>, vector<16xi1>
        %broadcast_in_dim3A_345 = arith.constant 13 : i32
        %broadcast_in_dim3A_346 = vector.broadcast %broadcast_in_dim3A_345 : i32 to vector<16xi32>
        tpu.vector_store_idx %arg13[%broadcast_in_dim3A_12, %add3A_245, %broadcast_in_dim3A_346], %gather3A_344 masked %lt3A_241 : memref<1x64x128xf32, #tpu.memory_space<vmem>>[vector<16xi32>, vector<16xi32>, vector<16xi32>], vector<16xf32>, vector<16xi1>
        %broadcast_in_dim3A_347 = arith.constant 1 : i32
        %broadcast_in_dim3A_348 = vector.broadcast %broadcast_in_dim3A_347 : i32 to vector<16xi32>
        %broadcast_in_dim3A_349 = arith.constant 6 : i32
        %broadcast_in_dim3A_350 = vector.broadcast %broadcast_in_dim3A_349 : i32 to vector<16xi32>
        %gather3A_351 = tpu.vector_load_idx %arg10[%add3A_249, %broadcast_in_dim3A_348, %broadcast_in_dim3A_350, %sub3A_243] masked %lt3A_241 : memref<3x4x8x512xf32, #tpu.memory_space<vmem>>[vector<16xi32>, vector<16xi32>, vector<16xi32>, vector<16xi32>], vector<16xf32>, vector<16xi1>
        %broadcast_in_dim3A_352 = arith.constant 14 : i32
        %broadcast_in_dim3A_353 = vector.broadcast %broadcast_in_dim3A_352 : i32 to vector<16xi32>
        tpu.vector_store_idx %arg13[%broadcast_in_dim3A_12, %add3A_245, %broadcast_in_dim3A_353], %gather3A_351 masked %lt3A_241 : memref<1x64x128xf32, #tpu.memory_space<vmem>>[vector<16xi32>, vector<16xi32>, vector<16xi32>], vector<16xf32>, vector<16xi1>
        %broadcast_in_dim3A_354 = arith.constant 1 : i32
        %broadcast_in_dim3A_355 = vector.broadcast %broadcast_in_dim3A_354 : i32 to vector<16xi32>
        %broadcast_in_dim3A_356 = arith.constant 7 : i32
        %broadcast_in_dim3A_357 = vector.broadcast %broadcast_in_dim3A_356 : i32 to vector<16xi32>
        %gather3A_358 = tpu.vector_load_idx %arg10[%add3A_249, %broadcast_in_dim3A_355, %broadcast_in_dim3A_357, %sub3A_243] masked %lt3A_241 : memref<3x4x8x512xf32, #tpu.memory_space<vmem>>[vector<16xi32>, vector<16xi32>, vector<16xi32>, vector<16xi32>], vector<16xf32>, vector<16xi1>
        %broadcast_in_dim3A_359 = arith.constant 15 : i32
        %broadcast_in_dim3A_360 = vector.broadcast %broadcast_in_dim3A_359 : i32 to vector<16xi32>
        tpu.vector_store_idx %arg13[%broadcast_in_dim3A_12, %add3A_245, %broadcast_in_dim3A_360], %gather3A_358 masked %lt3A_241 : memref<1x64x128xf32, #tpu.memory_space<vmem>>[vector<16xi32>, vector<16xi32>, vector<16xi32>], vector<16xf32>, vector<16xi1>
        %broadcast_in_dim3A_361 = arith.constant 2 : i32
        %broadcast_in_dim3A_362 = vector.broadcast %broadcast_in_dim3A_361 : i32 to vector<16xi32>
        %broadcast_in_dim3A_363 = arith.constant 0 : i32
        %broadcast_in_dim3A_364 = vector.broadcast %broadcast_in_dim3A_363 : i32 to vector<16xi32>
        %gather3A_365 = tpu.vector_load_idx %arg10[%add3A_249, %broadcast_in_dim3A_362, %broadcast_in_dim3A_364, %sub3A_243] masked %lt3A_241 : memref<3x4x8x512xf32, #tpu.memory_space<vmem>>[vector<16xi32>, vector<16xi32>, vector<16xi32>, vector<16xi32>], vector<16xf32>, vector<16xi1>
        %broadcast_in_dim3A_366 = arith.constant 16 : i32
        %broadcast_in_dim3A_367 = vector.broadcast %broadcast_in_dim3A_366 : i32 to vector<16xi32>
        tpu.vector_store_idx %arg13[%broadcast_in_dim3A_12, %add3A_245, %broadcast_in_dim3A_367], %gather3A_365 masked %lt3A_241 : memref<1x64x128xf32, #tpu.memory_space<vmem>>[vector<16xi32>, vector<16xi32>, vector<16xi32>], vector<16xf32>, vector<16xi1>
        %broadcast_in_dim3A_368 = arith.constant 2 : i32
        %broadcast_in_dim3A_369 = vector.broadcast %broadcast_in_dim3A_368 : i32 to vector<16xi32>
        %broadcast_in_dim3A_370 = arith.constant 1 : i32
        %broadcast_in_dim3A_371 = vector.broadcast %broadcast_in_dim3A_370 : i32 to vector<16xi32>
        %gather3A_372 = tpu.vector_load_idx %arg10[%add3A_249, %broadcast_in_dim3A_369, %broadcast_in_dim3A_371, %sub3A_243] masked %lt3A_241 : memref<3x4x8x512xf32, #tpu.memory_space<vmem>>[vector<16xi32>, vector<16xi32>, vector<16xi32>, vector<16xi32>], vector<16xf32>, vector<16xi1>
        %broadcast_in_dim3A_373 = arith.constant 17 : i32
        %broadcast_in_dim3A_374 = vector.broadcast %broadcast_in_dim3A_373 : i32 to vector<16xi32>
        tpu.vector_store_idx %arg13[%broadcast_in_dim3A_12, %add3A_245, %broadcast_in_dim3A_374], %gather3A_372 masked %lt3A_241 : memref<1x64x128xf32, #tpu.memory_space<vmem>>[vector<16xi32>, vector<16xi32>, vector<16xi32>], vector<16xf32>, vector<16xi1>
        %broadcast_in_dim3A_375 = arith.constant 2 : i32
        %broadcast_in_dim3A_376 = vector.broadcast %broadcast_in_dim3A_375 : i32 to vector<16xi32>
        %broadcast_in_dim3A_377 = arith.constant 2 : i32
        %broadcast_in_dim3A_378 = vector.broadcast %broadcast_in_dim3A_377 : i32 to vector<16xi32>
        %gather3A_379 = tpu.vector_load_idx %arg10[%add3A_249, %broadcast_in_dim3A_376, %broadcast_in_dim3A_378, %sub3A_243] masked %lt3A_241 : memref<3x4x8x512xf32, #tpu.memory_space<vmem>>[vector<16xi32>, vector<16xi32>, vector<16xi32>, vector<16xi32>], vector<16xf32>, vector<16xi1>
        %broadcast_in_dim3A_380 = arith.constant 18 : i32
        %broadcast_in_dim3A_381 = vector.broadcast %broadcast_in_dim3A_380 : i32 to vector<16xi32>
        tpu.vector_store_idx %arg13[%broadcast_in_dim3A_12, %add3A_245, %broadcast_in_dim3A_381], %gather3A_379 masked %lt3A_241 : memref<1x64x128xf32, #tpu.memory_space<vmem>>[vector<16xi32>, vector<16xi32>, vector<16xi32>], vector<16xf32>, vector<16xi1>
        %broadcast_in_dim3A_382 = arith.constant 2 : i32
        %broadcast_in_dim3A_383 = vector.broadcast %broadcast_in_dim3A_382 : i32 to vector<16xi32>
        %broadcast_in_dim3A_384 = arith.constant 3 : i32
        %broadcast_in_dim3A_385 = vector.broadcast %broadcast_in_dim3A_384 : i32 to vector<16xi32>
        %gather3A_386 = tpu.vector_load_idx %arg10[%add3A_249, %broadcast_in_dim3A_383, %broadcast_in_dim3A_385, %sub3A_243] masked %lt3A_241 : memref<3x4x8x512xf32, #tpu.memory_space<vmem>>[vector<16xi32>, vector<16xi32>, vector<16xi32>, vector<16xi32>], vector<16xf32>, vector<16xi1>
        %broadcast_in_dim3A_387 = arith.constant 19 : i32
        %broadcast_in_dim3A_388 = vector.broadcast %broadcast_in_dim3A_387 : i32 to vector<16xi32>
        tpu.vector_store_idx %arg13[%broadcast_in_dim3A_12, %add3A_245, %broadcast_in_dim3A_388], %gather3A_386 masked %lt3A_241 : memref<1x64x128xf32, #tpu.memory_space<vmem>>[vector<16xi32>, vector<16xi32>, vector<16xi32>], vector<16xf32>, vector<16xi1>
        %broadcast_in_dim3A_389 = arith.constant 2 : i32
        %broadcast_in_dim3A_390 = vector.broadcast %broadcast_in_dim3A_389 : i32 to vector<16xi32>
        %broadcast_in_dim3A_391 = arith.constant 4 : i32
        %broadcast_in_dim3A_392 = vector.broadcast %broadcast_in_dim3A_391 : i32 to vector<16xi32>
        %gather3A_393 = tpu.vector_load_idx %arg10[%add3A_249, %broadcast_in_dim3A_390, %broadcast_in_dim3A_392, %sub3A_243] masked %lt3A_241 : memref<3x4x8x512xf32, #tpu.memory_space<vmem>>[vector<16xi32>, vector<16xi32>, vector<16xi32>, vector<16xi32>], vector<16xf32>, vector<16xi1>
        %broadcast_in_dim3A_394 = arith.constant 20 : i32
        %broadcast_in_dim3A_395 = vector.broadcast %broadcast_in_dim3A_394 : i32 to vector<16xi32>
        tpu.vector_store_idx %arg13[%broadcast_in_dim3A_12, %add3A_245, %broadcast_in_dim3A_395], %gather3A_393 masked %lt3A_241 : memref<1x64x128xf32, #tpu.memory_space<vmem>>[vector<16xi32>, vector<16xi32>, vector<16xi32>], vector<16xf32>, vector<16xi1>
        %broadcast_in_dim3A_396 = arith.constant 2 : i32
        %broadcast_in_dim3A_397 = vector.broadcast %broadcast_in_dim3A_396 : i32 to vector<16xi32>
        %broadcast_in_dim3A_398 = arith.constant 5 : i32
        %broadcast_in_dim3A_399 = vector.broadcast %broadcast_in_dim3A_398 : i32 to vector<16xi32>
        %gather3A_400 = tpu.vector_load_idx %arg10[%add3A_249, %broadcast_in_dim3A_397, %broadcast_in_dim3A_399, %sub3A_243] masked %lt3A_241 : memref<3x4x8x512xf32, #tpu.memory_space<vmem>>[vector<16xi32>, vector<16xi32>, vector<16xi32>, vector<16xi32>], vector<16xf32>, vector<16xi1>
        %broadcast_in_dim3A_401 = arith.constant 21 : i32
        %broadcast_in_dim3A_402 = vector.broadcast %broadcast_in_dim3A_401 : i32 to vector<16xi32>
        tpu.vector_store_idx %arg13[%broadcast_in_dim3A_12, %add3A_245, %broadcast_in_dim3A_402], %gather3A_400 masked %lt3A_241 : memref<1x64x128xf32, #tpu.memory_space<vmem>>[vector<16xi32>, vector<16xi32>, vector<16xi32>], vector<16xf32>, vector<16xi1>
        %broadcast_in_dim3A_403 = arith.constant 2 : i32
        %broadcast_in_dim3A_404 = vector.broadcast %broadcast_in_dim3A_403 : i32 to vector<16xi32>
        %broadcast_in_dim3A_405 = arith.constant 6 : i32
        %broadcast_in_dim3A_406 = vector.broadcast %broadcast_in_dim3A_405 : i32 to vector<16xi32>
        %gather3A_407 = tpu.vector_load_idx %arg10[%add3A_249, %broadcast_in_dim3A_404, %broadcast_in_dim3A_406, %sub3A_243] masked %lt3A_241 : memref<3x4x8x512xf32, #tpu.memory_space<vmem>>[vector<16xi32>, vector<16xi32>, vector<16xi32>, vector<16xi32>], vector<16xf32>, vector<16xi1>
        %broadcast_in_dim3A_408 = arith.constant 22 : i32
        %broadcast_in_dim3A_409 = vector.broadcast %broadcast_in_dim3A_408 : i32 to vector<16xi32>
        tpu.vector_store_idx %arg13[%broadcast_in_dim3A_12, %add3A_245, %broadcast_in_dim3A_409], %gather3A_407 masked %lt3A_241 : memref<1x64x128xf32, #tpu.memory_space<vmem>>[vector<16xi32>, vector<16xi32>, vector<16xi32>], vector<16xf32>, vector<16xi1>
        %broadcast_in_dim3A_410 = arith.constant 2 : i32
        %broadcast_in_dim3A_411 = vector.broadcast %broadcast_in_dim3A_410 : i32 to vector<16xi32>
        %broadcast_in_dim3A_412 = arith.constant 7 : i32
        %broadcast_in_dim3A_413 = vector.broadcast %broadcast_in_dim3A_412 : i32 to vector<16xi32>
        %gather3A_414 = tpu.vector_load_idx %arg10[%add3A_249, %broadcast_in_dim3A_411, %broadcast_in_dim3A_413, %sub3A_243] masked %lt3A_241 : memref<3x4x8x512xf32, #tpu.memory_space<vmem>>[vector<16xi32>, vector<16xi32>, vector<16xi32>, vector<16xi32>], vector<16xf32>, vector<16xi1>
        %broadcast_in_dim3A_415 = arith.constant 23 : i32
        %broadcast_in_dim3A_416 = vector.broadcast %broadcast_in_dim3A_415 : i32 to vector<16xi32>
        tpu.vector_store_idx %arg13[%broadcast_in_dim3A_12, %add3A_245, %broadcast_in_dim3A_416], %gather3A_414 masked %lt3A_241 : memref<1x64x128xf32, #tpu.memory_space<vmem>>[vector<16xi32>, vector<16xi32>, vector<16xi32>], vector<16xf32>, vector<16xi1>
        %broadcast_in_dim3A_417 = arith.constant 3 : i32
        %broadcast_in_dim3A_418 = vector.broadcast %broadcast_in_dim3A_417 : i32 to vector<16xi32>
        %broadcast_in_dim3A_419 = arith.constant 0 : i32
        %broadcast_in_dim3A_420 = vector.broadcast %broadcast_in_dim3A_419 : i32 to vector<16xi32>
        %gather3A_421 = tpu.vector_load_idx %arg10[%add3A_249, %broadcast_in_dim3A_418, %broadcast_in_dim3A_420, %sub3A_243] masked %lt3A_241 : memref<3x4x8x512xf32, #tpu.memory_space<vmem>>[vector<16xi32>, vector<16xi32>, vector<16xi32>, vector<16xi32>], vector<16xf32>, vector<16xi1>
        %broadcast_in_dim3A_422 = arith.constant 24 : i32
        %broadcast_in_dim3A_423 = vector.broadcast %broadcast_in_dim3A_422 : i32 to vector<16xi32>
        tpu.vector_store_idx %arg13[%broadcast_in_dim3A_12, %add3A_245, %broadcast_in_dim3A_423], %gather3A_421 masked %lt3A_241 : memref<1x64x128xf32, #tpu.memory_space<vmem>>[vector<16xi32>, vector<16xi32>, vector<16xi32>], vector<16xf32>, vector<16xi1>
        %broadcast_in_dim3A_424 = arith.constant 3 : i32
        %broadcast_in_dim3A_425 = vector.broadcast %broadcast_in_dim3A_424 : i32 to vector<16xi32>
        %broadcast_in_dim3A_426 = arith.constant 1 : i32
        %broadcast_in_dim3A_427 = vector.broadcast %broadcast_in_dim3A_426 : i32 to vector<16xi32>
        %gather3A_428 = tpu.vector_load_idx %arg10[%add3A_249, %broadcast_in_dim3A_425, %broadcast_in_dim3A_427, %sub3A_243] masked %lt3A_241 : memref<3x4x8x512xf32, #tpu.memory_space<vmem>>[vector<16xi32>, vector<16xi32>, vector<16xi32>, vector<16xi32>], vector<16xf32>, vector<16xi1>
        %broadcast_in_dim3A_429 = arith.constant 25 : i32
        %broadcast_in_dim3A_430 = vector.broadcast %broadcast_in_dim3A_429 : i32 to vector<16xi32>
        tpu.vector_store_idx %arg13[%broadcast_in_dim3A_12, %add3A_245, %broadcast_in_dim3A_430], %gather3A_428 masked %lt3A_241 : memref<1x64x128xf32, #tpu.memory_space<vmem>>[vector<16xi32>, vector<16xi32>, vector<16xi32>], vector<16xf32>, vector<16xi1>
        %broadcast_in_dim3A_431 = arith.constant 3 : i32
        %broadcast_in_dim3A_432 = vector.broadcast %broadcast_in_dim3A_431 : i32 to vector<16xi32>
        %broadcast_in_dim3A_433 = arith.constant 2 : i32
        %broadcast_in_dim3A_434 = vector.broadcast %broadcast_in_dim3A_433 : i32 to vector<16xi32>
        %gather3A_435 = tpu.vector_load_idx %arg10[%add3A_249, %broadcast_in_dim3A_432, %broadcast_in_dim3A_434, %sub3A_243] masked %lt3A_241 : memref<3x4x8x512xf32, #tpu.memory_space<vmem>>[vector<16xi32>, vector<16xi32>, vector<16xi32>, vector<16xi32>], vector<16xf32>, vector<16xi1>
        %broadcast_in_dim3A_436 = arith.constant 26 : i32
        %broadcast_in_dim3A_437 = vector.broadcast %broadcast_in_dim3A_436 : i32 to vector<16xi32>
        tpu.vector_store_idx %arg13[%broadcast_in_dim3A_12, %add3A_245, %broadcast_in_dim3A_437], %gather3A_435 masked %lt3A_241 : memref<1x64x128xf32, #tpu.memory_space<vmem>>[vector<16xi32>, vector<16xi32>, vector<16xi32>], vector<16xf32>, vector<16xi1>
        %broadcast_in_dim3A_438 = arith.constant 3 : i32
        %broadcast_in_dim3A_439 = vector.broadcast %broadcast_in_dim3A_438 : i32 to vector<16xi32>
        %broadcast_in_dim3A_440 = arith.constant 3 : i32
        %broadcast_in_dim3A_441 = vector.broadcast %broadcast_in_dim3A_440 : i32 to vector<16xi32>
        %gather3A_442 = tpu.vector_load_idx %arg10[%add3A_249, %broadcast_in_dim3A_439, %broadcast_in_dim3A_441, %sub3A_243] masked %lt3A_241 : memref<3x4x8x512xf32, #tpu.memory_space<vmem>>[vector<16xi32>, vector<16xi32>, vector<16xi32>, vector<16xi32>], vector<16xf32>, vector<16xi1>
        %broadcast_in_dim3A_443 = arith.constant 27 : i32
        %broadcast_in_dim3A_444 = vector.broadcast %broadcast_in_dim3A_443 : i32 to vector<16xi32>
        tpu.vector_store_idx %arg13[%broadcast_in_dim3A_12, %add3A_245, %broadcast_in_dim3A_444], %gather3A_442 masked %lt3A_241 : memref<1x64x128xf32, #tpu.memory_space<vmem>>[vector<16xi32>, vector<16xi32>, vector<16xi32>], vector<16xf32>, vector<16xi1>
        %broadcast_in_dim3A_445 = arith.constant 3 : i32
        %broadcast_in_dim3A_446 = vector.broadcast %broadcast_in_dim3A_445 : i32 to vector<16xi32>
        %broadcast_in_dim3A_447 = arith.constant 4 : i32
        %broadcast_in_dim3A_448 = vector.broadcast %broadcast_in_dim3A_447 : i32 to vector<16xi32>
        %gather3A_449 = tpu.vector_load_idx %arg10[%add3A_249, %broadcast_in_dim3A_446, %broadcast_in_dim3A_448, %sub3A_243] masked %lt3A_241 : memref<3x4x8x512xf32, #tpu.memory_space<vmem>>[vector<16xi32>, vector<16xi32>, vector<16xi32>, vector<16xi32>], vector<16xf32>, vector<16xi1>
        %broadcast_in_dim3A_450 = arith.constant 28 : i32
        %broadcast_in_dim3A_451 = vector.broadcast %broadcast_in_dim3A_450 : i32 to vector<16xi32>
        tpu.vector_store_idx %arg13[%broadcast_in_dim3A_12, %add3A_245, %broadcast_in_dim3A_451], %gather3A_449 masked %lt3A_241 : memref<1x64x128xf32, #tpu.memory_space<vmem>>[vector<16xi32>, vector<16xi32>, vector<16xi32>], vector<16xf32>, vector<16xi1>
        %broadcast_in_dim3A_452 = arith.constant 3 : i32
        %broadcast_in_dim3A_453 = vector.broadcast %broadcast_in_dim3A_452 : i32 to vector<16xi32>
        %broadcast_in_dim3A_454 = arith.constant 5 : i32
        %broadcast_in_dim3A_455 = vector.broadcast %broadcast_in_dim3A_454 : i32 to vector<16xi32>
        %gather3A_456 = tpu.vector_load_idx %arg10[%add3A_249, %broadcast_in_dim3A_453, %broadcast_in_dim3A_455, %sub3A_243] masked %lt3A_241 : memref<3x4x8x512xf32, #tpu.memory_space<vmem>>[vector<16xi32>, vector<16xi32>, vector<16xi32>, vector<16xi32>], vector<16xf32>, vector<16xi1>
        %broadcast_in_dim3A_457 = arith.constant 29 : i32
        %broadcast_in_dim3A_458 = vector.broadcast %broadcast_in_dim3A_457 : i32 to vector<16xi32>
        tpu.vector_store_idx %arg13[%broadcast_in_dim3A_12, %add3A_245, %broadcast_in_dim3A_458], %gather3A_456 masked %lt3A_241 : memref<1x64x128xf32, #tpu.memory_space<vmem>>[vector<16xi32>, vector<16xi32>, vector<16xi32>], vector<16xf32>, vector<16xi1>
        %broadcast_in_dim3A_459 = arith.constant 3 : i32
        %broadcast_in_dim3A_460 = vector.broadcast %broadcast_in_dim3A_459 : i32 to vector<16xi32>
        %broadcast_in_dim3A_461 = arith.constant 6 : i32
        %broadcast_in_dim3A_462 = vector.broadcast %broadcast_in_dim3A_461 : i32 to vector<16xi32>
        %gather3A_463 = tpu.vector_load_idx %arg10[%add3A_249, %broadcast_in_dim3A_460, %broadcast_in_dim3A_462, %sub3A_243] masked %lt3A_241 : memref<3x4x8x512xf32, #tpu.memory_space<vmem>>[vector<16xi32>, vector<16xi32>, vector<16xi32>, vector<16xi32>], vector<16xf32>, vector<16xi1>
        %broadcast_in_dim3A_464 = arith.constant 30 : i32
        %broadcast_in_dim3A_465 = vector.broadcast %broadcast_in_dim3A_464 : i32 to vector<16xi32>
        tpu.vector_store_idx %arg13[%broadcast_in_dim3A_12, %add3A_245, %broadcast_in_dim3A_465], %gather3A_463 masked %lt3A_241 : memref<1x64x128xf32, #tpu.memory_space<vmem>>[vector<16xi32>, vector<16xi32>, vector<16xi32>], vector<16xf32>, vector<16xi1>
        %broadcast_in_dim3A_466 = arith.constant 3 : i32
        %broadcast_in_dim3A_467 = vector.broadcast %broadcast_in_dim3A_466 : i32 to vector<16xi32>
        %broadcast_in_dim3A_468 = arith.constant 7 : i32
        %broadcast_in_dim3A_469 = vector.broadcast %broadcast_in_dim3A_468 : i32 to vector<16xi32>
        %gather3A_470 = tpu.vector_load_idx %arg10[%add3A_249, %broadcast_in_dim3A_467, %broadcast_in_dim3A_469, %sub3A_243] masked %lt3A_241 : memref<3x4x8x512xf32, #tpu.memory_space<vmem>>[vector<16xi32>, vector<16xi32>, vector<16xi32>, vector<16xi32>], vector<16xf32>, vector<16xi1>
        %broadcast_in_dim3A_471 = arith.constant 31 : i32
        %broadcast_in_dim3A_472 = vector.broadcast %broadcast_in_dim3A_471 : i32 to vector<16xi32>
        tpu.vector_store_idx %arg13[%broadcast_in_dim3A_12, %add3A_245, %broadcast_in_dim3A_472], %gather3A_470 masked %lt3A_241 : memref<1x64x128xf32, #tpu.memory_space<vmem>>[vector<16xi32>, vector<16xi32>, vector<16xi32>], vector<16xf32>, vector<16xi1>
        tpu.vector_store_idx %arg14[%add3A_245], %get3A_236 masked %lt3A_241 : memref<64xi32, #tpu.memory_space<vmem>>[vector<16xi32>], vector<16xi32>, vector<16xi1>
        %min3A = arith.constant 16 : i32
        %min3A_473 = arith.minsi %sub3A_239, %min3A : i32
        %add3A_474 = arith.addi %while3A_231, %min3A_473 : i32
        %gt3A_475 = arith.constant 48 : i32
        %gt3A_476 = arith.cmpi sgt, %add3A_474, %gt3A_475 : i32
        %convert_element_type3A_477 = arith.extui %gt3A_476 : i1 to i32
        %cond3A_478 = arith.constant 0 : i32
        %cond3A_479 = arith.cmpi ne, %convert_element_type3A_477, %cond3A_478 : i32
        scf.if %cond3A_479 {
          %dma_start3A_482 = arith.constant 0 : i32
          %dma_start3A_483 = arith.constant 0 : i32
          %dma_start3A_484 = arith.constant 0 : i32
          %dma_start3A_485 = tpu.memref_slice %arg13[%dma_start3A_482, %dma_start3A_483, %dma_start3A_484] : memref<1x64x128xf32, #tpu.memory_space<vmem>> -> memref<1x64x128xf32, #tpu.memory_space<vmem>>
          %dma_start3A_486 = tpu.memref_squeeze %dma_start3A_485 : memref<1x64x128xf32, #tpu.memory_space<vmem>> -> memref<64x128xf32, #tpu.memory_space<vmem>>
          %dma_start3A_487 = arith.constant 0 : i32
          %dma_start3A_488 = arith.constant 0 : i32
          %dma_start3A_489 = tpu.memref_slice %arg5[%dma_start3A_487, %dma_start3A_488] : memref<16448x128xf32, #tpu.memory_space<hbm>> -> memref<16448x128xf32, #tpu.memory_space<hbm>>
          tpu.enqueue_indirect_dma source(%dma_start3A_486 : memref<64x128xf32, #tpu.memory_space<vmem>>) target(%dma_start3A_489 : memref<16448x128xf32, #tpu.memory_space<hbm>>) offsets(%arg14 : memref<64xi32, #tpu.memory_space<vmem>>) semaphore(%arg17 : memref<!tpu.dma_semaphore, #tpu.memory_space<semaphore_mem>>)
          %dma_wait3A_490 = arith.constant 0 : i32
          %dma_wait3A_491 = arith.constant 0 : i32
          %dma_wait3A_492 = arith.constant 0 : i32
          %dma_wait3A_493 = tpu.memref_slice %arg13[%dma_wait3A_490, %dma_wait3A_491, %dma_wait3A_492] : memref<1x64x128xf32, #tpu.memory_space<vmem>> -> memref<1x64x128xf32, #tpu.memory_space<vmem>>
          %dma_wait3A_494 = tpu.memref_squeeze %dma_wait3A_493 : memref<1x64x128xf32, #tpu.memory_space<vmem>> -> memref<64x128xf32, #tpu.memory_space<vmem>>
          %dma_wait3A_495 = arith.constant 0 : i32
          %dma_wait3A_496 = arith.constant 0 : i32
          %dma_wait3A_497 = tpu.memref_slice %arg5[%dma_wait3A_495, %dma_wait3A_496] : memref<16448x128xf32, #tpu.memory_space<hbm>> -> memref<16448x128xf32, #tpu.memory_space<hbm>>
          tpu.wait_indirect_dma semaphore(%arg17 : memref<!tpu.dma_semaphore, #tpu.memory_space<semaphore_mem>>) src(%dma_wait3A_494 : memref<64x128xf32, #tpu.memory_space<vmem>>) dst(%dma_wait3A_497 : memref<16448x128xf32, #tpu.memory_space<hbm>>)
        } else {
        }
        %jit3A_480 = arith.constant 0 : i32
        %select_n3A_481 = arith.select %gt3A_476, %jit3A_480, %add3A_474 : i32
        scf.yield %select_n3A_481 : i32
      }
      scf.yield %while3A_229 : i32
    }
    %while3A_107 = arith.constant 1 : i32
    %while3A_108 = scf.for %while3A_124 = %while3A_104 to %while3A_100 step %while3A_107 iter_args(%while3A_125 = %while3A_106) -> (i32)  : i32 {
      %rem3A = arith.constant 3 : i32
      %rem3A_126 = arith.remsi %while3A_124, %rem3A : i32
      %dma_wait3A_127 = arith.constant 0 : i32
      %dma_wait3A_128 = arith.constant 0 : i32
      %dma_wait3A_129 = arith.constant 0 : i32
      %dma_wait3A_130 = tpu.memref_slice %arg10[%rem3A_126, %dma_wait3A_127, %dma_wait3A_128, %dma_wait3A_129] : memref<3x4x8x512xf32, #tpu.memory_space<vmem>> -> memref<1x1x8x512xf32, #tpu.memory_space<vmem>>
      %dma_wait3A_131 = tpu.memref_squeeze %dma_wait3A_130 : memref<1x1x8x512xf32, #tpu.memory_space<vmem>> -> memref<8x512xf32, #tpu.memory_space<vmem>>
      %dma_wait3A_132 = arith.constant 0 : i32
      %dma_wait3A_133 = arith.constant 0 : i32
      %dma_wait3A_134 = tpu.memref_slice %arg4[%dma_wait3A_132, %dma_wait3A_133] : memref<32x1000000xf32, #tpu.memory_space<hbm>> -> memref<8x512xf32, #tpu.memory_space<hbm>>
      %dma_wait3A_135 = arith.constant 0 : i32
      %dma_wait3A_136 = arith.constant 0 : i32
      %dma_wait3A_137 = tpu.memref_slice %arg10[%rem3A_126, %dma_wait3A_127, %dma_wait3A_135, %dma_wait3A_136] : memref<3x4x8x512xf32, #tpu.memory_space<vmem>> -> memref<1x1x8x512xf32, #tpu.memory_space<vmem>>
      %dma_wait3A_138 = tpu.memref_squeeze %dma_wait3A_137 : memref<1x1x8x512xf32, #tpu.memory_space<vmem>> -> memref<8x512xf32, #tpu.memory_space<vmem>>
      %dma_wait3A_139 = arith.constant 0 : i32
      %dma_wait3A_140 = arith.constant 0 : i32
      %dma_wait3A_141 = tpu.memref_slice %arg4[%dma_wait3A_139, %dma_wait3A_140] : memref<32x1000000xf32, #tpu.memory_space<hbm>> -> memref<8x512xf32, #tpu.memory_space<hbm>>
      tpu.wait_dma2 semaphore(%arg15 : memref<!tpu.dma_semaphore, #tpu.memory_space<semaphore_mem>>) src(%dma_wait3A_141 : memref<8x512xf32, #tpu.memory_space<hbm>>) dst(%dma_wait3A_138 : memref<8x512xf32, #tpu.memory_space<vmem>>)
      %dma_wait3A_142 = arith.constant 1 : i32
      %dma_wait3A_143 = arith.constant 0 : i32
      %dma_wait3A_144 = arith.constant 0 : i32
      %dma_wait3A_145 = tpu.memref_slice %arg10[%rem3A_126, %dma_wait3A_142, %dma_wait3A_143, %dma_wait3A_144] : memref<3x4x8x512xf32, #tpu.memory_space<vmem>> -> memref<1x1x8x512xf32, #tpu.memory_space<vmem>>
      %dma_wait3A_146 = tpu.memref_squeeze %dma_wait3A_145 : memref<1x1x8x512xf32, #tpu.memory_space<vmem>> -> memref<8x512xf32, #tpu.memory_space<vmem>>
      %dma_wait3A_147 = arith.constant 8 : i32
      %dma_wait3A_148 = arith.constant 0 : i32
      %dma_wait3A_149 = tpu.memref_slice %arg4[%dma_wait3A_147, %dma_wait3A_148] : memref<32x1000000xf32, #tpu.memory_space<hbm>> -> memref<8x512xf32, #tpu.memory_space<hbm>>
      %dma_wait3A_150 = arith.constant 0 : i32
      %dma_wait3A_151 = arith.constant 0 : i32
      %dma_wait3A_152 = tpu.memref_slice %arg10[%rem3A_126, %dma_wait3A_142, %dma_wait3A_150, %dma_wait3A_151] : memref<3x4x8x512xf32, #tpu.memory_space<vmem>> -> memref<1x1x8x512xf32, #tpu.memory_space<vmem>>
      %dma_wait3A_153 = tpu.memref_squeeze %dma_wait3A_152 : memref<1x1x8x512xf32, #tpu.memory_space<vmem>> -> memref<8x512xf32, #tpu.memory_space<vmem>>
      %dma_wait3A_154 = arith.constant 8 : i32
      %dma_wait3A_155 = arith.constant 0 : i32
      %dma_wait3A_156 = tpu.memref_slice %arg4[%dma_wait3A_154, %dma_wait3A_155] : memref<32x1000000xf32, #tpu.memory_space<hbm>> -> memref<8x512xf32, #tpu.memory_space<hbm>>
      tpu.wait_dma2 semaphore(%arg15 : memref<!tpu.dma_semaphore, #tpu.memory_space<semaphore_mem>>) src(%dma_wait3A_156 : memref<8x512xf32, #tpu.memory_space<hbm>>) dst(%dma_wait3A_153 : memref<8x512xf32, #tpu.memory_space<vmem>>)
      %dma_wait3A_157 = arith.constant 2 : i32
      %dma_wait3A_158 = arith.constant 0 : i32
      %dma_wait3A_159 = arith.constant 0 : i32
      %dma_wait3A_160 = tpu.memref_slice %arg10[%rem3A_126, %dma_wait3A_157, %dma_wait3A_158, %dma_wait3A_159] : memref<3x4x8x512xf32, #tpu.memory_space<vmem>> -> memref<1x1x8x512xf32, #tpu.memory_space<vmem>>
      %dma_wait3A_161 = tpu.memref_squeeze %dma_wait3A_160 : memref<1x1x8x512xf32, #tpu.memory_space<vmem>> -> memref<8x512xf32, #tpu.memory_space<vmem>>
      %dma_wait3A_162 = arith.constant 16 : i32
      %dma_wait3A_163 = arith.constant 0 : i32
      %dma_wait3A_164 = tpu.memref_slice %arg4[%dma_wait3A_162, %dma_wait3A_163] : memref<32x1000000xf32, #tpu.memory_space<hbm>> -> memref<8x512xf32, #tpu.memory_space<hbm>>
      %dma_wait3A_165 = arith.constant 0 : i32
      %dma_wait3A_166 = arith.constant 0 : i32
      %dma_wait3A_167 = tpu.memref_slice %arg10[%rem3A_126, %dma_wait3A_157, %dma_wait3A_165, %dma_wait3A_166] : memref<3x4x8x512xf32, #tpu.memory_space<vmem>> -> memref<1x1x8x512xf32, #tpu.memory_space<vmem>>
      %dma_wait3A_168 = tpu.memref_squeeze %dma_wait3A_167 : memref<1x1x8x512xf32, #tpu.memory_space<vmem>> -> memref<8x512xf32, #tpu.memory_space<vmem>>
      %dma_wait3A_169 = arith.constant 16 : i32
      %dma_wait3A_170 = arith.constant 0 : i32
      %dma_wait3A_171 = tpu.memref_slice %arg4[%dma_wait3A_169, %dma_wait3A_170] : memref<32x1000000xf32, #tpu.memory_space<hbm>> -> memref<8x512xf32, #tpu.memory_space<hbm>>
      tpu.wait_dma2 semaphore(%arg15 : memref<!tpu.dma_semaphore, #tpu.memory_space<semaphore_mem>>) src(%dma_wait3A_171 : memref<8x512xf32, #tpu.memory_space<hbm>>) dst(%dma_wait3A_168 : memref<8x512xf32, #tpu.memory_space<vmem>>)
      %dma_wait3A_172 = arith.constant 3 : i32
      %dma_wait3A_173 = arith.constant 0 : i32
      %dma_wait3A_174 = arith.constant 0 : i32
      %dma_wait3A_175 = tpu.memref_slice %arg10[%rem3A_126, %dma_wait3A_172, %dma_wait3A_173, %dma_wait3A_174] : memref<3x4x8x512xf32, #tpu.memory_space<vmem>> -> memref<1x1x8x512xf32, #tpu.memory_space<vmem>>
      %dma_wait3A_176 = tpu.memref_squeeze %dma_wait3A_175 : memref<1x1x8x512xf32, #tpu.memory_space<vmem>> -> memref<8x512xf32, #tpu.memory_space<vmem>>
      %dma_wait3A_177 = arith.constant 24 : i32
      %dma_wait3A_178 = arith.constant 0 : i32
      %dma_wait3A_179 = tpu.memref_slice %arg4[%dma_wait3A_177, %dma_wait3A_178] : memref<32x1000000xf32, #tpu.memory_space<hbm>> -> memref<8x512xf32, #tpu.memory_space<hbm>>
      %dma_wait3A_180 = arith.constant 0 : i32
      %dma_wait3A_181 = arith.constant 0 : i32
      %dma_wait3A_182 = tpu.memref_slice %arg10[%rem3A_126, %dma_wait3A_172, %dma_wait3A_180, %dma_wait3A_181] : memref<3x4x8x512xf32, #tpu.memory_space<vmem>> -> memref<1x1x8x512xf32, #tpu.memory_space<vmem>>
      %dma_wait3A_183 = tpu.memref_squeeze %dma_wait3A_182 : memref<1x1x8x512xf32, #tpu.memory_space<vmem>> -> memref<8x512xf32, #tpu.memory_space<vmem>>
      %dma_wait3A_184 = arith.constant 24 : i32
      %dma_wait3A_185 = arith.constant 0 : i32
      %dma_wait3A_186 = tpu.memref_slice %arg4[%dma_wait3A_184, %dma_wait3A_185] : memref<32x1000000xf32, #tpu.memory_space<hbm>> -> memref<8x512xf32, #tpu.memory_space<hbm>>
      tpu.wait_dma2 semaphore(%arg15 : memref<!tpu.dma_semaphore, #tpu.memory_space<semaphore_mem>>) src(%dma_wait3A_186 : memref<8x512xf32, #tpu.memory_space<hbm>>) dst(%dma_wait3A_183 : memref<8x512xf32, #tpu.memory_space<vmem>>)
      %add3A_187 = arith.constant 2 : i32
      %add3A_188 = arith.addi %while3A_124, %add3A_187 : i32
      %lt3A = arith.cmpi slt, %add3A_188, %div3A_38 : i32
      %convert_element_type3A_189 = arith.extui %lt3A : i1 to i32
      %cond3A_190 = arith.constant 0 : i32
      %cond3A_191 = arith.cmpi ne, %convert_element_type3A_189, %cond3A_190 : i32
      scf.if %cond3A_191 {
        %add3A_230 = arith.constant 2 : i32
        %add3A_231 = arith.addi %while3A_124, %add3A_230 : i32
        %add3A_232 = arith.constant 2 : i32
        %add3A_233 = arith.addi %while3A_124, %add3A_232 : i32
        %rem3A_234 = arith.constant 3 : i32
        %rem3A_235 = arith.remsi %add3A_233, %rem3A_234 : i32
        %mul3A_236 = arith.constant 512 : i32
        %mul3A_237 = arith.muli %add3A_231, %mul3A_236 : i32
        %add3A_238 = arith.addi %mul3A_8, %mul3A_237 : i32
        %multiple_of3A_239 = tpu.assume_multiple %add3A_238, 128 : i32
        %dma_start3A_240 = arith.constant 0 : i32
        %dma_start3A_241 = arith.constant 0 : i32
        %dma_start3A_242 = arith.constant 0 : i32
        %dma_start3A_243 = tpu.memref_slice %arg10[%rem3A_235, %dma_start3A_240, %dma_start3A_241, %dma_start3A_242] : memref<3x4x8x512xf32, #tpu.memory_space<vmem>> -> memref<1x1x8x512xf32, #tpu.memory_space<vmem>>
        %dma_start3A_244 = tpu.memref_squeeze %dma_start3A_243 : memref<1x1x8x512xf32, #tpu.memory_space<vmem>> -> memref<8x512xf32, #tpu.memory_space<vmem>>
        %dma_start3A_245 = arith.constant 0 : i32
        %dma_start3A_246 = tpu.memref_slice %arg4[%dma_start3A_245, %multiple_of3A_239] : memref<32x1000000xf32, #tpu.memory_space<hbm>> -> memref<8x512xf32, #tpu.memory_space<hbm>>
        %dma_start3A_247 = arith.constant 0 : i32
        %dma_start3A_248 = arith.constant 0 : i32
        %dma_start3A_249 = tpu.memref_slice %arg10[%rem3A_235, %dma_start3A_240, %dma_start3A_247, %dma_start3A_248] : memref<3x4x8x512xf32, #tpu.memory_space<vmem>> -> memref<1x1x8x512xf32, #tpu.memory_space<vmem>>
        %dma_start3A_250 = tpu.memref_squeeze %dma_start3A_249 : memref<1x1x8x512xf32, #tpu.memory_space<vmem>> -> memref<8x512xf32, #tpu.memory_space<vmem>>
        %dma_start3A_251 = arith.constant 0 : i32
        %dma_start3A_252 = tpu.memref_slice %arg4[%dma_start3A_251, %multiple_of3A_239] : memref<32x1000000xf32, #tpu.memory_space<hbm>> -> memref<8x512xf32, #tpu.memory_space<hbm>>
        tpu.enqueue_dma source(%dma_start3A_252 : memref<8x512xf32, #tpu.memory_space<hbm>>) target(%dma_start3A_250 : memref<8x512xf32, #tpu.memory_space<vmem>>) target_semaphore(%arg15 : memref<!tpu.dma_semaphore, #tpu.memory_space<semaphore_mem>>)
        %dma_start3A_253 = arith.constant 1 : i32
        %dma_start3A_254 = arith.constant 0 : i32
        %dma_start3A_255 = arith.constant 0 : i32
        %dma_start3A_256 = tpu.memref_slice %arg10[%rem3A_235, %dma_start3A_253, %dma_start3A_254, %dma_start3A_255] : memref<3x4x8x512xf32, #tpu.memory_space<vmem>> -> memref<1x1x8x512xf32, #tpu.memory_space<vmem>>
        %dma_start3A_257 = tpu.memref_squeeze %dma_start3A_256 : memref<1x1x8x512xf32, #tpu.memory_space<vmem>> -> memref<8x512xf32, #tpu.memory_space<vmem>>
        %dma_start3A_258 = arith.constant 8 : i32
        %dma_start3A_259 = tpu.memref_slice %arg4[%dma_start3A_258, %multiple_of3A_239] : memref<32x1000000xf32, #tpu.memory_space<hbm>> -> memref<8x512xf32, #tpu.memory_space<hbm>>
        %dma_start3A_260 = arith.constant 0 : i32
        %dma_start3A_261 = arith.constant 0 : i32
        %dma_start3A_262 = tpu.memref_slice %arg10[%rem3A_235, %dma_start3A_253, %dma_start3A_260, %dma_start3A_261] : memref<3x4x8x512xf32, #tpu.memory_space<vmem>> -> memref<1x1x8x512xf32, #tpu.memory_space<vmem>>
        %dma_start3A_263 = tpu.memref_squeeze %dma_start3A_262 : memref<1x1x8x512xf32, #tpu.memory_space<vmem>> -> memref<8x512xf32, #tpu.memory_space<vmem>>
        %dma_start3A_264 = arith.constant 8 : i32
        %dma_start3A_265 = tpu.memref_slice %arg4[%dma_start3A_264, %multiple_of3A_239] : memref<32x1000000xf32, #tpu.memory_space<hbm>> -> memref<8x512xf32, #tpu.memory_space<hbm>>
        tpu.enqueue_dma source(%dma_start3A_265 : memref<8x512xf32, #tpu.memory_space<hbm>>) target(%dma_start3A_263 : memref<8x512xf32, #tpu.memory_space<vmem>>) target_semaphore(%arg15 : memref<!tpu.dma_semaphore, #tpu.memory_space<semaphore_mem>>)
        %dma_start3A_266 = arith.constant 2 : i32
        %dma_start3A_267 = arith.constant 0 : i32
        %dma_start3A_268 = arith.constant 0 : i32
        %dma_start3A_269 = tpu.memref_slice %arg10[%rem3A_235, %dma_start3A_266, %dma_start3A_267, %dma_start3A_268] : memref<3x4x8x512xf32, #tpu.memory_space<vmem>> -> memref<1x1x8x512xf32, #tpu.memory_space<vmem>>
        %dma_start3A_270 = tpu.memref_squeeze %dma_start3A_269 : memref<1x1x8x512xf32, #tpu.memory_space<vmem>> -> memref<8x512xf32, #tpu.memory_space<vmem>>
        %dma_start3A_271 = arith.constant 16 : i32
        %dma_start3A_272 = tpu.memref_slice %arg4[%dma_start3A_271, %multiple_of3A_239] : memref<32x1000000xf32, #tpu.memory_space<hbm>> -> memref<8x512xf32, #tpu.memory_space<hbm>>
        %dma_start3A_273 = arith.constant 0 : i32
        %dma_start3A_274 = arith.constant 0 : i32
        %dma_start3A_275 = tpu.memref_slice %arg10[%rem3A_235, %dma_start3A_266, %dma_start3A_273, %dma_start3A_274] : memref<3x4x8x512xf32, #tpu.memory_space<vmem>> -> memref<1x1x8x512xf32, #tpu.memory_space<vmem>>
        %dma_start3A_276 = tpu.memref_squeeze %dma_start3A_275 : memref<1x1x8x512xf32, #tpu.memory_space<vmem>> -> memref<8x512xf32, #tpu.memory_space<vmem>>
        %dma_start3A_277 = arith.constant 16 : i32
        %dma_start3A_278 = tpu.memref_slice %arg4[%dma_start3A_277, %multiple_of3A_239] : memref<32x1000000xf32, #tpu.memory_space<hbm>> -> memref<8x512xf32, #tpu.memory_space<hbm>>
        tpu.enqueue_dma source(%dma_start3A_278 : memref<8x512xf32, #tpu.memory_space<hbm>>) target(%dma_start3A_276 : memref<8x512xf32, #tpu.memory_space<vmem>>) target_semaphore(%arg15 : memref<!tpu.dma_semaphore, #tpu.memory_space<semaphore_mem>>)
        %dma_start3A_279 = arith.constant 3 : i32
        %dma_start3A_280 = arith.constant 0 : i32
        %dma_start3A_281 = arith.constant 0 : i32
        %dma_start3A_282 = tpu.memref_slice %arg10[%rem3A_235, %dma_start3A_279, %dma_start3A_280, %dma_start3A_281] : memref<3x4x8x512xf32, #tpu.memory_space<vmem>> -> memref<1x1x8x512xf32, #tpu.memory_space<vmem>>
        %dma_start3A_283 = tpu.memref_squeeze %dma_start3A_282 : memref<1x1x8x512xf32, #tpu.memory_space<vmem>> -> memref<8x512xf32, #tpu.memory_space<vmem>>
        %dma_start3A_284 = arith.constant 24 : i32
        %dma_start3A_285 = tpu.memref_slice %arg4[%dma_start3A_284, %multiple_of3A_239] : memref<32x1000000xf32, #tpu.memory_space<hbm>> -> memref<8x512xf32, #tpu.memory_space<hbm>>
        %dma_start3A_286 = arith.constant 0 : i32
        %dma_start3A_287 = arith.constant 0 : i32
        %dma_start3A_288 = tpu.memref_slice %arg10[%rem3A_235, %dma_start3A_279, %dma_start3A_286, %dma_start3A_287] : memref<3x4x8x512xf32, #tpu.memory_space<vmem>> -> memref<1x1x8x512xf32, #tpu.memory_space<vmem>>
        %dma_start3A_289 = tpu.memref_squeeze %dma_start3A_288 : memref<1x1x8x512xf32, #tpu.memory_space<vmem>> -> memref<8x512xf32, #tpu.memory_space<vmem>>
        %dma_start3A_290 = arith.constant 24 : i32
        %dma_start3A_291 = tpu.memref_slice %arg4[%dma_start3A_290, %multiple_of3A_239] : memref<32x1000000xf32, #tpu.memory_space<hbm>> -> memref<8x512xf32, #tpu.memory_space<hbm>>
        tpu.enqueue_dma source(%dma_start3A_291 : memref<8x512xf32, #tpu.memory_space<hbm>>) target(%dma_start3A_289 : memref<8x512xf32, #tpu.memory_space<vmem>>) target_semaphore(%arg15 : memref<!tpu.dma_semaphore, #tpu.memory_space<semaphore_mem>>)
      } else {
      }
      %mul3A_192 = arith.constant 512 : i32
      %mul3A_193 = arith.muli %while3A_124, %mul3A_192 : i32
      %add3A_194 = arith.addi %mul3A_8, %mul3A_193 : i32
      %multiple_of3A_195 = tpu.assume_multiple %add3A_194, 128 : i32
      %add3A_196 = arith.constant 16 : i32
      %add3A_197 = arith.addi %scan3A_17, %add3A_196 : i32
      %sub3A = arith.constant 1 : i32
      %sub3A_198 = arith.subi %add3A_197, %sub3A : i32
      %div3A_199 = arith.constant 16 : i32
      %div3A_200 = arith.divsi %sub3A_198, %div3A_199 : i32
      %while3A_201 = arith.constant 0 : i32
      %while3A_202 = arith.constant 0 : i32
      %while3A_203 = arith.subi %div3A_200, %while3A_201 : i32
      %while3A_204 = arith.addi %while3A_201, %while3A_203 : i32
      %while3A_205 = arith.constant 1 : i32
      %while3A_206 = arith.divsi %while3A_203, %while3A_205 : i32
      %while3A_207 = arith.muli %while3A_206, %while3A_205 : i32
      %while3A_208 = arith.addi %while3A_201, %while3A_207 : i32
      %while3A_209 = arith.constant 1 : i32
      %while3A_210 = scf.for %while3A_230 = %while3A_201 to %while3A_208 step %while3A_209 iter_args(%while3A_231 = %while3A_202) -> (i32)  : i32 {
        %mul3A_232 = arith.constant 16 : i32
        %mul3A_233 = arith.muli %while3A_230, %mul3A_232 : i32
        %get3A = arith.index_cast %mul3A_233 : i32 to index
        %get3A_234 = tpu.vector_load %arg8[%get3A] {strides = array<i32>} : memref<16384xi32, #tpu.memory_space<vmem>>, vector<16xi32>,
        %get3A_235 = arith.index_cast %mul3A_233 : i32 to index
        %get3A_236 = tpu.vector_load %arg9[%get3A_235] {strides = array<i32>} : memref<16384xi32, #tpu.memory_space<vmem>>, vector<16xi32>,
        %mul3A_237 = arith.constant 16 : i32
        %mul3A_238 = arith.muli %while3A_230, %mul3A_237 : i32
        %sub3A_239 = arith.subi %scan3A_17, %mul3A_238 : i32
        %lt3A_240 = vector.broadcast %sub3A_239 : i32 to vector<16xi32>
        %lt3A_241 = arith.cmpi slt, %iota3A, %lt3A_240 : vector<16xi32>
        %ge3A = vector.broadcast %multiple_of3A_195 : i32 to vector<16xi32>
        %ge3A_242 = arith.cmpi sge, %get3A_234, %ge3A : vector<16xi32>
        %add3A_243 = arith.constant 512 : i32
        %add3A_244 = arith.addi %multiple_of3A_195, %add3A_243 : i32
        %lt3A_245 = vector.broadcast %add3A_244 : i32 to vector<16xi32>
        %lt3A_246 = arith.cmpi slt, %get3A_234, %lt3A_245 : vector<16xi32>
        %and3A = arith.andi %ge3A_242, %lt3A_246 : vector<16xi1>
        %and3A_247 = arith.andi %lt3A_241, %and3A : vector<16xi1>
        %convert_element_type3A_248 = arith.extui %and3A_247 : vector<16xi1> to vector<16xi32>
        %cumsum3A = arith.constant true
        %cumsum3A_249 = vector.broadcast %cumsum3A : i1 to vector<16xi1>
        %cumsum3A_250 = tpu.scan <sum>, %convert_element_type3A_248 masked %cumsum3A_249 : vector<16xi32>, vector<16xi1> -> vector<16xi32>
        %add3A_251 = vector.broadcast %while3A_231 : i32 to vector<16xi32>
        %add3A_252 = arith.addi %add3A_251, %cumsum3A_250 : vector<16xi32>
        %sub3A_253 = arith.constant 1 : i32
        %sub3A_254 = vector.broadcast %sub3A_253 : i32 to vector<16xi32>
        %sub3A_255 = arith.subi %add3A_252, %sub3A_254 : vector<16xi32>
        tpu.vector_store_idx %arg11[%sub3A_255], %get3A_234 masked %and3A_247 : memref<16384xi32, #tpu.memory_space<vmem>>[vector<16xi32>], vector<16xi32>, vector<16xi1>
        tpu.vector_store_idx %arg12[%sub3A_255], %get3A_236 masked %and3A_247 : memref<16384xi32, #tpu.memory_space<vmem>>[vector<16xi32>], vector<16xi32>, vector<16xi1>
        %reduce_sum3A = arith.constant true
        %reduce_sum3A_256 = vector.broadcast %reduce_sum3A : i1 to vector<16xi1>
        %reduce_sum3A_257 = tpu.scan <sum>, %convert_element_type3A_248 masked %reduce_sum3A_256 : vector<16xi32>, vector<16xi1> -> vector<16xi32>
        %reduce_sum3A_258 = vector.extract %reduce_sum3A_257[15] : i32 from vector<16xi32>
        %add3A_259 = arith.addi %while3A_231, %reduce_sum3A_258 : i32
        scf.yield %add3A_259 : i32
      }
      %while3A_211 = arith.constant 1 : i32
      %while3A_212 = scf.for %while3A_230 = %while3A_208 to %while3A_204 step %while3A_211 iter_args(%while3A_231 = %while3A_210) -> (i32)  : i32 {
        %mul3A_232 = arith.constant 16 : i32
        %mul3A_233 = arith.muli %while3A_230, %mul3A_232 : i32
        %get3A = arith.index_cast %mul3A_233 : i32 to index
        %get3A_234 = tpu.vector_load %arg8[%get3A] {strides = array<i32>} : memref<16384xi32, #tpu.memory_space<vmem>>, vector<16xi32>,
        %get3A_235 = arith.index_cast %mul3A_233 : i32 to index
        %get3A_236 = tpu.vector_load %arg9[%get3A_235] {strides = array<i32>} : memref<16384xi32, #tpu.memory_space<vmem>>, vector<16xi32>,
        %mul3A_237 = arith.constant 16 : i32
        %mul3A_238 = arith.muli %while3A_230, %mul3A_237 : i32
        %sub3A_239 = arith.subi %scan3A_17, %mul3A_238 : i32
        %lt3A_240 = vector.broadcast %sub3A_239 : i32 to vector<16xi32>
        %lt3A_241 = arith.cmpi slt, %iota3A, %lt3A_240 : vector<16xi32>
        %ge3A = vector.broadcast %multiple_of3A_195 : i32 to vector<16xi32>
        %ge3A_242 = arith.cmpi sge, %get3A_234, %ge3A : vector<16xi32>
        %add3A_243 = arith.constant 512 : i32
        %add3A_244 = arith.addi %multiple_of3A_195, %add3A_243 : i32
        %lt3A_245 = vector.broadcast %add3A_244 : i32 to vector<16xi32>
        %lt3A_246 = arith.cmpi slt, %get3A_234, %lt3A_245 : vector<16xi32>
        %and3A = arith.andi %ge3A_242, %lt3A_246 : vector<16xi1>
        %and3A_247 = arith.andi %lt3A_241, %and3A : vector<16xi1>
        %convert_element_type3A_248 = arith.extui %and3A_247 : vector<16xi1> to vector<16xi32>
        %cumsum3A = arith.constant true
        %cumsum3A_249 = vector.broadcast %cumsum3A : i1 to vector<16xi1>
        %cumsum3A_250 = tpu.scan <sum>, %convert_element_type3A_248 masked %cumsum3A_249 : vector<16xi32>, vector<16xi1> -> vector<16xi32>
        %add3A_251 = vector.broadcast %while3A_231 : i32 to vector<16xi32>
        %add3A_252 = arith.addi %add3A_251, %cumsum3A_250 : vector<16xi32>
        %sub3A_253 = arith.constant 1 : i32
        %sub3A_254 = vector.broadcast %sub3A_253 : i32 to vector<16xi32>
        %sub3A_255 = arith.subi %add3A_252, %sub3A_254 : vector<16xi32>
        tpu.vector_store_idx %arg11[%sub3A_255], %get3A_234 masked %and3A_247 : memref<16384xi32, #tpu.memory_space<vmem>>[vector<16xi32>], vector<16xi32>, vector<16xi1>
        tpu.vector_store_idx %arg12[%sub3A_255], %get3A_236 masked %and3A_247 : memref<16384xi32, #tpu.memory_space<vmem>>[vector<16xi32>], vector<16xi32>, vector<16xi1>
        %reduce_sum3A = arith.constant true
        %reduce_sum3A_256 = vector.broadcast %reduce_sum3A : i1 to vector<16xi1>
        %reduce_sum3A_257 = tpu.scan <sum>, %convert_element_type3A_248 masked %reduce_sum3A_256 : vector<16xi32>, vector<16xi1> -> vector<16xi32>
        %reduce_sum3A_258 = vector.extract %reduce_sum3A_257[15] : i32 from vector<16xi32>
        %add3A_259 = arith.addi %while3A_231, %reduce_sum3A_258 : i32
        scf.yield %add3A_259 : i32
      }
      %add3A_213 = arith.constant 16 : i32
      %add3A_214 = arith.addi %while3A_212, %add3A_213 : i32
      %sub3A_215 = arith.constant 1 : i32
      %sub3A_216 = arith.subi %add3A_214, %sub3A_215 : i32
      %div3A_217 = arith.constant 16 : i32
      %div3A_218 = arith.divsi %sub3A_216, %div3A_217 : i32
      %while3A_219 = arith.constant 0 : i32
      %while3A_220 = arith.subi %div3A_218, %while3A_219 : i32
      %while3A_221 = arith.addi %while3A_219, %while3A_220 : i32
      %while3A_222 = arith.constant 1 : i32
      %while3A_223 = arith.divsi %while3A_220, %while3A_222 : i32
      %while3A_224 = arith.muli %while3A_223, %while3A_222 : i32
      %while3A_225 = arith.addi %while3A_219, %while3A_224 : i32
      %while3A_226 = arith.constant 1 : i32
      %while3A_227 = scf.for %while3A_230 = %while3A_219 to %while3A_225 step %while3A_226 iter_args(%while3A_231 = %while3A_125) -> (i32)  : i32 {
        %mul3A_232 = arith.constant 16 : i32
        %mul3A_233 = arith.muli %while3A_230, %mul3A_232 : i32
        %get3A = arith.index_cast %mul3A_233 : i32 to index
        %get3A_234 = tpu.vector_load %arg11[%get3A] {strides = array<i32>} : memref<16384xi32, #tpu.memory_space<vmem>>, vector<16xi32>,
        %get3A_235 = arith.index_cast %mul3A_233 : i32 to index
        %get3A_236 = tpu.vector_load %arg12[%get3A_235] {strides = array<i32>} : memref<16384xi32, #tpu.memory_space<vmem>>, vector<16xi32>,
        %mul3A_237 = arith.constant 16 : i32
        %mul3A_238 = arith.muli %while3A_230, %mul3A_237 : i32
        %sub3A_239 = arith.subi %while3A_212, %mul3A_238 : i32
        %lt3A_240 = vector.broadcast %sub3A_239 : i32 to vector<16xi32>
        %lt3A_241 = arith.cmpi slt, %iota3A, %lt3A_240 : vector<16xi32>
        %sub3A_242 = vector.broadcast %multiple_of3A_195 : i32 to vector<16xi32>
        %sub3A_243 = arith.subi %get3A_234, %sub3A_242 : vector<16xi32>
        %add3A_244 = vector.broadcast %while3A_231 : i32 to vector<16xi32>
        %add3A_245 = arith.addi %add3A_244, %iota3A : vector<16xi32>
        %broadcast_in_dim3A_246 = arith.constant 0 : i32
        %broadcast_in_dim3A_247 = vector.broadcast %broadcast_in_dim3A_246 : i32 to vector<16xi32>
        %add3A_248 = vector.broadcast %rem3A_126 : i32 to vector<16xi32>
        %add3A_249 = arith.addi %broadcast_in_dim3A_247, %add3A_248 : vector<16xi32>
        %broadcast_in_dim3A_250 = arith.constant 0 : i32
        %broadcast_in_dim3A_251 = vector.broadcast %broadcast_in_dim3A_250 : i32 to vector<16xi32>
        %broadcast_in_dim3A_252 = arith.constant 0 : i32
        %broadcast_in_dim3A_253 = vector.broadcast %broadcast_in_dim3A_252 : i32 to vector<16xi32>
        %gather3A = tpu.vector_load_idx %arg10[%add3A_249, %broadcast_in_dim3A_251, %broadcast_in_dim3A_253, %sub3A_243] masked %lt3A_241 : memref<3x4x8x512xf32, #tpu.memory_space<vmem>>[vector<16xi32>, vector<16xi32>, vector<16xi32>, vector<16xi32>], vector<16xf32>, vector<16xi1>
        %broadcast_in_dim3A_254 = arith.constant 0 : i32
        %broadcast_in_dim3A_255 = vector.broadcast %broadcast_in_dim3A_254 : i32 to vector<16xi32>
        tpu.vector_store_idx %arg13[%broadcast_in_dim3A_12, %add3A_245, %broadcast_in_dim3A_255], %gather3A masked %lt3A_241 : memref<1x64x128xf32, #tpu.memory_space<vmem>>[vector<16xi32>, vector<16xi32>, vector<16xi32>], vector<16xf32>, vector<16xi1>
        %broadcast_in_dim3A_256 = arith.constant 0 : i32
        %broadcast_in_dim3A_257 = vector.broadcast %broadcast_in_dim3A_256 : i32 to vector<16xi32>
        %broadcast_in_dim3A_258 = arith.constant 1 : i32
        %broadcast_in_dim3A_259 = vector.broadcast %broadcast_in_dim3A_258 : i32 to vector<16xi32>
        %gather3A_260 = tpu.vector_load_idx %arg10[%add3A_249, %broadcast_in_dim3A_257, %broadcast_in_dim3A_259, %sub3A_243] masked %lt3A_241 : memref<3x4x8x512xf32, #tpu.memory_space<vmem>>[vector<16xi32>, vector<16xi32>, vector<16xi32>, vector<16xi32>], vector<16xf32>, vector<16xi1>
        %broadcast_in_dim3A_261 = arith.constant 1 : i32
        %broadcast_in_dim3A_262 = vector.broadcast %broadcast_in_dim3A_261 : i32 to vector<16xi32>
        tpu.vector_store_idx %arg13[%broadcast_in_dim3A_12, %add3A_245, %broadcast_in_dim3A_262], %gather3A_260 masked %lt3A_241 : memref<1x64x128xf32, #tpu.memory_space<vmem>>[vector<16xi32>, vector<16xi32>, vector<16xi32>], vector<16xf32>, vector<16xi1>
        %broadcast_in_dim3A_263 = arith.constant 0 : i32
        %broadcast_in_dim3A_264 = vector.broadcast %broadcast_in_dim3A_263 : i32 to vector<16xi32>
        %broadcast_in_dim3A_265 = arith.constant 2 : i32
        %broadcast_in_dim3A_266 = vector.broadcast %broadcast_in_dim3A_265 : i32 to vector<16xi32>
        %gather3A_267 = tpu.vector_load_idx %arg10[%add3A_249, %broadcast_in_dim3A_264, %broadcast_in_dim3A_266, %sub3A_243] masked %lt3A_241 : memref<3x4x8x512xf32, #tpu.memory_space<vmem>>[vector<16xi32>, vector<16xi32>, vector<16xi32>, vector<16xi32>], vector<16xf32>, vector<16xi1>
        %broadcast_in_dim3A_268 = arith.constant 2 : i32
        %broadcast_in_dim3A_269 = vector.broadcast %broadcast_in_dim3A_268 : i32 to vector<16xi32>
        tpu.vector_store_idx %arg13[%broadcast_in_dim3A_12, %add3A_245, %broadcast_in_dim3A_269], %gather3A_267 masked %lt3A_241 : memref<1x64x128xf32, #tpu.memory_space<vmem>>[vector<16xi32>, vector<16xi32>, vector<16xi32>], vector<16xf32>, vector<16xi1>
        %broadcast_in_dim3A_270 = arith.constant 0 : i32
        %broadcast_in_dim3A_271 = vector.broadcast %broadcast_in_dim3A_270 : i32 to vector<16xi32>
        %broadcast_in_dim3A_272 = arith.constant 3 : i32
        %broadcast_in_dim3A_273 = vector.broadcast %broadcast_in_dim3A_272 : i32 to vector<16xi32>
        %gather3A_274 = tpu.vector_load_idx %arg10[%add3A_249, %broadcast_in_dim3A_271, %broadcast_in_dim3A_273, %sub3A_243] masked %lt3A_241 : memref<3x4x8x512xf32, #tpu.memory_space<vmem>>[vector<16xi32>, vector<16xi32>, vector<16xi32>, vector<16xi32>], vector<16xf32>, vector<16xi1>
        %broadcast_in_dim3A_275 = arith.constant 3 : i32
        %broadcast_in_dim3A_276 = vector.broadcast %broadcast_in_dim3A_275 : i32 to vector<16xi32>
        tpu.vector_store_idx %arg13[%broadcast_in_dim3A_12, %add3A_245, %broadcast_in_dim3A_276], %gather3A_274 masked %lt3A_241 : memref<1x64x128xf32, #tpu.memory_space<vmem>>[vector<16xi32>, vector<16xi32>, vector<16xi32>], vector<16xf32>, vector<16xi1>
        %broadcast_in_dim3A_277 = arith.constant 0 : i32
        %broadcast_in_dim3A_278 = vector.broadcast %broadcast_in_dim3A_277 : i32 to vector<16xi32>
        %broadcast_in_dim3A_279 = arith.constant 4 : i32
        %broadcast_in_dim3A_280 = vector.broadcast %broadcast_in_dim3A_279 : i32 to vector<16xi32>
        %gather3A_281 = tpu.vector_load_idx %arg10[%add3A_249, %broadcast_in_dim3A_278, %broadcast_in_dim3A_280, %sub3A_243] masked %lt3A_241 : memref<3x4x8x512xf32, #tpu.memory_space<vmem>>[vector<16xi32>, vector<16xi32>, vector<16xi32>, vector<16xi32>], vector<16xf32>, vector<16xi1>
        %broadcast_in_dim3A_282 = arith.constant 4 : i32
        %broadcast_in_dim3A_283 = vector.broadcast %broadcast_in_dim3A_282 : i32 to vector<16xi32>
        tpu.vector_store_idx %arg13[%broadcast_in_dim3A_12, %add3A_245, %broadcast_in_dim3A_283], %gather3A_281 masked %lt3A_241 : memref<1x64x128xf32, #tpu.memory_space<vmem>>[vector<16xi32>, vector<16xi32>, vector<16xi32>], vector<16xf32>, vector<16xi1>
        %broadcast_in_dim3A_284 = arith.constant 0 : i32
        %broadcast_in_dim3A_285 = vector.broadcast %broadcast_in_dim3A_284 : i32 to vector<16xi32>
        %broadcast_in_dim3A_286 = arith.constant 5 : i32
        %broadcast_in_dim3A_287 = vector.broadcast %broadcast_in_dim3A_286 : i32 to vector<16xi32>
        %gather3A_288 = tpu.vector_load_idx %arg10[%add3A_249, %broadcast_in_dim3A_285, %broadcast_in_dim3A_287, %sub3A_243] masked %lt3A_241 : memref<3x4x8x512xf32, #tpu.memory_space<vmem>>[vector<16xi32>, vector<16xi32>, vector<16xi32>, vector<16xi32>], vector<16xf32>, vector<16xi1>
        %broadcast_in_dim3A_289 = arith.constant 5 : i32
        %broadcast_in_dim3A_290 = vector.broadcast %broadcast_in_dim3A_289 : i32 to vector<16xi32>
        tpu.vector_store_idx %arg13[%broadcast_in_dim3A_12, %add3A_245, %broadcast_in_dim3A_290], %gather3A_288 masked %lt3A_241 : memref<1x64x128xf32, #tpu.memory_space<vmem>>[vector<16xi32>, vector<16xi32>, vector<16xi32>], vector<16xf32>, vector<16xi1>
        %broadcast_in_dim3A_291 = arith.constant 0 : i32
        %broadcast_in_dim3A_292 = vector.broadcast %broadcast_in_dim3A_291 : i32 to vector<16xi32>
        %broadcast_in_dim3A_293 = arith.constant 6 : i32
        %broadcast_in_dim3A_294 = vector.broadcast %broadcast_in_dim3A_293 : i32 to vector<16xi32>
        %gather3A_295 = tpu.vector_load_idx %arg10[%add3A_249, %broadcast_in_dim3A_292, %broadcast_in_dim3A_294, %sub3A_243] masked %lt3A_241 : memref<3x4x8x512xf32, #tpu.memory_space<vmem>>[vector<16xi32>, vector<16xi32>, vector<16xi32>, vector<16xi32>], vector<16xf32>, vector<16xi1>
        %broadcast_in_dim3A_296 = arith.constant 6 : i32
        %broadcast_in_dim3A_297 = vector.broadcast %broadcast_in_dim3A_296 : i32 to vector<16xi32>
        tpu.vector_store_idx %arg13[%broadcast_in_dim3A_12, %add3A_245, %broadcast_in_dim3A_297], %gather3A_295 masked %lt3A_241 : memref<1x64x128xf32, #tpu.memory_space<vmem>>[vector<16xi32>, vector<16xi32>, vector<16xi32>], vector<16xf32>, vector<16xi1>
        %broadcast_in_dim3A_298 = arith.constant 0 : i32
        %broadcast_in_dim3A_299 = vector.broadcast %broadcast_in_dim3A_298 : i32 to vector<16xi32>
        %broadcast_in_dim3A_300 = arith.constant 7 : i32
        %broadcast_in_dim3A_301 = vector.broadcast %broadcast_in_dim3A_300 : i32 to vector<16xi32>
        %gather3A_302 = tpu.vector_load_idx %arg10[%add3A_249, %broadcast_in_dim3A_299, %broadcast_in_dim3A_301, %sub3A_243] masked %lt3A_241 : memref<3x4x8x512xf32, #tpu.memory_space<vmem>>[vector<16xi32>, vector<16xi32>, vector<16xi32>, vector<16xi32>], vector<16xf32>, vector<16xi1>
        %broadcast_in_dim3A_303 = arith.constant 7 : i32
        %broadcast_in_dim3A_304 = vector.broadcast %broadcast_in_dim3A_303 : i32 to vector<16xi32>
        tpu.vector_store_idx %arg13[%broadcast_in_dim3A_12, %add3A_245, %broadcast_in_dim3A_304], %gather3A_302 masked %lt3A_241 : memref<1x64x128xf32, #tpu.memory_space<vmem>>[vector<16xi32>, vector<16xi32>, vector<16xi32>], vector<16xf32>, vector<16xi1>
        %broadcast_in_dim3A_305 = arith.constant 1 : i32
        %broadcast_in_dim3A_306 = vector.broadcast %broadcast_in_dim3A_305 : i32 to vector<16xi32>
        %broadcast_in_dim3A_307 = arith.constant 0 : i32
        %broadcast_in_dim3A_308 = vector.broadcast %broadcast_in_dim3A_307 : i32 to vector<16xi32>
        %gather3A_309 = tpu.vector_load_idx %arg10[%add3A_249, %broadcast_in_dim3A_306, %broadcast_in_dim3A_308, %sub3A_243] masked %lt3A_241 : memref<3x4x8x512xf32, #tpu.memory_space<vmem>>[vector<16xi32>, vector<16xi32>, vector<16xi32>, vector<16xi32>], vector<16xf32>, vector<16xi1>
        %broadcast_in_dim3A_310 = arith.constant 8 : i32
        %broadcast_in_dim3A_311 = vector.broadcast %broadcast_in_dim3A_310 : i32 to vector<16xi32>
        tpu.vector_store_idx %arg13[%broadcast_in_dim3A_12, %add3A_245, %broadcast_in_dim3A_311], %gather3A_309 masked %lt3A_241 : memref<1x64x128xf32, #tpu.memory_space<vmem>>[vector<16xi32>, vector<16xi32>, vector<16xi32>], vector<16xf32>, vector<16xi1>
        %broadcast_in_dim3A_312 = arith.constant 1 : i32
        %broadcast_in_dim3A_313 = vector.broadcast %broadcast_in_dim3A_312 : i32 to vector<16xi32>
        %broadcast_in_dim3A_314 = arith.constant 1 : i32
        %broadcast_in_dim3A_315 = vector.broadcast %broadcast_in_dim3A_314 : i32 to vector<16xi32>
        %gather3A_316 = tpu.vector_load_idx %arg10[%add3A_249, %broadcast_in_dim3A_313, %broadcast_in_dim3A_315, %sub3A_243] masked %lt3A_241 : memref<3x4x8x512xf32, #tpu.memory_space<vmem>>[vector<16xi32>, vector<16xi32>, vector<16xi32>, vector<16xi32>], vector<16xf32>, vector<16xi1>
        %broadcast_in_dim3A_317 = arith.constant 9 : i32
        %broadcast_in_dim3A_318 = vector.broadcast %broadcast_in_dim3A_317 : i32 to vector<16xi32>
        tpu.vector_store_idx %arg13[%broadcast_in_dim3A_12, %add3A_245, %broadcast_in_dim3A_318], %gather3A_316 masked %lt3A_241 : memref<1x64x128xf32, #tpu.memory_space<vmem>>[vector<16xi32>, vector<16xi32>, vector<16xi32>], vector<16xf32>, vector<16xi1>
        %broadcast_in_dim3A_319 = arith.constant 1 : i32
        %broadcast_in_dim3A_320 = vector.broadcast %broadcast_in_dim3A_319 : i32 to vector<16xi32>
        %broadcast_in_dim3A_321 = arith.constant 2 : i32
        %broadcast_in_dim3A_322 = vector.broadcast %broadcast_in_dim3A_321 : i32 to vector<16xi32>
        %gather3A_323 = tpu.vector_load_idx %arg10[%add3A_249, %broadcast_in_dim3A_320, %broadcast_in_dim3A_322, %sub3A_243] masked %lt3A_241 : memref<3x4x8x512xf32, #tpu.memory_space<vmem>>[vector<16xi32>, vector<16xi32>, vector<16xi32>, vector<16xi32>], vector<16xf32>, vector<16xi1>
        %broadcast_in_dim3A_324 = arith.constant 10 : i32
        %broadcast_in_dim3A_325 = vector.broadcast %broadcast_in_dim3A_324 : i32 to vector<16xi32>
        tpu.vector_store_idx %arg13[%broadcast_in_dim3A_12, %add3A_245, %broadcast_in_dim3A_325], %gather3A_323 masked %lt3A_241 : memref<1x64x128xf32, #tpu.memory_space<vmem>>[vector<16xi32>, vector<16xi32>, vector<16xi32>], vector<16xf32>, vector<16xi1>
        %broadcast_in_dim3A_326 = arith.constant 1 : i32
        %broadcast_in_dim3A_327 = vector.broadcast %broadcast_in_dim3A_326 : i32 to vector<16xi32>
        %broadcast_in_dim3A_328 = arith.constant 3 : i32
        %broadcast_in_dim3A_329 = vector.broadcast %broadcast_in_dim3A_328 : i32 to vector<16xi32>
        %gather3A_330 = tpu.vector_load_idx %arg10[%add3A_249, %broadcast_in_dim3A_327, %broadcast_in_dim3A_329, %sub3A_243] masked %lt3A_241 : memref<3x4x8x512xf32, #tpu.memory_space<vmem>>[vector<16xi32>, vector<16xi32>, vector<16xi32>, vector<16xi32>], vector<16xf32>, vector<16xi1>
        %broadcast_in_dim3A_331 = arith.constant 11 : i32
        %broadcast_in_dim3A_332 = vector.broadcast %broadcast_in_dim3A_331 : i32 to vector<16xi32>
        tpu.vector_store_idx %arg13[%broadcast_in_dim3A_12, %add3A_245, %broadcast_in_dim3A_332], %gather3A_330 masked %lt3A_241 : memref<1x64x128xf32, #tpu.memory_space<vmem>>[vector<16xi32>, vector<16xi32>, vector<16xi32>], vector<16xf32>, vector<16xi1>
        %broadcast_in_dim3A_333 = arith.constant 1 : i32
        %broadcast_in_dim3A_334 = vector.broadcast %broadcast_in_dim3A_333 : i32 to vector<16xi32>
        %broadcast_in_dim3A_335 = arith.constant 4 : i32
        %broadcast_in_dim3A_336 = vector.broadcast %broadcast_in_dim3A_335 : i32 to vector<16xi32>
        %gather3A_337 = tpu.vector_load_idx %arg10[%add3A_249, %broadcast_in_dim3A_334, %broadcast_in_dim3A_336, %sub3A_243] masked %lt3A_241 : memref<3x4x8x512xf32, #tpu.memory_space<vmem>>[vector<16xi32>, vector<16xi32>, vector<16xi32>, vector<16xi32>], vector<16xf32>, vector<16xi1>
        %broadcast_in_dim3A_338 = arith.constant 12 : i32
        %broadcast_in_dim3A_339 = vector.broadcast %broadcast_in_dim3A_338 : i32 to vector<16xi32>
        tpu.vector_store_idx %arg13[%broadcast_in_dim3A_12, %add3A_245, %broadcast_in_dim3A_339], %gather3A_337 masked %lt3A_241 : memref<1x64x128xf32, #tpu.memory_space<vmem>>[vector<16xi32>, vector<16xi32>, vector<16xi32>], vector<16xf32>, vector<16xi1>
        %broadcast_in_dim3A_340 = arith.constant 1 : i32
        %broadcast_in_dim3A_341 = vector.broadcast %broadcast_in_dim3A_340 : i32 to vector<16xi32>
        %broadcast_in_dim3A_342 = arith.constant 5 : i32
        %broadcast_in_dim3A_343 = vector.broadcast %broadcast_in_dim3A_342 : i32 to vector<16xi32>
        %gather3A_344 = tpu.vector_load_idx %arg10[%add3A_249, %broadcast_in_dim3A_341, %broadcast_in_dim3A_343, %sub3A_243] masked %lt3A_241 : memref<3x4x8x512xf32, #tpu.memory_space<vmem>>[vector<16xi32>, vector<16xi32>, vector<16xi32>, vector<16xi32>], vector<16xf32>, vector<16xi1>
        %broadcast_in_dim3A_345 = arith.constant 13 : i32
        %broadcast_in_dim3A_346 = vector.broadcast %broadcast_in_dim3A_345 : i32 to vector<16xi32>
        tpu.vector_store_idx %arg13[%broadcast_in_dim3A_12, %add3A_245, %broadcast_in_dim3A_346], %gather3A_344 masked %lt3A_241 : memref<1x64x128xf32, #tpu.memory_space<vmem>>[vector<16xi32>, vector<16xi32>, vector<16xi32>], vector<16xf32>, vector<16xi1>
        %broadcast_in_dim3A_347 = arith.constant 1 : i32
        %broadcast_in_dim3A_348 = vector.broadcast %broadcast_in_dim3A_347 : i32 to vector<16xi32>
        %broadcast_in_dim3A_349 = arith.constant 6 : i32
        %broadcast_in_dim3A_350 = vector.broadcast %broadcast_in_dim3A_349 : i32 to vector<16xi32>
        %gather3A_351 = tpu.vector_load_idx %arg10[%add3A_249, %broadcast_in_dim3A_348, %broadcast_in_dim3A_350, %sub3A_243] masked %lt3A_241 : memref<3x4x8x512xf32, #tpu.memory_space<vmem>>[vector<16xi32>, vector<16xi32>, vector<16xi32>, vector<16xi32>], vector<16xf32>, vector<16xi1>
        %broadcast_in_dim3A_352 = arith.constant 14 : i32
        %broadcast_in_dim3A_353 = vector.broadcast %broadcast_in_dim3A_352 : i32 to vector<16xi32>
        tpu.vector_store_idx %arg13[%broadcast_in_dim3A_12, %add3A_245, %broadcast_in_dim3A_353], %gather3A_351 masked %lt3A_241 : memref<1x64x128xf32, #tpu.memory_space<vmem>>[vector<16xi32>, vector<16xi32>, vector<16xi32>], vector<16xf32>, vector<16xi1>
        %broadcast_in_dim3A_354 = arith.constant 1 : i32
        %broadcast_in_dim3A_355 = vector.broadcast %broadcast_in_dim3A_354 : i32 to vector<16xi32>
        %broadcast_in_dim3A_356 = arith.constant 7 : i32
        %broadcast_in_dim3A_357 = vector.broadcast %broadcast_in_dim3A_356 : i32 to vector<16xi32>
        %gather3A_358 = tpu.vector_load_idx %arg10[%add3A_249, %broadcast_in_dim3A_355, %broadcast_in_dim3A_357, %sub3A_243] masked %lt3A_241 : memref<3x4x8x512xf32, #tpu.memory_space<vmem>>[vector<16xi32>, vector<16xi32>, vector<16xi32>, vector<16xi32>], vector<16xf32>, vector<16xi1>
        %broadcast_in_dim3A_359 = arith.constant 15 : i32
        %broadcast_in_dim3A_360 = vector.broadcast %broadcast_in_dim3A_359 : i32 to vector<16xi32>
        tpu.vector_store_idx %arg13[%broadcast_in_dim3A_12, %add3A_245, %broadcast_in_dim3A_360], %gather3A_358 masked %lt3A_241 : memref<1x64x128xf32, #tpu.memory_space<vmem>>[vector<16xi32>, vector<16xi32>, vector<16xi32>], vector<16xf32>, vector<16xi1>
        %broadcast_in_dim3A_361 = arith.constant 2 : i32
        %broadcast_in_dim3A_362 = vector.broadcast %broadcast_in_dim3A_361 : i32 to vector<16xi32>
        %broadcast_in_dim3A_363 = arith.constant 0 : i32
        %broadcast_in_dim3A_364 = vector.broadcast %broadcast_in_dim3A_363 : i32 to vector<16xi32>
        %gather3A_365 = tpu.vector_load_idx %arg10[%add3A_249, %broadcast_in_dim3A_362, %broadcast_in_dim3A_364, %sub3A_243] masked %lt3A_241 : memref<3x4x8x512xf32, #tpu.memory_space<vmem>>[vector<16xi32>, vector<16xi32>, vector<16xi32>, vector<16xi32>], vector<16xf32>, vector<16xi1>
        %broadcast_in_dim3A_366 = arith.constant 16 : i32
        %broadcast_in_dim3A_367 = vector.broadcast %broadcast_in_dim3A_366 : i32 to vector<16xi32>
        tpu.vector_store_idx %arg13[%broadcast_in_dim3A_12, %add3A_245, %broadcast_in_dim3A_367], %gather3A_365 masked %lt3A_241 : memref<1x64x128xf32, #tpu.memory_space<vmem>>[vector<16xi32>, vector<16xi32>, vector<16xi32>], vector<16xf32>, vector<16xi1>
        %broadcast_in_dim3A_368 = arith.constant 2 : i32
        %broadcast_in_dim3A_369 = vector.broadcast %broadcast_in_dim3A_368 : i32 to vector<16xi32>
        %broadcast_in_dim3A_370 = arith.constant 1 : i32
        %broadcast_in_dim3A_371 = vector.broadcast %broadcast_in_dim3A_370 : i32 to vector<16xi32>
        %gather3A_372 = tpu.vector_load_idx %arg10[%add3A_249, %broadcast_in_dim3A_369, %broadcast_in_dim3A_371, %sub3A_243] masked %lt3A_241 : memref<3x4x8x512xf32, #tpu.memory_space<vmem>>[vector<16xi32>, vector<16xi32>, vector<16xi32>, vector<16xi32>], vector<16xf32>, vector<16xi1>
        %broadcast_in_dim3A_373 = arith.constant 17 : i32
        %broadcast_in_dim3A_374 = vector.broadcast %broadcast_in_dim3A_373 : i32 to vector<16xi32>
        tpu.vector_store_idx %arg13[%broadcast_in_dim3A_12, %add3A_245, %broadcast_in_dim3A_374], %gather3A_372 masked %lt3A_241 : memref<1x64x128xf32, #tpu.memory_space<vmem>>[vector<16xi32>, vector<16xi32>, vector<16xi32>], vector<16xf32>, vector<16xi1>
        %broadcast_in_dim3A_375 = arith.constant 2 : i32
        %broadcast_in_dim3A_376 = vector.broadcast %broadcast_in_dim3A_375 : i32 to vector<16xi32>
        %broadcast_in_dim3A_377 = arith.constant 2 : i32
        %broadcast_in_dim3A_378 = vector.broadcast %broadcast_in_dim3A_377 : i32 to vector<16xi32>
        %gather3A_379 = tpu.vector_load_idx %arg10[%add3A_249, %broadcast_in_dim3A_376, %broadcast_in_dim3A_378, %sub3A_243] masked %lt3A_241 : memref<3x4x8x512xf32, #tpu.memory_space<vmem>>[vector<16xi32>, vector<16xi32>, vector<16xi32>, vector<16xi32>], vector<16xf32>, vector<16xi1>
        %broadcast_in_dim3A_380 = arith.constant 18 : i32
        %broadcast_in_dim3A_381 = vector.broadcast %broadcast_in_dim3A_380 : i32 to vector<16xi32>
        tpu.vector_store_idx %arg13[%broadcast_in_dim3A_12, %add3A_245, %broadcast_in_dim3A_381], %gather3A_379 masked %lt3A_241 : memref<1x64x128xf32, #tpu.memory_space<vmem>>[vector<16xi32>, vector<16xi32>, vector<16xi32>], vector<16xf32>, vector<16xi1>
        %broadcast_in_dim3A_382 = arith.constant 2 : i32
        %broadcast_in_dim3A_383 = vector.broadcast %broadcast_in_dim3A_382 : i32 to vector<16xi32>
        %broadcast_in_dim3A_384 = arith.constant 3 : i32
        %broadcast_in_dim3A_385 = vector.broadcast %broadcast_in_dim3A_384 : i32 to vector<16xi32>
        %gather3A_386 = tpu.vector_load_idx %arg10[%add3A_249, %broadcast_in_dim3A_383, %broadcast_in_dim3A_385, %sub3A_243] masked %lt3A_241 : memref<3x4x8x512xf32, #tpu.memory_space<vmem>>[vector<16xi32>, vector<16xi32>, vector<16xi32>, vector<16xi32>], vector<16xf32>, vector<16xi1>
        %broadcast_in_dim3A_387 = arith.constant 19 : i32
        %broadcast_in_dim3A_388 = vector.broadcast %broadcast_in_dim3A_387 : i32 to vector<16xi32>
        tpu.vector_store_idx %arg13[%broadcast_in_dim3A_12, %add3A_245, %broadcast_in_dim3A_388], %gather3A_386 masked %lt3A_241 : memref<1x64x128xf32, #tpu.memory_space<vmem>>[vector<16xi32>, vector<16xi32>, vector<16xi32>], vector<16xf32>, vector<16xi1>
        %broadcast_in_dim3A_389 = arith.constant 2 : i32
        %broadcast_in_dim3A_390 = vector.broadcast %broadcast_in_dim3A_389 : i32 to vector<16xi32>
        %broadcast_in_dim3A_391 = arith.constant 4 : i32
        %broadcast_in_dim3A_392 = vector.broadcast %broadcast_in_dim3A_391 : i32 to vector<16xi32>
        %gather3A_393 = tpu.vector_load_idx %arg10[%add3A_249, %broadcast_in_dim3A_390, %broadcast_in_dim3A_392, %sub3A_243] masked %lt3A_241 : memref<3x4x8x512xf32, #tpu.memory_space<vmem>>[vector<16xi32>, vector<16xi32>, vector<16xi32>, vector<16xi32>], vector<16xf32>, vector<16xi1>
        %broadcast_in_dim3A_394 = arith.constant 20 : i32
        %broadcast_in_dim3A_395 = vector.broadcast %broadcast_in_dim3A_394 : i32 to vector<16xi32>
        tpu.vector_store_idx %arg13[%broadcast_in_dim3A_12, %add3A_245, %broadcast_in_dim3A_395], %gather3A_393 masked %lt3A_241 : memref<1x64x128xf32, #tpu.memory_space<vmem>>[vector<16xi32>, vector<16xi32>, vector<16xi32>], vector<16xf32>, vector<16xi1>
        %broadcast_in_dim3A_396 = arith.constant 2 : i32
        %broadcast_in_dim3A_397 = vector.broadcast %broadcast_in_dim3A_396 : i32 to vector<16xi32>
        %broadcast_in_dim3A_398 = arith.constant 5 : i32
        %broadcast_in_dim3A_399 = vector.broadcast %broadcast_in_dim3A_398 : i32 to vector<16xi32>
        %gather3A_400 = tpu.vector_load_idx %arg10[%add3A_249, %broadcast_in_dim3A_397, %broadcast_in_dim3A_399, %sub3A_243] masked %lt3A_241 : memref<3x4x8x512xf32, #tpu.memory_space<vmem>>[vector<16xi32>, vector<16xi32>, vector<16xi32>, vector<16xi32>], vector<16xf32>, vector<16xi1>
        %broadcast_in_dim3A_401 = arith.constant 21 : i32
        %broadcast_in_dim3A_402 = vector.broadcast %broadcast_in_dim3A_401 : i32 to vector<16xi32>
        tpu.vector_store_idx %arg13[%broadcast_in_dim3A_12, %add3A_245, %broadcast_in_dim3A_402], %gather3A_400 masked %lt3A_241 : memref<1x64x128xf32, #tpu.memory_space<vmem>>[vector<16xi32>, vector<16xi32>, vector<16xi32>], vector<16xf32>, vector<16xi1>
        %broadcast_in_dim3A_403 = arith.constant 2 : i32
        %broadcast_in_dim3A_404 = vector.broadcast %broadcast_in_dim3A_403 : i32 to vector<16xi32>
        %broadcast_in_dim3A_405 = arith.constant 6 : i32
        %broadcast_in_dim3A_406 = vector.broadcast %broadcast_in_dim3A_405 : i32 to vector<16xi32>
        %gather3A_407 = tpu.vector_load_idx %arg10[%add3A_249, %broadcast_in_dim3A_404, %broadcast_in_dim3A_406, %sub3A_243] masked %lt3A_241 : memref<3x4x8x512xf32, #tpu.memory_space<vmem>>[vector<16xi32>, vector<16xi32>, vector<16xi32>, vector<16xi32>], vector<16xf32>, vector<16xi1>
        %broadcast_in_dim3A_408 = arith.constant 22 : i32
        %broadcast_in_dim3A_409 = vector.broadcast %broadcast_in_dim3A_408 : i32 to vector<16xi32>
        tpu.vector_store_idx %arg13[%broadcast_in_dim3A_12, %add3A_245, %broadcast_in_dim3A_409], %gather3A_407 masked %lt3A_241 : memref<1x64x128xf32, #tpu.memory_space<vmem>>[vector<16xi32>, vector<16xi32>, vector<16xi32>], vector<16xf32>, vector<16xi1>
        %broadcast_in_dim3A_410 = arith.constant 2 : i32
        %broadcast_in_dim3A_411 = vector.broadcast %broadcast_in_dim3A_410 : i32 to vector<16xi32>
        %broadcast_in_dim3A_412 = arith.constant 7 : i32
        %broadcast_in_dim3A_413 = vector.broadcast %broadcast_in_dim3A_412 : i32 to vector<16xi32>
        %gather3A_414 = tpu.vector_load_idx %arg10[%add3A_249, %broadcast_in_dim3A_411, %broadcast_in_dim3A_413, %sub3A_243] masked %lt3A_241 : memref<3x4x8x512xf32, #tpu.memory_space<vmem>>[vector<16xi32>, vector<16xi32>, vector<16xi32>, vector<16xi32>], vector<16xf32>, vector<16xi1>
        %broadcast_in_dim3A_415 = arith.constant 23 : i32
        %broadcast_in_dim3A_416 = vector.broadcast %broadcast_in_dim3A_415 : i32 to vector<16xi32>
        tpu.vector_store_idx %arg13[%broadcast_in_dim3A_12, %add3A_245, %broadcast_in_dim3A_416], %gather3A_414 masked %lt3A_241 : memref<1x64x128xf32, #tpu.memory_space<vmem>>[vector<16xi32>, vector<16xi32>, vector<16xi32>], vector<16xf32>, vector<16xi1>
        %broadcast_in_dim3A_417 = arith.constant 3 : i32
        %broadcast_in_dim3A_418 = vector.broadcast %broadcast_in_dim3A_417 : i32 to vector<16xi32>
        %broadcast_in_dim3A_419 = arith.constant 0 : i32
        %broadcast_in_dim3A_420 = vector.broadcast %broadcast_in_dim3A_419 : i32 to vector<16xi32>
        %gather3A_421 = tpu.vector_load_idx %arg10[%add3A_249, %broadcast_in_dim3A_418, %broadcast_in_dim3A_420, %sub3A_243] masked %lt3A_241 : memref<3x4x8x512xf32, #tpu.memory_space<vmem>>[vector<16xi32>, vector<16xi32>, vector<16xi32>, vector<16xi32>], vector<16xf32>, vector<16xi1>
        %broadcast_in_dim3A_422 = arith.constant 24 : i32
        %broadcast_in_dim3A_423 = vector.broadcast %broadcast_in_dim3A_422 : i32 to vector<16xi32>
        tpu.vector_store_idx %arg13[%broadcast_in_dim3A_12, %add3A_245, %broadcast_in_dim3A_423], %gather3A_421 masked %lt3A_241 : memref<1x64x128xf32, #tpu.memory_space<vmem>>[vector<16xi32>, vector<16xi32>, vector<16xi32>], vector<16xf32>, vector<16xi1>
        %broadcast_in_dim3A_424 = arith.constant 3 : i32
        %broadcast_in_dim3A_425 = vector.broadcast %broadcast_in_dim3A_424 : i32 to vector<16xi32>
        %broadcast_in_dim3A_426 = arith.constant 1 : i32
        %broadcast_in_dim3A_427 = vector.broadcast %broadcast_in_dim3A_426 : i32 to vector<16xi32>
        %gather3A_428 = tpu.vector_load_idx %arg10[%add3A_249, %broadcast_in_dim3A_425, %broadcast_in_dim3A_427, %sub3A_243] masked %lt3A_241 : memref<3x4x8x512xf32, #tpu.memory_space<vmem>>[vector<16xi32>, vector<16xi32>, vector<16xi32>, vector<16xi32>], vector<16xf32>, vector<16xi1>
        %broadcast_in_dim3A_429 = arith.constant 25 : i32
        %broadcast_in_dim3A_430 = vector.broadcast %broadcast_in_dim3A_429 : i32 to vector<16xi32>
        tpu.vector_store_idx %arg13[%broadcast_in_dim3A_12, %add3A_245, %broadcast_in_dim3A_430], %gather3A_428 masked %lt3A_241 : memref<1x64x128xf32, #tpu.memory_space<vmem>>[vector<16xi32>, vector<16xi32>, vector<16xi32>], vector<16xf32>, vector<16xi1>
        %broadcast_in_dim3A_431 = arith.constant 3 : i32
        %broadcast_in_dim3A_432 = vector.broadcast %broadcast_in_dim3A_431 : i32 to vector<16xi32>
        %broadcast_in_dim3A_433 = arith.constant 2 : i32
        %broadcast_in_dim3A_434 = vector.broadcast %broadcast_in_dim3A_433 : i32 to vector<16xi32>
        %gather3A_435 = tpu.vector_load_idx %arg10[%add3A_249, %broadcast_in_dim3A_432, %broadcast_in_dim3A_434, %sub3A_243] masked %lt3A_241 : memref<3x4x8x512xf32, #tpu.memory_space<vmem>>[vector<16xi32>, vector<16xi32>, vector<16xi32>, vector<16xi32>], vector<16xf32>, vector<16xi1>
        %broadcast_in_dim3A_436 = arith.constant 26 : i32
        %broadcast_in_dim3A_437 = vector.broadcast %broadcast_in_dim3A_436 : i32 to vector<16xi32>
        tpu.vector_store_idx %arg13[%broadcast_in_dim3A_12, %add3A_245, %broadcast_in_dim3A_437], %gather3A_435 masked %lt3A_241 : memref<1x64x128xf32, #tpu.memory_space<vmem>>[vector<16xi32>, vector<16xi32>, vector<16xi32>], vector<16xf32>, vector<16xi1>
        %broadcast_in_dim3A_438 = arith.constant 3 : i32
        %broadcast_in_dim3A_439 = vector.broadcast %broadcast_in_dim3A_438 : i32 to vector<16xi32>
        %broadcast_in_dim3A_440 = arith.constant 3 : i32
        %broadcast_in_dim3A_441 = vector.broadcast %broadcast_in_dim3A_440 : i32 to vector<16xi32>
        %gather3A_442 = tpu.vector_load_idx %arg10[%add3A_249, %broadcast_in_dim3A_439, %broadcast_in_dim3A_441, %sub3A_243] masked %lt3A_241 : memref<3x4x8x512xf32, #tpu.memory_space<vmem>>[vector<16xi32>, vector<16xi32>, vector<16xi32>, vector<16xi32>], vector<16xf32>, vector<16xi1>
        %broadcast_in_dim3A_443 = arith.constant 27 : i32
        %broadcast_in_dim3A_444 = vector.broadcast %broadcast_in_dim3A_443 : i32 to vector<16xi32>
        tpu.vector_store_idx %arg13[%broadcast_in_dim3A_12, %add3A_245, %broadcast_in_dim3A_444], %gather3A_442 masked %lt3A_241 : memref<1x64x128xf32, #tpu.memory_space<vmem>>[vector<16xi32>, vector<16xi32>, vector<16xi32>], vector<16xf32>, vector<16xi1>
        %broadcast_in_dim3A_445 = arith.constant 3 : i32
        %broadcast_in_dim3A_446 = vector.broadcast %broadcast_in_dim3A_445 : i32 to vector<16xi32>
        %broadcast_in_dim3A_447 = arith.constant 4 : i32
        %broadcast_in_dim3A_448 = vector.broadcast %broadcast_in_dim3A_447 : i32 to vector<16xi32>
        %gather3A_449 = tpu.vector_load_idx %arg10[%add3A_249, %broadcast_in_dim3A_446, %broadcast_in_dim3A_448, %sub3A_243] masked %lt3A_241 : memref<3x4x8x512xf32, #tpu.memory_space<vmem>>[vector<16xi32>, vector<16xi32>, vector<16xi32>, vector<16xi32>], vector<16xf32>, vector<16xi1>
        %broadcast_in_dim3A_450 = arith.constant 28 : i32
        %broadcast_in_dim3A_451 = vector.broadcast %broadcast_in_dim3A_450 : i32 to vector<16xi32>
        tpu.vector_store_idx %arg13[%broadcast_in_dim3A_12, %add3A_245, %broadcast_in_dim3A_451], %gather3A_449 masked %lt3A_241 : memref<1x64x128xf32, #tpu.memory_space<vmem>>[vector<16xi32>, vector<16xi32>, vector<16xi32>], vector<16xf32>, vector<16xi1>
        %broadcast_in_dim3A_452 = arith.constant 3 : i32
        %broadcast_in_dim3A_453 = vector.broadcast %broadcast_in_dim3A_452 : i32 to vector<16xi32>
        %broadcast_in_dim3A_454 = arith.constant 5 : i32
        %broadcast_in_dim3A_455 = vector.broadcast %broadcast_in_dim3A_454 : i32 to vector<16xi32>
        %gather3A_456 = tpu.vector_load_idx %arg10[%add3A_249, %broadcast_in_dim3A_453, %broadcast_in_dim3A_455, %sub3A_243] masked %lt3A_241 : memref<3x4x8x512xf32, #tpu.memory_space<vmem>>[vector<16xi32>, vector<16xi32>, vector<16xi32>, vector<16xi32>], vector<16xf32>, vector<16xi1>
        %broadcast_in_dim3A_457 = arith.constant 29 : i32
        %broadcast_in_dim3A_458 = vector.broadcast %broadcast_in_dim3A_457 : i32 to vector<16xi32>
        tpu.vector_store_idx %arg13[%broadcast_in_dim3A_12, %add3A_245, %broadcast_in_dim3A_458], %gather3A_456 masked %lt3A_241 : memref<1x64x128xf32, #tpu.memory_space<vmem>>[vector<16xi32>, vector<16xi32>, vector<16xi32>], vector<16xf32>, vector<16xi1>
        %broadcast_in_dim3A_459 = arith.constant 3 : i32
        %broadcast_in_dim3A_460 = vector.broadcast %broadcast_in_dim3A_459 : i32 to vector<16xi32>
        %broadcast_in_dim3A_461 = arith.constant 6 : i32
        %broadcast_in_dim3A_462 = vector.broadcast %broadcast_in_dim3A_461 : i32 to vector<16xi32>
        %gather3A_463 = tpu.vector_load_idx %arg10[%add3A_249, %broadcast_in_dim3A_460, %broadcast_in_dim3A_462, %sub3A_243] masked %lt3A_241 : memref<3x4x8x512xf32, #tpu.memory_space<vmem>>[vector<16xi32>, vector<16xi32>, vector<16xi32>, vector<16xi32>], vector<16xf32>, vector<16xi1>
        %broadcast_in_dim3A_464 = arith.constant 30 : i32
        %broadcast_in_dim3A_465 = vector.broadcast %broadcast_in_dim3A_464 : i32 to vector<16xi32>
        tpu.vector_store_idx %arg13[%broadcast_in_dim3A_12, %add3A_245, %broadcast_in_dim3A_465], %gather3A_463 masked %lt3A_241 : memref<1x64x128xf32, #tpu.memory_space<vmem>>[vector<16xi32>, vector<16xi32>, vector<16xi32>], vector<16xf32>, vector<16xi1>
        %broadcast_in_dim3A_466 = arith.constant 3 : i32
        %broadcast_in_dim3A_467 = vector.broadcast %broadcast_in_dim3A_466 : i32 to vector<16xi32>
        %broadcast_in_dim3A_468 = arith.constant 7 : i32
        %broadcast_in_dim3A_469 = vector.broadcast %broadcast_in_dim3A_468 : i32 to vector<16xi32>
        %gather3A_470 = tpu.vector_load_idx %arg10[%add3A_249, %broadcast_in_dim3A_467, %broadcast_in_dim3A_469, %sub3A_243] masked %lt3A_241 : memref<3x4x8x512xf32, #tpu.memory_space<vmem>>[vector<16xi32>, vector<16xi32>, vector<16xi32>, vector<16xi32>], vector<16xf32>, vector<16xi1>
        %broadcast_in_dim3A_471 = arith.constant 31 : i32
        %broadcast_in_dim3A_472 = vector.broadcast %broadcast_in_dim3A_471 : i32 to vector<16xi32>
        tpu.vector_store_idx %arg13[%broadcast_in_dim3A_12, %add3A_245, %broadcast_in_dim3A_472], %gather3A_470 masked %lt3A_241 : memref<1x64x128xf32, #tpu.memory_space<vmem>>[vector<16xi32>, vector<16xi32>, vector<16xi32>], vector<16xf32>, vector<16xi1>
        tpu.vector_store_idx %arg14[%add3A_245], %get3A_236 masked %lt3A_241 : memref<64xi32, #tpu.memory_space<vmem>>[vector<16xi32>], vector<16xi32>, vector<16xi1>
        %min3A = arith.constant 16 : i32
        %min3A_473 = arith.minsi %sub3A_239, %min3A : i32
        %add3A_474 = arith.addi %while3A_231, %min3A_473 : i32
        %gt3A_475 = arith.constant 48 : i32
        %gt3A_476 = arith.cmpi sgt, %add3A_474, %gt3A_475 : i32
        %convert_element_type3A_477 = arith.extui %gt3A_476 : i1 to i32
        %cond3A_478 = arith.constant 0 : i32
        %cond3A_479 = arith.cmpi ne, %convert_element_type3A_477, %cond3A_478 : i32
        scf.if %cond3A_479 {
          %dma_start3A_482 = arith.constant 0 : i32
          %dma_start3A_483 = arith.constant 0 : i32
          %dma_start3A_484 = arith.constant 0 : i32
          %dma_start3A_485 = tpu.memref_slice %arg13[%dma_start3A_482, %dma_start3A_483, %dma_start3A_484] : memref<1x64x128xf32, #tpu.memory_space<vmem>> -> memref<1x64x128xf32, #tpu.memory_space<vmem>>
          %dma_start3A_486 = tpu.memref_squeeze %dma_start3A_485 : memref<1x64x128xf32, #tpu.memory_space<vmem>> -> memref<64x128xf32, #tpu.memory_space<vmem>>
          %dma_start3A_487 = arith.constant 0 : i32
          %dma_start3A_488 = arith.constant 0 : i32
          %dma_start3A_489 = tpu.memref_slice %arg5[%dma_start3A_487, %dma_start3A_488] : memref<16448x128xf32, #tpu.memory_space<hbm>> -> memref<16448x128xf32, #tpu.memory_space<hbm>>
          tpu.enqueue_indirect_dma source(%dma_start3A_486 : memref<64x128xf32, #tpu.memory_space<vmem>>) target(%dma_start3A_489 : memref<16448x128xf32, #tpu.memory_space<hbm>>) offsets(%arg14 : memref<64xi32, #tpu.memory_space<vmem>>) semaphore(%arg17 : memref<!tpu.dma_semaphore, #tpu.memory_space<semaphore_mem>>)
          %dma_wait3A_490 = arith.constant 0 : i32
          %dma_wait3A_491 = arith.constant 0 : i32
          %dma_wait3A_492 = arith.constant 0 : i32
          %dma_wait3A_493 = tpu.memref_slice %arg13[%dma_wait3A_490, %dma_wait3A_491, %dma_wait3A_492] : memref<1x64x128xf32, #tpu.memory_space<vmem>> -> memref<1x64x128xf32, #tpu.memory_space<vmem>>
          %dma_wait3A_494 = tpu.memref_squeeze %dma_wait3A_493 : memref<1x64x128xf32, #tpu.memory_space<vmem>> -> memref<64x128xf32, #tpu.memory_space<vmem>>
          %dma_wait3A_495 = arith.constant 0 : i32
          %dma_wait3A_496 = arith.constant 0 : i32
          %dma_wait3A_497 = tpu.memref_slice %arg5[%dma_wait3A_495, %dma_wait3A_496] : memref<16448x128xf32, #tpu.memory_space<hbm>> -> memref<16448x128xf32, #tpu.memory_space<hbm>>
          tpu.wait_indirect_dma semaphore(%arg17 : memref<!tpu.dma_semaphore, #tpu.memory_space<semaphore_mem>>) src(%dma_wait3A_494 : memref<64x128xf32, #tpu.memory_space<vmem>>) dst(%dma_wait3A_497 : memref<16448x128xf32, #tpu.memory_space<hbm>>)
        } else {
        }
        %jit3A_480 = arith.constant 0 : i32
        %select_n3A_481 = arith.select %gt3A_476, %jit3A_480, %add3A_474 : i32
        scf.yield %select_n3A_481 : i32
      }
      %while3A_228 = arith.constant 1 : i32
      %while3A_229 = scf.for %while3A_230 = %while3A_225 to %while3A_221 step %while3A_228 iter_args(%while3A_231 = %while3A_227) -> (i32)  : i32 {
        %mul3A_232 = arith.constant 16 : i32
        %mul3A_233 = arith.muli %while3A_230, %mul3A_232 : i32
        %get3A = arith.index_cast %mul3A_233 : i32 to index
        %get3A_234 = tpu.vector_load %arg11[%get3A] {strides = array<i32>} : memref<16384xi32, #tpu.memory_space<vmem>>, vector<16xi32>,
        %get3A_235 = arith.index_cast %mul3A_233 : i32 to index
        %get3A_236 = tpu.vector_load %arg12[%get3A_235] {strides = array<i32>} : memref<16384xi32, #tpu.memory_space<vmem>>, vector<16xi32>,
        %mul3A_237 = arith.constant 16 : i32
        %mul3A_238 = arith.muli %while3A_230, %mul3A_237 : i32
        %sub3A_239 = arith.subi %while3A_212, %mul3A_238 : i32
        %lt3A_240 = vector.broadcast %sub3A_239 : i32 to vector<16xi32>
        %lt3A_241 = arith.cmpi slt, %iota3A, %lt3A_240 : vector<16xi32>
        %sub3A_242 = vector.broadcast %multiple_of3A_195 : i32 to vector<16xi32>
        %sub3A_243 = arith.subi %get3A_234, %sub3A_242 : vector<16xi32>
        %add3A_244 = vector.broadcast %while3A_231 : i32 to vector<16xi32>
        %add3A_245 = arith.addi %add3A_244, %iota3A : vector<16xi32>
        %broadcast_in_dim3A_246 = arith.constant 0 : i32
        %broadcast_in_dim3A_247 = vector.broadcast %broadcast_in_dim3A_246 : i32 to vector<16xi32>
        %add3A_248 = vector.broadcast %rem3A_126 : i32 to vector<16xi32>
        %add3A_249 = arith.addi %broadcast_in_dim3A_247, %add3A_248 : vector<16xi32>
        %broadcast_in_dim3A_250 = arith.constant 0 : i32
        %broadcast_in_dim3A_251 = vector.broadcast %broadcast_in_dim3A_250 : i32 to vector<16xi32>
        %broadcast_in_dim3A_252 = arith.constant 0 : i32
        %broadcast_in_dim3A_253 = vector.broadcast %broadcast_in_dim3A_252 : i32 to vector<16xi32>
        %gather3A = tpu.vector_load_idx %arg10[%add3A_249, %broadcast_in_dim3A_251, %broadcast_in_dim3A_253, %sub3A_243] masked %lt3A_241 : memref<3x4x8x512xf32, #tpu.memory_space<vmem>>[vector<16xi32>, vector<16xi32>, vector<16xi32>, vector<16xi32>], vector<16xf32>, vector<16xi1>
        %broadcast_in_dim3A_254 = arith.constant 0 : i32
        %broadcast_in_dim3A_255 = vector.broadcast %broadcast_in_dim3A_254 : i32 to vector<16xi32>
        tpu.vector_store_idx %arg13[%broadcast_in_dim3A_12, %add3A_245, %broadcast_in_dim3A_255], %gather3A masked %lt3A_241 : memref<1x64x128xf32, #tpu.memory_space<vmem>>[vector<16xi32>, vector<16xi32>, vector<16xi32>], vector<16xf32>, vector<16xi1>
        %broadcast_in_dim3A_256 = arith.constant 0 : i32
        %broadcast_in_dim3A_257 = vector.broadcast %broadcast_in_dim3A_256 : i32 to vector<16xi32>
        %broadcast_in_dim3A_258 = arith.constant 1 : i32
        %broadcast_in_dim3A_259 = vector.broadcast %broadcast_in_dim3A_258 : i32 to vector<16xi32>
        %gather3A_260 = tpu.vector_load_idx %arg10[%add3A_249, %broadcast_in_dim3A_257, %broadcast_in_dim3A_259, %sub3A_243] masked %lt3A_241 : memref<3x4x8x512xf32, #tpu.memory_space<vmem>>[vector<16xi32>, vector<16xi32>, vector<16xi32>, vector<16xi32>], vector<16xf32>, vector<16xi1>
        %broadcast_in_dim3A_261 = arith.constant 1 : i32
        %broadcast_in_dim3A_262 = vector.broadcast %broadcast_in_dim3A_261 : i32 to vector<16xi32>
        tpu.vector_store_idx %arg13[%broadcast_in_dim3A_12, %add3A_245, %broadcast_in_dim3A_262], %gather3A_260 masked %lt3A_241 : memref<1x64x128xf32, #tpu.memory_space<vmem>>[vector<16xi32>, vector<16xi32>, vector<16xi32>], vector<16xf32>, vector<16xi1>
        %broadcast_in_dim3A_263 = arith.constant 0 : i32
        %broadcast_in_dim3A_264 = vector.broadcast %broadcast_in_dim3A_263 : i32 to vector<16xi32>
        %broadcast_in_dim3A_265 = arith.constant 2 : i32
        %broadcast_in_dim3A_266 = vector.broadcast %broadcast_in_dim3A_265 : i32 to vector<16xi32>
        %gather3A_267 = tpu.vector_load_idx %arg10[%add3A_249, %broadcast_in_dim3A_264, %broadcast_in_dim3A_266, %sub3A_243] masked %lt3A_241 : memref<3x4x8x512xf32, #tpu.memory_space<vmem>>[vector<16xi32>, vector<16xi32>, vector<16xi32>, vector<16xi32>], vector<16xf32>, vector<16xi1>
        %broadcast_in_dim3A_268 = arith.constant 2 : i32
        %broadcast_in_dim3A_269 = vector.broadcast %broadcast_in_dim3A_268 : i32 to vector<16xi32>
        tpu.vector_store_idx %arg13[%broadcast_in_dim3A_12, %add3A_245, %broadcast_in_dim3A_269], %gather3A_267 masked %lt3A_241 : memref<1x64x128xf32, #tpu.memory_space<vmem>>[vector<16xi32>, vector<16xi32>, vector<16xi32>], vector<16xf32>, vector<16xi1>
        %broadcast_in_dim3A_270 = arith.constant 0 : i32
        %broadcast_in_dim3A_271 = vector.broadcast %broadcast_in_dim3A_270 : i32 to vector<16xi32>
        %broadcast_in_dim3A_272 = arith.constant 3 : i32
        %broadcast_in_dim3A_273 = vector.broadcast %broadcast_in_dim3A_272 : i32 to vector<16xi32>
        %gather3A_274 = tpu.vector_load_idx %arg10[%add3A_249, %broadcast_in_dim3A_271, %broadcast_in_dim3A_273, %sub3A_243] masked %lt3A_241 : memref<3x4x8x512xf32, #tpu.memory_space<vmem>>[vector<16xi32>, vector<16xi32>, vector<16xi32>, vector<16xi32>], vector<16xf32>, vector<16xi1>
        %broadcast_in_dim3A_275 = arith.constant 3 : i32
        %broadcast_in_dim3A_276 = vector.broadcast %broadcast_in_dim3A_275 : i32 to vector<16xi32>
        tpu.vector_store_idx %arg13[%broadcast_in_dim3A_12, %add3A_245, %broadcast_in_dim3A_276], %gather3A_274 masked %lt3A_241 : memref<1x64x128xf32, #tpu.memory_space<vmem>>[vector<16xi32>, vector<16xi32>, vector<16xi32>], vector<16xf32>, vector<16xi1>
        %broadcast_in_dim3A_277 = arith.constant 0 : i32
        %broadcast_in_dim3A_278 = vector.broadcast %broadcast_in_dim3A_277 : i32 to vector<16xi32>
        %broadcast_in_dim3A_279 = arith.constant 4 : i32
        %broadcast_in_dim3A_280 = vector.broadcast %broadcast_in_dim3A_279 : i32 to vector<16xi32>
        %gather3A_281 = tpu.vector_load_idx %arg10[%add3A_249, %broadcast_in_dim3A_278, %broadcast_in_dim3A_280, %sub3A_243] masked %lt3A_241 : memref<3x4x8x512xf32, #tpu.memory_space<vmem>>[vector<16xi32>, vector<16xi32>, vector<16xi32>, vector<16xi32>], vector<16xf32>, vector<16xi1>
        %broadcast_in_dim3A_282 = arith.constant 4 : i32
        %broadcast_in_dim3A_283 = vector.broadcast %broadcast_in_dim3A_282 : i32 to vector<16xi32>
        tpu.vector_store_idx %arg13[%broadcast_in_dim3A_12, %add3A_245, %broadcast_in_dim3A_283], %gather3A_281 masked %lt3A_241 : memref<1x64x128xf32, #tpu.memory_space<vmem>>[vector<16xi32>, vector<16xi32>, vector<16xi32>], vector<16xf32>, vector<16xi1>
        %broadcast_in_dim3A_284 = arith.constant 0 : i32
        %broadcast_in_dim3A_285 = vector.broadcast %broadcast_in_dim3A_284 : i32 to vector<16xi32>
        %broadcast_in_dim3A_286 = arith.constant 5 : i32
        %broadcast_in_dim3A_287 = vector.broadcast %broadcast_in_dim3A_286 : i32 to vector<16xi32>
        %gather3A_288 = tpu.vector_load_idx %arg10[%add3A_249, %broadcast_in_dim3A_285, %broadcast_in_dim3A_287, %sub3A_243] masked %lt3A_241 : memref<3x4x8x512xf32, #tpu.memory_space<vmem>>[vector<16xi32>, vector<16xi32>, vector<16xi32>, vector<16xi32>], vector<16xf32>, vector<16xi1>
        %broadcast_in_dim3A_289 = arith.constant 5 : i32
        %broadcast_in_dim3A_290 = vector.broadcast %broadcast_in_dim3A_289 : i32 to vector<16xi32>
        tpu.vector_store_idx %arg13[%broadcast_in_dim3A_12, %add3A_245, %broadcast_in_dim3A_290], %gather3A_288 masked %lt3A_241 : memref<1x64x128xf32, #tpu.memory_space<vmem>>[vector<16xi32>, vector<16xi32>, vector<16xi32>], vector<16xf32>, vector<16xi1>
        %broadcast_in_dim3A_291 = arith.constant 0 : i32
        %broadcast_in_dim3A_292 = vector.broadcast %broadcast_in_dim3A_291 : i32 to vector<16xi32>
        %broadcast_in_dim3A_293 = arith.constant 6 : i32
        %broadcast_in_dim3A_294 = vector.broadcast %broadcast_in_dim3A_293 : i32 to vector<16xi32>
        %gather3A_295 = tpu.vector_load_idx %arg10[%add3A_249, %broadcast_in_dim3A_292, %broadcast_in_dim3A_294, %sub3A_243] masked %lt3A_241 : memref<3x4x8x512xf32, #tpu.memory_space<vmem>>[vector<16xi32>, vector<16xi32>, vector<16xi32>, vector<16xi32>], vector<16xf32>, vector<16xi1>
        %broadcast_in_dim3A_296 = arith.constant 6 : i32
        %broadcast_in_dim3A_297 = vector.broadcast %broadcast_in_dim3A_296 : i32 to vector<16xi32>
        tpu.vector_store_idx %arg13[%broadcast_in_dim3A_12, %add3A_245, %broadcast_in_dim3A_297], %gather3A_295 masked %lt3A_241 : memref<1x64x128xf32, #tpu.memory_space<vmem>>[vector<16xi32>, vector<16xi32>, vector<16xi32>], vector<16xf32>, vector<16xi1>
        %broadcast_in_dim3A_298 = arith.constant 0 : i32
        %broadcast_in_dim3A_299 = vector.broadcast %broadcast_in_dim3A_298 : i32 to vector<16xi32>
        %broadcast_in_dim3A_300 = arith.constant 7 : i32
        %broadcast_in_dim3A_301 = vector.broadcast %broadcast_in_dim3A_300 : i32 to vector<16xi32>
        %gather3A_302 = tpu.vector_load_idx %arg10[%add3A_249, %broadcast_in_dim3A_299, %broadcast_in_dim3A_301, %sub3A_243] masked %lt3A_241 : memref<3x4x8x512xf32, #tpu.memory_space<vmem>>[vector<16xi32>, vector<16xi32>, vector<16xi32>, vector<16xi32>], vector<16xf32>, vector<16xi1>
        %broadcast_in_dim3A_303 = arith.constant 7 : i32
        %broadcast_in_dim3A_304 = vector.broadcast %broadcast_in_dim3A_303 : i32 to vector<16xi32>
        tpu.vector_store_idx %arg13[%broadcast_in_dim3A_12, %add3A_245, %broadcast_in_dim3A_304], %gather3A_302 masked %lt3A_241 : memref<1x64x128xf32, #tpu.memory_space<vmem>>[vector<16xi32>, vector<16xi32>, vector<16xi32>], vector<16xf32>, vector<16xi1>
        %broadcast_in_dim3A_305 = arith.constant 1 : i32
        %broadcast_in_dim3A_306 = vector.broadcast %broadcast_in_dim3A_305 : i32 to vector<16xi32>
        %broadcast_in_dim3A_307 = arith.constant 0 : i32
        %broadcast_in_dim3A_308 = vector.broadcast %broadcast_in_dim3A_307 : i32 to vector<16xi32>
        %gather3A_309 = tpu.vector_load_idx %arg10[%add3A_249, %broadcast_in_dim3A_306, %broadcast_in_dim3A_308, %sub3A_243] masked %lt3A_241 : memref<3x4x8x512xf32, #tpu.memory_space<vmem>>[vector<16xi32>, vector<16xi32>, vector<16xi32>, vector<16xi32>], vector<16xf32>, vector<16xi1>
        %broadcast_in_dim3A_310 = arith.constant 8 : i32
        %broadcast_in_dim3A_311 = vector.broadcast %broadcast_in_dim3A_310 : i32 to vector<16xi32>
        tpu.vector_store_idx %arg13[%broadcast_in_dim3A_12, %add3A_245, %broadcast_in_dim3A_311], %gather3A_309 masked %lt3A_241 : memref<1x64x128xf32, #tpu.memory_space<vmem>>[vector<16xi32>, vector<16xi32>, vector<16xi32>], vector<16xf32>, vector<16xi1>
        %broadcast_in_dim3A_312 = arith.constant 1 : i32
        %broadcast_in_dim3A_313 = vector.broadcast %broadcast_in_dim3A_312 : i32 to vector<16xi32>
        %broadcast_in_dim3A_314 = arith.constant 1 : i32
        %broadcast_in_dim3A_315 = vector.broadcast %broadcast_in_dim3A_314 : i32 to vector<16xi32>
        %gather3A_316 = tpu.vector_load_idx %arg10[%add3A_249, %broadcast_in_dim3A_313, %broadcast_in_dim3A_315, %sub3A_243] masked %lt3A_241 : memref<3x4x8x512xf32, #tpu.memory_space<vmem>>[vector<16xi32>, vector<16xi32>, vector<16xi32>, vector<16xi32>], vector<16xf32>, vector<16xi1>
        %broadcast_in_dim3A_317 = arith.constant 9 : i32
        %broadcast_in_dim3A_318 = vector.broadcast %broadcast_in_dim3A_317 : i32 to vector<16xi32>
        tpu.vector_store_idx %arg13[%broadcast_in_dim3A_12, %add3A_245, %broadcast_in_dim3A_318], %gather3A_316 masked %lt3A_241 : memref<1x64x128xf32, #tpu.memory_space<vmem>>[vector<16xi32>, vector<16xi32>, vector<16xi32>], vector<16xf32>, vector<16xi1>
        %broadcast_in_dim3A_319 = arith.constant 1 : i32
        %broadcast_in_dim3A_320 = vector.broadcast %broadcast_in_dim3A_319 : i32 to vector<16xi32>
        %broadcast_in_dim3A_321 = arith.constant 2 : i32
        %broadcast_in_dim3A_322 = vector.broadcast %broadcast_in_dim3A_321 : i32 to vector<16xi32>
        %gather3A_323 = tpu.vector_load_idx %arg10[%add3A_249, %broadcast_in_dim3A_320, %broadcast_in_dim3A_322, %sub3A_243] masked %lt3A_241 : memref<3x4x8x512xf32, #tpu.memory_space<vmem>>[vector<16xi32>, vector<16xi32>, vector<16xi32>, vector<16xi32>], vector<16xf32>, vector<16xi1>
        %broadcast_in_dim3A_324 = arith.constant 10 : i32
        %broadcast_in_dim3A_325 = vector.broadcast %broadcast_in_dim3A_324 : i32 to vector<16xi32>
        tpu.vector_store_idx %arg13[%broadcast_in_dim3A_12, %add3A_245, %broadcast_in_dim3A_325], %gather3A_323 masked %lt3A_241 : memref<1x64x128xf32, #tpu.memory_space<vmem>>[vector<16xi32>, vector<16xi32>, vector<16xi32>], vector<16xf32>, vector<16xi1>
        %broadcast_in_dim3A_326 = arith.constant 1 : i32
        %broadcast_in_dim3A_327 = vector.broadcast %broadcast_in_dim3A_326 : i32 to vector<16xi32>
        %broadcast_in_dim3A_328 = arith.constant 3 : i32
        %broadcast_in_dim3A_329 = vector.broadcast %broadcast_in_dim3A_328 : i32 to vector<16xi32>
        %gather3A_330 = tpu.vector_load_idx %arg10[%add3A_249, %broadcast_in_dim3A_327, %broadcast_in_dim3A_329, %sub3A_243] masked %lt3A_241 : memref<3x4x8x512xf32, #tpu.memory_space<vmem>>[vector<16xi32>, vector<16xi32>, vector<16xi32>, vector<16xi32>], vector<16xf32>, vector<16xi1>
        %broadcast_in_dim3A_331 = arith.constant 11 : i32
        %broadcast_in_dim3A_332 = vector.broadcast %broadcast_in_dim3A_331 : i32 to vector<16xi32>
        tpu.vector_store_idx %arg13[%broadcast_in_dim3A_12, %add3A_245, %broadcast_in_dim3A_332], %gather3A_330 masked %lt3A_241 : memref<1x64x128xf32, #tpu.memory_space<vmem>>[vector<16xi32>, vector<16xi32>, vector<16xi32>], vector<16xf32>, vector<16xi1>
        %broadcast_in_dim3A_333 = arith.constant 1 : i32
        %broadcast_in_dim3A_334 = vector.broadcast %broadcast_in_dim3A_333 : i32 to vector<16xi32>
        %broadcast_in_dim3A_335 = arith.constant 4 : i32
        %broadcast_in_dim3A_336 = vector.broadcast %broadcast_in_dim3A_335 : i32 to vector<16xi32>
        %gather3A_337 = tpu.vector_load_idx %arg10[%add3A_249, %broadcast_in_dim3A_334, %broadcast_in_dim3A_336, %sub3A_243] masked %lt3A_241 : memref<3x4x8x512xf32, #tpu.memory_space<vmem>>[vector<16xi32>, vector<16xi32>, vector<16xi32>, vector<16xi32>], vector<16xf32>, vector<16xi1>
        %broadcast_in_dim3A_338 = arith.constant 12 : i32
        %broadcast_in_dim3A_339 = vector.broadcast %broadcast_in_dim3A_338 : i32 to vector<16xi32>
        tpu.vector_store_idx %arg13[%broadcast_in_dim3A_12, %add3A_245, %broadcast_in_dim3A_339], %gather3A_337 masked %lt3A_241 : memref<1x64x128xf32, #tpu.memory_space<vmem>>[vector<16xi32>, vector<16xi32>, vector<16xi32>], vector<16xf32>, vector<16xi1>
        %broadcast_in_dim3A_340 = arith.constant 1 : i32
        %broadcast_in_dim3A_341 = vector.broadcast %broadcast_in_dim3A_340 : i32 to vector<16xi32>
        %broadcast_in_dim3A_342 = arith.constant 5 : i32
        %broadcast_in_dim3A_343 = vector.broadcast %broadcast_in_dim3A_342 : i32 to vector<16xi32>
        %gather3A_344 = tpu.vector_load_idx %arg10[%add3A_249, %broadcast_in_dim3A_341, %broadcast_in_dim3A_343, %sub3A_243] masked %lt3A_241 : memref<3x4x8x512xf32, #tpu.memory_space<vmem>>[vector<16xi32>, vector<16xi32>, vector<16xi32>, vector<16xi32>], vector<16xf32>, vector<16xi1>
        %broadcast_in_dim3A_345 = arith.constant 13 : i32
        %broadcast_in_dim3A_346 = vector.broadcast %broadcast_in_dim3A_345 : i32 to vector<16xi32>
        tpu.vector_store_idx %arg13[%broadcast_in_dim3A_12, %add3A_245, %broadcast_in_dim3A_346], %gather3A_344 masked %lt3A_241 : memref<1x64x128xf32, #tpu.memory_space<vmem>>[vector<16xi32>, vector<16xi32>, vector<16xi32>], vector<16xf32>, vector<16xi1>
        %broadcast_in_dim3A_347 = arith.constant 1 : i32
        %broadcast_in_dim3A_348 = vector.broadcast %broadcast_in_dim3A_347 : i32 to vector<16xi32>
        %broadcast_in_dim3A_349 = arith.constant 6 : i32
        %broadcast_in_dim3A_350 = vector.broadcast %broadcast_in_dim3A_349 : i32 to vector<16xi32>
        %gather3A_351 = tpu.vector_load_idx %arg10[%add3A_249, %broadcast_in_dim3A_348, %broadcast_in_dim3A_350, %sub3A_243] masked %lt3A_241 : memref<3x4x8x512xf32, #tpu.memory_space<vmem>>[vector<16xi32>, vector<16xi32>, vector<16xi32>, vector<16xi32>], vector<16xf32>, vector<16xi1>
        %broadcast_in_dim3A_352 = arith.constant 14 : i32
        %broadcast_in_dim3A_353 = vector.broadcast %broadcast_in_dim3A_352 : i32 to vector<16xi32>
        tpu.vector_store_idx %arg13[%broadcast_in_dim3A_12, %add3A_245, %broadcast_in_dim3A_353], %gather3A_351 masked %lt3A_241 : memref<1x64x128xf32, #tpu.memory_space<vmem>>[vector<16xi32>, vector<16xi32>, vector<16xi32>], vector<16xf32>, vector<16xi1>
        %broadcast_in_dim3A_354 = arith.constant 1 : i32
        %broadcast_in_dim3A_355 = vector.broadcast %broadcast_in_dim3A_354 : i32 to vector<16xi32>
        %broadcast_in_dim3A_356 = arith.constant 7 : i32
        %broadcast_in_dim3A_357 = vector.broadcast %broadcast_in_dim3A_356 : i32 to vector<16xi32>
        %gather3A_358 = tpu.vector_load_idx %arg10[%add3A_249, %broadcast_in_dim3A_355, %broadcast_in_dim3A_357, %sub3A_243] masked %lt3A_241 : memref<3x4x8x512xf32, #tpu.memory_space<vmem>>[vector<16xi32>, vector<16xi32>, vector<16xi32>, vector<16xi32>], vector<16xf32>, vector<16xi1>
        %broadcast_in_dim3A_359 = arith.constant 15 : i32
        %broadcast_in_dim3A_360 = vector.broadcast %broadcast_in_dim3A_359 : i32 to vector<16xi32>
        tpu.vector_store_idx %arg13[%broadcast_in_dim3A_12, %add3A_245, %broadcast_in_dim3A_360], %gather3A_358 masked %lt3A_241 : memref<1x64x128xf32, #tpu.memory_space<vmem>>[vector<16xi32>, vector<16xi32>, vector<16xi32>], vector<16xf32>, vector<16xi1>
        %broadcast_in_dim3A_361 = arith.constant 2 : i32
        %broadcast_in_dim3A_362 = vector.broadcast %broadcast_in_dim3A_361 : i32 to vector<16xi32>
        %broadcast_in_dim3A_363 = arith.constant 0 : i32
        %broadcast_in_dim3A_364 = vector.broadcast %broadcast_in_dim3A_363 : i32 to vector<16xi32>
        %gather3A_365 = tpu.vector_load_idx %arg10[%add3A_249, %broadcast_in_dim3A_362, %broadcast_in_dim3A_364, %sub3A_243] masked %lt3A_241 : memref<3x4x8x512xf32, #tpu.memory_space<vmem>>[vector<16xi32>, vector<16xi32>, vector<16xi32>, vector<16xi32>], vector<16xf32>, vector<16xi1>
        %broadcast_in_dim3A_366 = arith.constant 16 : i32
        %broadcast_in_dim3A_367 = vector.broadcast %broadcast_in_dim3A_366 : i32 to vector<16xi32>
        tpu.vector_store_idx %arg13[%broadcast_in_dim3A_12, %add3A_245, %broadcast_in_dim3A_367], %gather3A_365 masked %lt3A_241 : memref<1x64x128xf32, #tpu.memory_space<vmem>>[vector<16xi32>, vector<16xi32>, vector<16xi32>], vector<16xf32>, vector<16xi1>
        %broadcast_in_dim3A_368 = arith.constant 2 : i32
        %broadcast_in_dim3A_369 = vector.broadcast %broadcast_in_dim3A_368 : i32 to vector<16xi32>
        %broadcast_in_dim3A_370 = arith.constant 1 : i32
        %broadcast_in_dim3A_371 = vector.broadcast %broadcast_in_dim3A_370 : i32 to vector<16xi32>
        %gather3A_372 = tpu.vector_load_idx %arg10[%add3A_249, %broadcast_in_dim3A_369, %broadcast_in_dim3A_371, %sub3A_243] masked %lt3A_241 : memref<3x4x8x512xf32, #tpu.memory_space<vmem>>[vector<16xi32>, vector<16xi32>, vector<16xi32>, vector<16xi32>], vector<16xf32>, vector<16xi1>
        %broadcast_in_dim3A_373 = arith.constant 17 : i32
        %broadcast_in_dim3A_374 = vector.broadcast %broadcast_in_dim3A_373 : i32 to vector<16xi32>
        tpu.vector_store_idx %arg13[%broadcast_in_dim3A_12, %add3A_245, %broadcast_in_dim3A_374], %gather3A_372 masked %lt3A_241 : memref<1x64x128xf32, #tpu.memory_space<vmem>>[vector<16xi32>, vector<16xi32>, vector<16xi32>], vector<16xf32>, vector<16xi1>
        %broadcast_in_dim3A_375 = arith.constant 2 : i32
        %broadcast_in_dim3A_376 = vector.broadcast %broadcast_in_dim3A_375 : i32 to vector<16xi32>
        %broadcast_in_dim3A_377 = arith.constant 2 : i32
        %broadcast_in_dim3A_378 = vector.broadcast %broadcast_in_dim3A_377 : i32 to vector<16xi32>
        %gather3A_379 = tpu.vector_load_idx %arg10[%add3A_249, %broadcast_in_dim3A_376, %broadcast_in_dim3A_378, %sub3A_243] masked %lt3A_241 : memref<3x4x8x512xf32, #tpu.memory_space<vmem>>[vector<16xi32>, vector<16xi32>, vector<16xi32>, vector<16xi32>], vector<16xf32>, vector<16xi1>
        %broadcast_in_dim3A_380 = arith.constant 18 : i32
        %broadcast_in_dim3A_381 = vector.broadcast %broadcast_in_dim3A_380 : i32 to vector<16xi32>
        tpu.vector_store_idx %arg13[%broadcast_in_dim3A_12, %add3A_245, %broadcast_in_dim3A_381], %gather3A_379 masked %lt3A_241 : memref<1x64x128xf32, #tpu.memory_space<vmem>>[vector<16xi32>, vector<16xi32>, vector<16xi32>], vector<16xf32>, vector<16xi1>
        %broadcast_in_dim3A_382 = arith.constant 2 : i32
        %broadcast_in_dim3A_383 = vector.broadcast %broadcast_in_dim3A_382 : i32 to vector<16xi32>
        %broadcast_in_dim3A_384 = arith.constant 3 : i32
        %broadcast_in_dim3A_385 = vector.broadcast %broadcast_in_dim3A_384 : i32 to vector<16xi32>
        %gather3A_386 = tpu.vector_load_idx %arg10[%add3A_249, %broadcast_in_dim3A_383, %broadcast_in_dim3A_385, %sub3A_243] masked %lt3A_241 : memref<3x4x8x512xf32, #tpu.memory_space<vmem>>[vector<16xi32>, vector<16xi32>, vector<16xi32>, vector<16xi32>], vector<16xf32>, vector<16xi1>
        %broadcast_in_dim3A_387 = arith.constant 19 : i32
        %broadcast_in_dim3A_388 = vector.broadcast %broadcast_in_dim3A_387 : i32 to vector<16xi32>
        tpu.vector_store_idx %arg13[%broadcast_in_dim3A_12, %add3A_245, %broadcast_in_dim3A_388], %gather3A_386 masked %lt3A_241 : memref<1x64x128xf32, #tpu.memory_space<vmem>>[vector<16xi32>, vector<16xi32>, vector<16xi32>], vector<16xf32>, vector<16xi1>
        %broadcast_in_dim3A_389 = arith.constant 2 : i32
        %broadcast_in_dim3A_390 = vector.broadcast %broadcast_in_dim3A_389 : i32 to vector<16xi32>
        %broadcast_in_dim3A_391 = arith.constant 4 : i32
        %broadcast_in_dim3A_392 = vector.broadcast %broadcast_in_dim3A_391 : i32 to vector<16xi32>
        %gather3A_393 = tpu.vector_load_idx %arg10[%add3A_249, %broadcast_in_dim3A_390, %broadcast_in_dim3A_392, %sub3A_243] masked %lt3A_241 : memref<3x4x8x512xf32, #tpu.memory_space<vmem>>[vector<16xi32>, vector<16xi32>, vector<16xi32>, vector<16xi32>], vector<16xf32>, vector<16xi1>
        %broadcast_in_dim3A_394 = arith.constant 20 : i32
        %broadcast_in_dim3A_395 = vector.broadcast %broadcast_in_dim3A_394 : i32 to vector<16xi32>
        tpu.vector_store_idx %arg13[%broadcast_in_dim3A_12, %add3A_245, %broadcast_in_dim3A_395], %gather3A_393 masked %lt3A_241 : memref<1x64x128xf32, #tpu.memory_space<vmem>>[vector<16xi32>, vector<16xi32>, vector<16xi32>], vector<16xf32>, vector<16xi1>
        %broadcast_in_dim3A_396 = arith.constant 2 : i32
        %broadcast_in_dim3A_397 = vector.broadcast %broadcast_in_dim3A_396 : i32 to vector<16xi32>
        %broadcast_in_dim3A_398 = arith.constant 5 : i32
        %broadcast_in_dim3A_399 = vector.broadcast %broadcast_in_dim3A_398 : i32 to vector<16xi32>
        %gather3A_400 = tpu.vector_load_idx %arg10[%add3A_249, %broadcast_in_dim3A_397, %broadcast_in_dim3A_399, %sub3A_243] masked %lt3A_241 : memref<3x4x8x512xf32, #tpu.memory_space<vmem>>[vector<16xi32>, vector<16xi32>, vector<16xi32>, vector<16xi32>], vector<16xf32>, vector<16xi1>
        %broadcast_in_dim3A_401 = arith.constant 21 : i32
        %broadcast_in_dim3A_402 = vector.broadcast %broadcast_in_dim3A_401 : i32 to vector<16xi32>
        tpu.vector_store_idx %arg13[%broadcast_in_dim3A_12, %add3A_245, %broadcast_in_dim3A_402], %gather3A_400 masked %lt3A_241 : memref<1x64x128xf32, #tpu.memory_space<vmem>>[vector<16xi32>, vector<16xi32>, vector<16xi32>], vector<16xf32>, vector<16xi1>
        %broadcast_in_dim3A_403 = arith.constant 2 : i32
        %broadcast_in_dim3A_404 = vector.broadcast %broadcast_in_dim3A_403 : i32 to vector<16xi32>
        %broadcast_in_dim3A_405 = arith.constant 6 : i32
        %broadcast_in_dim3A_406 = vector.broadcast %broadcast_in_dim3A_405 : i32 to vector<16xi32>
        %gather3A_407 = tpu.vector_load_idx %arg10[%add3A_249, %broadcast_in_dim3A_404, %broadcast_in_dim3A_406, %sub3A_243] masked %lt3A_241 : memref<3x4x8x512xf32, #tpu.memory_space<vmem>>[vector<16xi32>, vector<16xi32>, vector<16xi32>, vector<16xi32>], vector<16xf32>, vector<16xi1>
        %broadcast_in_dim3A_408 = arith.constant 22 : i32
        %broadcast_in_dim3A_409 = vector.broadcast %broadcast_in_dim3A_408 : i32 to vector<16xi32>
        tpu.vector_store_idx %arg13[%broadcast_in_dim3A_12, %add3A_245, %broadcast_in_dim3A_409], %gather3A_407 masked %lt3A_241 : memref<1x64x128xf32, #tpu.memory_space<vmem>>[vector<16xi32>, vector<16xi32>, vector<16xi32>], vector<16xf32>, vector<16xi1>
        %broadcast_in_dim3A_410 = arith.constant 2 : i32
        %broadcast_in_dim3A_411 = vector.broadcast %broadcast_in_dim3A_410 : i32 to vector<16xi32>
        %broadcast_in_dim3A_412 = arith.constant 7 : i32
        %broadcast_in_dim3A_413 = vector.broadcast %broadcast_in_dim3A_412 : i32 to vector<16xi32>
        %gather3A_414 = tpu.vector_load_idx %arg10[%add3A_249, %broadcast_in_dim3A_411, %broadcast_in_dim3A_413, %sub3A_243] masked %lt3A_241 : memref<3x4x8x512xf32, #tpu.memory_space<vmem>>[vector<16xi32>, vector<16xi32>, vector<16xi32>, vector<16xi32>], vector<16xf32>, vector<16xi1>
        %broadcast_in_dim3A_415 = arith.constant 23 : i32
        %broadcast_in_dim3A_416 = vector.broadcast %broadcast_in_dim3A_415 : i32 to vector<16xi32>
        tpu.vector_store_idx %arg13[%broadcast_in_dim3A_12, %add3A_245, %broadcast_in_dim3A_416], %gather3A_414 masked %lt3A_241 : memref<1x64x128xf32, #tpu.memory_space<vmem>>[vector<16xi32>, vector<16xi32>, vector<16xi32>], vector<16xf32>, vector<16xi1>
        %broadcast_in_dim3A_417 = arith.constant 3 : i32
        %broadcast_in_dim3A_418 = vector.broadcast %broadcast_in_dim3A_417 : i32 to vector<16xi32>
        %broadcast_in_dim3A_419 = arith.constant 0 : i32
        %broadcast_in_dim3A_420 = vector.broadcast %broadcast_in_dim3A_419 : i32 to vector<16xi32>
        %gather3A_421 = tpu.vector_load_idx %arg10[%add3A_249, %broadcast_in_dim3A_418, %broadcast_in_dim3A_420, %sub3A_243] masked %lt3A_241 : memref<3x4x8x512xf32, #tpu.memory_space<vmem>>[vector<16xi32>, vector<16xi32>, vector<16xi32>, vector<16xi32>], vector<16xf32>, vector<16xi1>
        %broadcast_in_dim3A_422 = arith.constant 24 : i32
        %broadcast_in_dim3A_423 = vector.broadcast %broadcast_in_dim3A_422 : i32 to vector<16xi32>
        tpu.vector_store_idx %arg13[%broadcast_in_dim3A_12, %add3A_245, %broadcast_in_dim3A_423], %gather3A_421 masked %lt3A_241 : memref<1x64x128xf32, #tpu.memory_space<vmem>>[vector<16xi32>, vector<16xi32>, vector<16xi32>], vector<16xf32>, vector<16xi1>
        %broadcast_in_dim3A_424 = arith.constant 3 : i32
        %broadcast_in_dim3A_425 = vector.broadcast %broadcast_in_dim3A_424 : i32 to vector<16xi32>
        %broadcast_in_dim3A_426 = arith.constant 1 : i32
        %broadcast_in_dim3A_427 = vector.broadcast %broadcast_in_dim3A_426 : i32 to vector<16xi32>
        %gather3A_428 = tpu.vector_load_idx %arg10[%add3A_249, %broadcast_in_dim3A_425, %broadcast_in_dim3A_427, %sub3A_243] masked %lt3A_241 : memref<3x4x8x512xf32, #tpu.memory_space<vmem>>[vector<16xi32>, vector<16xi32>, vector<16xi32>, vector<16xi32>], vector<16xf32>, vector<16xi1>
        %broadcast_in_dim3A_429 = arith.constant 25 : i32
        %broadcast_in_dim3A_430 = vector.broadcast %broadcast_in_dim3A_429 : i32 to vector<16xi32>
        tpu.vector_store_idx %arg13[%broadcast_in_dim3A_12, %add3A_245, %broadcast_in_dim3A_430], %gather3A_428 masked %lt3A_241 : memref<1x64x128xf32, #tpu.memory_space<vmem>>[vector<16xi32>, vector<16xi32>, vector<16xi32>], vector<16xf32>, vector<16xi1>
        %broadcast_in_dim3A_431 = arith.constant 3 : i32
        %broadcast_in_dim3A_432 = vector.broadcast %broadcast_in_dim3A_431 : i32 to vector<16xi32>
        %broadcast_in_dim3A_433 = arith.constant 2 : i32
        %broadcast_in_dim3A_434 = vector.broadcast %broadcast_in_dim3A_433 : i32 to vector<16xi32>
        %gather3A_435 = tpu.vector_load_idx %arg10[%add3A_249, %broadcast_in_dim3A_432, %broadcast_in_dim3A_434, %sub3A_243] masked %lt3A_241 : memref<3x4x8x512xf32, #tpu.memory_space<vmem>>[vector<16xi32>, vector<16xi32>, vector<16xi32>, vector<16xi32>], vector<16xf32>, vector<16xi1>
        %broadcast_in_dim3A_436 = arith.constant 26 : i32
        %broadcast_in_dim3A_437 = vector.broadcast %broadcast_in_dim3A_436 : i32 to vector<16xi32>
        tpu.vector_store_idx %arg13[%broadcast_in_dim3A_12, %add3A_245, %broadcast_in_dim3A_437], %gather3A_435 masked %lt3A_241 : memref<1x64x128xf32, #tpu.memory_space<vmem>>[vector<16xi32>, vector<16xi32>, vector<16xi32>], vector<16xf32>, vector<16xi1>
        %broadcast_in_dim3A_438 = arith.constant 3 : i32
        %broadcast_in_dim3A_439 = vector.broadcast %broadcast_in_dim3A_438 : i32 to vector<16xi32>
        %broadcast_in_dim3A_440 = arith.constant 3 : i32
        %broadcast_in_dim3A_441 = vector.broadcast %broadcast_in_dim3A_440 : i32 to vector<16xi32>
        %gather3A_442 = tpu.vector_load_idx %arg10[%add3A_249, %broadcast_in_dim3A_439, %broadcast_in_dim3A_441, %sub3A_243] masked %lt3A_241 : memref<3x4x8x512xf32, #tpu.memory_space<vmem>>[vector<16xi32>, vector<16xi32>, vector<16xi32>, vector<16xi32>], vector<16xf32>, vector<16xi1>
        %broadcast_in_dim3A_443 = arith.constant 27 : i32
        %broadcast_in_dim3A_444 = vector.broadcast %broadcast_in_dim3A_443 : i32 to vector<16xi32>
        tpu.vector_store_idx %arg13[%broadcast_in_dim3A_12, %add3A_245, %broadcast_in_dim3A_444], %gather3A_442 masked %lt3A_241 : memref<1x64x128xf32, #tpu.memory_space<vmem>>[vector<16xi32>, vector<16xi32>, vector<16xi32>], vector<16xf32>, vector<16xi1>
        %broadcast_in_dim3A_445 = arith.constant 3 : i32
        %broadcast_in_dim3A_446 = vector.broadcast %broadcast_in_dim3A_445 : i32 to vector<16xi32>
        %broadcast_in_dim3A_447 = arith.constant 4 : i32
        %broadcast_in_dim3A_448 = vector.broadcast %broadcast_in_dim3A_447 : i32 to vector<16xi32>
        %gather3A_449 = tpu.vector_load_idx %arg10[%add3A_249, %broadcast_in_dim3A_446, %broadcast_in_dim3A_448, %sub3A_243] masked %lt3A_241 : memref<3x4x8x512xf32, #tpu.memory_space<vmem>>[vector<16xi32>, vector<16xi32>, vector<16xi32>, vector<16xi32>], vector<16xf32>, vector<16xi1>
        %broadcast_in_dim3A_450 = arith.constant 28 : i32
        %broadcast_in_dim3A_451 = vector.broadcast %broadcast_in_dim3A_450 : i32 to vector<16xi32>
        tpu.vector_store_idx %arg13[%broadcast_in_dim3A_12, %add3A_245, %broadcast_in_dim3A_451], %gather3A_449 masked %lt3A_241 : memref<1x64x128xf32, #tpu.memory_space<vmem>>[vector<16xi32>, vector<16xi32>, vector<16xi32>], vector<16xf32>, vector<16xi1>
        %broadcast_in_dim3A_452 = arith.constant 3 : i32
        %broadcast_in_dim3A_453 = vector.broadcast %broadcast_in_dim3A_452 : i32 to vector<16xi32>
        %broadcast_in_dim3A_454 = arith.constant 5 : i32
        %broadcast_in_dim3A_455 = vector.broadcast %broadcast_in_dim3A_454 : i32 to vector<16xi32>
        %gather3A_456 = tpu.vector_load_idx %arg10[%add3A_249, %broadcast_in_dim3A_453, %broadcast_in_dim3A_455, %sub3A_243] masked %lt3A_241 : memref<3x4x8x512xf32, #tpu.memory_space<vmem>>[vector<16xi32>, vector<16xi32>, vector<16xi32>, vector<16xi32>], vector<16xf32>, vector<16xi1>
        %broadcast_in_dim3A_457 = arith.constant 29 : i32
        %broadcast_in_dim3A_458 = vector.broadcast %broadcast_in_dim3A_457 : i32 to vector<16xi32>
        tpu.vector_store_idx %arg13[%broadcast_in_dim3A_12, %add3A_245, %broadcast_in_dim3A_458], %gather3A_456 masked %lt3A_241 : memref<1x64x128xf32, #tpu.memory_space<vmem>>[vector<16xi32>, vector<16xi32>, vector<16xi32>], vector<16xf32>, vector<16xi1>
        %broadcast_in_dim3A_459 = arith.constant 3 : i32
        %broadcast_in_dim3A_460 = vector.broadcast %broadcast_in_dim3A_459 : i32 to vector<16xi32>
        %broadcast_in_dim3A_461 = arith.constant 6 : i32
        %broadcast_in_dim3A_462 = vector.broadcast %broadcast_in_dim3A_461 : i32 to vector<16xi32>
        %gather3A_463 = tpu.vector_load_idx %arg10[%add3A_249, %broadcast_in_dim3A_460, %broadcast_in_dim3A_462, %sub3A_243] masked %lt3A_241 : memref<3x4x8x512xf32, #tpu.memory_space<vmem>>[vector<16xi32>, vector<16xi32>, vector<16xi32>, vector<16xi32>], vector<16xf32>, vector<16xi1>
        %broadcast_in_dim3A_464 = arith.constant 30 : i32
        %broadcast_in_dim3A_465 = vector.broadcast %broadcast_in_dim3A_464 : i32 to vector<16xi32>
        tpu.vector_store_idx %arg13[%broadcast_in_dim3A_12, %add3A_245, %broadcast_in_dim3A_465], %gather3A_463 masked %lt3A_241 : memref<1x64x128xf32, #tpu.memory_space<vmem>>[vector<16xi32>, vector<16xi32>, vector<16xi32>], vector<16xf32>, vector<16xi1>
        %broadcast_in_dim3A_466 = arith.constant 3 : i32
        %broadcast_in_dim3A_467 = vector.broadcast %broadcast_in_dim3A_466 : i32 to vector<16xi32>
        %broadcast_in_dim3A_468 = arith.constant 7 : i32
        %broadcast_in_dim3A_469 = vector.broadcast %broadcast_in_dim3A_468 : i32 to vector<16xi32>
        %gather3A_470 = tpu.vector_load_idx %arg10[%add3A_249, %broadcast_in_dim3A_467, %broadcast_in_dim3A_469, %sub3A_243] masked %lt3A_241 : memref<3x4x8x512xf32, #tpu.memory_space<vmem>>[vector<16xi32>, vector<16xi32>, vector<16xi32>, vector<16xi32>], vector<16xf32>, vector<16xi1>
        %broadcast_in_dim3A_471 = arith.constant 31 : i32
        %broadcast_in_dim3A_472 = vector.broadcast %broadcast_in_dim3A_471 : i32 to vector<16xi32>
        tpu.vector_store_idx %arg13[%broadcast_in_dim3A_12, %add3A_245, %broadcast_in_dim3A_472], %gather3A_470 masked %lt3A_241 : memref<1x64x128xf32, #tpu.memory_space<vmem>>[vector<16xi32>, vector<16xi32>, vector<16xi32>], vector<16xf32>, vector<16xi1>
        tpu.vector_store_idx %arg14[%add3A_245], %get3A_236 masked %lt3A_241 : memref<64xi32, #tpu.memory_space<vmem>>[vector<16xi32>], vector<16xi32>, vector<16xi1>
        %min3A = arith.constant 16 : i32
        %min3A_473 = arith.minsi %sub3A_239, %min3A : i32
        %add3A_474 = arith.addi %while3A_231, %min3A_473 : i32
        %gt3A_475 = arith.constant 48 : i32
        %gt3A_476 = arith.cmpi sgt, %add3A_474, %gt3A_475 : i32
        %convert_element_type3A_477 = arith.extui %gt3A_476 : i1 to i32
        %cond3A_478 = arith.constant 0 : i32
        %cond3A_479 = arith.cmpi ne, %convert_element_type3A_477, %cond3A_478 : i32
        scf.if %cond3A_479 {
          %dma_start3A_482 = arith.constant 0 : i32
          %dma_start3A_483 = arith.constant 0 : i32
          %dma_start3A_484 = arith.constant 0 : i32
          %dma_start3A_485 = tpu.memref_slice %arg13[%dma_start3A_482, %dma_start3A_483, %dma_start3A_484] : memref<1x64x128xf32, #tpu.memory_space<vmem>> -> memref<1x64x128xf32, #tpu.memory_space<vmem>>
          %dma_start3A_486 = tpu.memref_squeeze %dma_start3A_485 : memref<1x64x128xf32, #tpu.memory_space<vmem>> -> memref<64x128xf32, #tpu.memory_space<vmem>>
          %dma_start3A_487 = arith.constant 0 : i32
          %dma_start3A_488 = arith.constant 0 : i32
          %dma_start3A_489 = tpu.memref_slice %arg5[%dma_start3A_487, %dma_start3A_488] : memref<16448x128xf32, #tpu.memory_space<hbm>> -> memref<16448x128xf32, #tpu.memory_space<hbm>>
          tpu.enqueue_indirect_dma source(%dma_start3A_486 : memref<64x128xf32, #tpu.memory_space<vmem>>) target(%dma_start3A_489 : memref<16448x128xf32, #tpu.memory_space<hbm>>) offsets(%arg14 : memref<64xi32, #tpu.memory_space<vmem>>) semaphore(%arg17 : memref<!tpu.dma_semaphore, #tpu.memory_space<semaphore_mem>>)
          %dma_wait3A_490 = arith.constant 0 : i32
          %dma_wait3A_491 = arith.constant 0 : i32
          %dma_wait3A_492 = arith.constant 0 : i32
          %dma_wait3A_493 = tpu.memref_slice %arg13[%dma_wait3A_490, %dma_wait3A_491, %dma_wait3A_492] : memref<1x64x128xf32, #tpu.memory_space<vmem>> -> memref<1x64x128xf32, #tpu.memory_space<vmem>>
          %dma_wait3A_494 = tpu.memref_squeeze %dma_wait3A_493 : memref<1x64x128xf32, #tpu.memory_space<vmem>> -> memref<64x128xf32, #tpu.memory_space<vmem>>
          %dma_wait3A_495 = arith.constant 0 : i32
          %dma_wait3A_496 = arith.constant 0 : i32
          %dma_wait3A_497 = tpu.memref_slice %arg5[%dma_wait3A_495, %dma_wait3A_496] : memref<16448x128xf32, #tpu.memory_space<hbm>> -> memref<16448x128xf32, #tpu.memory_space<hbm>>
          tpu.wait_indirect_dma semaphore(%arg17 : memref<!tpu.dma_semaphore, #tpu.memory_space<semaphore_mem>>) src(%dma_wait3A_494 : memref<64x128xf32, #tpu.memory_space<vmem>>) dst(%dma_wait3A_497 : memref<16448x128xf32, #tpu.memory_space<hbm>>)
        } else {
        }
        %jit3A_480 = arith.constant 0 : i32
        %select_n3A_481 = arith.select %gt3A_476, %jit3A_480, %add3A_474 : i32
        scf.yield %select_n3A_481 : i32
      }
      scf.yield %while3A_229 : i32
    }
    %dma_start3A_109 = arith.constant 0 : i32
    %dma_start3A_110 = arith.constant 0 : i32
    %dma_start3A_111 = arith.constant 0 : i32
    %dma_start3A_112 = tpu.memref_slice %arg13[%dma_start3A_109, %dma_start3A_110, %dma_start3A_111] : memref<1x64x128xf32, #tpu.memory_space<vmem>> -> memref<1x64x128xf32, #tpu.memory_space<vmem>>
    %dma_start3A_113 = tpu.memref_squeeze %dma_start3A_112 : memref<1x64x128xf32, #tpu.memory_space<vmem>> -> memref<64x128xf32, #tpu.memory_space<vmem>>
    %dma_start3A_114 = arith.constant 0 : i32
    %dma_start3A_115 = arith.constant 0 : i32
    %dma_start3A_116 = tpu.memref_slice %arg5[%dma_start3A_114, %dma_start3A_115] : memref<16448x128xf32, #tpu.memory_space<hbm>> -> memref<16448x128xf32, #tpu.memory_space<hbm>>
    tpu.enqueue_indirect_dma source(%dma_start3A_113 : memref<64x128xf32, #tpu.memory_space<vmem>>) target(%dma_start3A_116 : memref<16448x128xf32, #tpu.memory_space<hbm>>) offsets(%arg14 : memref<64xi32, #tpu.memory_space<vmem>>) semaphore(%arg17 : memref<!tpu.dma_semaphore, #tpu.memory_space<semaphore_mem>>)
    %dma_wait3A = arith.constant 0 : i32
    %dma_wait3A_117 = arith.constant 0 : i32
    %dma_wait3A_118 = arith.constant 0 : i32
    %dma_wait3A_119 = tpu.memref_slice %arg13[%dma_wait3A, %dma_wait3A_117, %dma_wait3A_118] : memref<1x64x128xf32, #tpu.memory_space<vmem>> -> memref<1x64x128xf32, #tpu.memory_space<vmem>>
    %dma_wait3A_120 = tpu.memref_squeeze %dma_wait3A_119 : memref<1x64x128xf32, #tpu.memory_space<vmem>> -> memref<64x128xf32, #tpu.memory_space<vmem>>
    %dma_wait3A_121 = arith.constant 0 : i32
    %dma_wait3A_122 = arith.constant 0 : i32
    %dma_wait3A_123 = tpu.memref_slice %arg5[%dma_wait3A_121, %dma_wait3A_122] : memref<16448x128xf32, #tpu.memory_space<hbm>> -> memref<16448x128xf32, #tpu.memory_space<hbm>>
    tpu.wait_indirect_dma semaphore(%arg17 : memref<!tpu.dma_semaphore, #tpu.memory_space<semaphore_mem>>) src(%dma_wait3A_120 : memref<64x128xf32, #tpu.memory_space<vmem>>) dst(%dma_wait3A_123 : memref<16448x128xf32, #tpu.memory_space<hbm>>)
    return
  }
}

#map = affine_map<(d0, d1) -> (0)>
#map1 = affine_map<(d0, d1) -> (0, 0)>
module attributes {stable_mosaic.version = 14 : i64} {
  func.func @k(%arg0: i32, %arg1: i32, %arg2: memref<16384xi32, #tpu.memory_space<hbm>>, %arg3: memref<16384xi32, #tpu.memory_space<hbm>>, %arg4: memref<32000xf32, #tpu.memory_space<hbm>>, %arg5: memref<32000xf32, #tpu.memory_space<hbm>>, %arg6: memref<2048xf32, #tpu.memory_space<hbm>>, %arg7: memref<16448x128xf32, #tpu.memory_space<hbm>>, %arg8: memref<96x16384xf32, #tpu.memory_space<hbm>>, %arg9: memref<32000xf32, #tpu.memory_space<vmem>>, %arg10: memref<32000xf32, #tpu.memory_space<vmem>>, %arg11: memref<2048xf32, #tpu.memory_space<vmem>>, %arg12: memref<512xi32, #tpu.memory_space<vmem>>, %arg13: memref<512xi32, #tpu.memory_space<vmem>>, %arg14: memref<2x32x128xf32, #tpu.memory_space<vmem>>, %arg15: memref<96x512xf32, #tpu.memory_space<vmem>>, %arg16: memref<!tpu.dma_semaphore, #tpu.memory_space<semaphore_mem>>, %arg17: memref<!tpu.dma_semaphore, #tpu.memory_space<semaphore_mem>>) attributes {dimension_semantics = [#tpu.dimension_semantics<core_parallel>, #tpu.dimension_semantics<subcore_parallel>], iteration_bounds = array<i64: 2, 16>, scalar_prefetch = 0 : i64, scratch_operands = 9 : i64, tpu.core_type = #tpu.core_type<sc_vector_subcore>, window_params = [{transform_indices = #map}, {transform_indices = #map}, {transform_indices = #map}, {transform_indices = #map}, {transform_indices = #map}, {transform_indices = #map1}, {transform_indices = #map1}]} {
    %mul3A = arith.constant 2 : i32
    %mul3A_0 = arith.muli %arg1, %mul3A : i32
    %add3A = arith.addi %mul3A_0, %arg0 : i32
    %mul3A_1 = arith.constant 512 : i32
    %mul3A_2 = arith.muli %add3A, %mul3A_1 : i32
    %iota3A = tpu.iota {dimensions = array<i32: 0>} : vector<16xi32>
    tpu.enqueue_dma source(%arg4 : memref<32000xf32, #tpu.memory_space<hbm>>) target(%arg9 : memref<32000xf32, #tpu.memory_space<vmem>>) target_semaphore(%arg16 : memref<!tpu.dma_semaphore, #tpu.memory_space<semaphore_mem>>)
    tpu.enqueue_dma source(%arg5 : memref<32000xf32, #tpu.memory_space<hbm>>) target(%arg10 : memref<32000xf32, #tpu.memory_space<vmem>>) target_semaphore(%arg16 : memref<!tpu.dma_semaphore, #tpu.memory_space<semaphore_mem>>)
    tpu.enqueue_dma source(%arg6 : memref<2048xf32, #tpu.memory_space<hbm>>) target(%arg11 : memref<2048xf32, #tpu.memory_space<vmem>>) target_semaphore(%arg16 : memref<!tpu.dma_semaphore, #tpu.memory_space<semaphore_mem>>)
    "tpu.region"() ({
      %run_scoped3A = tpu.sem_alloc : memref<!tpu.dma_semaphore, #tpu.memory_space<semaphore_mem>>
      %dma_start3A_43 = tpu.memref_slice %arg2[%mul3A_2] : memref<16384xi32, #tpu.memory_space<hbm>> -> memref<512xi32, #tpu.memory_space<hbm>>
      %dma_start3A_44 = tpu.memref_slice %arg2[%mul3A_2] : memref<16384xi32, #tpu.memory_space<hbm>> -> memref<512xi32, #tpu.memory_space<hbm>>
      tpu.enqueue_dma source(%dma_start3A_44 : memref<512xi32, #tpu.memory_space<hbm>>) target(%arg12 : memref<512xi32, #tpu.memory_space<vmem>>) target_semaphore(%run_scoped3A : memref<!tpu.dma_semaphore, #tpu.memory_space<semaphore_mem>>)
      %dma_wait3A = tpu.memref_slice %arg2[%mul3A_2] : memref<16384xi32, #tpu.memory_space<hbm>> -> memref<512xi32, #tpu.memory_space<hbm>>
      %dma_wait3A_45 = tpu.memref_slice %arg2[%mul3A_2] : memref<16384xi32, #tpu.memory_space<hbm>> -> memref<512xi32, #tpu.memory_space<hbm>>
      tpu.wait_dma2 semaphore(%run_scoped3A : memref<!tpu.dma_semaphore, #tpu.memory_space<semaphore_mem>>) src(%dma_wait3A_45 : memref<512xi32, #tpu.memory_space<hbm>>) dst(%arg12 : memref<512xi32, #tpu.memory_space<vmem>>)
      tpu.yield
    }) : () -> ()
    "tpu.region"() ({
      %run_scoped3A = tpu.sem_alloc : memref<!tpu.dma_semaphore, #tpu.memory_space<semaphore_mem>>
      %dma_start3A_43 = tpu.memref_slice %arg3[%mul3A_2] : memref<16384xi32, #tpu.memory_space<hbm>> -> memref<512xi32, #tpu.memory_space<hbm>>
      %dma_start3A_44 = tpu.memref_slice %arg3[%mul3A_2] : memref<16384xi32, #tpu.memory_space<hbm>> -> memref<512xi32, #tpu.memory_space<hbm>>
      tpu.enqueue_dma source(%dma_start3A_44 : memref<512xi32, #tpu.memory_space<hbm>>) target(%arg13 : memref<512xi32, #tpu.memory_space<vmem>>) target_semaphore(%run_scoped3A : memref<!tpu.dma_semaphore, #tpu.memory_space<semaphore_mem>>)
      %dma_wait3A = tpu.memref_slice %arg3[%mul3A_2] : memref<16384xi32, #tpu.memory_space<hbm>> -> memref<512xi32, #tpu.memory_space<hbm>>
      %dma_wait3A_45 = tpu.memref_slice %arg3[%mul3A_2] : memref<16384xi32, #tpu.memory_space<hbm>> -> memref<512xi32, #tpu.memory_space<hbm>>
      tpu.wait_dma2 semaphore(%run_scoped3A : memref<!tpu.dma_semaphore, #tpu.memory_space<semaphore_mem>>) src(%dma_wait3A_45 : memref<512xi32, #tpu.memory_space<hbm>>) dst(%arg13 : memref<512xi32, #tpu.memory_space<vmem>>)
      tpu.yield
    }) : () -> ()
    %add3A_3 = arith.constant 0 : i32
    %add3A_4 = arith.addi %mul3A_2, %add3A_3 : i32
    %dma_start3A = arith.constant 0 : i32
    %dma_start3A_5 = arith.constant 0 : i32
    %dma_start3A_6 = arith.constant 0 : i32
    %dma_start3A_7 = tpu.memref_slice %arg14[%dma_start3A, %dma_start3A_5, %dma_start3A_6] : memref<2x32x128xf32, #tpu.memory_space<vmem>> -> memref<1x32x128xf32, #tpu.memory_space<vmem>>
    %dma_start3A_8 = tpu.memref_squeeze %dma_start3A_7 : memref<1x32x128xf32, #tpu.memory_space<vmem>> -> memref<32x128xf32, #tpu.memory_space<vmem>>
    %dma_start3A_9 = arith.constant 0 : i32
    %dma_start3A_10 = tpu.memref_slice %arg7[%add3A_4, %dma_start3A_9] : memref<16448x128xf32, #tpu.memory_space<hbm>> -> memref<32x128xf32, #tpu.memory_space<hbm>>
    %dma_start3A_11 = arith.constant 0 : i32
    %dma_start3A_12 = arith.constant 0 : i32
    %dma_start3A_13 = tpu.memref_slice %arg14[%dma_start3A, %dma_start3A_11, %dma_start3A_12] : memref<2x32x128xf32, #tpu.memory_space<vmem>> -> memref<1x32x128xf32, #tpu.memory_space<vmem>>
    %dma_start3A_14 = tpu.memref_squeeze %dma_start3A_13 : memref<1x32x128xf32, #tpu.memory_space<vmem>> -> memref<32x128xf32, #tpu.memory_space<vmem>>
    %dma_start3A_15 = arith.constant 0 : i32
    %dma_start3A_16 = tpu.memref_slice %arg7[%add3A_4, %dma_start3A_15] : memref<16448x128xf32, #tpu.memory_space<hbm>> -> memref<32x128xf32, #tpu.memory_space<hbm>>
    tpu.enqueue_dma source(%dma_start3A_16 : memref<32x128xf32, #tpu.memory_space<hbm>>) target(%dma_start3A_14 : memref<32x128xf32, #tpu.memory_space<vmem>>) target_semaphore(%arg17 : memref<!tpu.dma_semaphore, #tpu.memory_space<semaphore_mem>>)
    %add3A_17 = arith.constant 32 : i32
    %add3A_18 = arith.addi %mul3A_2, %add3A_17 : i32
    %dma_start3A_19 = arith.constant 1 : i32
    %dma_start3A_20 = arith.constant 0 : i32
    %dma_start3A_21 = arith.constant 0 : i32
    %dma_start3A_22 = tpu.memref_slice %arg14[%dma_start3A_19, %dma_start3A_20, %dma_start3A_21] : memref<2x32x128xf32, #tpu.memory_space<vmem>> -> memref<1x32x128xf32, #tpu.memory_space<vmem>>
    %dma_start3A_23 = tpu.memref_squeeze %dma_start3A_22 : memref<1x32x128xf32, #tpu.memory_space<vmem>> -> memref<32x128xf32, #tpu.memory_space<vmem>>
    %dma_start3A_24 = arith.constant 0 : i32
    %dma_start3A_25 = tpu.memref_slice %arg7[%add3A_18, %dma_start3A_24] : memref<16448x128xf32, #tpu.memory_space<hbm>> -> memref<32x128xf32, #tpu.memory_space<hbm>>
    %dma_start3A_26 = arith.constant 0 : i32
    %dma_start3A_27 = arith.constant 0 : i32
    %dma_start3A_28 = tpu.memref_slice %arg14[%dma_start3A_19, %dma_start3A_26, %dma_start3A_27] : memref<2x32x128xf32, #tpu.memory_space<vmem>> -> memref<1x32x128xf32, #tpu.memory_space<vmem>>
    %dma_start3A_29 = tpu.memref_squeeze %dma_start3A_28 : memref<1x32x128xf32, #tpu.memory_space<vmem>> -> memref<32x128xf32, #tpu.memory_space<vmem>>
    %dma_start3A_30 = arith.constant 0 : i32
    %dma_start3A_31 = tpu.memref_slice %arg7[%add3A_18, %dma_start3A_30] : memref<16448x128xf32, #tpu.memory_space<hbm>> -> memref<32x128xf32, #tpu.memory_space<hbm>>
    tpu.enqueue_dma source(%dma_start3A_31 : memref<32x128xf32, #tpu.memory_space<hbm>>) target(%dma_start3A_29 : memref<32x128xf32, #tpu.memory_space<vmem>>) target_semaphore(%arg17 : memref<!tpu.dma_semaphore, #tpu.memory_space<semaphore_mem>>)
    tpu.wait_dma2 semaphore(%arg16 : memref<!tpu.dma_semaphore, #tpu.memory_space<semaphore_mem>>) src(%arg4 : memref<32000xf32, #tpu.memory_space<hbm>>) dst(%arg9 : memref<32000xf32, #tpu.memory_space<vmem>>)
    tpu.wait_dma2 semaphore(%arg16 : memref<!tpu.dma_semaphore, #tpu.memory_space<semaphore_mem>>) src(%arg5 : memref<32000xf32, #tpu.memory_space<hbm>>) dst(%arg10 : memref<32000xf32, #tpu.memory_space<vmem>>)
    %scan3A = arith.constant 0 : i32
    %scan3A_32 = arith.constant 0 : i32
    %scan3A_33 = arith.constant 32 : i32
    %scan3A_34 = arith.addi %scan3A_32, %scan3A_33 : i32
    %scan3A_35 = arith.constant 1 : i32
    scf.for %scan3A_43 = %scan3A_32 to %scan3A_34 step %scan3A_35  : i32 {
      %mul3A_44 = arith.constant 16 : i32
      %mul3A_45 = arith.muli %scan3A_43, %mul3A_44 : i32
      %get3A = arith.index_cast %mul3A_45 : i32 to index
      %get3A_46 = tpu.vector_load %arg12[%get3A] {strides = array<i32>} : memref<512xi32, #tpu.memory_space<vmem>>, vector<16xi32>,
      %get3A_47 = arith.index_cast %mul3A_45 : i32 to index
      %get3A_48 = tpu.vector_load %arg13[%get3A_47] {strides = array<i32>} : memref<512xi32, #tpu.memory_space<vmem>>, vector<16xi32>,
      %mul3A_49 = arith.constant 32 : i32
      %mul3A_50 = vector.broadcast %mul3A_49 : i32 to vector<16xi32>
      %mul3A_51 = arith.muli %get3A_46, %mul3A_50 : vector<16xi32>
      %add3A_52 = arith.constant 0 : i32
      %add3A_53 = vector.broadcast %add3A_52 : i32 to vector<16xi32>
      %add3A_54 = arith.addi %mul3A_51, %add3A_53 : vector<16xi32>
      %gather3A = tpu.vector_load_idx %arg9[%add3A_54] : memref<32000xf32, #tpu.memory_space<vmem>>[vector<16xi32>], vector<16xf32>,
      %mul3A_55 = arith.constant 16 : i32
      %mul3A_56 = arith.muli %scan3A_43, %mul3A_55 : i32
      %swap3A = arith.constant 0 : i32
      %swap3A_57 = arith.index_cast %swap3A : i32 to index
      %swap3A_58 = arith.index_cast %mul3A_56 : i32 to index
      %swap3A_59 = tpu.vector_load %arg15[%swap3A_57, %swap3A_58] {strides = array<i32>} : memref<96x512xf32, #tpu.memory_space<vmem>>, vector<16xf32>,
      tpu.vector_store %arg15[%swap3A_57, %swap3A_58], %gather3A {strides = array<i32>} : memref<96x512xf32, #tpu.memory_space<vmem>>, vector<16xf32>,
      %mul3A_60 = arith.constant 32 : i32
      %mul3A_61 = vector.broadcast %mul3A_60 : i32 to vector<16xi32>
      %mul3A_62 = arith.muli %get3A_48, %mul3A_61 : vector<16xi32>
      %add3A_63 = arith.constant 0 : i32
      %add3A_64 = vector.broadcast %add3A_63 : i32 to vector<16xi32>
      %add3A_65 = arith.addi %mul3A_62, %add3A_64 : vector<16xi32>
      %gather3A_66 = tpu.vector_load_idx %arg10[%add3A_65] : memref<32000xf32, #tpu.memory_space<vmem>>[vector<16xi32>], vector<16xf32>,
      %mul3A_67 = arith.constant 16 : i32
      %mul3A_68 = arith.muli %scan3A_43, %mul3A_67 : i32
      %swap3A_69 = arith.constant 32 : i32
      %swap3A_70 = arith.index_cast %swap3A_69 : i32 to index
      %swap3A_71 = arith.index_cast %mul3A_68 : i32 to index
      %swap3A_72 = tpu.vector_load %arg15[%swap3A_70, %swap3A_71] {strides = array<i32>} : memref<96x512xf32, #tpu.memory_space<vmem>>, vector<16xf32>,
      tpu.vector_store %arg15[%swap3A_70, %swap3A_71], %gather3A_66 {strides = array<i32>} : memref<96x512xf32, #tpu.memory_space<vmem>>, vector<16xf32>,
      %mul3A_73 = arith.constant 32 : i32
      %mul3A_74 = vector.broadcast %mul3A_73 : i32 to vector<16xi32>
      %mul3A_75 = arith.muli %get3A_46, %mul3A_74 : vector<16xi32>
      %add3A_76 = arith.constant 1 : i32
      %add3A_77 = vector.broadcast %add3A_76 : i32 to vector<16xi32>
      %add3A_78 = arith.addi %mul3A_75, %add3A_77 : vector<16xi32>
      %gather3A_79 = tpu.vector_load_idx %arg9[%add3A_78] : memref<32000xf32, #tpu.memory_space<vmem>>[vector<16xi32>], vector<16xf32>,
      %mul3A_80 = arith.constant 16 : i32
      %mul3A_81 = arith.muli %scan3A_43, %mul3A_80 : i32
      %swap3A_82 = arith.constant 1 : i32
      %swap3A_83 = arith.index_cast %swap3A_82 : i32 to index
      %swap3A_84 = arith.index_cast %mul3A_81 : i32 to index
      %swap3A_85 = tpu.vector_load %arg15[%swap3A_83, %swap3A_84] {strides = array<i32>} : memref<96x512xf32, #tpu.memory_space<vmem>>, vector<16xf32>,
      tpu.vector_store %arg15[%swap3A_83, %swap3A_84], %gather3A_79 {strides = array<i32>} : memref<96x512xf32, #tpu.memory_space<vmem>>, vector<16xf32>,
      %mul3A_86 = arith.constant 32 : i32
      %mul3A_87 = vector.broadcast %mul3A_86 : i32 to vector<16xi32>
      %mul3A_88 = arith.muli %get3A_48, %mul3A_87 : vector<16xi32>
      %add3A_89 = arith.constant 1 : i32
      %add3A_90 = vector.broadcast %add3A_89 : i32 to vector<16xi32>
      %add3A_91 = arith.addi %mul3A_88, %add3A_90 : vector<16xi32>
      %gather3A_92 = tpu.vector_load_idx %arg10[%add3A_91] : memref<32000xf32, #tpu.memory_space<vmem>>[vector<16xi32>], vector<16xf32>,
      %mul3A_93 = arith.constant 16 : i32
      %mul3A_94 = arith.muli %scan3A_43, %mul3A_93 : i32
      %swap3A_95 = arith.constant 33 : i32
      %swap3A_96 = arith.index_cast %swap3A_95 : i32 to index
      %swap3A_97 = arith.index_cast %mul3A_94 : i32 to index
      %swap3A_98 = tpu.vector_load %arg15[%swap3A_96, %swap3A_97] {strides = array<i32>} : memref<96x512xf32, #tpu.memory_space<vmem>>, vector<16xf32>,
      tpu.vector_store %arg15[%swap3A_96, %swap3A_97], %gather3A_92 {strides = array<i32>} : memref<96x512xf32, #tpu.memory_space<vmem>>, vector<16xf32>,
      %mul3A_99 = arith.constant 32 : i32
      %mul3A_100 = vector.broadcast %mul3A_99 : i32 to vector<16xi32>
      %mul3A_101 = arith.muli %get3A_46, %mul3A_100 : vector<16xi32>
      %add3A_102 = arith.constant 2 : i32
      %add3A_103 = vector.broadcast %add3A_102 : i32 to vector<16xi32>
      %add3A_104 = arith.addi %mul3A_101, %add3A_103 : vector<16xi32>
      %gather3A_105 = tpu.vector_load_idx %arg9[%add3A_104] : memref<32000xf32, #tpu.memory_space<vmem>>[vector<16xi32>], vector<16xf32>,
      %mul3A_106 = arith.constant 16 : i32
      %mul3A_107 = arith.muli %scan3A_43, %mul3A_106 : i32
      %swap3A_108 = arith.constant 2 : i32
      %swap3A_109 = arith.index_cast %swap3A_108 : i32 to index
      %swap3A_110 = arith.index_cast %mul3A_107 : i32 to index
      %swap3A_111 = tpu.vector_load %arg15[%swap3A_109, %swap3A_110] {strides = array<i32>} : memref<96x512xf32, #tpu.memory_space<vmem>>, vector<16xf32>,
      tpu.vector_store %arg15[%swap3A_109, %swap3A_110], %gather3A_105 {strides = array<i32>} : memref<96x512xf32, #tpu.memory_space<vmem>>, vector<16xf32>,
      %mul3A_112 = arith.constant 32 : i32
      %mul3A_113 = vector.broadcast %mul3A_112 : i32 to vector<16xi32>
      %mul3A_114 = arith.muli %get3A_48, %mul3A_113 : vector<16xi32>
      %add3A_115 = arith.constant 2 : i32
      %add3A_116 = vector.broadcast %add3A_115 : i32 to vector<16xi32>
      %add3A_117 = arith.addi %mul3A_114, %add3A_116 : vector<16xi32>
      %gather3A_118 = tpu.vector_load_idx %arg10[%add3A_117] : memref<32000xf32, #tpu.memory_space<vmem>>[vector<16xi32>], vector<16xf32>,
      %mul3A_119 = arith.constant 16 : i32
      %mul3A_120 = arith.muli %scan3A_43, %mul3A_119 : i32
      %swap3A_121 = arith.constant 34 : i32
      %swap3A_122 = arith.index_cast %swap3A_121 : i32 to index
      %swap3A_123 = arith.index_cast %mul3A_120 : i32 to index
      %swap3A_124 = tpu.vector_load %arg15[%swap3A_122, %swap3A_123] {strides = array<i32>} : memref<96x512xf32, #tpu.memory_space<vmem>>, vector<16xf32>,
      tpu.vector_store %arg15[%swap3A_122, %swap3A_123], %gather3A_118 {strides = array<i32>} : memref<96x512xf32, #tpu.memory_space<vmem>>, vector<16xf32>,
      %mul3A_125 = arith.constant 32 : i32
      %mul3A_126 = vector.broadcast %mul3A_125 : i32 to vector<16xi32>
      %mul3A_127 = arith.muli %get3A_46, %mul3A_126 : vector<16xi32>
      %add3A_128 = arith.constant 3 : i32
      %add3A_129 = vector.broadcast %add3A_128 : i32 to vector<16xi32>
      %add3A_130 = arith.addi %mul3A_127, %add3A_129 : vector<16xi32>
      %gather3A_131 = tpu.vector_load_idx %arg9[%add3A_130] : memref<32000xf32, #tpu.memory_space<vmem>>[vector<16xi32>], vector<16xf32>,
      %mul3A_132 = arith.constant 16 : i32
      %mul3A_133 = arith.muli %scan3A_43, %mul3A_132 : i32
      %swap3A_134 = arith.constant 3 : i32
      %swap3A_135 = arith.index_cast %swap3A_134 : i32 to index
      %swap3A_136 = arith.index_cast %mul3A_133 : i32 to index
      %swap3A_137 = tpu.vector_load %arg15[%swap3A_135, %swap3A_136] {strides = array<i32>} : memref<96x512xf32, #tpu.memory_space<vmem>>, vector<16xf32>,
      tpu.vector_store %arg15[%swap3A_135, %swap3A_136], %gather3A_131 {strides = array<i32>} : memref<96x512xf32, #tpu.memory_space<vmem>>, vector<16xf32>,
      %mul3A_138 = arith.constant 32 : i32
      %mul3A_139 = vector.broadcast %mul3A_138 : i32 to vector<16xi32>
      %mul3A_140 = arith.muli %get3A_48, %mul3A_139 : vector<16xi32>
      %add3A_141 = arith.constant 3 : i32
      %add3A_142 = vector.broadcast %add3A_141 : i32 to vector<16xi32>
      %add3A_143 = arith.addi %mul3A_140, %add3A_142 : vector<16xi32>
      %gather3A_144 = tpu.vector_load_idx %arg10[%add3A_143] : memref<32000xf32, #tpu.memory_space<vmem>>[vector<16xi32>], vector<16xf32>,
      %mul3A_145 = arith.constant 16 : i32
      %mul3A_146 = arith.muli %scan3A_43, %mul3A_145 : i32
      %swap3A_147 = arith.constant 35 : i32
      %swap3A_148 = arith.index_cast %swap3A_147 : i32 to index
      %swap3A_149 = arith.index_cast %mul3A_146 : i32 to index
      %swap3A_150 = tpu.vector_load %arg15[%swap3A_148, %swap3A_149] {strides = array<i32>} : memref<96x512xf32, #tpu.memory_space<vmem>>, vector<16xf32>,
      tpu.vector_store %arg15[%swap3A_148, %swap3A_149], %gather3A_144 {strides = array<i32>} : memref<96x512xf32, #tpu.memory_space<vmem>>, vector<16xf32>,
      %mul3A_151 = arith.constant 32 : i32
      %mul3A_152 = vector.broadcast %mul3A_151 : i32 to vector<16xi32>
      %mul3A_153 = arith.muli %get3A_46, %mul3A_152 : vector<16xi32>
      %add3A_154 = arith.constant 4 : i32
      %add3A_155 = vector.broadcast %add3A_154 : i32 to vector<16xi32>
      %add3A_156 = arith.addi %mul3A_153, %add3A_155 : vector<16xi32>
      %gather3A_157 = tpu.vector_load_idx %arg9[%add3A_156] : memref<32000xf32, #tpu.memory_space<vmem>>[vector<16xi32>], vector<16xf32>,
      %mul3A_158 = arith.constant 16 : i32
      %mul3A_159 = arith.muli %scan3A_43, %mul3A_158 : i32
      %swap3A_160 = arith.constant 4 : i32
      %swap3A_161 = arith.index_cast %swap3A_160 : i32 to index
      %swap3A_162 = arith.index_cast %mul3A_159 : i32 to index
      %swap3A_163 = tpu.vector_load %arg15[%swap3A_161, %swap3A_162] {strides = array<i32>} : memref<96x512xf32, #tpu.memory_space<vmem>>, vector<16xf32>,
      tpu.vector_store %arg15[%swap3A_161, %swap3A_162], %gather3A_157 {strides = array<i32>} : memref<96x512xf32, #tpu.memory_space<vmem>>, vector<16xf32>,
      %mul3A_164 = arith.constant 32 : i32
      %mul3A_165 = vector.broadcast %mul3A_164 : i32 to vector<16xi32>
      %mul3A_166 = arith.muli %get3A_48, %mul3A_165 : vector<16xi32>
      %add3A_167 = arith.constant 4 : i32
      %add3A_168 = vector.broadcast %add3A_167 : i32 to vector<16xi32>
      %add3A_169 = arith.addi %mul3A_166, %add3A_168 : vector<16xi32>
      %gather3A_170 = tpu.vector_load_idx %arg10[%add3A_169] : memref<32000xf32, #tpu.memory_space<vmem>>[vector<16xi32>], vector<16xf32>,
      %mul3A_171 = arith.constant 16 : i32
      %mul3A_172 = arith.muli %scan3A_43, %mul3A_171 : i32
      %swap3A_173 = arith.constant 36 : i32
      %swap3A_174 = arith.index_cast %swap3A_173 : i32 to index
      %swap3A_175 = arith.index_cast %mul3A_172 : i32 to index
      %swap3A_176 = tpu.vector_load %arg15[%swap3A_174, %swap3A_175] {strides = array<i32>} : memref<96x512xf32, #tpu.memory_space<vmem>>, vector<16xf32>,
      tpu.vector_store %arg15[%swap3A_174, %swap3A_175], %gather3A_170 {strides = array<i32>} : memref<96x512xf32, #tpu.memory_space<vmem>>, vector<16xf32>,
      %mul3A_177 = arith.constant 32 : i32
      %mul3A_178 = vector.broadcast %mul3A_177 : i32 to vector<16xi32>
      %mul3A_179 = arith.muli %get3A_46, %mul3A_178 : vector<16xi32>
      %add3A_180 = arith.constant 5 : i32
      %add3A_181 = vector.broadcast %add3A_180 : i32 to vector<16xi32>
      %add3A_182 = arith.addi %mul3A_179, %add3A_181 : vector<16xi32>
      %gather3A_183 = tpu.vector_load_idx %arg9[%add3A_182] : memref<32000xf32, #tpu.memory_space<vmem>>[vector<16xi32>], vector<16xf32>,
      %mul3A_184 = arith.constant 16 : i32
      %mul3A_185 = arith.muli %scan3A_43, %mul3A_184 : i32
      %swap3A_186 = arith.constant 5 : i32
      %swap3A_187 = arith.index_cast %swap3A_186 : i32 to index
      %swap3A_188 = arith.index_cast %mul3A_185 : i32 to index
      %swap3A_189 = tpu.vector_load %arg15[%swap3A_187, %swap3A_188] {strides = array<i32>} : memref<96x512xf32, #tpu.memory_space<vmem>>, vector<16xf32>,
      tpu.vector_store %arg15[%swap3A_187, %swap3A_188], %gather3A_183 {strides = array<i32>} : memref<96x512xf32, #tpu.memory_space<vmem>>, vector<16xf32>,
      %mul3A_190 = arith.constant 32 : i32
      %mul3A_191 = vector.broadcast %mul3A_190 : i32 to vector<16xi32>
      %mul3A_192 = arith.muli %get3A_48, %mul3A_191 : vector<16xi32>
      %add3A_193 = arith.constant 5 : i32
      %add3A_194 = vector.broadcast %add3A_193 : i32 to vector<16xi32>
      %add3A_195 = arith.addi %mul3A_192, %add3A_194 : vector<16xi32>
      %gather3A_196 = tpu.vector_load_idx %arg10[%add3A_195] : memref<32000xf32, #tpu.memory_space<vmem>>[vector<16xi32>], vector<16xf32>,
      %mul3A_197 = arith.constant 16 : i32
      %mul3A_198 = arith.muli %scan3A_43, %mul3A_197 : i32
      %swap3A_199 = arith.constant 37 : i32
      %swap3A_200 = arith.index_cast %swap3A_199 : i32 to index
      %swap3A_201 = arith.index_cast %mul3A_198 : i32 to index
      %swap3A_202 = tpu.vector_load %arg15[%swap3A_200, %swap3A_201] {strides = array<i32>} : memref<96x512xf32, #tpu.memory_space<vmem>>, vector<16xf32>,
      tpu.vector_store %arg15[%swap3A_200, %swap3A_201], %gather3A_196 {strides = array<i32>} : memref<96x512xf32, #tpu.memory_space<vmem>>, vector<16xf32>,
      %mul3A_203 = arith.constant 32 : i32
      %mul3A_204 = vector.broadcast %mul3A_203 : i32 to vector<16xi32>
      %mul3A_205 = arith.muli %get3A_46, %mul3A_204 : vector<16xi32>
      %add3A_206 = arith.constant 6 : i32
      %add3A_207 = vector.broadcast %add3A_206 : i32 to vector<16xi32>
      %add3A_208 = arith.addi %mul3A_205, %add3A_207 : vector<16xi32>
      %gather3A_209 = tpu.vector_load_idx %arg9[%add3A_208] : memref<32000xf32, #tpu.memory_space<vmem>>[vector<16xi32>], vector<16xf32>,
      %mul3A_210 = arith.constant 16 : i32
      %mul3A_211 = arith.muli %scan3A_43, %mul3A_210 : i32
      %swap3A_212 = arith.constant 6 : i32
      %swap3A_213 = arith.index_cast %swap3A_212 : i32 to index
      %swap3A_214 = arith.index_cast %mul3A_211 : i32 to index
      %swap3A_215 = tpu.vector_load %arg15[%swap3A_213, %swap3A_214] {strides = array<i32>} : memref<96x512xf32, #tpu.memory_space<vmem>>, vector<16xf32>,
      tpu.vector_store %arg15[%swap3A_213, %swap3A_214], %gather3A_209 {strides = array<i32>} : memref<96x512xf32, #tpu.memory_space<vmem>>, vector<16xf32>,
      %mul3A_216 = arith.constant 32 : i32
      %mul3A_217 = vector.broadcast %mul3A_216 : i32 to vector<16xi32>
      %mul3A_218 = arith.muli %get3A_48, %mul3A_217 : vector<16xi32>
      %add3A_219 = arith.constant 6 : i32
      %add3A_220 = vector.broadcast %add3A_219 : i32 to vector<16xi32>
      %add3A_221 = arith.addi %mul3A_218, %add3A_220 : vector<16xi32>
      %gather3A_222 = tpu.vector_load_idx %arg10[%add3A_221] : memref<32000xf32, #tpu.memory_space<vmem>>[vector<16xi32>], vector<16xf32>,
      %mul3A_223 = arith.constant 16 : i32
      %mul3A_224 = arith.muli %scan3A_43, %mul3A_223 : i32
      %swap3A_225 = arith.constant 38 : i32
      %swap3A_226 = arith.index_cast %swap3A_225 : i32 to index
      %swap3A_227 = arith.index_cast %mul3A_224 : i32 to index
      %swap3A_228 = tpu.vector_load %arg15[%swap3A_226, %swap3A_227] {strides = array<i32>} : memref<96x512xf32, #tpu.memory_space<vmem>>, vector<16xf32>,
      tpu.vector_store %arg15[%swap3A_226, %swap3A_227], %gather3A_222 {strides = array<i32>} : memref<96x512xf32, #tpu.memory_space<vmem>>, vector<16xf32>,
      %mul3A_229 = arith.constant 32 : i32
      %mul3A_230 = vector.broadcast %mul3A_229 : i32 to vector<16xi32>
      %mul3A_231 = arith.muli %get3A_46, %mul3A_230 : vector<16xi32>
      %add3A_232 = arith.constant 7 : i32
      %add3A_233 = vector.broadcast %add3A_232 : i32 to vector<16xi32>
      %add3A_234 = arith.addi %mul3A_231, %add3A_233 : vector<16xi32>
      %gather3A_235 = tpu.vector_load_idx %arg9[%add3A_234] : memref<32000xf32, #tpu.memory_space<vmem>>[vector<16xi32>], vector<16xf32>,
      %mul3A_236 = arith.constant 16 : i32
      %mul3A_237 = arith.muli %scan3A_43, %mul3A_236 : i32
      %swap3A_238 = arith.constant 7 : i32
      %swap3A_239 = arith.index_cast %swap3A_238 : i32 to index
      %swap3A_240 = arith.index_cast %mul3A_237 : i32 to index
      %swap3A_241 = tpu.vector_load %arg15[%swap3A_239, %swap3A_240] {strides = array<i32>} : memref<96x512xf32, #tpu.memory_space<vmem>>, vector<16xf32>,
      tpu.vector_store %arg15[%swap3A_239, %swap3A_240], %gather3A_235 {strides = array<i32>} : memref<96x512xf32, #tpu.memory_space<vmem>>, vector<16xf32>,
      %mul3A_242 = arith.constant 32 : i32
      %mul3A_243 = vector.broadcast %mul3A_242 : i32 to vector<16xi32>
      %mul3A_244 = arith.muli %get3A_48, %mul3A_243 : vector<16xi32>
      %add3A_245 = arith.constant 7 : i32
      %add3A_246 = vector.broadcast %add3A_245 : i32 to vector<16xi32>
      %add3A_247 = arith.addi %mul3A_244, %add3A_246 : vector<16xi32>
      %gather3A_248 = tpu.vector_load_idx %arg10[%add3A_247] : memref<32000xf32, #tpu.memory_space<vmem>>[vector<16xi32>], vector<16xf32>,
      %mul3A_249 = arith.constant 16 : i32
      %mul3A_250 = arith.muli %scan3A_43, %mul3A_249 : i32
      %swap3A_251 = arith.constant 39 : i32
      %swap3A_252 = arith.index_cast %swap3A_251 : i32 to index
      %swap3A_253 = arith.index_cast %mul3A_250 : i32 to index
      %swap3A_254 = tpu.vector_load %arg15[%swap3A_252, %swap3A_253] {strides = array<i32>} : memref<96x512xf32, #tpu.memory_space<vmem>>, vector<16xf32>,
      tpu.vector_store %arg15[%swap3A_252, %swap3A_253], %gather3A_248 {strides = array<i32>} : memref<96x512xf32, #tpu.memory_space<vmem>>, vector<16xf32>,
      %mul3A_255 = arith.constant 32 : i32
      %mul3A_256 = vector.broadcast %mul3A_255 : i32 to vector<16xi32>
      %mul3A_257 = arith.muli %get3A_46, %mul3A_256 : vector<16xi32>
      %add3A_258 = arith.constant 8 : i32
      %add3A_259 = vector.broadcast %add3A_258 : i32 to vector<16xi32>
      %add3A_260 = arith.addi %mul3A_257, %add3A_259 : vector<16xi32>
      %gather3A_261 = tpu.vector_load_idx %arg9[%add3A_260] : memref<32000xf32, #tpu.memory_space<vmem>>[vector<16xi32>], vector<16xf32>,
      %mul3A_262 = arith.constant 16 : i32
      %mul3A_263 = arith.muli %scan3A_43, %mul3A_262 : i32
      %swap3A_264 = arith.constant 8 : i32
      %swap3A_265 = arith.index_cast %swap3A_264 : i32 to index
      %swap3A_266 = arith.index_cast %mul3A_263 : i32 to index
      %swap3A_267 = tpu.vector_load %arg15[%swap3A_265, %swap3A_266] {strides = array<i32>} : memref<96x512xf32, #tpu.memory_space<vmem>>, vector<16xf32>,
      tpu.vector_store %arg15[%swap3A_265, %swap3A_266], %gather3A_261 {strides = array<i32>} : memref<96x512xf32, #tpu.memory_space<vmem>>, vector<16xf32>,
      %mul3A_268 = arith.constant 32 : i32
      %mul3A_269 = vector.broadcast %mul3A_268 : i32 to vector<16xi32>
      %mul3A_270 = arith.muli %get3A_48, %mul3A_269 : vector<16xi32>
      %add3A_271 = arith.constant 8 : i32
      %add3A_272 = vector.broadcast %add3A_271 : i32 to vector<16xi32>
      %add3A_273 = arith.addi %mul3A_270, %add3A_272 : vector<16xi32>
      %gather3A_274 = tpu.vector_load_idx %arg10[%add3A_273] : memref<32000xf32, #tpu.memory_space<vmem>>[vector<16xi32>], vector<16xf32>,
      %mul3A_275 = arith.constant 16 : i32
      %mul3A_276 = arith.muli %scan3A_43, %mul3A_275 : i32
      %swap3A_277 = arith.constant 40 : i32
      %swap3A_278 = arith.index_cast %swap3A_277 : i32 to index
      %swap3A_279 = arith.index_cast %mul3A_276 : i32 to index
      %swap3A_280 = tpu.vector_load %arg15[%swap3A_278, %swap3A_279] {strides = array<i32>} : memref<96x512xf32, #tpu.memory_space<vmem>>, vector<16xf32>,
      tpu.vector_store %arg15[%swap3A_278, %swap3A_279], %gather3A_274 {strides = array<i32>} : memref<96x512xf32, #tpu.memory_space<vmem>>, vector<16xf32>,
      %mul3A_281 = arith.constant 32 : i32
      %mul3A_282 = vector.broadcast %mul3A_281 : i32 to vector<16xi32>
      %mul3A_283 = arith.muli %get3A_46, %mul3A_282 : vector<16xi32>
      %add3A_284 = arith.constant 9 : i32
      %add3A_285 = vector.broadcast %add3A_284 : i32 to vector<16xi32>
      %add3A_286 = arith.addi %mul3A_283, %add3A_285 : vector<16xi32>
      %gather3A_287 = tpu.vector_load_idx %arg9[%add3A_286] : memref<32000xf32, #tpu.memory_space<vmem>>[vector<16xi32>], vector<16xf32>,
      %mul3A_288 = arith.constant 16 : i32
      %mul3A_289 = arith.muli %scan3A_43, %mul3A_288 : i32
      %swap3A_290 = arith.constant 9 : i32
      %swap3A_291 = arith.index_cast %swap3A_290 : i32 to index
      %swap3A_292 = arith.index_cast %mul3A_289 : i32 to index
      %swap3A_293 = tpu.vector_load %arg15[%swap3A_291, %swap3A_292] {strides = array<i32>} : memref<96x512xf32, #tpu.memory_space<vmem>>, vector<16xf32>,
      tpu.vector_store %arg15[%swap3A_291, %swap3A_292], %gather3A_287 {strides = array<i32>} : memref<96x512xf32, #tpu.memory_space<vmem>>, vector<16xf32>,
      %mul3A_294 = arith.constant 32 : i32
      %mul3A_295 = vector.broadcast %mul3A_294 : i32 to vector<16xi32>
      %mul3A_296 = arith.muli %get3A_48, %mul3A_295 : vector<16xi32>
      %add3A_297 = arith.constant 9 : i32
      %add3A_298 = vector.broadcast %add3A_297 : i32 to vector<16xi32>
      %add3A_299 = arith.addi %mul3A_296, %add3A_298 : vector<16xi32>
      %gather3A_300 = tpu.vector_load_idx %arg10[%add3A_299] : memref<32000xf32, #tpu.memory_space<vmem>>[vector<16xi32>], vector<16xf32>,
      %mul3A_301 = arith.constant 16 : i32
      %mul3A_302 = arith.muli %scan3A_43, %mul3A_301 : i32
      %swap3A_303 = arith.constant 41 : i32
      %swap3A_304 = arith.index_cast %swap3A_303 : i32 to index
      %swap3A_305 = arith.index_cast %mul3A_302 : i32 to index
      %swap3A_306 = tpu.vector_load %arg15[%swap3A_304, %swap3A_305] {strides = array<i32>} : memref<96x512xf32, #tpu.memory_space<vmem>>, vector<16xf32>,
      tpu.vector_store %arg15[%swap3A_304, %swap3A_305], %gather3A_300 {strides = array<i32>} : memref<96x512xf32, #tpu.memory_space<vmem>>, vector<16xf32>,
      %mul3A_307 = arith.constant 32 : i32
      %mul3A_308 = vector.broadcast %mul3A_307 : i32 to vector<16xi32>
      %mul3A_309 = arith.muli %get3A_46, %mul3A_308 : vector<16xi32>
      %add3A_310 = arith.constant 10 : i32
      %add3A_311 = vector.broadcast %add3A_310 : i32 to vector<16xi32>
      %add3A_312 = arith.addi %mul3A_309, %add3A_311 : vector<16xi32>
      %gather3A_313 = tpu.vector_load_idx %arg9[%add3A_312] : memref<32000xf32, #tpu.memory_space<vmem>>[vector<16xi32>], vector<16xf32>,
      %mul3A_314 = arith.constant 16 : i32
      %mul3A_315 = arith.muli %scan3A_43, %mul3A_314 : i32
      %swap3A_316 = arith.constant 10 : i32
      %swap3A_317 = arith.index_cast %swap3A_316 : i32 to index
      %swap3A_318 = arith.index_cast %mul3A_315 : i32 to index
      %swap3A_319 = tpu.vector_load %arg15[%swap3A_317, %swap3A_318] {strides = array<i32>} : memref<96x512xf32, #tpu.memory_space<vmem>>, vector<16xf32>,
      tpu.vector_store %arg15[%swap3A_317, %swap3A_318], %gather3A_313 {strides = array<i32>} : memref<96x512xf32, #tpu.memory_space<vmem>>, vector<16xf32>,
      %mul3A_320 = arith.constant 32 : i32
      %mul3A_321 = vector.broadcast %mul3A_320 : i32 to vector<16xi32>
      %mul3A_322 = arith.muli %get3A_48, %mul3A_321 : vector<16xi32>
      %add3A_323 = arith.constant 10 : i32
      %add3A_324 = vector.broadcast %add3A_323 : i32 to vector<16xi32>
      %add3A_325 = arith.addi %mul3A_322, %add3A_324 : vector<16xi32>
      %gather3A_326 = tpu.vector_load_idx %arg10[%add3A_325] : memref<32000xf32, #tpu.memory_space<vmem>>[vector<16xi32>], vector<16xf32>,
      %mul3A_327 = arith.constant 16 : i32
      %mul3A_328 = arith.muli %scan3A_43, %mul3A_327 : i32
      %swap3A_329 = arith.constant 42 : i32
      %swap3A_330 = arith.index_cast %swap3A_329 : i32 to index
      %swap3A_331 = arith.index_cast %mul3A_328 : i32 to index
      %swap3A_332 = tpu.vector_load %arg15[%swap3A_330, %swap3A_331] {strides = array<i32>} : memref<96x512xf32, #tpu.memory_space<vmem>>, vector<16xf32>,
      tpu.vector_store %arg15[%swap3A_330, %swap3A_331], %gather3A_326 {strides = array<i32>} : memref<96x512xf32, #tpu.memory_space<vmem>>, vector<16xf32>,
      %mul3A_333 = arith.constant 32 : i32
      %mul3A_334 = vector.broadcast %mul3A_333 : i32 to vector<16xi32>
      %mul3A_335 = arith.muli %get3A_46, %mul3A_334 : vector<16xi32>
      %add3A_336 = arith.constant 11 : i32
      %add3A_337 = vector.broadcast %add3A_336 : i32 to vector<16xi32>
      %add3A_338 = arith.addi %mul3A_335, %add3A_337 : vector<16xi32>
      %gather3A_339 = tpu.vector_load_idx %arg9[%add3A_338] : memref<32000xf32, #tpu.memory_space<vmem>>[vector<16xi32>], vector<16xf32>,
      %mul3A_340 = arith.constant 16 : i32
      %mul3A_341 = arith.muli %scan3A_43, %mul3A_340 : i32
      %swap3A_342 = arith.constant 11 : i32
      %swap3A_343 = arith.index_cast %swap3A_342 : i32 to index
      %swap3A_344 = arith.index_cast %mul3A_341 : i32 to index
      %swap3A_345 = tpu.vector_load %arg15[%swap3A_343, %swap3A_344] {strides = array<i32>} : memref<96x512xf32, #tpu.memory_space<vmem>>, vector<16xf32>,
      tpu.vector_store %arg15[%swap3A_343, %swap3A_344], %gather3A_339 {strides = array<i32>} : memref<96x512xf32, #tpu.memory_space<vmem>>, vector<16xf32>,
      %mul3A_346 = arith.constant 32 : i32
      %mul3A_347 = vector.broadcast %mul3A_346 : i32 to vector<16xi32>
      %mul3A_348 = arith.muli %get3A_48, %mul3A_347 : vector<16xi32>
      %add3A_349 = arith.constant 11 : i32
      %add3A_350 = vector.broadcast %add3A_349 : i32 to vector<16xi32>
      %add3A_351 = arith.addi %mul3A_348, %add3A_350 : vector<16xi32>
      %gather3A_352 = tpu.vector_load_idx %arg10[%add3A_351] : memref<32000xf32, #tpu.memory_space<vmem>>[vector<16xi32>], vector<16xf32>,
      %mul3A_353 = arith.constant 16 : i32
      %mul3A_354 = arith.muli %scan3A_43, %mul3A_353 : i32
      %swap3A_355 = arith.constant 43 : i32
      %swap3A_356 = arith.index_cast %swap3A_355 : i32 to index
      %swap3A_357 = arith.index_cast %mul3A_354 : i32 to index
      %swap3A_358 = tpu.vector_load %arg15[%swap3A_356, %swap3A_357] {strides = array<i32>} : memref<96x512xf32, #tpu.memory_space<vmem>>, vector<16xf32>,
      tpu.vector_store %arg15[%swap3A_356, %swap3A_357], %gather3A_352 {strides = array<i32>} : memref<96x512xf32, #tpu.memory_space<vmem>>, vector<16xf32>,
      %mul3A_359 = arith.constant 32 : i32
      %mul3A_360 = vector.broadcast %mul3A_359 : i32 to vector<16xi32>
      %mul3A_361 = arith.muli %get3A_46, %mul3A_360 : vector<16xi32>
      %add3A_362 = arith.constant 12 : i32
      %add3A_363 = vector.broadcast %add3A_362 : i32 to vector<16xi32>
      %add3A_364 = arith.addi %mul3A_361, %add3A_363 : vector<16xi32>
      %gather3A_365 = tpu.vector_load_idx %arg9[%add3A_364] : memref<32000xf32, #tpu.memory_space<vmem>>[vector<16xi32>], vector<16xf32>,
      %mul3A_366 = arith.constant 16 : i32
      %mul3A_367 = arith.muli %scan3A_43, %mul3A_366 : i32
      %swap3A_368 = arith.constant 12 : i32
      %swap3A_369 = arith.index_cast %swap3A_368 : i32 to index
      %swap3A_370 = arith.index_cast %mul3A_367 : i32 to index
      %swap3A_371 = tpu.vector_load %arg15[%swap3A_369, %swap3A_370] {strides = array<i32>} : memref<96x512xf32, #tpu.memory_space<vmem>>, vector<16xf32>,
      tpu.vector_store %arg15[%swap3A_369, %swap3A_370], %gather3A_365 {strides = array<i32>} : memref<96x512xf32, #tpu.memory_space<vmem>>, vector<16xf32>,
      %mul3A_372 = arith.constant 32 : i32
      %mul3A_373 = vector.broadcast %mul3A_372 : i32 to vector<16xi32>
      %mul3A_374 = arith.muli %get3A_48, %mul3A_373 : vector<16xi32>
      %add3A_375 = arith.constant 12 : i32
      %add3A_376 = vector.broadcast %add3A_375 : i32 to vector<16xi32>
      %add3A_377 = arith.addi %mul3A_374, %add3A_376 : vector<16xi32>
      %gather3A_378 = tpu.vector_load_idx %arg10[%add3A_377] : memref<32000xf32, #tpu.memory_space<vmem>>[vector<16xi32>], vector<16xf32>,
      %mul3A_379 = arith.constant 16 : i32
      %mul3A_380 = arith.muli %scan3A_43, %mul3A_379 : i32
      %swap3A_381 = arith.constant 44 : i32
      %swap3A_382 = arith.index_cast %swap3A_381 : i32 to index
      %swap3A_383 = arith.index_cast %mul3A_380 : i32 to index
      %swap3A_384 = tpu.vector_load %arg15[%swap3A_382, %swap3A_383] {strides = array<i32>} : memref<96x512xf32, #tpu.memory_space<vmem>>, vector<16xf32>,
      tpu.vector_store %arg15[%swap3A_382, %swap3A_383], %gather3A_378 {strides = array<i32>} : memref<96x512xf32, #tpu.memory_space<vmem>>, vector<16xf32>,
      %mul3A_385 = arith.constant 32 : i32
      %mul3A_386 = vector.broadcast %mul3A_385 : i32 to vector<16xi32>
      %mul3A_387 = arith.muli %get3A_46, %mul3A_386 : vector<16xi32>
      %add3A_388 = arith.constant 13 : i32
      %add3A_389 = vector.broadcast %add3A_388 : i32 to vector<16xi32>
      %add3A_390 = arith.addi %mul3A_387, %add3A_389 : vector<16xi32>
      %gather3A_391 = tpu.vector_load_idx %arg9[%add3A_390] : memref<32000xf32, #tpu.memory_space<vmem>>[vector<16xi32>], vector<16xf32>,
      %mul3A_392 = arith.constant 16 : i32
      %mul3A_393 = arith.muli %scan3A_43, %mul3A_392 : i32
      %swap3A_394 = arith.constant 13 : i32
      %swap3A_395 = arith.index_cast %swap3A_394 : i32 to index
      %swap3A_396 = arith.index_cast %mul3A_393 : i32 to index
      %swap3A_397 = tpu.vector_load %arg15[%swap3A_395, %swap3A_396] {strides = array<i32>} : memref<96x512xf32, #tpu.memory_space<vmem>>, vector<16xf32>,
      tpu.vector_store %arg15[%swap3A_395, %swap3A_396], %gather3A_391 {strides = array<i32>} : memref<96x512xf32, #tpu.memory_space<vmem>>, vector<16xf32>,
      %mul3A_398 = arith.constant 32 : i32
      %mul3A_399 = vector.broadcast %mul3A_398 : i32 to vector<16xi32>
      %mul3A_400 = arith.muli %get3A_48, %mul3A_399 : vector<16xi32>
      %add3A_401 = arith.constant 13 : i32
      %add3A_402 = vector.broadcast %add3A_401 : i32 to vector<16xi32>
      %add3A_403 = arith.addi %mul3A_400, %add3A_402 : vector<16xi32>
      %gather3A_404 = tpu.vector_load_idx %arg10[%add3A_403] : memref<32000xf32, #tpu.memory_space<vmem>>[vector<16xi32>], vector<16xf32>,
      %mul3A_405 = arith.constant 16 : i32
      %mul3A_406 = arith.muli %scan3A_43, %mul3A_405 : i32
      %swap3A_407 = arith.constant 45 : i32
      %swap3A_408 = arith.index_cast %swap3A_407 : i32 to index
      %swap3A_409 = arith.index_cast %mul3A_406 : i32 to index
      %swap3A_410 = tpu.vector_load %arg15[%swap3A_408, %swap3A_409] {strides = array<i32>} : memref<96x512xf32, #tpu.memory_space<vmem>>, vector<16xf32>,
      tpu.vector_store %arg15[%swap3A_408, %swap3A_409], %gather3A_404 {strides = array<i32>} : memref<96x512xf32, #tpu.memory_space<vmem>>, vector<16xf32>,
      %mul3A_411 = arith.constant 32 : i32
      %mul3A_412 = vector.broadcast %mul3A_411 : i32 to vector<16xi32>
      %mul3A_413 = arith.muli %get3A_46, %mul3A_412 : vector<16xi32>
      %add3A_414 = arith.constant 14 : i32
      %add3A_415 = vector.broadcast %add3A_414 : i32 to vector<16xi32>
      %add3A_416 = arith.addi %mul3A_413, %add3A_415 : vector<16xi32>
      %gather3A_417 = tpu.vector_load_idx %arg9[%add3A_416] : memref<32000xf32, #tpu.memory_space<vmem>>[vector<16xi32>], vector<16xf32>,
      %mul3A_418 = arith.constant 16 : i32
      %mul3A_419 = arith.muli %scan3A_43, %mul3A_418 : i32
      %swap3A_420 = arith.constant 14 : i32
      %swap3A_421 = arith.index_cast %swap3A_420 : i32 to index
      %swap3A_422 = arith.index_cast %mul3A_419 : i32 to index
      %swap3A_423 = tpu.vector_load %arg15[%swap3A_421, %swap3A_422] {strides = array<i32>} : memref<96x512xf32, #tpu.memory_space<vmem>>, vector<16xf32>,
      tpu.vector_store %arg15[%swap3A_421, %swap3A_422], %gather3A_417 {strides = array<i32>} : memref<96x512xf32, #tpu.memory_space<vmem>>, vector<16xf32>,
      %mul3A_424 = arith.constant 32 : i32
      %mul3A_425 = vector.broadcast %mul3A_424 : i32 to vector<16xi32>
      %mul3A_426 = arith.muli %get3A_48, %mul3A_425 : vector<16xi32>
      %add3A_427 = arith.constant 14 : i32
      %add3A_428 = vector.broadcast %add3A_427 : i32 to vector<16xi32>
      %add3A_429 = arith.addi %mul3A_426, %add3A_428 : vector<16xi32>
      %gather3A_430 = tpu.vector_load_idx %arg10[%add3A_429] : memref<32000xf32, #tpu.memory_space<vmem>>[vector<16xi32>], vector<16xf32>,
      %mul3A_431 = arith.constant 16 : i32
      %mul3A_432 = arith.muli %scan3A_43, %mul3A_431 : i32
      %swap3A_433 = arith.constant 46 : i32
      %swap3A_434 = arith.index_cast %swap3A_433 : i32 to index
      %swap3A_435 = arith.index_cast %mul3A_432 : i32 to index
      %swap3A_436 = tpu.vector_load %arg15[%swap3A_434, %swap3A_435] {strides = array<i32>} : memref<96x512xf32, #tpu.memory_space<vmem>>, vector<16xf32>,
      tpu.vector_store %arg15[%swap3A_434, %swap3A_435], %gather3A_430 {strides = array<i32>} : memref<96x512xf32, #tpu.memory_space<vmem>>, vector<16xf32>,
      %mul3A_437 = arith.constant 32 : i32
      %mul3A_438 = vector.broadcast %mul3A_437 : i32 to vector<16xi32>
      %mul3A_439 = arith.muli %get3A_46, %mul3A_438 : vector<16xi32>
      %add3A_440 = arith.constant 15 : i32
      %add3A_441 = vector.broadcast %add3A_440 : i32 to vector<16xi32>
      %add3A_442 = arith.addi %mul3A_439, %add3A_441 : vector<16xi32>
      %gather3A_443 = tpu.vector_load_idx %arg9[%add3A_442] : memref<32000xf32, #tpu.memory_space<vmem>>[vector<16xi32>], vector<16xf32>,
      %mul3A_444 = arith.constant 16 : i32
      %mul3A_445 = arith.muli %scan3A_43, %mul3A_444 : i32
      %swap3A_446 = arith.constant 15 : i32
      %swap3A_447 = arith.index_cast %swap3A_446 : i32 to index
      %swap3A_448 = arith.index_cast %mul3A_445 : i32 to index
      %swap3A_449 = tpu.vector_load %arg15[%swap3A_447, %swap3A_448] {strides = array<i32>} : memref<96x512xf32, #tpu.memory_space<vmem>>, vector<16xf32>,
      tpu.vector_store %arg15[%swap3A_447, %swap3A_448], %gather3A_443 {strides = array<i32>} : memref<96x512xf32, #tpu.memory_space<vmem>>, vector<16xf32>,
      %mul3A_450 = arith.constant 32 : i32
      %mul3A_451 = vector.broadcast %mul3A_450 : i32 to vector<16xi32>
      %mul3A_452 = arith.muli %get3A_48, %mul3A_451 : vector<16xi32>
      %add3A_453 = arith.constant 15 : i32
      %add3A_454 = vector.broadcast %add3A_453 : i32 to vector<16xi32>
      %add3A_455 = arith.addi %mul3A_452, %add3A_454 : vector<16xi32>
      %gather3A_456 = tpu.vector_load_idx %arg10[%add3A_455] : memref<32000xf32, #tpu.memory_space<vmem>>[vector<16xi32>], vector<16xf32>,
      %mul3A_457 = arith.constant 16 : i32
      %mul3A_458 = arith.muli %scan3A_43, %mul3A_457 : i32
      %swap3A_459 = arith.constant 47 : i32
      %swap3A_460 = arith.index_cast %swap3A_459 : i32 to index
      %swap3A_461 = arith.index_cast %mul3A_458 : i32 to index
      %swap3A_462 = tpu.vector_load %arg15[%swap3A_460, %swap3A_461] {strides = array<i32>} : memref<96x512xf32, #tpu.memory_space<vmem>>, vector<16xf32>,
      tpu.vector_store %arg15[%swap3A_460, %swap3A_461], %gather3A_456 {strides = array<i32>} : memref<96x512xf32, #tpu.memory_space<vmem>>, vector<16xf32>,
      %mul3A_463 = arith.constant 32 : i32
      %mul3A_464 = vector.broadcast %mul3A_463 : i32 to vector<16xi32>
      %mul3A_465 = arith.muli %get3A_46, %mul3A_464 : vector<16xi32>
      %add3A_466 = arith.constant 16 : i32
      %add3A_467 = vector.broadcast %add3A_466 : i32 to vector<16xi32>
      %add3A_468 = arith.addi %mul3A_465, %add3A_467 : vector<16xi32>
      %gather3A_469 = tpu.vector_load_idx %arg9[%add3A_468] : memref<32000xf32, #tpu.memory_space<vmem>>[vector<16xi32>], vector<16xf32>,
      %mul3A_470 = arith.constant 16 : i32
      %mul3A_471 = arith.muli %scan3A_43, %mul3A_470 : i32
      %swap3A_472 = arith.constant 16 : i32
      %swap3A_473 = arith.index_cast %swap3A_472 : i32 to index
      %swap3A_474 = arith.index_cast %mul3A_471 : i32 to index
      %swap3A_475 = tpu.vector_load %arg15[%swap3A_473, %swap3A_474] {strides = array<i32>} : memref<96x512xf32, #tpu.memory_space<vmem>>, vector<16xf32>,
      tpu.vector_store %arg15[%swap3A_473, %swap3A_474], %gather3A_469 {strides = array<i32>} : memref<96x512xf32, #tpu.memory_space<vmem>>, vector<16xf32>,
      %mul3A_476 = arith.constant 32 : i32
      %mul3A_477 = vector.broadcast %mul3A_476 : i32 to vector<16xi32>
      %mul3A_478 = arith.muli %get3A_48, %mul3A_477 : vector<16xi32>
      %add3A_479 = arith.constant 16 : i32
      %add3A_480 = vector.broadcast %add3A_479 : i32 to vector<16xi32>
      %add3A_481 = arith.addi %mul3A_478, %add3A_480 : vector<16xi32>
      %gather3A_482 = tpu.vector_load_idx %arg10[%add3A_481] : memref<32000xf32, #tpu.memory_space<vmem>>[vector<16xi32>], vector<16xf32>,
      %mul3A_483 = arith.constant 16 : i32
      %mul3A_484 = arith.muli %scan3A_43, %mul3A_483 : i32
      %swap3A_485 = arith.constant 48 : i32
      %swap3A_486 = arith.index_cast %swap3A_485 : i32 to index
      %swap3A_487 = arith.index_cast %mul3A_484 : i32 to index
      %swap3A_488 = tpu.vector_load %arg15[%swap3A_486, %swap3A_487] {strides = array<i32>} : memref<96x512xf32, #tpu.memory_space<vmem>>, vector<16xf32>,
      tpu.vector_store %arg15[%swap3A_486, %swap3A_487], %gather3A_482 {strides = array<i32>} : memref<96x512xf32, #tpu.memory_space<vmem>>, vector<16xf32>,
      %mul3A_489 = arith.constant 32 : i32
      %mul3A_490 = vector.broadcast %mul3A_489 : i32 to vector<16xi32>
      %mul3A_491 = arith.muli %get3A_46, %mul3A_490 : vector<16xi32>
      %add3A_492 = arith.constant 17 : i32
      %add3A_493 = vector.broadcast %add3A_492 : i32 to vector<16xi32>
      %add3A_494 = arith.addi %mul3A_491, %add3A_493 : vector<16xi32>
      %gather3A_495 = tpu.vector_load_idx %arg9[%add3A_494] : memref<32000xf32, #tpu.memory_space<vmem>>[vector<16xi32>], vector<16xf32>,
      %mul3A_496 = arith.constant 16 : i32
      %mul3A_497 = arith.muli %scan3A_43, %mul3A_496 : i32
      %swap3A_498 = arith.constant 17 : i32
      %swap3A_499 = arith.index_cast %swap3A_498 : i32 to index
      %swap3A_500 = arith.index_cast %mul3A_497 : i32 to index
      %swap3A_501 = tpu.vector_load %arg15[%swap3A_499, %swap3A_500] {strides = array<i32>} : memref<96x512xf32, #tpu.memory_space<vmem>>, vector<16xf32>,
      tpu.vector_store %arg15[%swap3A_499, %swap3A_500], %gather3A_495 {strides = array<i32>} : memref<96x512xf32, #tpu.memory_space<vmem>>, vector<16xf32>,
      %mul3A_502 = arith.constant 32 : i32
      %mul3A_503 = vector.broadcast %mul3A_502 : i32 to vector<16xi32>
      %mul3A_504 = arith.muli %get3A_48, %mul3A_503 : vector<16xi32>
      %add3A_505 = arith.constant 17 : i32
      %add3A_506 = vector.broadcast %add3A_505 : i32 to vector<16xi32>
      %add3A_507 = arith.addi %mul3A_504, %add3A_506 : vector<16xi32>
      %gather3A_508 = tpu.vector_load_idx %arg10[%add3A_507] : memref<32000xf32, #tpu.memory_space<vmem>>[vector<16xi32>], vector<16xf32>,
      %mul3A_509 = arith.constant 16 : i32
      %mul3A_510 = arith.muli %scan3A_43, %mul3A_509 : i32
      %swap3A_511 = arith.constant 49 : i32
      %swap3A_512 = arith.index_cast %swap3A_511 : i32 to index
      %swap3A_513 = arith.index_cast %mul3A_510 : i32 to index
      %swap3A_514 = tpu.vector_load %arg15[%swap3A_512, %swap3A_513] {strides = array<i32>} : memref<96x512xf32, #tpu.memory_space<vmem>>, vector<16xf32>,
      tpu.vector_store %arg15[%swap3A_512, %swap3A_513], %gather3A_508 {strides = array<i32>} : memref<96x512xf32, #tpu.memory_space<vmem>>, vector<16xf32>,
      %mul3A_515 = arith.constant 32 : i32
      %mul3A_516 = vector.broadcast %mul3A_515 : i32 to vector<16xi32>
      %mul3A_517 = arith.muli %get3A_46, %mul3A_516 : vector<16xi32>
      %add3A_518 = arith.constant 18 : i32
      %add3A_519 = vector.broadcast %add3A_518 : i32 to vector<16xi32>
      %add3A_520 = arith.addi %mul3A_517, %add3A_519 : vector<16xi32>
      %gather3A_521 = tpu.vector_load_idx %arg9[%add3A_520] : memref<32000xf32, #tpu.memory_space<vmem>>[vector<16xi32>], vector<16xf32>,
      %mul3A_522 = arith.constant 16 : i32
      %mul3A_523 = arith.muli %scan3A_43, %mul3A_522 : i32
      %swap3A_524 = arith.constant 18 : i32
      %swap3A_525 = arith.index_cast %swap3A_524 : i32 to index
      %swap3A_526 = arith.index_cast %mul3A_523 : i32 to index
      %swap3A_527 = tpu.vector_load %arg15[%swap3A_525, %swap3A_526] {strides = array<i32>} : memref<96x512xf32, #tpu.memory_space<vmem>>, vector<16xf32>,
      tpu.vector_store %arg15[%swap3A_525, %swap3A_526], %gather3A_521 {strides = array<i32>} : memref<96x512xf32, #tpu.memory_space<vmem>>, vector<16xf32>,
      %mul3A_528 = arith.constant 32 : i32
      %mul3A_529 = vector.broadcast %mul3A_528 : i32 to vector<16xi32>
      %mul3A_530 = arith.muli %get3A_48, %mul3A_529 : vector<16xi32>
      %add3A_531 = arith.constant 18 : i32
      %add3A_532 = vector.broadcast %add3A_531 : i32 to vector<16xi32>
      %add3A_533 = arith.addi %mul3A_530, %add3A_532 : vector<16xi32>
      %gather3A_534 = tpu.vector_load_idx %arg10[%add3A_533] : memref<32000xf32, #tpu.memory_space<vmem>>[vector<16xi32>], vector<16xf32>,
      %mul3A_535 = arith.constant 16 : i32
      %mul3A_536 = arith.muli %scan3A_43, %mul3A_535 : i32
      %swap3A_537 = arith.constant 50 : i32
      %swap3A_538 = arith.index_cast %swap3A_537 : i32 to index
      %swap3A_539 = arith.index_cast %mul3A_536 : i32 to index
      %swap3A_540 = tpu.vector_load %arg15[%swap3A_538, %swap3A_539] {strides = array<i32>} : memref<96x512xf32, #tpu.memory_space<vmem>>, vector<16xf32>,
      tpu.vector_store %arg15[%swap3A_538, %swap3A_539], %gather3A_534 {strides = array<i32>} : memref<96x512xf32, #tpu.memory_space<vmem>>, vector<16xf32>,
      %mul3A_541 = arith.constant 32 : i32
      %mul3A_542 = vector.broadcast %mul3A_541 : i32 to vector<16xi32>
      %mul3A_543 = arith.muli %get3A_46, %mul3A_542 : vector<16xi32>
      %add3A_544 = arith.constant 19 : i32
      %add3A_545 = vector.broadcast %add3A_544 : i32 to vector<16xi32>
      %add3A_546 = arith.addi %mul3A_543, %add3A_545 : vector<16xi32>
      %gather3A_547 = tpu.vector_load_idx %arg9[%add3A_546] : memref<32000xf32, #tpu.memory_space<vmem>>[vector<16xi32>], vector<16xf32>,
      %mul3A_548 = arith.constant 16 : i32
      %mul3A_549 = arith.muli %scan3A_43, %mul3A_548 : i32
      %swap3A_550 = arith.constant 19 : i32
      %swap3A_551 = arith.index_cast %swap3A_550 : i32 to index
      %swap3A_552 = arith.index_cast %mul3A_549 : i32 to index
      %swap3A_553 = tpu.vector_load %arg15[%swap3A_551, %swap3A_552] {strides = array<i32>} : memref<96x512xf32, #tpu.memory_space<vmem>>, vector<16xf32>,
      tpu.vector_store %arg15[%swap3A_551, %swap3A_552], %gather3A_547 {strides = array<i32>} : memref<96x512xf32, #tpu.memory_space<vmem>>, vector<16xf32>,
      %mul3A_554 = arith.constant 32 : i32
      %mul3A_555 = vector.broadcast %mul3A_554 : i32 to vector<16xi32>
      %mul3A_556 = arith.muli %get3A_48, %mul3A_555 : vector<16xi32>
      %add3A_557 = arith.constant 19 : i32
      %add3A_558 = vector.broadcast %add3A_557 : i32 to vector<16xi32>
      %add3A_559 = arith.addi %mul3A_556, %add3A_558 : vector<16xi32>
      %gather3A_560 = tpu.vector_load_idx %arg10[%add3A_559] : memref<32000xf32, #tpu.memory_space<vmem>>[vector<16xi32>], vector<16xf32>,
      %mul3A_561 = arith.constant 16 : i32
      %mul3A_562 = arith.muli %scan3A_43, %mul3A_561 : i32
      %swap3A_563 = arith.constant 51 : i32
      %swap3A_564 = arith.index_cast %swap3A_563 : i32 to index
      %swap3A_565 = arith.index_cast %mul3A_562 : i32 to index
      %swap3A_566 = tpu.vector_load %arg15[%swap3A_564, %swap3A_565] {strides = array<i32>} : memref<96x512xf32, #tpu.memory_space<vmem>>, vector<16xf32>,
      tpu.vector_store %arg15[%swap3A_564, %swap3A_565], %gather3A_560 {strides = array<i32>} : memref<96x512xf32, #tpu.memory_space<vmem>>, vector<16xf32>,
      %mul3A_567 = arith.constant 32 : i32
      %mul3A_568 = vector.broadcast %mul3A_567 : i32 to vector<16xi32>
      %mul3A_569 = arith.muli %get3A_46, %mul3A_568 : vector<16xi32>
      %add3A_570 = arith.constant 20 : i32
      %add3A_571 = vector.broadcast %add3A_570 : i32 to vector<16xi32>
      %add3A_572 = arith.addi %mul3A_569, %add3A_571 : vector<16xi32>
      %gather3A_573 = tpu.vector_load_idx %arg9[%add3A_572] : memref<32000xf32, #tpu.memory_space<vmem>>[vector<16xi32>], vector<16xf32>,
      %mul3A_574 = arith.constant 16 : i32
      %mul3A_575 = arith.muli %scan3A_43, %mul3A_574 : i32
      %swap3A_576 = arith.constant 20 : i32
      %swap3A_577 = arith.index_cast %swap3A_576 : i32 to index
      %swap3A_578 = arith.index_cast %mul3A_575 : i32 to index
      %swap3A_579 = tpu.vector_load %arg15[%swap3A_577, %swap3A_578] {strides = array<i32>} : memref<96x512xf32, #tpu.memory_space<vmem>>, vector<16xf32>,
      tpu.vector_store %arg15[%swap3A_577, %swap3A_578], %gather3A_573 {strides = array<i32>} : memref<96x512xf32, #tpu.memory_space<vmem>>, vector<16xf32>,
      %mul3A_580 = arith.constant 32 : i32
      %mul3A_581 = vector.broadcast %mul3A_580 : i32 to vector<16xi32>
      %mul3A_582 = arith.muli %get3A_48, %mul3A_581 : vector<16xi32>
      %add3A_583 = arith.constant 20 : i32
      %add3A_584 = vector.broadcast %add3A_583 : i32 to vector<16xi32>
      %add3A_585 = arith.addi %mul3A_582, %add3A_584 : vector<16xi32>
      %gather3A_586 = tpu.vector_load_idx %arg10[%add3A_585] : memref<32000xf32, #tpu.memory_space<vmem>>[vector<16xi32>], vector<16xf32>,
      %mul3A_587 = arith.constant 16 : i32
      %mul3A_588 = arith.muli %scan3A_43, %mul3A_587 : i32
      %swap3A_589 = arith.constant 52 : i32
      %swap3A_590 = arith.index_cast %swap3A_589 : i32 to index
      %swap3A_591 = arith.index_cast %mul3A_588 : i32 to index
      %swap3A_592 = tpu.vector_load %arg15[%swap3A_590, %swap3A_591] {strides = array<i32>} : memref<96x512xf32, #tpu.memory_space<vmem>>, vector<16xf32>,
      tpu.vector_store %arg15[%swap3A_590, %swap3A_591], %gather3A_586 {strides = array<i32>} : memref<96x512xf32, #tpu.memory_space<vmem>>, vector<16xf32>,
      %mul3A_593 = arith.constant 32 : i32
      %mul3A_594 = vector.broadcast %mul3A_593 : i32 to vector<16xi32>
      %mul3A_595 = arith.muli %get3A_46, %mul3A_594 : vector<16xi32>
      %add3A_596 = arith.constant 21 : i32
      %add3A_597 = vector.broadcast %add3A_596 : i32 to vector<16xi32>
      %add3A_598 = arith.addi %mul3A_595, %add3A_597 : vector<16xi32>
      %gather3A_599 = tpu.vector_load_idx %arg9[%add3A_598] : memref<32000xf32, #tpu.memory_space<vmem>>[vector<16xi32>], vector<16xf32>,
      %mul3A_600 = arith.constant 16 : i32
      %mul3A_601 = arith.muli %scan3A_43, %mul3A_600 : i32
      %swap3A_602 = arith.constant 21 : i32
      %swap3A_603 = arith.index_cast %swap3A_602 : i32 to index
      %swap3A_604 = arith.index_cast %mul3A_601 : i32 to index
      %swap3A_605 = tpu.vector_load %arg15[%swap3A_603, %swap3A_604] {strides = array<i32>} : memref<96x512xf32, #tpu.memory_space<vmem>>, vector<16xf32>,
      tpu.vector_store %arg15[%swap3A_603, %swap3A_604], %gather3A_599 {strides = array<i32>} : memref<96x512xf32, #tpu.memory_space<vmem>>, vector<16xf32>,
      %mul3A_606 = arith.constant 32 : i32
      %mul3A_607 = vector.broadcast %mul3A_606 : i32 to vector<16xi32>
      %mul3A_608 = arith.muli %get3A_48, %mul3A_607 : vector<16xi32>
      %add3A_609 = arith.constant 21 : i32
      %add3A_610 = vector.broadcast %add3A_609 : i32 to vector<16xi32>
      %add3A_611 = arith.addi %mul3A_608, %add3A_610 : vector<16xi32>
      %gather3A_612 = tpu.vector_load_idx %arg10[%add3A_611] : memref<32000xf32, #tpu.memory_space<vmem>>[vector<16xi32>], vector<16xf32>,
      %mul3A_613 = arith.constant 16 : i32
      %mul3A_614 = arith.muli %scan3A_43, %mul3A_613 : i32
      %swap3A_615 = arith.constant 53 : i32
      %swap3A_616 = arith.index_cast %swap3A_615 : i32 to index
      %swap3A_617 = arith.index_cast %mul3A_614 : i32 to index
      %swap3A_618 = tpu.vector_load %arg15[%swap3A_616, %swap3A_617] {strides = array<i32>} : memref<96x512xf32, #tpu.memory_space<vmem>>, vector<16xf32>,
      tpu.vector_store %arg15[%swap3A_616, %swap3A_617], %gather3A_612 {strides = array<i32>} : memref<96x512xf32, #tpu.memory_space<vmem>>, vector<16xf32>,
      %mul3A_619 = arith.constant 32 : i32
      %mul3A_620 = vector.broadcast %mul3A_619 : i32 to vector<16xi32>
      %mul3A_621 = arith.muli %get3A_46, %mul3A_620 : vector<16xi32>
      %add3A_622 = arith.constant 22 : i32
      %add3A_623 = vector.broadcast %add3A_622 : i32 to vector<16xi32>
      %add3A_624 = arith.addi %mul3A_621, %add3A_623 : vector<16xi32>
      %gather3A_625 = tpu.vector_load_idx %arg9[%add3A_624] : memref<32000xf32, #tpu.memory_space<vmem>>[vector<16xi32>], vector<16xf32>,
      %mul3A_626 = arith.constant 16 : i32
      %mul3A_627 = arith.muli %scan3A_43, %mul3A_626 : i32
      %swap3A_628 = arith.constant 22 : i32
      %swap3A_629 = arith.index_cast %swap3A_628 : i32 to index
      %swap3A_630 = arith.index_cast %mul3A_627 : i32 to index
      %swap3A_631 = tpu.vector_load %arg15[%swap3A_629, %swap3A_630] {strides = array<i32>} : memref<96x512xf32, #tpu.memory_space<vmem>>, vector<16xf32>,
      tpu.vector_store %arg15[%swap3A_629, %swap3A_630], %gather3A_625 {strides = array<i32>} : memref<96x512xf32, #tpu.memory_space<vmem>>, vector<16xf32>,
      %mul3A_632 = arith.constant 32 : i32
      %mul3A_633 = vector.broadcast %mul3A_632 : i32 to vector<16xi32>
      %mul3A_634 = arith.muli %get3A_48, %mul3A_633 : vector<16xi32>
      %add3A_635 = arith.constant 22 : i32
      %add3A_636 = vector.broadcast %add3A_635 : i32 to vector<16xi32>
      %add3A_637 = arith.addi %mul3A_634, %add3A_636 : vector<16xi32>
      %gather3A_638 = tpu.vector_load_idx %arg10[%add3A_637] : memref<32000xf32, #tpu.memory_space<vmem>>[vector<16xi32>], vector<16xf32>,
      %mul3A_639 = arith.constant 16 : i32
      %mul3A_640 = arith.muli %scan3A_43, %mul3A_639 : i32
      %swap3A_641 = arith.constant 54 : i32
      %swap3A_642 = arith.index_cast %swap3A_641 : i32 to index
      %swap3A_643 = arith.index_cast %mul3A_640 : i32 to index
      %swap3A_644 = tpu.vector_load %arg15[%swap3A_642, %swap3A_643] {strides = array<i32>} : memref<96x512xf32, #tpu.memory_space<vmem>>, vector<16xf32>,
      tpu.vector_store %arg15[%swap3A_642, %swap3A_643], %gather3A_638 {strides = array<i32>} : memref<96x512xf32, #tpu.memory_space<vmem>>, vector<16xf32>,
      %mul3A_645 = arith.constant 32 : i32
      %mul3A_646 = vector.broadcast %mul3A_645 : i32 to vector<16xi32>
      %mul3A_647 = arith.muli %get3A_46, %mul3A_646 : vector<16xi32>
      %add3A_648 = arith.constant 23 : i32
      %add3A_649 = vector.broadcast %add3A_648 : i32 to vector<16xi32>
      %add3A_650 = arith.addi %mul3A_647, %add3A_649 : vector<16xi32>
      %gather3A_651 = tpu.vector_load_idx %arg9[%add3A_650] : memref<32000xf32, #tpu.memory_space<vmem>>[vector<16xi32>], vector<16xf32>,
      %mul3A_652 = arith.constant 16 : i32
      %mul3A_653 = arith.muli %scan3A_43, %mul3A_652 : i32
      %swap3A_654 = arith.constant 23 : i32
      %swap3A_655 = arith.index_cast %swap3A_654 : i32 to index
      %swap3A_656 = arith.index_cast %mul3A_653 : i32 to index
      %swap3A_657 = tpu.vector_load %arg15[%swap3A_655, %swap3A_656] {strides = array<i32>} : memref<96x512xf32, #tpu.memory_space<vmem>>, vector<16xf32>,
      tpu.vector_store %arg15[%swap3A_655, %swap3A_656], %gather3A_651 {strides = array<i32>} : memref<96x512xf32, #tpu.memory_space<vmem>>, vector<16xf32>,
      %mul3A_658 = arith.constant 32 : i32
      %mul3A_659 = vector.broadcast %mul3A_658 : i32 to vector<16xi32>
      %mul3A_660 = arith.muli %get3A_48, %mul3A_659 : vector<16xi32>
      %add3A_661 = arith.constant 23 : i32
      %add3A_662 = vector.broadcast %add3A_661 : i32 to vector<16xi32>
      %add3A_663 = arith.addi %mul3A_660, %add3A_662 : vector<16xi32>
      %gather3A_664 = tpu.vector_load_idx %arg10[%add3A_663] : memref<32000xf32, #tpu.memory_space<vmem>>[vector<16xi32>], vector<16xf32>,
      %mul3A_665 = arith.constant 16 : i32
      %mul3A_666 = arith.muli %scan3A_43, %mul3A_665 : i32
      %swap3A_667 = arith.constant 55 : i32
      %swap3A_668 = arith.index_cast %swap3A_667 : i32 to index
      %swap3A_669 = arith.index_cast %mul3A_666 : i32 to index
      %swap3A_670 = tpu.vector_load %arg15[%swap3A_668, %swap3A_669] {strides = array<i32>} : memref<96x512xf32, #tpu.memory_space<vmem>>, vector<16xf32>,
      tpu.vector_store %arg15[%swap3A_668, %swap3A_669], %gather3A_664 {strides = array<i32>} : memref<96x512xf32, #tpu.memory_space<vmem>>, vector<16xf32>,
      %mul3A_671 = arith.constant 32 : i32
      %mul3A_672 = vector.broadcast %mul3A_671 : i32 to vector<16xi32>
      %mul3A_673 = arith.muli %get3A_46, %mul3A_672 : vector<16xi32>
      %add3A_674 = arith.constant 24 : i32
      %add3A_675 = vector.broadcast %add3A_674 : i32 to vector<16xi32>
      %add3A_676 = arith.addi %mul3A_673, %add3A_675 : vector<16xi32>
      %gather3A_677 = tpu.vector_load_idx %arg9[%add3A_676] : memref<32000xf32, #tpu.memory_space<vmem>>[vector<16xi32>], vector<16xf32>,
      %mul3A_678 = arith.constant 16 : i32
      %mul3A_679 = arith.muli %scan3A_43, %mul3A_678 : i32
      %swap3A_680 = arith.constant 24 : i32
      %swap3A_681 = arith.index_cast %swap3A_680 : i32 to index
      %swap3A_682 = arith.index_cast %mul3A_679 : i32 to index
      %swap3A_683 = tpu.vector_load %arg15[%swap3A_681, %swap3A_682] {strides = array<i32>} : memref<96x512xf32, #tpu.memory_space<vmem>>, vector<16xf32>,
      tpu.vector_store %arg15[%swap3A_681, %swap3A_682], %gather3A_677 {strides = array<i32>} : memref<96x512xf32, #tpu.memory_space<vmem>>, vector<16xf32>,
      %mul3A_684 = arith.constant 32 : i32
      %mul3A_685 = vector.broadcast %mul3A_684 : i32 to vector<16xi32>
      %mul3A_686 = arith.muli %get3A_48, %mul3A_685 : vector<16xi32>
      %add3A_687 = arith.constant 24 : i32
      %add3A_688 = vector.broadcast %add3A_687 : i32 to vector<16xi32>
      %add3A_689 = arith.addi %mul3A_686, %add3A_688 : vector<16xi32>
      %gather3A_690 = tpu.vector_load_idx %arg10[%add3A_689] : memref<32000xf32, #tpu.memory_space<vmem>>[vector<16xi32>], vector<16xf32>,
      %mul3A_691 = arith.constant 16 : i32
      %mul3A_692 = arith.muli %scan3A_43, %mul3A_691 : i32
      %swap3A_693 = arith.constant 56 : i32
      %swap3A_694 = arith.index_cast %swap3A_693 : i32 to index
      %swap3A_695 = arith.index_cast %mul3A_692 : i32 to index
      %swap3A_696 = tpu.vector_load %arg15[%swap3A_694, %swap3A_695] {strides = array<i32>} : memref<96x512xf32, #tpu.memory_space<vmem>>, vector<16xf32>,
      tpu.vector_store %arg15[%swap3A_694, %swap3A_695], %gather3A_690 {strides = array<i32>} : memref<96x512xf32, #tpu.memory_space<vmem>>, vector<16xf32>,
      %mul3A_697 = arith.constant 32 : i32
      %mul3A_698 = vector.broadcast %mul3A_697 : i32 to vector<16xi32>
      %mul3A_699 = arith.muli %get3A_46, %mul3A_698 : vector<16xi32>
      %add3A_700 = arith.constant 25 : i32
      %add3A_701 = vector.broadcast %add3A_700 : i32 to vector<16xi32>
      %add3A_702 = arith.addi %mul3A_699, %add3A_701 : vector<16xi32>
      %gather3A_703 = tpu.vector_load_idx %arg9[%add3A_702] : memref<32000xf32, #tpu.memory_space<vmem>>[vector<16xi32>], vector<16xf32>,
      %mul3A_704 = arith.constant 16 : i32
      %mul3A_705 = arith.muli %scan3A_43, %mul3A_704 : i32
      %swap3A_706 = arith.constant 25 : i32
      %swap3A_707 = arith.index_cast %swap3A_706 : i32 to index
      %swap3A_708 = arith.index_cast %mul3A_705 : i32 to index
      %swap3A_709 = tpu.vector_load %arg15[%swap3A_707, %swap3A_708] {strides = array<i32>} : memref<96x512xf32, #tpu.memory_space<vmem>>, vector<16xf32>,
      tpu.vector_store %arg15[%swap3A_707, %swap3A_708], %gather3A_703 {strides = array<i32>} : memref<96x512xf32, #tpu.memory_space<vmem>>, vector<16xf32>,
      %mul3A_710 = arith.constant 32 : i32
      %mul3A_711 = vector.broadcast %mul3A_710 : i32 to vector<16xi32>
      %mul3A_712 = arith.muli %get3A_48, %mul3A_711 : vector<16xi32>
      %add3A_713 = arith.constant 25 : i32
      %add3A_714 = vector.broadcast %add3A_713 : i32 to vector<16xi32>
      %add3A_715 = arith.addi %mul3A_712, %add3A_714 : vector<16xi32>
      %gather3A_716 = tpu.vector_load_idx %arg10[%add3A_715] : memref<32000xf32, #tpu.memory_space<vmem>>[vector<16xi32>], vector<16xf32>,
      %mul3A_717 = arith.constant 16 : i32
      %mul3A_718 = arith.muli %scan3A_43, %mul3A_717 : i32
      %swap3A_719 = arith.constant 57 : i32
      %swap3A_720 = arith.index_cast %swap3A_719 : i32 to index
      %swap3A_721 = arith.index_cast %mul3A_718 : i32 to index
      %swap3A_722 = tpu.vector_load %arg15[%swap3A_720, %swap3A_721] {strides = array<i32>} : memref<96x512xf32, #tpu.memory_space<vmem>>, vector<16xf32>,
      tpu.vector_store %arg15[%swap3A_720, %swap3A_721], %gather3A_716 {strides = array<i32>} : memref<96x512xf32, #tpu.memory_space<vmem>>, vector<16xf32>,
      %mul3A_723 = arith.constant 32 : i32
      %mul3A_724 = vector.broadcast %mul3A_723 : i32 to vector<16xi32>
      %mul3A_725 = arith.muli %get3A_46, %mul3A_724 : vector<16xi32>
      %add3A_726 = arith.constant 26 : i32
      %add3A_727 = vector.broadcast %add3A_726 : i32 to vector<16xi32>
      %add3A_728 = arith.addi %mul3A_725, %add3A_727 : vector<16xi32>
      %gather3A_729 = tpu.vector_load_idx %arg9[%add3A_728] : memref<32000xf32, #tpu.memory_space<vmem>>[vector<16xi32>], vector<16xf32>,
      %mul3A_730 = arith.constant 16 : i32
      %mul3A_731 = arith.muli %scan3A_43, %mul3A_730 : i32
      %swap3A_732 = arith.constant 26 : i32
      %swap3A_733 = arith.index_cast %swap3A_732 : i32 to index
      %swap3A_734 = arith.index_cast %mul3A_731 : i32 to index
      %swap3A_735 = tpu.vector_load %arg15[%swap3A_733, %swap3A_734] {strides = array<i32>} : memref<96x512xf32, #tpu.memory_space<vmem>>, vector<16xf32>,
      tpu.vector_store %arg15[%swap3A_733, %swap3A_734], %gather3A_729 {strides = array<i32>} : memref<96x512xf32, #tpu.memory_space<vmem>>, vector<16xf32>,
      %mul3A_736 = arith.constant 32 : i32
      %mul3A_737 = vector.broadcast %mul3A_736 : i32 to vector<16xi32>
      %mul3A_738 = arith.muli %get3A_48, %mul3A_737 : vector<16xi32>
      %add3A_739 = arith.constant 26 : i32
      %add3A_740 = vector.broadcast %add3A_739 : i32 to vector<16xi32>
      %add3A_741 = arith.addi %mul3A_738, %add3A_740 : vector<16xi32>
      %gather3A_742 = tpu.vector_load_idx %arg10[%add3A_741] : memref<32000xf32, #tpu.memory_space<vmem>>[vector<16xi32>], vector<16xf32>,
      %mul3A_743 = arith.constant 16 : i32
      %mul3A_744 = arith.muli %scan3A_43, %mul3A_743 : i32
      %swap3A_745 = arith.constant 58 : i32
      %swap3A_746 = arith.index_cast %swap3A_745 : i32 to index
      %swap3A_747 = arith.index_cast %mul3A_744 : i32 to index
      %swap3A_748 = tpu.vector_load %arg15[%swap3A_746, %swap3A_747] {strides = array<i32>} : memref<96x512xf32, #tpu.memory_space<vmem>>, vector<16xf32>,
      tpu.vector_store %arg15[%swap3A_746, %swap3A_747], %gather3A_742 {strides = array<i32>} : memref<96x512xf32, #tpu.memory_space<vmem>>, vector<16xf32>,
      %mul3A_749 = arith.constant 32 : i32
      %mul3A_750 = vector.broadcast %mul3A_749 : i32 to vector<16xi32>
      %mul3A_751 = arith.muli %get3A_46, %mul3A_750 : vector<16xi32>
      %add3A_752 = arith.constant 27 : i32
      %add3A_753 = vector.broadcast %add3A_752 : i32 to vector<16xi32>
      %add3A_754 = arith.addi %mul3A_751, %add3A_753 : vector<16xi32>
      %gather3A_755 = tpu.vector_load_idx %arg9[%add3A_754] : memref<32000xf32, #tpu.memory_space<vmem>>[vector<16xi32>], vector<16xf32>,
      %mul3A_756 = arith.constant 16 : i32
      %mul3A_757 = arith.muli %scan3A_43, %mul3A_756 : i32
      %swap3A_758 = arith.constant 27 : i32
      %swap3A_759 = arith.index_cast %swap3A_758 : i32 to index
      %swap3A_760 = arith.index_cast %mul3A_757 : i32 to index
      %swap3A_761 = tpu.vector_load %arg15[%swap3A_759, %swap3A_760] {strides = array<i32>} : memref<96x512xf32, #tpu.memory_space<vmem>>, vector<16xf32>,
      tpu.vector_store %arg15[%swap3A_759, %swap3A_760], %gather3A_755 {strides = array<i32>} : memref<96x512xf32, #tpu.memory_space<vmem>>, vector<16xf32>,
      %mul3A_762 = arith.constant 32 : i32
      %mul3A_763 = vector.broadcast %mul3A_762 : i32 to vector<16xi32>
      %mul3A_764 = arith.muli %get3A_48, %mul3A_763 : vector<16xi32>
      %add3A_765 = arith.constant 27 : i32
      %add3A_766 = vector.broadcast %add3A_765 : i32 to vector<16xi32>
      %add3A_767 = arith.addi %mul3A_764, %add3A_766 : vector<16xi32>
      %gather3A_768 = tpu.vector_load_idx %arg10[%add3A_767] : memref<32000xf32, #tpu.memory_space<vmem>>[vector<16xi32>], vector<16xf32>,
      %mul3A_769 = arith.constant 16 : i32
      %mul3A_770 = arith.muli %scan3A_43, %mul3A_769 : i32
      %swap3A_771 = arith.constant 59 : i32
      %swap3A_772 = arith.index_cast %swap3A_771 : i32 to index
      %swap3A_773 = arith.index_cast %mul3A_770 : i32 to index
      %swap3A_774 = tpu.vector_load %arg15[%swap3A_772, %swap3A_773] {strides = array<i32>} : memref<96x512xf32, #tpu.memory_space<vmem>>, vector<16xf32>,
      tpu.vector_store %arg15[%swap3A_772, %swap3A_773], %gather3A_768 {strides = array<i32>} : memref<96x512xf32, #tpu.memory_space<vmem>>, vector<16xf32>,
      %mul3A_775 = arith.constant 32 : i32
      %mul3A_776 = vector.broadcast %mul3A_775 : i32 to vector<16xi32>
      %mul3A_777 = arith.muli %get3A_46, %mul3A_776 : vector<16xi32>
      %add3A_778 = arith.constant 28 : i32
      %add3A_779 = vector.broadcast %add3A_778 : i32 to vector<16xi32>
      %add3A_780 = arith.addi %mul3A_777, %add3A_779 : vector<16xi32>
      %gather3A_781 = tpu.vector_load_idx %arg9[%add3A_780] : memref<32000xf32, #tpu.memory_space<vmem>>[vector<16xi32>], vector<16xf32>,
      %mul3A_782 = arith.constant 16 : i32
      %mul3A_783 = arith.muli %scan3A_43, %mul3A_782 : i32
      %swap3A_784 = arith.constant 28 : i32
      %swap3A_785 = arith.index_cast %swap3A_784 : i32 to index
      %swap3A_786 = arith.index_cast %mul3A_783 : i32 to index
      %swap3A_787 = tpu.vector_load %arg15[%swap3A_785, %swap3A_786] {strides = array<i32>} : memref<96x512xf32, #tpu.memory_space<vmem>>, vector<16xf32>,
      tpu.vector_store %arg15[%swap3A_785, %swap3A_786], %gather3A_781 {strides = array<i32>} : memref<96x512xf32, #tpu.memory_space<vmem>>, vector<16xf32>,
      %mul3A_788 = arith.constant 32 : i32
      %mul3A_789 = vector.broadcast %mul3A_788 : i32 to vector<16xi32>
      %mul3A_790 = arith.muli %get3A_48, %mul3A_789 : vector<16xi32>
      %add3A_791 = arith.constant 28 : i32
      %add3A_792 = vector.broadcast %add3A_791 : i32 to vector<16xi32>
      %add3A_793 = arith.addi %mul3A_790, %add3A_792 : vector<16xi32>
      %gather3A_794 = tpu.vector_load_idx %arg10[%add3A_793] : memref<32000xf32, #tpu.memory_space<vmem>>[vector<16xi32>], vector<16xf32>,
      %mul3A_795 = arith.constant 16 : i32
      %mul3A_796 = arith.muli %scan3A_43, %mul3A_795 : i32
      %swap3A_797 = arith.constant 60 : i32
      %swap3A_798 = arith.index_cast %swap3A_797 : i32 to index
      %swap3A_799 = arith.index_cast %mul3A_796 : i32 to index
      %swap3A_800 = tpu.vector_load %arg15[%swap3A_798, %swap3A_799] {strides = array<i32>} : memref<96x512xf32, #tpu.memory_space<vmem>>, vector<16xf32>,
      tpu.vector_store %arg15[%swap3A_798, %swap3A_799], %gather3A_794 {strides = array<i32>} : memref<96x512xf32, #tpu.memory_space<vmem>>, vector<16xf32>,
      %mul3A_801 = arith.constant 32 : i32
      %mul3A_802 = vector.broadcast %mul3A_801 : i32 to vector<16xi32>
      %mul3A_803 = arith.muli %get3A_46, %mul3A_802 : vector<16xi32>
      %add3A_804 = arith.constant 29 : i32
      %add3A_805 = vector.broadcast %add3A_804 : i32 to vector<16xi32>
      %add3A_806 = arith.addi %mul3A_803, %add3A_805 : vector<16xi32>
      %gather3A_807 = tpu.vector_load_idx %arg9[%add3A_806] : memref<32000xf32, #tpu.memory_space<vmem>>[vector<16xi32>], vector<16xf32>,
      %mul3A_808 = arith.constant 16 : i32
      %mul3A_809 = arith.muli %scan3A_43, %mul3A_808 : i32
      %swap3A_810 = arith.constant 29 : i32
      %swap3A_811 = arith.index_cast %swap3A_810 : i32 to index
      %swap3A_812 = arith.index_cast %mul3A_809 : i32 to index
      %swap3A_813 = tpu.vector_load %arg15[%swap3A_811, %swap3A_812] {strides = array<i32>} : memref<96x512xf32, #tpu.memory_space<vmem>>, vector<16xf32>,
      tpu.vector_store %arg15[%swap3A_811, %swap3A_812], %gather3A_807 {strides = array<i32>} : memref<96x512xf32, #tpu.memory_space<vmem>>, vector<16xf32>,
      %mul3A_814 = arith.constant 32 : i32
      %mul3A_815 = vector.broadcast %mul3A_814 : i32 to vector<16xi32>
      %mul3A_816 = arith.muli %get3A_48, %mul3A_815 : vector<16xi32>
      %add3A_817 = arith.constant 29 : i32
      %add3A_818 = vector.broadcast %add3A_817 : i32 to vector<16xi32>
      %add3A_819 = arith.addi %mul3A_816, %add3A_818 : vector<16xi32>
      %gather3A_820 = tpu.vector_load_idx %arg10[%add3A_819] : memref<32000xf32, #tpu.memory_space<vmem>>[vector<16xi32>], vector<16xf32>,
      %mul3A_821 = arith.constant 16 : i32
      %mul3A_822 = arith.muli %scan3A_43, %mul3A_821 : i32
      %swap3A_823 = arith.constant 61 : i32
      %swap3A_824 = arith.index_cast %swap3A_823 : i32 to index
      %swap3A_825 = arith.index_cast %mul3A_822 : i32 to index
      %swap3A_826 = tpu.vector_load %arg15[%swap3A_824, %swap3A_825] {strides = array<i32>} : memref<96x512xf32, #tpu.memory_space<vmem>>, vector<16xf32>,
      tpu.vector_store %arg15[%swap3A_824, %swap3A_825], %gather3A_820 {strides = array<i32>} : memref<96x512xf32, #tpu.memory_space<vmem>>, vector<16xf32>,
      %mul3A_827 = arith.constant 32 : i32
      %mul3A_828 = vector.broadcast %mul3A_827 : i32 to vector<16xi32>
      %mul3A_829 = arith.muli %get3A_46, %mul3A_828 : vector<16xi32>
      %add3A_830 = arith.constant 30 : i32
      %add3A_831 = vector.broadcast %add3A_830 : i32 to vector<16xi32>
      %add3A_832 = arith.addi %mul3A_829, %add3A_831 : vector<16xi32>
      %gather3A_833 = tpu.vector_load_idx %arg9[%add3A_832] : memref<32000xf32, #tpu.memory_space<vmem>>[vector<16xi32>], vector<16xf32>,
      %mul3A_834 = arith.constant 16 : i32
      %mul3A_835 = arith.muli %scan3A_43, %mul3A_834 : i32
      %swap3A_836 = arith.constant 30 : i32
      %swap3A_837 = arith.index_cast %swap3A_836 : i32 to index
      %swap3A_838 = arith.index_cast %mul3A_835 : i32 to index
      %swap3A_839 = tpu.vector_load %arg15[%swap3A_837, %swap3A_838] {strides = array<i32>} : memref<96x512xf32, #tpu.memory_space<vmem>>, vector<16xf32>,
      tpu.vector_store %arg15[%swap3A_837, %swap3A_838], %gather3A_833 {strides = array<i32>} : memref<96x512xf32, #tpu.memory_space<vmem>>, vector<16xf32>,
      %mul3A_840 = arith.constant 32 : i32
      %mul3A_841 = vector.broadcast %mul3A_840 : i32 to vector<16xi32>
      %mul3A_842 = arith.muli %get3A_48, %mul3A_841 : vector<16xi32>
      %add3A_843 = arith.constant 30 : i32
      %add3A_844 = vector.broadcast %add3A_843 : i32 to vector<16xi32>
      %add3A_845 = arith.addi %mul3A_842, %add3A_844 : vector<16xi32>
      %gather3A_846 = tpu.vector_load_idx %arg10[%add3A_845] : memref<32000xf32, #tpu.memory_space<vmem>>[vector<16xi32>], vector<16xf32>,
      %mul3A_847 = arith.constant 16 : i32
      %mul3A_848 = arith.muli %scan3A_43, %mul3A_847 : i32
      %swap3A_849 = arith.constant 62 : i32
      %swap3A_850 = arith.index_cast %swap3A_849 : i32 to index
      %swap3A_851 = arith.index_cast %mul3A_848 : i32 to index
      %swap3A_852 = tpu.vector_load %arg15[%swap3A_850, %swap3A_851] {strides = array<i32>} : memref<96x512xf32, #tpu.memory_space<vmem>>, vector<16xf32>,
      tpu.vector_store %arg15[%swap3A_850, %swap3A_851], %gather3A_846 {strides = array<i32>} : memref<96x512xf32, #tpu.memory_space<vmem>>, vector<16xf32>,
      %mul3A_853 = arith.constant 32 : i32
      %mul3A_854 = vector.broadcast %mul3A_853 : i32 to vector<16xi32>
      %mul3A_855 = arith.muli %get3A_46, %mul3A_854 : vector<16xi32>
      %add3A_856 = arith.constant 31 : i32
      %add3A_857 = vector.broadcast %add3A_856 : i32 to vector<16xi32>
      %add3A_858 = arith.addi %mul3A_855, %add3A_857 : vector<16xi32>
      %gather3A_859 = tpu.vector_load_idx %arg9[%add3A_858] : memref<32000xf32, #tpu.memory_space<vmem>>[vector<16xi32>], vector<16xf32>,
      %mul3A_860 = arith.constant 16 : i32
      %mul3A_861 = arith.muli %scan3A_43, %mul3A_860 : i32
      %swap3A_862 = arith.constant 31 : i32
      %swap3A_863 = arith.index_cast %swap3A_862 : i32 to index
      %swap3A_864 = arith.index_cast %mul3A_861 : i32 to index
      %swap3A_865 = tpu.vector_load %arg15[%swap3A_863, %swap3A_864] {strides = array<i32>} : memref<96x512xf32, #tpu.memory_space<vmem>>, vector<16xf32>,
      tpu.vector_store %arg15[%swap3A_863, %swap3A_864], %gather3A_859 {strides = array<i32>} : memref<96x512xf32, #tpu.memory_space<vmem>>, vector<16xf32>,
      %mul3A_866 = arith.constant 32 : i32
      %mul3A_867 = vector.broadcast %mul3A_866 : i32 to vector<16xi32>
      %mul3A_868 = arith.muli %get3A_48, %mul3A_867 : vector<16xi32>
      %add3A_869 = arith.constant 31 : i32
      %add3A_870 = vector.broadcast %add3A_869 : i32 to vector<16xi32>
      %add3A_871 = arith.addi %mul3A_868, %add3A_870 : vector<16xi32>
      %gather3A_872 = tpu.vector_load_idx %arg10[%add3A_871] : memref<32000xf32, #tpu.memory_space<vmem>>[vector<16xi32>], vector<16xf32>,
      %mul3A_873 = arith.constant 16 : i32
      %mul3A_874 = arith.muli %scan3A_43, %mul3A_873 : i32
      %swap3A_875 = arith.constant 63 : i32
      %swap3A_876 = arith.index_cast %swap3A_875 : i32 to index
      %swap3A_877 = arith.index_cast %mul3A_874 : i32 to index
      %swap3A_878 = tpu.vector_load %arg15[%swap3A_876, %swap3A_877] {strides = array<i32>} : memref<96x512xf32, #tpu.memory_space<vmem>>, vector<16xf32>,
      tpu.vector_store %arg15[%swap3A_876, %swap3A_877], %gather3A_872 {strides = array<i32>} : memref<96x512xf32, #tpu.memory_space<vmem>>, vector<16xf32>,
    }
    %scan3A_36 = arith.constant 32 : i32
    tpu.wait_dma2 semaphore(%arg16 : memref<!tpu.dma_semaphore, #tpu.memory_space<semaphore_mem>>) src(%arg6 : memref<2048xf32, #tpu.memory_space<hbm>>) dst(%arg11 : memref<2048xf32, #tpu.memory_space<vmem>>)
    %scan3A_37 = arith.constant 0 : i32
    %scan3A_38 = arith.constant 0 : i32
    %scan3A_39 = arith.constant 16 : i32
    %scan3A_40 = arith.addi %scan3A_38, %scan3A_39 : i32
    %scan3A_41 = arith.constant 1 : i32
    scf.for %scan3A_43 = %scan3A_38 to %scan3A_40 step %scan3A_41  : i32 {
      %rem3A = arith.constant 2 : i32
      %rem3A_44 = arith.remsi %scan3A_43, %rem3A : i32
      %dma_wait3A = arith.constant 0 : i32
      %dma_wait3A_45 = arith.constant 0 : i32
      %dma_wait3A_46 = tpu.memref_slice %arg14[%rem3A_44, %dma_wait3A, %dma_wait3A_45] : memref<2x32x128xf32, #tpu.memory_space<vmem>> -> memref<1x32x128xf32, #tpu.memory_space<vmem>>
      %dma_wait3A_47 = tpu.memref_squeeze %dma_wait3A_46 : memref<1x32x128xf32, #tpu.memory_space<vmem>> -> memref<32x128xf32, #tpu.memory_space<vmem>>
      %dma_wait3A_48 = arith.constant 0 : i32
      %dma_wait3A_49 = tpu.memref_slice %arg7[%mul3A_2, %dma_wait3A_48] : memref<16448x128xf32, #tpu.memory_space<hbm>> -> memref<32x128xf32, #tpu.memory_space<hbm>>
      %dma_wait3A_50 = arith.constant 0 : i32
      %dma_wait3A_51 = arith.constant 0 : i32
      %dma_wait3A_52 = tpu.memref_slice %arg14[%rem3A_44, %dma_wait3A_50, %dma_wait3A_51] : memref<2x32x128xf32, #tpu.memory_space<vmem>> -> memref<1x32x128xf32, #tpu.memory_space<vmem>>
      %dma_wait3A_53 = tpu.memref_squeeze %dma_wait3A_52 : memref<1x32x128xf32, #tpu.memory_space<vmem>> -> memref<32x128xf32, #tpu.memory_space<vmem>>
      %dma_wait3A_54 = arith.constant 0 : i32
      %dma_wait3A_55 = tpu.memref_slice %arg7[%mul3A_2, %dma_wait3A_54] : memref<16448x128xf32, #tpu.memory_space<hbm>> -> memref<32x128xf32, #tpu.memory_space<hbm>>
      tpu.wait_dma2 semaphore(%arg17 : memref<!tpu.dma_semaphore, #tpu.memory_space<semaphore_mem>>) src(%dma_wait3A_55 : memref<32x128xf32, #tpu.memory_space<hbm>>) dst(%dma_wait3A_53 : memref<32x128xf32, #tpu.memory_space<vmem>>)
      %broadcast_in_dim3A = arith.constant 0 : i32
      %broadcast_in_dim3A_56 = vector.broadcast %broadcast_in_dim3A : i32 to vector<16xi32>
      %add3A_57 = vector.broadcast %rem3A_44 : i32 to vector<16xi32>
      %add3A_58 = arith.addi %broadcast_in_dim3A_56, %add3A_57 : vector<16xi32>
      %scan3A_59 = arith.constant 0 : i32
      %scan3A_60 = arith.constant 0 : i32
      %scan3A_61 = arith.constant 2 : i32
      %scan3A_62 = arith.addi %scan3A_60, %scan3A_61 : i32
      %scan3A_63 = arith.constant 1 : i32
      scf.for %scan3A_69 = %scan3A_60 to %scan3A_62 step %scan3A_63  : i32 {
        %mul3A_70 = arith.constant 32 : i32
        %mul3A_71 = arith.muli %scan3A_43, %mul3A_70 : i32
        %mul3A_72 = arith.constant 16 : i32
        %mul3A_73 = arith.muli %scan3A_69, %mul3A_72 : i32
        %add3A_74 = arith.addi %mul3A_71, %mul3A_73 : i32
        %get3A = arith.index_cast %add3A_74 : i32 to index
        %get3A_75 = tpu.vector_load %arg12[%get3A] {strides = array<i32>} : memref<512xi32, #tpu.memory_space<vmem>>, vector<16xi32>,
        %mul3A_76 = arith.constant 1000 : i32
        %mul3A_77 = vector.broadcast %mul3A_76 : i32 to vector<16xi32>
        %mul3A_78 = arith.muli %get3A_75, %mul3A_77 : vector<16xi32>
        %get3A_79 = arith.index_cast %add3A_74 : i32 to index
        %get3A_80 = tpu.vector_load %arg13[%get3A_79] {strides = array<i32>} : memref<512xi32, #tpu.memory_space<vmem>>, vector<16xi32>,
        %add3A_81 = arith.addi %mul3A_78, %get3A_80 : vector<16xi32>
        %ge3A = arith.constant 999936 : i32
        %ge3A_82 = vector.broadcast %ge3A : i32 to vector<16xi32>
        %ge3A_83 = arith.cmpi sge, %add3A_81, %ge3A_82 : vector<16xi32>
        %sub3A = arith.constant 999936 : i32
        %sub3A_84 = vector.broadcast %sub3A : i32 to vector<16xi32>
        %sub3A_85 = arith.subi %add3A_81, %sub3A_84 : vector<16xi32>
        %max3A = arith.constant 0 : i32
        %max3A_86 = vector.broadcast %max3A : i32 to vector<16xi32>
        %max3A_87 = arith.maxsi %sub3A_85, %max3A_86 : vector<16xi32>
        %mul3A_88 = arith.constant 32 : i32
        %mul3A_89 = vector.broadcast %mul3A_88 : i32 to vector<16xi32>
        %mul3A_90 = arith.muli %max3A_87, %mul3A_89 : vector<16xi32>
        %mul3A_91 = arith.constant 16 : i32
        %mul3A_92 = arith.muli %scan3A_69, %mul3A_91 : i32
        %add3A_93 = vector.broadcast %mul3A_92 : i32 to vector<16xi32>
        %add3A_94 = arith.addi %iota3A, %add3A_93 : vector<16xi32>
        %broadcast_in_dim3A_95 = arith.constant 0 : i32
        %broadcast_in_dim3A_96 = vector.broadcast %broadcast_in_dim3A_95 : i32 to vector<16xi32>
        %gather3A = tpu.vector_load_idx %arg14[%add3A_58, %add3A_94, %broadcast_in_dim3A_96] : memref<2x32x128xf32, #tpu.memory_space<vmem>>[vector<16xi32>, vector<16xi32>, vector<16xi32>], vector<16xf32>,
        %add3A_97 = arith.constant 0 : i32
        %add3A_98 = vector.broadcast %add3A_97 : i32 to vector<16xi32>
        %add3A_99 = arith.addi %mul3A_90, %add3A_98 : vector<16xi32>
        %gather3A_100 = tpu.vector_load_idx %arg11[%add3A_99] : memref<2048xf32, #tpu.memory_space<vmem>>[vector<16xi32>], vector<16xf32>,
        %select_n3A = arith.select %ge3A_83, %gather3A_100, %gather3A : vector<16xi1>, vector<16xf32>
        %swap3A = arith.constant 64 : i32
        %swap3A_101 = arith.index_cast %swap3A : i32 to index
        %swap3A_102 = arith.index_cast %add3A_74 : i32 to index
        %swap3A_103 = tpu.vector_load %arg15[%swap3A_101, %swap3A_102] {strides = array<i32>} : memref<96x512xf32, #tpu.memory_space<vmem>>, vector<16xf32>,
        tpu.vector_store %arg15[%swap3A_101, %swap3A_102], %select_n3A {strides = array<i32>} : memref<96x512xf32, #tpu.memory_space<vmem>>, vector<16xf32>,
        %broadcast_in_dim3A_104 = arith.constant 1 : i32
        %broadcast_in_dim3A_105 = vector.broadcast %broadcast_in_dim3A_104 : i32 to vector<16xi32>
        %gather3A_106 = tpu.vector_load_idx %arg14[%add3A_58, %add3A_94, %broadcast_in_dim3A_105] : memref<2x32x128xf32, #tpu.memory_space<vmem>>[vector<16xi32>, vector<16xi32>, vector<16xi32>], vector<16xf32>,
        %add3A_107 = arith.constant 1 : i32
        %add3A_108 = vector.broadcast %add3A_107 : i32 to vector<16xi32>
        %add3A_109 = arith.addi %mul3A_90, %add3A_108 : vector<16xi32>
        %gather3A_110 = tpu.vector_load_idx %arg11[%add3A_109] : memref<2048xf32, #tpu.memory_space<vmem>>[vector<16xi32>], vector<16xf32>,
        %select_n3A_111 = arith.select %ge3A_83, %gather3A_110, %gather3A_106 : vector<16xi1>, vector<16xf32>
        %swap3A_112 = arith.constant 65 : i32
        %swap3A_113 = arith.index_cast %swap3A_112 : i32 to index
        %swap3A_114 = arith.index_cast %add3A_74 : i32 to index
        %swap3A_115 = tpu.vector_load %arg15[%swap3A_113, %swap3A_114] {strides = array<i32>} : memref<96x512xf32, #tpu.memory_space<vmem>>, vector<16xf32>,
        tpu.vector_store %arg15[%swap3A_113, %swap3A_114], %select_n3A_111 {strides = array<i32>} : memref<96x512xf32, #tpu.memory_space<vmem>>, vector<16xf32>,
        %broadcast_in_dim3A_116 = arith.constant 2 : i32
        %broadcast_in_dim3A_117 = vector.broadcast %broadcast_in_dim3A_116 : i32 to vector<16xi32>
        %gather3A_118 = tpu.vector_load_idx %arg14[%add3A_58, %add3A_94, %broadcast_in_dim3A_117] : memref<2x32x128xf32, #tpu.memory_space<vmem>>[vector<16xi32>, vector<16xi32>, vector<16xi32>], vector<16xf32>,
        %add3A_119 = arith.constant 2 : i32
        %add3A_120 = vector.broadcast %add3A_119 : i32 to vector<16xi32>
        %add3A_121 = arith.addi %mul3A_90, %add3A_120 : vector<16xi32>
        %gather3A_122 = tpu.vector_load_idx %arg11[%add3A_121] : memref<2048xf32, #tpu.memory_space<vmem>>[vector<16xi32>], vector<16xf32>,
        %select_n3A_123 = arith.select %ge3A_83, %gather3A_122, %gather3A_118 : vector<16xi1>, vector<16xf32>
        %swap3A_124 = arith.constant 66 : i32
        %swap3A_125 = arith.index_cast %swap3A_124 : i32 to index
        %swap3A_126 = arith.index_cast %add3A_74 : i32 to index
        %swap3A_127 = tpu.vector_load %arg15[%swap3A_125, %swap3A_126] {strides = array<i32>} : memref<96x512xf32, #tpu.memory_space<vmem>>, vector<16xf32>,
        tpu.vector_store %arg15[%swap3A_125, %swap3A_126], %select_n3A_123 {strides = array<i32>} : memref<96x512xf32, #tpu.memory_space<vmem>>, vector<16xf32>,
        %broadcast_in_dim3A_128 = arith.constant 3 : i32
        %broadcast_in_dim3A_129 = vector.broadcast %broadcast_in_dim3A_128 : i32 to vector<16xi32>
        %gather3A_130 = tpu.vector_load_idx %arg14[%add3A_58, %add3A_94, %broadcast_in_dim3A_129] : memref<2x32x128xf32, #tpu.memory_space<vmem>>[vector<16xi32>, vector<16xi32>, vector<16xi32>], vector<16xf32>,
        %add3A_131 = arith.constant 3 : i32
        %add3A_132 = vector.broadcast %add3A_131 : i32 to vector<16xi32>
        %add3A_133 = arith.addi %mul3A_90, %add3A_132 : vector<16xi32>
        %gather3A_134 = tpu.vector_load_idx %arg11[%add3A_133] : memref<2048xf32, #tpu.memory_space<vmem>>[vector<16xi32>], vector<16xf32>,
        %select_n3A_135 = arith.select %ge3A_83, %gather3A_134, %gather3A_130 : vector<16xi1>, vector<16xf32>
        %swap3A_136 = arith.constant 67 : i32
        %swap3A_137 = arith.index_cast %swap3A_136 : i32 to index
        %swap3A_138 = arith.index_cast %add3A_74 : i32 to index
        %swap3A_139 = tpu.vector_load %arg15[%swap3A_137, %swap3A_138] {strides = array<i32>} : memref<96x512xf32, #tpu.memory_space<vmem>>, vector<16xf32>,
        tpu.vector_store %arg15[%swap3A_137, %swap3A_138], %select_n3A_135 {strides = array<i32>} : memref<96x512xf32, #tpu.memory_space<vmem>>, vector<16xf32>,
        %broadcast_in_dim3A_140 = arith.constant 4 : i32
        %broadcast_in_dim3A_141 = vector.broadcast %broadcast_in_dim3A_140 : i32 to vector<16xi32>
        %gather3A_142 = tpu.vector_load_idx %arg14[%add3A_58, %add3A_94, %broadcast_in_dim3A_141] : memref<2x32x128xf32, #tpu.memory_space<vmem>>[vector<16xi32>, vector<16xi32>, vector<16xi32>], vector<16xf32>,
        %add3A_143 = arith.constant 4 : i32
        %add3A_144 = vector.broadcast %add3A_143 : i32 to vector<16xi32>
        %add3A_145 = arith.addi %mul3A_90, %add3A_144 : vector<16xi32>
        %gather3A_146 = tpu.vector_load_idx %arg11[%add3A_145] : memref<2048xf32, #tpu.memory_space<vmem>>[vector<16xi32>], vector<16xf32>,
        %select_n3A_147 = arith.select %ge3A_83, %gather3A_146, %gather3A_142 : vector<16xi1>, vector<16xf32>
        %swap3A_148 = arith.constant 68 : i32
        %swap3A_149 = arith.index_cast %swap3A_148 : i32 to index
        %swap3A_150 = arith.index_cast %add3A_74 : i32 to index
        %swap3A_151 = tpu.vector_load %arg15[%swap3A_149, %swap3A_150] {strides = array<i32>} : memref<96x512xf32, #tpu.memory_space<vmem>>, vector<16xf32>,
        tpu.vector_store %arg15[%swap3A_149, %swap3A_150], %select_n3A_147 {strides = array<i32>} : memref<96x512xf32, #tpu.memory_space<vmem>>, vector<16xf32>,
        %broadcast_in_dim3A_152 = arith.constant 5 : i32
        %broadcast_in_dim3A_153 = vector.broadcast %broadcast_in_dim3A_152 : i32 to vector<16xi32>
        %gather3A_154 = tpu.vector_load_idx %arg14[%add3A_58, %add3A_94, %broadcast_in_dim3A_153] : memref<2x32x128xf32, #tpu.memory_space<vmem>>[vector<16xi32>, vector<16xi32>, vector<16xi32>], vector<16xf32>,
        %add3A_155 = arith.constant 5 : i32
        %add3A_156 = vector.broadcast %add3A_155 : i32 to vector<16xi32>
        %add3A_157 = arith.addi %mul3A_90, %add3A_156 : vector<16xi32>
        %gather3A_158 = tpu.vector_load_idx %arg11[%add3A_157] : memref<2048xf32, #tpu.memory_space<vmem>>[vector<16xi32>], vector<16xf32>,
        %select_n3A_159 = arith.select %ge3A_83, %gather3A_158, %gather3A_154 : vector<16xi1>, vector<16xf32>
        %swap3A_160 = arith.constant 69 : i32
        %swap3A_161 = arith.index_cast %swap3A_160 : i32 to index
        %swap3A_162 = arith.index_cast %add3A_74 : i32 to index
        %swap3A_163 = tpu.vector_load %arg15[%swap3A_161, %swap3A_162] {strides = array<i32>} : memref<96x512xf32, #tpu.memory_space<vmem>>, vector<16xf32>,
        tpu.vector_store %arg15[%swap3A_161, %swap3A_162], %select_n3A_159 {strides = array<i32>} : memref<96x512xf32, #tpu.memory_space<vmem>>, vector<16xf32>,
        %broadcast_in_dim3A_164 = arith.constant 6 : i32
        %broadcast_in_dim3A_165 = vector.broadcast %broadcast_in_dim3A_164 : i32 to vector<16xi32>
        %gather3A_166 = tpu.vector_load_idx %arg14[%add3A_58, %add3A_94, %broadcast_in_dim3A_165] : memref<2x32x128xf32, #tpu.memory_space<vmem>>[vector<16xi32>, vector<16xi32>, vector<16xi32>], vector<16xf32>,
        %add3A_167 = arith.constant 6 : i32
        %add3A_168 = vector.broadcast %add3A_167 : i32 to vector<16xi32>
        %add3A_169 = arith.addi %mul3A_90, %add3A_168 : vector<16xi32>
        %gather3A_170 = tpu.vector_load_idx %arg11[%add3A_169] : memref<2048xf32, #tpu.memory_space<vmem>>[vector<16xi32>], vector<16xf32>,
        %select_n3A_171 = arith.select %ge3A_83, %gather3A_170, %gather3A_166 : vector<16xi1>, vector<16xf32>
        %swap3A_172 = arith.constant 70 : i32
        %swap3A_173 = arith.index_cast %swap3A_172 : i32 to index
        %swap3A_174 = arith.index_cast %add3A_74 : i32 to index
        %swap3A_175 = tpu.vector_load %arg15[%swap3A_173, %swap3A_174] {strides = array<i32>} : memref<96x512xf32, #tpu.memory_space<vmem>>, vector<16xf32>,
        tpu.vector_store %arg15[%swap3A_173, %swap3A_174], %select_n3A_171 {strides = array<i32>} : memref<96x512xf32, #tpu.memory_space<vmem>>, vector<16xf32>,
        %broadcast_in_dim3A_176 = arith.constant 7 : i32
        %broadcast_in_dim3A_177 = vector.broadcast %broadcast_in_dim3A_176 : i32 to vector<16xi32>
        %gather3A_178 = tpu.vector_load_idx %arg14[%add3A_58, %add3A_94, %broadcast_in_dim3A_177] : memref<2x32x128xf32, #tpu.memory_space<vmem>>[vector<16xi32>, vector<16xi32>, vector<16xi32>], vector<16xf32>,
        %add3A_179 = arith.constant 7 : i32
        %add3A_180 = vector.broadcast %add3A_179 : i32 to vector<16xi32>
        %add3A_181 = arith.addi %mul3A_90, %add3A_180 : vector<16xi32>
        %gather3A_182 = tpu.vector_load_idx %arg11[%add3A_181] : memref<2048xf32, #tpu.memory_space<vmem>>[vector<16xi32>], vector<16xf32>,
        %select_n3A_183 = arith.select %ge3A_83, %gather3A_182, %gather3A_178 : vector<16xi1>, vector<16xf32>
        %swap3A_184 = arith.constant 71 : i32
        %swap3A_185 = arith.index_cast %swap3A_184 : i32 to index
        %swap3A_186 = arith.index_cast %add3A_74 : i32 to index
        %swap3A_187 = tpu.vector_load %arg15[%swap3A_185, %swap3A_186] {strides = array<i32>} : memref<96x512xf32, #tpu.memory_space<vmem>>, vector<16xf32>,
        tpu.vector_store %arg15[%swap3A_185, %swap3A_186], %select_n3A_183 {strides = array<i32>} : memref<96x512xf32, #tpu.memory_space<vmem>>, vector<16xf32>,
        %broadcast_in_dim3A_188 = arith.constant 8 : i32
        %broadcast_in_dim3A_189 = vector.broadcast %broadcast_in_dim3A_188 : i32 to vector<16xi32>
        %gather3A_190 = tpu.vector_load_idx %arg14[%add3A_58, %add3A_94, %broadcast_in_dim3A_189] : memref<2x32x128xf32, #tpu.memory_space<vmem>>[vector<16xi32>, vector<16xi32>, vector<16xi32>], vector<16xf32>,
        %add3A_191 = arith.constant 8 : i32
        %add3A_192 = vector.broadcast %add3A_191 : i32 to vector<16xi32>
        %add3A_193 = arith.addi %mul3A_90, %add3A_192 : vector<16xi32>
        %gather3A_194 = tpu.vector_load_idx %arg11[%add3A_193] : memref<2048xf32, #tpu.memory_space<vmem>>[vector<16xi32>], vector<16xf32>,
        %select_n3A_195 = arith.select %ge3A_83, %gather3A_194, %gather3A_190 : vector<16xi1>, vector<16xf32>
        %swap3A_196 = arith.constant 72 : i32
        %swap3A_197 = arith.index_cast %swap3A_196 : i32 to index
        %swap3A_198 = arith.index_cast %add3A_74 : i32 to index
        %swap3A_199 = tpu.vector_load %arg15[%swap3A_197, %swap3A_198] {strides = array<i32>} : memref<96x512xf32, #tpu.memory_space<vmem>>, vector<16xf32>,
        tpu.vector_store %arg15[%swap3A_197, %swap3A_198], %select_n3A_195 {strides = array<i32>} : memref<96x512xf32, #tpu.memory_space<vmem>>, vector<16xf32>,
        %broadcast_in_dim3A_200 = arith.constant 9 : i32
        %broadcast_in_dim3A_201 = vector.broadcast %broadcast_in_dim3A_200 : i32 to vector<16xi32>
        %gather3A_202 = tpu.vector_load_idx %arg14[%add3A_58, %add3A_94, %broadcast_in_dim3A_201] : memref<2x32x128xf32, #tpu.memory_space<vmem>>[vector<16xi32>, vector<16xi32>, vector<16xi32>], vector<16xf32>,
        %add3A_203 = arith.constant 9 : i32
        %add3A_204 = vector.broadcast %add3A_203 : i32 to vector<16xi32>
        %add3A_205 = arith.addi %mul3A_90, %add3A_204 : vector<16xi32>
        %gather3A_206 = tpu.vector_load_idx %arg11[%add3A_205] : memref<2048xf32, #tpu.memory_space<vmem>>[vector<16xi32>], vector<16xf32>,
        %select_n3A_207 = arith.select %ge3A_83, %gather3A_206, %gather3A_202 : vector<16xi1>, vector<16xf32>
        %swap3A_208 = arith.constant 73 : i32
        %swap3A_209 = arith.index_cast %swap3A_208 : i32 to index
        %swap3A_210 = arith.index_cast %add3A_74 : i32 to index
        %swap3A_211 = tpu.vector_load %arg15[%swap3A_209, %swap3A_210] {strides = array<i32>} : memref<96x512xf32, #tpu.memory_space<vmem>>, vector<16xf32>,
        tpu.vector_store %arg15[%swap3A_209, %swap3A_210], %select_n3A_207 {strides = array<i32>} : memref<96x512xf32, #tpu.memory_space<vmem>>, vector<16xf32>,
        %broadcast_in_dim3A_212 = arith.constant 10 : i32
        %broadcast_in_dim3A_213 = vector.broadcast %broadcast_in_dim3A_212 : i32 to vector<16xi32>
        %gather3A_214 = tpu.vector_load_idx %arg14[%add3A_58, %add3A_94, %broadcast_in_dim3A_213] : memref<2x32x128xf32, #tpu.memory_space<vmem>>[vector<16xi32>, vector<16xi32>, vector<16xi32>], vector<16xf32>,
        %add3A_215 = arith.constant 10 : i32
        %add3A_216 = vector.broadcast %add3A_215 : i32 to vector<16xi32>
        %add3A_217 = arith.addi %mul3A_90, %add3A_216 : vector<16xi32>
        %gather3A_218 = tpu.vector_load_idx %arg11[%add3A_217] : memref<2048xf32, #tpu.memory_space<vmem>>[vector<16xi32>], vector<16xf32>,
        %select_n3A_219 = arith.select %ge3A_83, %gather3A_218, %gather3A_214 : vector<16xi1>, vector<16xf32>
        %swap3A_220 = arith.constant 74 : i32
        %swap3A_221 = arith.index_cast %swap3A_220 : i32 to index
        %swap3A_222 = arith.index_cast %add3A_74 : i32 to index
        %swap3A_223 = tpu.vector_load %arg15[%swap3A_221, %swap3A_222] {strides = array<i32>} : memref<96x512xf32, #tpu.memory_space<vmem>>, vector<16xf32>,
        tpu.vector_store %arg15[%swap3A_221, %swap3A_222], %select_n3A_219 {strides = array<i32>} : memref<96x512xf32, #tpu.memory_space<vmem>>, vector<16xf32>,
        %broadcast_in_dim3A_224 = arith.constant 11 : i32
        %broadcast_in_dim3A_225 = vector.broadcast %broadcast_in_dim3A_224 : i32 to vector<16xi32>
        %gather3A_226 = tpu.vector_load_idx %arg14[%add3A_58, %add3A_94, %broadcast_in_dim3A_225] : memref<2x32x128xf32, #tpu.memory_space<vmem>>[vector<16xi32>, vector<16xi32>, vector<16xi32>], vector<16xf32>,
        %add3A_227 = arith.constant 11 : i32
        %add3A_228 = vector.broadcast %add3A_227 : i32 to vector<16xi32>
        %add3A_229 = arith.addi %mul3A_90, %add3A_228 : vector<16xi32>
        %gather3A_230 = tpu.vector_load_idx %arg11[%add3A_229] : memref<2048xf32, #tpu.memory_space<vmem>>[vector<16xi32>], vector<16xf32>,
        %select_n3A_231 = arith.select %ge3A_83, %gather3A_230, %gather3A_226 : vector<16xi1>, vector<16xf32>
        %swap3A_232 = arith.constant 75 : i32
        %swap3A_233 = arith.index_cast %swap3A_232 : i32 to index
        %swap3A_234 = arith.index_cast %add3A_74 : i32 to index
        %swap3A_235 = tpu.vector_load %arg15[%swap3A_233, %swap3A_234] {strides = array<i32>} : memref<96x512xf32, #tpu.memory_space<vmem>>, vector<16xf32>,
        tpu.vector_store %arg15[%swap3A_233, %swap3A_234], %select_n3A_231 {strides = array<i32>} : memref<96x512xf32, #tpu.memory_space<vmem>>, vector<16xf32>,
        %broadcast_in_dim3A_236 = arith.constant 12 : i32
        %broadcast_in_dim3A_237 = vector.broadcast %broadcast_in_dim3A_236 : i32 to vector<16xi32>
        %gather3A_238 = tpu.vector_load_idx %arg14[%add3A_58, %add3A_94, %broadcast_in_dim3A_237] : memref<2x32x128xf32, #tpu.memory_space<vmem>>[vector<16xi32>, vector<16xi32>, vector<16xi32>], vector<16xf32>,
        %add3A_239 = arith.constant 12 : i32
        %add3A_240 = vector.broadcast %add3A_239 : i32 to vector<16xi32>
        %add3A_241 = arith.addi %mul3A_90, %add3A_240 : vector<16xi32>
        %gather3A_242 = tpu.vector_load_idx %arg11[%add3A_241] : memref<2048xf32, #tpu.memory_space<vmem>>[vector<16xi32>], vector<16xf32>,
        %select_n3A_243 = arith.select %ge3A_83, %gather3A_242, %gather3A_238 : vector<16xi1>, vector<16xf32>
        %swap3A_244 = arith.constant 76 : i32
        %swap3A_245 = arith.index_cast %swap3A_244 : i32 to index
        %swap3A_246 = arith.index_cast %add3A_74 : i32 to index
        %swap3A_247 = tpu.vector_load %arg15[%swap3A_245, %swap3A_246] {strides = array<i32>} : memref<96x512xf32, #tpu.memory_space<vmem>>, vector<16xf32>,
        tpu.vector_store %arg15[%swap3A_245, %swap3A_246], %select_n3A_243 {strides = array<i32>} : memref<96x512xf32, #tpu.memory_space<vmem>>, vector<16xf32>,
        %broadcast_in_dim3A_248 = arith.constant 13 : i32
        %broadcast_in_dim3A_249 = vector.broadcast %broadcast_in_dim3A_248 : i32 to vector<16xi32>
        %gather3A_250 = tpu.vector_load_idx %arg14[%add3A_58, %add3A_94, %broadcast_in_dim3A_249] : memref<2x32x128xf32, #tpu.memory_space<vmem>>[vector<16xi32>, vector<16xi32>, vector<16xi32>], vector<16xf32>,
        %add3A_251 = arith.constant 13 : i32
        %add3A_252 = vector.broadcast %add3A_251 : i32 to vector<16xi32>
        %add3A_253 = arith.addi %mul3A_90, %add3A_252 : vector<16xi32>
        %gather3A_254 = tpu.vector_load_idx %arg11[%add3A_253] : memref<2048xf32, #tpu.memory_space<vmem>>[vector<16xi32>], vector<16xf32>,
        %select_n3A_255 = arith.select %ge3A_83, %gather3A_254, %gather3A_250 : vector<16xi1>, vector<16xf32>
        %swap3A_256 = arith.constant 77 : i32
        %swap3A_257 = arith.index_cast %swap3A_256 : i32 to index
        %swap3A_258 = arith.index_cast %add3A_74 : i32 to index
        %swap3A_259 = tpu.vector_load %arg15[%swap3A_257, %swap3A_258] {strides = array<i32>} : memref<96x512xf32, #tpu.memory_space<vmem>>, vector<16xf32>,
        tpu.vector_store %arg15[%swap3A_257, %swap3A_258], %select_n3A_255 {strides = array<i32>} : memref<96x512xf32, #tpu.memory_space<vmem>>, vector<16xf32>,
        %broadcast_in_dim3A_260 = arith.constant 14 : i32
        %broadcast_in_dim3A_261 = vector.broadcast %broadcast_in_dim3A_260 : i32 to vector<16xi32>
        %gather3A_262 = tpu.vector_load_idx %arg14[%add3A_58, %add3A_94, %broadcast_in_dim3A_261] : memref<2x32x128xf32, #tpu.memory_space<vmem>>[vector<16xi32>, vector<16xi32>, vector<16xi32>], vector<16xf32>,
        %add3A_263 = arith.constant 14 : i32
        %add3A_264 = vector.broadcast %add3A_263 : i32 to vector<16xi32>
        %add3A_265 = arith.addi %mul3A_90, %add3A_264 : vector<16xi32>
        %gather3A_266 = tpu.vector_load_idx %arg11[%add3A_265] : memref<2048xf32, #tpu.memory_space<vmem>>[vector<16xi32>], vector<16xf32>,
        %select_n3A_267 = arith.select %ge3A_83, %gather3A_266, %gather3A_262 : vector<16xi1>, vector<16xf32>
        %swap3A_268 = arith.constant 78 : i32
        %swap3A_269 = arith.index_cast %swap3A_268 : i32 to index
        %swap3A_270 = arith.index_cast %add3A_74 : i32 to index
        %swap3A_271 = tpu.vector_load %arg15[%swap3A_269, %swap3A_270] {strides = array<i32>} : memref<96x512xf32, #tpu.memory_space<vmem>>, vector<16xf32>,
        tpu.vector_store %arg15[%swap3A_269, %swap3A_270], %select_n3A_267 {strides = array<i32>} : memref<96x512xf32, #tpu.memory_space<vmem>>, vector<16xf32>,
        %broadcast_in_dim3A_272 = arith.constant 15 : i32
        %broadcast_in_dim3A_273 = vector.broadcast %broadcast_in_dim3A_272 : i32 to vector<16xi32>
        %gather3A_274 = tpu.vector_load_idx %arg14[%add3A_58, %add3A_94, %broadcast_in_dim3A_273] : memref<2x32x128xf32, #tpu.memory_space<vmem>>[vector<16xi32>, vector<16xi32>, vector<16xi32>], vector<16xf32>,
        %add3A_275 = arith.constant 15 : i32
        %add3A_276 = vector.broadcast %add3A_275 : i32 to vector<16xi32>
        %add3A_277 = arith.addi %mul3A_90, %add3A_276 : vector<16xi32>
        %gather3A_278 = tpu.vector_load_idx %arg11[%add3A_277] : memref<2048xf32, #tpu.memory_space<vmem>>[vector<16xi32>], vector<16xf32>,
        %select_n3A_279 = arith.select %ge3A_83, %gather3A_278, %gather3A_274 : vector<16xi1>, vector<16xf32>
        %swap3A_280 = arith.constant 79 : i32
        %swap3A_281 = arith.index_cast %swap3A_280 : i32 to index
        %swap3A_282 = arith.index_cast %add3A_74 : i32 to index
        %swap3A_283 = tpu.vector_load %arg15[%swap3A_281, %swap3A_282] {strides = array<i32>} : memref<96x512xf32, #tpu.memory_space<vmem>>, vector<16xf32>,
        tpu.vector_store %arg15[%swap3A_281, %swap3A_282], %select_n3A_279 {strides = array<i32>} : memref<96x512xf32, #tpu.memory_space<vmem>>, vector<16xf32>,
        %broadcast_in_dim3A_284 = arith.constant 16 : i32
        %broadcast_in_dim3A_285 = vector.broadcast %broadcast_in_dim3A_284 : i32 to vector<16xi32>
        %gather3A_286 = tpu.vector_load_idx %arg14[%add3A_58, %add3A_94, %broadcast_in_dim3A_285] : memref<2x32x128xf32, #tpu.memory_space<vmem>>[vector<16xi32>, vector<16xi32>, vector<16xi32>], vector<16xf32>,
        %add3A_287 = arith.constant 16 : i32
        %add3A_288 = vector.broadcast %add3A_287 : i32 to vector<16xi32>
        %add3A_289 = arith.addi %mul3A_90, %add3A_288 : vector<16xi32>
        %gather3A_290 = tpu.vector_load_idx %arg11[%add3A_289] : memref<2048xf32, #tpu.memory_space<vmem>>[vector<16xi32>], vector<16xf32>,
        %select_n3A_291 = arith.select %ge3A_83, %gather3A_290, %gather3A_286 : vector<16xi1>, vector<16xf32>
        %swap3A_292 = arith.constant 80 : i32
        %swap3A_293 = arith.index_cast %swap3A_292 : i32 to index
        %swap3A_294 = arith.index_cast %add3A_74 : i32 to index
        %swap3A_295 = tpu.vector_load %arg15[%swap3A_293, %swap3A_294] {strides = array<i32>} : memref<96x512xf32, #tpu.memory_space<vmem>>, vector<16xf32>,
        tpu.vector_store %arg15[%swap3A_293, %swap3A_294], %select_n3A_291 {strides = array<i32>} : memref<96x512xf32, #tpu.memory_space<vmem>>, vector<16xf32>,
        %broadcast_in_dim3A_296 = arith.constant 17 : i32
        %broadcast_in_dim3A_297 = vector.broadcast %broadcast_in_dim3A_296 : i32 to vector<16xi32>
        %gather3A_298 = tpu.vector_load_idx %arg14[%add3A_58, %add3A_94, %broadcast_in_dim3A_297] : memref<2x32x128xf32, #tpu.memory_space<vmem>>[vector<16xi32>, vector<16xi32>, vector<16xi32>], vector<16xf32>,
        %add3A_299 = arith.constant 17 : i32
        %add3A_300 = vector.broadcast %add3A_299 : i32 to vector<16xi32>
        %add3A_301 = arith.addi %mul3A_90, %add3A_300 : vector<16xi32>
        %gather3A_302 = tpu.vector_load_idx %arg11[%add3A_301] : memref<2048xf32, #tpu.memory_space<vmem>>[vector<16xi32>], vector<16xf32>,
        %select_n3A_303 = arith.select %ge3A_83, %gather3A_302, %gather3A_298 : vector<16xi1>, vector<16xf32>
        %swap3A_304 = arith.constant 81 : i32
        %swap3A_305 = arith.index_cast %swap3A_304 : i32 to index
        %swap3A_306 = arith.index_cast %add3A_74 : i32 to index
        %swap3A_307 = tpu.vector_load %arg15[%swap3A_305, %swap3A_306] {strides = array<i32>} : memref<96x512xf32, #tpu.memory_space<vmem>>, vector<16xf32>,
        tpu.vector_store %arg15[%swap3A_305, %swap3A_306], %select_n3A_303 {strides = array<i32>} : memref<96x512xf32, #tpu.memory_space<vmem>>, vector<16xf32>,
        %broadcast_in_dim3A_308 = arith.constant 18 : i32
        %broadcast_in_dim3A_309 = vector.broadcast %broadcast_in_dim3A_308 : i32 to vector<16xi32>
        %gather3A_310 = tpu.vector_load_idx %arg14[%add3A_58, %add3A_94, %broadcast_in_dim3A_309] : memref<2x32x128xf32, #tpu.memory_space<vmem>>[vector<16xi32>, vector<16xi32>, vector<16xi32>], vector<16xf32>,
        %add3A_311 = arith.constant 18 : i32
        %add3A_312 = vector.broadcast %add3A_311 : i32 to vector<16xi32>
        %add3A_313 = arith.addi %mul3A_90, %add3A_312 : vector<16xi32>
        %gather3A_314 = tpu.vector_load_idx %arg11[%add3A_313] : memref<2048xf32, #tpu.memory_space<vmem>>[vector<16xi32>], vector<16xf32>,
        %select_n3A_315 = arith.select %ge3A_83, %gather3A_314, %gather3A_310 : vector<16xi1>, vector<16xf32>
        %swap3A_316 = arith.constant 82 : i32
        %swap3A_317 = arith.index_cast %swap3A_316 : i32 to index
        %swap3A_318 = arith.index_cast %add3A_74 : i32 to index
        %swap3A_319 = tpu.vector_load %arg15[%swap3A_317, %swap3A_318] {strides = array<i32>} : memref<96x512xf32, #tpu.memory_space<vmem>>, vector<16xf32>,
        tpu.vector_store %arg15[%swap3A_317, %swap3A_318], %select_n3A_315 {strides = array<i32>} : memref<96x512xf32, #tpu.memory_space<vmem>>, vector<16xf32>,
        %broadcast_in_dim3A_320 = arith.constant 19 : i32
        %broadcast_in_dim3A_321 = vector.broadcast %broadcast_in_dim3A_320 : i32 to vector<16xi32>
        %gather3A_322 = tpu.vector_load_idx %arg14[%add3A_58, %add3A_94, %broadcast_in_dim3A_321] : memref<2x32x128xf32, #tpu.memory_space<vmem>>[vector<16xi32>, vector<16xi32>, vector<16xi32>], vector<16xf32>,
        %add3A_323 = arith.constant 19 : i32
        %add3A_324 = vector.broadcast %add3A_323 : i32 to vector<16xi32>
        %add3A_325 = arith.addi %mul3A_90, %add3A_324 : vector<16xi32>
        %gather3A_326 = tpu.vector_load_idx %arg11[%add3A_325] : memref<2048xf32, #tpu.memory_space<vmem>>[vector<16xi32>], vector<16xf32>,
        %select_n3A_327 = arith.select %ge3A_83, %gather3A_326, %gather3A_322 : vector<16xi1>, vector<16xf32>
        %swap3A_328 = arith.constant 83 : i32
        %swap3A_329 = arith.index_cast %swap3A_328 : i32 to index
        %swap3A_330 = arith.index_cast %add3A_74 : i32 to index
        %swap3A_331 = tpu.vector_load %arg15[%swap3A_329, %swap3A_330] {strides = array<i32>} : memref<96x512xf32, #tpu.memory_space<vmem>>, vector<16xf32>,
        tpu.vector_store %arg15[%swap3A_329, %swap3A_330], %select_n3A_327 {strides = array<i32>} : memref<96x512xf32, #tpu.memory_space<vmem>>, vector<16xf32>,
        %broadcast_in_dim3A_332 = arith.constant 20 : i32
        %broadcast_in_dim3A_333 = vector.broadcast %broadcast_in_dim3A_332 : i32 to vector<16xi32>
        %gather3A_334 = tpu.vector_load_idx %arg14[%add3A_58, %add3A_94, %broadcast_in_dim3A_333] : memref<2x32x128xf32, #tpu.memory_space<vmem>>[vector<16xi32>, vector<16xi32>, vector<16xi32>], vector<16xf32>,
        %add3A_335 = arith.constant 20 : i32
        %add3A_336 = vector.broadcast %add3A_335 : i32 to vector<16xi32>
        %add3A_337 = arith.addi %mul3A_90, %add3A_336 : vector<16xi32>
        %gather3A_338 = tpu.vector_load_idx %arg11[%add3A_337] : memref<2048xf32, #tpu.memory_space<vmem>>[vector<16xi32>], vector<16xf32>,
        %select_n3A_339 = arith.select %ge3A_83, %gather3A_338, %gather3A_334 : vector<16xi1>, vector<16xf32>
        %swap3A_340 = arith.constant 84 : i32
        %swap3A_341 = arith.index_cast %swap3A_340 : i32 to index
        %swap3A_342 = arith.index_cast %add3A_74 : i32 to index
        %swap3A_343 = tpu.vector_load %arg15[%swap3A_341, %swap3A_342] {strides = array<i32>} : memref<96x512xf32, #tpu.memory_space<vmem>>, vector<16xf32>,
        tpu.vector_store %arg15[%swap3A_341, %swap3A_342], %select_n3A_339 {strides = array<i32>} : memref<96x512xf32, #tpu.memory_space<vmem>>, vector<16xf32>,
        %broadcast_in_dim3A_344 = arith.constant 21 : i32
        %broadcast_in_dim3A_345 = vector.broadcast %broadcast_in_dim3A_344 : i32 to vector<16xi32>
        %gather3A_346 = tpu.vector_load_idx %arg14[%add3A_58, %add3A_94, %broadcast_in_dim3A_345] : memref<2x32x128xf32, #tpu.memory_space<vmem>>[vector<16xi32>, vector<16xi32>, vector<16xi32>], vector<16xf32>,
        %add3A_347 = arith.constant 21 : i32
        %add3A_348 = vector.broadcast %add3A_347 : i32 to vector<16xi32>
        %add3A_349 = arith.addi %mul3A_90, %add3A_348 : vector<16xi32>
        %gather3A_350 = tpu.vector_load_idx %arg11[%add3A_349] : memref<2048xf32, #tpu.memory_space<vmem>>[vector<16xi32>], vector<16xf32>,
        %select_n3A_351 = arith.select %ge3A_83, %gather3A_350, %gather3A_346 : vector<16xi1>, vector<16xf32>
        %swap3A_352 = arith.constant 85 : i32
        %swap3A_353 = arith.index_cast %swap3A_352 : i32 to index
        %swap3A_354 = arith.index_cast %add3A_74 : i32 to index
        %swap3A_355 = tpu.vector_load %arg15[%swap3A_353, %swap3A_354] {strides = array<i32>} : memref<96x512xf32, #tpu.memory_space<vmem>>, vector<16xf32>,
        tpu.vector_store %arg15[%swap3A_353, %swap3A_354], %select_n3A_351 {strides = array<i32>} : memref<96x512xf32, #tpu.memory_space<vmem>>, vector<16xf32>,
        %broadcast_in_dim3A_356 = arith.constant 22 : i32
        %broadcast_in_dim3A_357 = vector.broadcast %broadcast_in_dim3A_356 : i32 to vector<16xi32>
        %gather3A_358 = tpu.vector_load_idx %arg14[%add3A_58, %add3A_94, %broadcast_in_dim3A_357] : memref<2x32x128xf32, #tpu.memory_space<vmem>>[vector<16xi32>, vector<16xi32>, vector<16xi32>], vector<16xf32>,
        %add3A_359 = arith.constant 22 : i32
        %add3A_360 = vector.broadcast %add3A_359 : i32 to vector<16xi32>
        %add3A_361 = arith.addi %mul3A_90, %add3A_360 : vector<16xi32>
        %gather3A_362 = tpu.vector_load_idx %arg11[%add3A_361] : memref<2048xf32, #tpu.memory_space<vmem>>[vector<16xi32>], vector<16xf32>,
        %select_n3A_363 = arith.select %ge3A_83, %gather3A_362, %gather3A_358 : vector<16xi1>, vector<16xf32>
        %swap3A_364 = arith.constant 86 : i32
        %swap3A_365 = arith.index_cast %swap3A_364 : i32 to index
        %swap3A_366 = arith.index_cast %add3A_74 : i32 to index
        %swap3A_367 = tpu.vector_load %arg15[%swap3A_365, %swap3A_366] {strides = array<i32>} : memref<96x512xf32, #tpu.memory_space<vmem>>, vector<16xf32>,
        tpu.vector_store %arg15[%swap3A_365, %swap3A_366], %select_n3A_363 {strides = array<i32>} : memref<96x512xf32, #tpu.memory_space<vmem>>, vector<16xf32>,
        %broadcast_in_dim3A_368 = arith.constant 23 : i32
        %broadcast_in_dim3A_369 = vector.broadcast %broadcast_in_dim3A_368 : i32 to vector<16xi32>
        %gather3A_370 = tpu.vector_load_idx %arg14[%add3A_58, %add3A_94, %broadcast_in_dim3A_369] : memref<2x32x128xf32, #tpu.memory_space<vmem>>[vector<16xi32>, vector<16xi32>, vector<16xi32>], vector<16xf32>,
        %add3A_371 = arith.constant 23 : i32
        %add3A_372 = vector.broadcast %add3A_371 : i32 to vector<16xi32>
        %add3A_373 = arith.addi %mul3A_90, %add3A_372 : vector<16xi32>
        %gather3A_374 = tpu.vector_load_idx %arg11[%add3A_373] : memref<2048xf32, #tpu.memory_space<vmem>>[vector<16xi32>], vector<16xf32>,
        %select_n3A_375 = arith.select %ge3A_83, %gather3A_374, %gather3A_370 : vector<16xi1>, vector<16xf32>
        %swap3A_376 = arith.constant 87 : i32
        %swap3A_377 = arith.index_cast %swap3A_376 : i32 to index
        %swap3A_378 = arith.index_cast %add3A_74 : i32 to index
        %swap3A_379 = tpu.vector_load %arg15[%swap3A_377, %swap3A_378] {strides = array<i32>} : memref<96x512xf32, #tpu.memory_space<vmem>>, vector<16xf32>,
        tpu.vector_store %arg15[%swap3A_377, %swap3A_378], %select_n3A_375 {strides = array<i32>} : memref<96x512xf32, #tpu.memory_space<vmem>>, vector<16xf32>,
        %broadcast_in_dim3A_380 = arith.constant 24 : i32
        %broadcast_in_dim3A_381 = vector.broadcast %broadcast_in_dim3A_380 : i32 to vector<16xi32>
        %gather3A_382 = tpu.vector_load_idx %arg14[%add3A_58, %add3A_94, %broadcast_in_dim3A_381] : memref<2x32x128xf32, #tpu.memory_space<vmem>>[vector<16xi32>, vector<16xi32>, vector<16xi32>], vector<16xf32>,
        %add3A_383 = arith.constant 24 : i32
        %add3A_384 = vector.broadcast %add3A_383 : i32 to vector<16xi32>
        %add3A_385 = arith.addi %mul3A_90, %add3A_384 : vector<16xi32>
        %gather3A_386 = tpu.vector_load_idx %arg11[%add3A_385] : memref<2048xf32, #tpu.memory_space<vmem>>[vector<16xi32>], vector<16xf32>,
        %select_n3A_387 = arith.select %ge3A_83, %gather3A_386, %gather3A_382 : vector<16xi1>, vector<16xf32>
        %swap3A_388 = arith.constant 88 : i32
        %swap3A_389 = arith.index_cast %swap3A_388 : i32 to index
        %swap3A_390 = arith.index_cast %add3A_74 : i32 to index
        %swap3A_391 = tpu.vector_load %arg15[%swap3A_389, %swap3A_390] {strides = array<i32>} : memref<96x512xf32, #tpu.memory_space<vmem>>, vector<16xf32>,
        tpu.vector_store %arg15[%swap3A_389, %swap3A_390], %select_n3A_387 {strides = array<i32>} : memref<96x512xf32, #tpu.memory_space<vmem>>, vector<16xf32>,
        %broadcast_in_dim3A_392 = arith.constant 25 : i32
        %broadcast_in_dim3A_393 = vector.broadcast %broadcast_in_dim3A_392 : i32 to vector<16xi32>
        %gather3A_394 = tpu.vector_load_idx %arg14[%add3A_58, %add3A_94, %broadcast_in_dim3A_393] : memref<2x32x128xf32, #tpu.memory_space<vmem>>[vector<16xi32>, vector<16xi32>, vector<16xi32>], vector<16xf32>,
        %add3A_395 = arith.constant 25 : i32
        %add3A_396 = vector.broadcast %add3A_395 : i32 to vector<16xi32>
        %add3A_397 = arith.addi %mul3A_90, %add3A_396 : vector<16xi32>
        %gather3A_398 = tpu.vector_load_idx %arg11[%add3A_397] : memref<2048xf32, #tpu.memory_space<vmem>>[vector<16xi32>], vector<16xf32>,
        %select_n3A_399 = arith.select %ge3A_83, %gather3A_398, %gather3A_394 : vector<16xi1>, vector<16xf32>
        %swap3A_400 = arith.constant 89 : i32
        %swap3A_401 = arith.index_cast %swap3A_400 : i32 to index
        %swap3A_402 = arith.index_cast %add3A_74 : i32 to index
        %swap3A_403 = tpu.vector_load %arg15[%swap3A_401, %swap3A_402] {strides = array<i32>} : memref<96x512xf32, #tpu.memory_space<vmem>>, vector<16xf32>,
        tpu.vector_store %arg15[%swap3A_401, %swap3A_402], %select_n3A_399 {strides = array<i32>} : memref<96x512xf32, #tpu.memory_space<vmem>>, vector<16xf32>,
        %broadcast_in_dim3A_404 = arith.constant 26 : i32
        %broadcast_in_dim3A_405 = vector.broadcast %broadcast_in_dim3A_404 : i32 to vector<16xi32>
        %gather3A_406 = tpu.vector_load_idx %arg14[%add3A_58, %add3A_94, %broadcast_in_dim3A_405] : memref<2x32x128xf32, #tpu.memory_space<vmem>>[vector<16xi32>, vector<16xi32>, vector<16xi32>], vector<16xf32>,
        %add3A_407 = arith.constant 26 : i32
        %add3A_408 = vector.broadcast %add3A_407 : i32 to vector<16xi32>
        %add3A_409 = arith.addi %mul3A_90, %add3A_408 : vector<16xi32>
        %gather3A_410 = tpu.vector_load_idx %arg11[%add3A_409] : memref<2048xf32, #tpu.memory_space<vmem>>[vector<16xi32>], vector<16xf32>,
        %select_n3A_411 = arith.select %ge3A_83, %gather3A_410, %gather3A_406 : vector<16xi1>, vector<16xf32>
        %swap3A_412 = arith.constant 90 : i32
        %swap3A_413 = arith.index_cast %swap3A_412 : i32 to index
        %swap3A_414 = arith.index_cast %add3A_74 : i32 to index
        %swap3A_415 = tpu.vector_load %arg15[%swap3A_413, %swap3A_414] {strides = array<i32>} : memref<96x512xf32, #tpu.memory_space<vmem>>, vector<16xf32>,
        tpu.vector_store %arg15[%swap3A_413, %swap3A_414], %select_n3A_411 {strides = array<i32>} : memref<96x512xf32, #tpu.memory_space<vmem>>, vector<16xf32>,
        %broadcast_in_dim3A_416 = arith.constant 27 : i32
        %broadcast_in_dim3A_417 = vector.broadcast %broadcast_in_dim3A_416 : i32 to vector<16xi32>
        %gather3A_418 = tpu.vector_load_idx %arg14[%add3A_58, %add3A_94, %broadcast_in_dim3A_417] : memref<2x32x128xf32, #tpu.memory_space<vmem>>[vector<16xi32>, vector<16xi32>, vector<16xi32>], vector<16xf32>,
        %add3A_419 = arith.constant 27 : i32
        %add3A_420 = vector.broadcast %add3A_419 : i32 to vector<16xi32>
        %add3A_421 = arith.addi %mul3A_90, %add3A_420 : vector<16xi32>
        %gather3A_422 = tpu.vector_load_idx %arg11[%add3A_421] : memref<2048xf32, #tpu.memory_space<vmem>>[vector<16xi32>], vector<16xf32>,
        %select_n3A_423 = arith.select %ge3A_83, %gather3A_422, %gather3A_418 : vector<16xi1>, vector<16xf32>
        %swap3A_424 = arith.constant 91 : i32
        %swap3A_425 = arith.index_cast %swap3A_424 : i32 to index
        %swap3A_426 = arith.index_cast %add3A_74 : i32 to index
        %swap3A_427 = tpu.vector_load %arg15[%swap3A_425, %swap3A_426] {strides = array<i32>} : memref<96x512xf32, #tpu.memory_space<vmem>>, vector<16xf32>,
        tpu.vector_store %arg15[%swap3A_425, %swap3A_426], %select_n3A_423 {strides = array<i32>} : memref<96x512xf32, #tpu.memory_space<vmem>>, vector<16xf32>,
        %broadcast_in_dim3A_428 = arith.constant 28 : i32
        %broadcast_in_dim3A_429 = vector.broadcast %broadcast_in_dim3A_428 : i32 to vector<16xi32>
        %gather3A_430 = tpu.vector_load_idx %arg14[%add3A_58, %add3A_94, %broadcast_in_dim3A_429] : memref<2x32x128xf32, #tpu.memory_space<vmem>>[vector<16xi32>, vector<16xi32>, vector<16xi32>], vector<16xf32>,
        %add3A_431 = arith.constant 28 : i32
        %add3A_432 = vector.broadcast %add3A_431 : i32 to vector<16xi32>
        %add3A_433 = arith.addi %mul3A_90, %add3A_432 : vector<16xi32>
        %gather3A_434 = tpu.vector_load_idx %arg11[%add3A_433] : memref<2048xf32, #tpu.memory_space<vmem>>[vector<16xi32>], vector<16xf32>,
        %select_n3A_435 = arith.select %ge3A_83, %gather3A_434, %gather3A_430 : vector<16xi1>, vector<16xf32>
        %swap3A_436 = arith.constant 92 : i32
        %swap3A_437 = arith.index_cast %swap3A_436 : i32 to index
        %swap3A_438 = arith.index_cast %add3A_74 : i32 to index
        %swap3A_439 = tpu.vector_load %arg15[%swap3A_437, %swap3A_438] {strides = array<i32>} : memref<96x512xf32, #tpu.memory_space<vmem>>, vector<16xf32>,
        tpu.vector_store %arg15[%swap3A_437, %swap3A_438], %select_n3A_435 {strides = array<i32>} : memref<96x512xf32, #tpu.memory_space<vmem>>, vector<16xf32>,
        %broadcast_in_dim3A_440 = arith.constant 29 : i32
        %broadcast_in_dim3A_441 = vector.broadcast %broadcast_in_dim3A_440 : i32 to vector<16xi32>
        %gather3A_442 = tpu.vector_load_idx %arg14[%add3A_58, %add3A_94, %broadcast_in_dim3A_441] : memref<2x32x128xf32, #tpu.memory_space<vmem>>[vector<16xi32>, vector<16xi32>, vector<16xi32>], vector<16xf32>,
        %add3A_443 = arith.constant 29 : i32
        %add3A_444 = vector.broadcast %add3A_443 : i32 to vector<16xi32>
        %add3A_445 = arith.addi %mul3A_90, %add3A_444 : vector<16xi32>
        %gather3A_446 = tpu.vector_load_idx %arg11[%add3A_445] : memref<2048xf32, #tpu.memory_space<vmem>>[vector<16xi32>], vector<16xf32>,
        %select_n3A_447 = arith.select %ge3A_83, %gather3A_446, %gather3A_442 : vector<16xi1>, vector<16xf32>
        %swap3A_448 = arith.constant 93 : i32
        %swap3A_449 = arith.index_cast %swap3A_448 : i32 to index
        %swap3A_450 = arith.index_cast %add3A_74 : i32 to index
        %swap3A_451 = tpu.vector_load %arg15[%swap3A_449, %swap3A_450] {strides = array<i32>} : memref<96x512xf32, #tpu.memory_space<vmem>>, vector<16xf32>,
        tpu.vector_store %arg15[%swap3A_449, %swap3A_450], %select_n3A_447 {strides = array<i32>} : memref<96x512xf32, #tpu.memory_space<vmem>>, vector<16xf32>,
        %broadcast_in_dim3A_452 = arith.constant 30 : i32
        %broadcast_in_dim3A_453 = vector.broadcast %broadcast_in_dim3A_452 : i32 to vector<16xi32>
        %gather3A_454 = tpu.vector_load_idx %arg14[%add3A_58, %add3A_94, %broadcast_in_dim3A_453] : memref<2x32x128xf32, #tpu.memory_space<vmem>>[vector<16xi32>, vector<16xi32>, vector<16xi32>], vector<16xf32>,
        %add3A_455 = arith.constant 30 : i32
        %add3A_456 = vector.broadcast %add3A_455 : i32 to vector<16xi32>
        %add3A_457 = arith.addi %mul3A_90, %add3A_456 : vector<16xi32>
        %gather3A_458 = tpu.vector_load_idx %arg11[%add3A_457] : memref<2048xf32, #tpu.memory_space<vmem>>[vector<16xi32>], vector<16xf32>,
        %select_n3A_459 = arith.select %ge3A_83, %gather3A_458, %gather3A_454 : vector<16xi1>, vector<16xf32>
        %swap3A_460 = arith.constant 94 : i32
        %swap3A_461 = arith.index_cast %swap3A_460 : i32 to index
        %swap3A_462 = arith.index_cast %add3A_74 : i32 to index
        %swap3A_463 = tpu.vector_load %arg15[%swap3A_461, %swap3A_462] {strides = array<i32>} : memref<96x512xf32, #tpu.memory_space<vmem>>, vector<16xf32>,
        tpu.vector_store %arg15[%swap3A_461, %swap3A_462], %select_n3A_459 {strides = array<i32>} : memref<96x512xf32, #tpu.memory_space<vmem>>, vector<16xf32>,
        %broadcast_in_dim3A_464 = arith.constant 31 : i32
        %broadcast_in_dim3A_465 = vector.broadcast %broadcast_in_dim3A_464 : i32 to vector<16xi32>
        %gather3A_466 = tpu.vector_load_idx %arg14[%add3A_58, %add3A_94, %broadcast_in_dim3A_465] : memref<2x32x128xf32, #tpu.memory_space<vmem>>[vector<16xi32>, vector<16xi32>, vector<16xi32>], vector<16xf32>,
        %add3A_467 = arith.constant 31 : i32
        %add3A_468 = vector.broadcast %add3A_467 : i32 to vector<16xi32>
        %add3A_469 = arith.addi %mul3A_90, %add3A_468 : vector<16xi32>
        %gather3A_470 = tpu.vector_load_idx %arg11[%add3A_469] : memref<2048xf32, #tpu.memory_space<vmem>>[vector<16xi32>], vector<16xf32>,
        %select_n3A_471 = arith.select %ge3A_83, %gather3A_470, %gather3A_466 : vector<16xi1>, vector<16xf32>
        %swap3A_472 = arith.constant 95 : i32
        %swap3A_473 = arith.index_cast %swap3A_472 : i32 to index
        %swap3A_474 = arith.index_cast %add3A_74 : i32 to index
        %swap3A_475 = tpu.vector_load %arg15[%swap3A_473, %swap3A_474] {strides = array<i32>} : memref<96x512xf32, #tpu.memory_space<vmem>>, vector<16xf32>,
        tpu.vector_store %arg15[%swap3A_473, %swap3A_474], %select_n3A_471 {strides = array<i32>} : memref<96x512xf32, #tpu.memory_space<vmem>>, vector<16xf32>,
      }
      %scan3A_64 = arith.constant 2 : i32
      %add3A_65 = arith.constant 2 : i32
      %add3A_66 = arith.addi %scan3A_43, %add3A_65 : i32
      %lt3A = arith.constant 16 : i32
      %lt3A_67 = arith.cmpi slt, %add3A_66, %lt3A : i32
      %convert_element_type3A = arith.extui %lt3A_67 : i1 to i32
      %cond3A = arith.constant 0 : i32
      %cond3A_68 = arith.cmpi ne, %convert_element_type3A, %cond3A : i32
      scf.if %cond3A_68 {
        %add3A_69 = arith.constant 2 : i32
        %add3A_70 = arith.addi %scan3A_43, %add3A_69 : i32
        %mul3A_71 = arith.constant 32 : i32
        %mul3A_72 = arith.muli %add3A_70, %mul3A_71 : i32
        %add3A_73 = arith.addi %mul3A_2, %mul3A_72 : i32
        %dma_start3A_74 = arith.constant 0 : i32
        %dma_start3A_75 = arith.constant 0 : i32
        %dma_start3A_76 = tpu.memref_slice %arg14[%rem3A_44, %dma_start3A_74, %dma_start3A_75] : memref<2x32x128xf32, #tpu.memory_space<vmem>> -> memref<1x32x128xf32, #tpu.memory_space<vmem>>
        %dma_start3A_77 = tpu.memref_squeeze %dma_start3A_76 : memref<1x32x128xf32, #tpu.memory_space<vmem>> -> memref<32x128xf32, #tpu.memory_space<vmem>>
        %dma_start3A_78 = arith.constant 0 : i32
        %dma_start3A_79 = tpu.memref_slice %arg7[%add3A_73, %dma_start3A_78] : memref<16448x128xf32, #tpu.memory_space<hbm>> -> memref<32x128xf32, #tpu.memory_space<hbm>>
        %dma_start3A_80 = arith.constant 0 : i32
        %dma_start3A_81 = arith.constant 0 : i32
        %dma_start3A_82 = tpu.memref_slice %arg14[%rem3A_44, %dma_start3A_80, %dma_start3A_81] : memref<2x32x128xf32, #tpu.memory_space<vmem>> -> memref<1x32x128xf32, #tpu.memory_space<vmem>>
        %dma_start3A_83 = tpu.memref_squeeze %dma_start3A_82 : memref<1x32x128xf32, #tpu.memory_space<vmem>> -> memref<32x128xf32, #tpu.memory_space<vmem>>
        %dma_start3A_84 = arith.constant 0 : i32
        %dma_start3A_85 = tpu.memref_slice %arg7[%add3A_73, %dma_start3A_84] : memref<16448x128xf32, #tpu.memory_space<hbm>> -> memref<32x128xf32, #tpu.memory_space<hbm>>
        tpu.enqueue_dma source(%dma_start3A_85 : memref<32x128xf32, #tpu.memory_space<hbm>>) target(%dma_start3A_83 : memref<32x128xf32, #tpu.memory_space<vmem>>) target_semaphore(%arg17 : memref<!tpu.dma_semaphore, #tpu.memory_space<semaphore_mem>>)
      } else {
      }
    }
    %scan3A_42 = arith.constant 16 : i32
    "tpu.region"() ({
      %run_scoped3A = tpu.sem_alloc : memref<!tpu.dma_semaphore, #tpu.memory_space<semaphore_mem>>
      %dma_start3A_43 = arith.constant 0 : i32
      %dma_start3A_44 = tpu.memref_slice %arg8[%dma_start3A_43, %mul3A_2] : memref<96x16384xf32, #tpu.memory_space<hbm>> -> memref<96x512xf32, #tpu.memory_space<hbm>>
      %dma_start3A_45 = arith.constant 0 : i32
      %dma_start3A_46 = tpu.memref_slice %arg8[%dma_start3A_45, %mul3A_2] : memref<96x16384xf32, #tpu.memory_space<hbm>> -> memref<96x512xf32, #tpu.memory_space<hbm>>
      tpu.enqueue_dma source(%arg15 : memref<96x512xf32, #tpu.memory_space<vmem>>) target(%dma_start3A_46 : memref<96x512xf32, #tpu.memory_space<hbm>>) target_semaphore(%run_scoped3A : memref<!tpu.dma_semaphore, #tpu.memory_space<semaphore_mem>>)
      %dma_wait3A = arith.constant 0 : i32
      %dma_wait3A_47 = tpu.memref_slice %arg8[%dma_wait3A, %mul3A_2] : memref<96x16384xf32, #tpu.memory_space<hbm>> -> memref<96x512xf32, #tpu.memory_space<hbm>>
      %dma_wait3A_48 = arith.constant 0 : i32
      %dma_wait3A_49 = tpu.memref_slice %arg8[%dma_wait3A_48, %mul3A_2] : memref<96x16384xf32, #tpu.memory_space<hbm>> -> memref<96x512xf32, #tpu.memory_space<hbm>>
      tpu.wait_dma2 semaphore(%run_scoped3A : memref<!tpu.dma_semaphore, #tpu.memory_space<semaphore_mem>>) src(%arg15 : memref<96x512xf32, #tpu.memory_space<vmem>>) dst(%dma_wait3A_49 : memref<96x512xf32, #tpu.memory_space<hbm>>)
      tpu.yield
    }) : () -> ()
    return
  }
}

</mosaic_0001>

<sc_bundles>
// kernel: kernel.4.cloned.1.call-start
scs
__scs_entry_jumppad:
0x0: {  	(pc) =	sbr.rel $0x88, $3  }
0x1: {  	(tag) =	ssettag $0x0;
	lr =	simm.s32 $0x1  }
0x2: {  	[smem:$0x3F9D] =	sst lr;
	_ =	strace $0xD0000000  }
0x3: {  	_ = 	snop  }
0x4: {  	_ = 	snop  }
0x5: {  	_ = 	snop  }
0x6: {  	_ = 	snop  }
0x7: {  	_ = 	snop  }
__scs_overlays_trampoline_lowered:
0x8: {  	[smem:$0x3FAC] =	sst s0  }
0x9: {  	[smem:$0x3FAD] =	sst s1  }
0xa: {  	[smem:$0x3FAE] =	sst s2  }
0xb: {  	[smem:$0x3FAF] =	sst s3  }
0xc: {  	[smem:$0x3FB0] =	sst s4  }
0xd: {  	[smem:$0x3FB1] =	sst s5  }
0xe: {  	[smem:$0x3FB2] =	sst s6  }
0xf: {  	[smem:$0x3FB3] =	sst s7  }
0x10: {  	[smem:$0x3FB4] =	sst s8  }
0x11: {  	[smem:$0x3FB5] =	sst s9;
	s0 =	simm.s32 @!p0 $0x0  }
0x12: {  	s1 =	sld [smem:$0x3F9B];
	s0 =	simm.s32 @p0 $0x1  }
0x13: {  	[smem:$0x3FB6] =	sst s0;
	s0 =	simm.s32 @!p1 $0x0  }
0x14: {  	s2 =	sld [smem:$0x3F9A];
	s0 =	simm.s32 @p1 $0x1  }
0x15: {  	[smem:$0x3FB7] =	sst s0;
	s0 =	simm.s32 @!p2 $0x0  }
0x16: {  	s3 =	sld [smem:$0x3FDB];
	s0 =	simm.s32 @p2 $0x1  }
0x17: {  	s4 =	simm.s32 $0x1BF5;
	[smem:$0x3FB9] =	sst s0  }
0x18: {  	s0 =	sld [smem:$0x3F9C];
	_ =	swait.ge [sflag:s4], $0x0  }
0x19: {  	s7 =	sld [smem:$0x3F9D]  }
0x1a: {  	s8 =	sadd.s32 $0xFFFFE003, lr  }
0x1b: {  	s9 =	sadd.s32 $0xFFFFFEF7, lr;
	s5 =	simm.s32 $0xFFFFFFFF;
	p2 =	slt.u32 s8, $0xFFFFF086  }
0x1c: {  	p1 =	slt.u32 s9, $0xF7A;
	s5 =	simm.s32 @!p2 $0x0  }
0x1d: {  	s5 =	simm.s32 @p1 $0x1;
	p0 =	seq.s32 s7, s2  }
0x1e: {  	s7 =	smul.u32 @!p0 $0xF7A, s2;
	p2 =	seq.s32 @!p0 s5, $0x0  }
0x1f: {  	s9 =	smul.u32 $0xF7A, s1;
	s8 =	simm.s32 @!p0 $0x1BF5;
	p2 =	por !p2, p0  }
0x20: {  	[sflag:s8] =	ssyncset.s32 @!p0 $0xFFFFF086;
	s6 =	sadd.s32 @!p0 s3, s7;
	s7 =	simm.s32 @!p0 $0x108  }
0x21: {  	s3 =	sadd.s32 s3, s9;
	s6 =	sadd.s32 @!p0 $0x88, s6;
	s7 =	simm.s32 @p2 $0x1082  }
0x22: {  	[simem:s7], [sflag:s8] =	dma.local @!p0 [hbm:s6], $0xF7A  }
0x23: {  	s9 =	sor.u32 $0xD0000000, s2;
	s6 =	simm.s32 $0x108;
	_ =	swait.ge @!p0 [sflag:s8], $0x0  }
0x24: {  	s3 =	sadd.s32 $0x88, s3;
	s6 =	simm.s32 @!p1 $0x1082;
	[sflag:s4] =	ssyncset.s32 $0xFFFFF086  }
0x25: {  	[simem:s6], [sflag:s4] =	dma.local [hbm:s3], $0xF7A  }
0x26: {  	[smem:$0x3F9D] =	sst s1;
	(tag) =	ssettag s2;
	_ =	strace s9  }
0x27: {  	s1 =	sld [smem:$0x3FAD]  }
0x28: {  	s2 =	sld [smem:$0x3FAE]  }
0x29: {  	s4 =	sld [smem:$0x3FB0]  }
0x2a: {  	p0 =	seq.s32 s5, $0x0;
	s5 =	sld [smem:$0x3FB1]  }
0x2b: {  	s6 =	sld [smem:$0x3FB2]  }
0x2c: {  	s7 =	sld [smem:$0x3FB3]  }
0x2d: {  	s3 =	simm.s32 $0x108;
	s8 =	sld [smem:$0x3FB4]  }
0x2e: {  	s3 =	simm.s32 @!p0 $0x1082;
	s9 =	sld [smem:$0x3FB5]  }
0x2f: {  	lr =	sadd.s32 s0, s3;
	s0 =	sld [smem:$0x3FAC]  }
0x30: {  	s3 =	sld [smem:$0x3FAF]  }
0x31: {  	[smem:$0x3FB8] =	sst s10  }
0x32: {  	s10 =	sld [smem:$0x3FB6];
	_ =	sdelay $0x3  }
0x33: {  	p0 =	seq.s32 s10, $0x1;
	s10 =	sld [smem:$0x3FB8];
	_ =	sdelay $0x3  }
0x34: {  	[smem:$0x3FB8] =	sst s10  }
0x35: {  	s10 =	sld [smem:$0x3FB7];
	_ =	sdelay $0x3  }
0x36: {  	p1 =	seq.s32 s10, $0x1;
	s10 =	sld [smem:$0x3FB8];
	_ =	sdelay $0x3  }
0x37: {  	[smem:$0x3FB8] =	sst s10  }
0x38: {  	s10 =	sld [smem:$0x3FB9]  }
0x39: {  	_ = 	snop;
	(pc) =	sbr.ind lr, $3  }
0x3a: {  	_ = 	snop  }
0x3b: {  	_ = 	snop  }
0x3c: {  	p2 =	seq.s32 s10, $0x1;
	s10 =	sld [smem:$0x3FB8]  }
0x3d: {  	_ =	shalt  }
0x3e: {  	_ =	shalt  }
0x3f: {  	_ =	shalt  }
0x40: {  	_ =	shalt  }
0x41: {  	_ =	shalt  }
0x42: {  	_ =	shalt  }
0x43: {  	_ =	shalt  }
0x44: {  	_ =	shalt  }
0x45: {  	_ =	shalt  }
0x46: {  	_ =	shalt  }
0x47: {  	_ =	shalt  }
0x48: {  	_ =	shalt  }
0x49: {  	_ =	shalt  }
0x4a: {  	_ =	shalt  }
0x4b: {  	_ =	shalt  }
0x4c: {  	_ =	shalt  }
0x4d: {  	_ =	shalt  }
0x4e: {  	_ =	shalt  }
0x4f: {  	_ =	shalt  }
0x50: {  	_ =	shalt  }
0x51: {  	_ =	shalt  }
0x52: {  	_ =	shalt  }
0x53: {  	_ =	shalt  }
0x54: {  	_ =	shalt  }
0x55: {  	_ =	shalt  }
0x56: {  	_ =	shalt  }
0x57: {  	_ =	shalt  }
0x58: {  	_ =	shalt  }
0x59: {  	_ =	shalt  }
0x5a: {  	_ =	shalt  }
0x5b: {  	_ =	shalt  }
0x5c: {  	_ =	shalt  }
0x5d: {  	_ =	shalt  }
0x5e: {  	_ =	shalt  }
0x5f: {  	_ =	shalt  }
0x60: {  	_ =	shalt  }
0x61: {  	_ =	shalt  }
0x62: {  	_ =	shalt  }
0x63: {  	_ =	shalt  }
0x64: {  	_ =	shalt  }
0x65: {  	_ =	shalt  }
0x66: {  	_ =	shalt  }
0x67: {  	_ =	shalt  }
0x68: {  	_ =	shalt  }
0x69: {  	_ =	shalt  }
0x6a: {  	_ =	shalt  }
0x6b: {  	_ =	shalt  }
0x6c: {  	_ =	shalt  }
0x6d: {  	_ =	shalt  }
0x6e: {  	_ =	shalt  }
0x6f: {  	_ =	shalt  }
0x70: {  	_ =	shalt  }
0x71: {  	_ =	shalt  }
0x72: {  	_ =	shalt  }
0x73: {  	_ =	shalt  }
0x74: {  	_ =	shalt  }
0x75: {  	_ =	shalt  }
0x76: {  	_ =	shalt  }
0x77: {  	_ =	shalt  }
0x78: {  	_ =	shalt  }
0x79: {  	_ =	shalt  }
0x7a: {  	_ =	shalt  }
0x7b: {  	_ =	shalt  }
0x7c: {  	_ =	shalt  }
0x7d: {  	_ =	shalt  }
0x7e: {  	_ =	shalt  }
0x7f: {  	_ =	shalt  }
0x80: {  	_ =	shalt  }
0x81: {  	_ =	shalt  }
0x82: {  	_ =	shalt  }
0x83: {  	_ =	shalt  }
0x84: {  	_ =	shalt  }
0x85: {  	_ =	shalt  }
0x86: {  	_ =	shalt  }
0x87: {  	_ =	shalt  }
.Lfunc_end0:
.L_simem_size_0:
called_computation_lowered:
.L_overlay_start_0:
0x88: {  	s2 =	sld [smem:$0x3FD9]  }
0x89: {  	s3 =	sld [smem:$0x3FFE];
	_ =	sdelay $0x1  }
0x8a: {  	s1 =	srdreg.scid  }
0x8b: {  	s0 =	sand.u32 $0x1, s1  }
0x8c: {  	s17 =	sshll.u32 s0, $0xA;
	s2 =	sadd.s32 s3, s2  }
0x8d: {  	s2 =	sadd.s32 s2, s17  }
0x8e: {  	[smem:$0x3FC4] =	sst s2  }
0x8f: {  	_ = 	snop  }
0x90: {  	s2 =	sld [smem:$0x3FC6];
	(tm) =	ssettm $0x1  }
0x91: {  	s18 =	sld [smem:$0x3FFB];
	_ =	sdelay $0x3  }
0x92: {  	_ =	strace s18  }
0x93: {  	s3 =	sld [smem:$0x3FFC];
	_ =	sdelay $0x3  }
0x94: {  	_ =	strace s3  }
0x95: {  	s3 =	sld [smem:$0x3FFD];
	_ =	sdelay $0x3  }
0x96: {  	_ =	strace s3  }
0x97: {  	_ =	strace $0x8FFFFFFF  }
0x98: {  	s19 =	sld [smem:$0x3FDB];
	_ =	sdelay $0x1  }
0x99: {  	s4 =	simm.s32 $_scs_section_size  }
0x9a: {  	s5 =	simm.s32 $_size__tile_overlayer_lowered;
	s6 =	simm.s32 $_tile_overlayer_lowered  }
0x9b: {  	s22 =	simm.s32 $0x1BFF;
	s21 =	sshll.u32 s6, $0x1;
	s3 =	sadd.s32 s4, s19  }
0x9c: {  	s7 =	simm.s32 $0x0;
	s20 =	sshll.u32 s5, $0x1;
	s5 =	sadd.s32 s21, s3  }
0x9d: {  	[timem:s7], [sflag:s22] =	dma.local [hbm:s5], s20  }
0x9e: {  	_ =	swait.ge [sflag:s22], s20  }
0x9f: {  	s4 =	ssub.s32 $0x0, s20;
	[sflag:s22] =	ssyncset.done $0x0  }
0xa0: {  	[sflag:s22] =	ssyncadd.s32 s4;
	_ =	sdelay $0x1  }
0xa1: {  	s23 =	simm.s32 $0x1B8B  }
0xa2: {  	_ =	swait.ge [sflag:s23], $0x1  }
0xa3: {  	[sflag:s23] =	ssyncset.done $0x0  }
0xa4: {  	s25 =	simm.s32 $0x1B8E;
	s24 =	sld [smem:$0x3FFE];
	[sflag:s23] =	ssyncadd.s32 $0xFFFFFFFF  }
0xa5: {  	s26 =	simm.s32 $execute0_lowered;
	[smem:$0x3FD2] =	sst s25  }
0xa6: {  	s5 =	sshll.u32 s26, $0x1;
	_ =	strace $0x80000046;
	[dreg:$0x1] =	wrdreg $0xFFFFFFFF  }
0xa7: {  	s28 =	simm.s32 $_size_execute0_lowered;
	s3 =	sadd.s32 s3, s5;
	[dreg:$0x0] =	wrdreg $0x0  }
0xa8: {  	s5 =	sshll.u32 s28, $0x1;
	[dreg:$0x2] =	wrdreg s3  }
0xa9: {  	[dreg:$0x3] =	wrdreg s5  }
0xaa: {  	[dreg:$0x4] =	wrdreg $0xC0  }
0xab: {  	_ =	task [dreg:s7], $0x5FFFF  }
0xac: {  	[dreg:$0x1] =	wrdreg $0xFFFFFFFF  }
0xad: {  	[dreg:$0x0] =	wrdreg $0x60  }
0xae: {  	[dreg:$0x2] =	wrdreg s24  }
0xaf: {  	[dreg:$0x3] =	wrdreg s2  }
0xb0: {  	[dreg:$0x4] =	wrdreg $0x9  }
0xb1: {  	_ =	task.clear_ibuf [dreg:s7], $0x5FFFF;
	_ =	strace $0x90000046  }
0xb2: {  	s29 =	simm.s32 $0x9;
	_ =	strace $0x80000048  }
0xb3: {  	_ =	swait.ge [sflag:s29], $0x1  }
0xb4: {  	[sflag:s29] =	ssyncadd.s32 $0xFFFFFFFF  }
0xb5: {  	_ =	strace $0x90000048  }
0xb6: {  	_ =	sfence  }
0xb7: {  	s30 =	sld [smem:$0x0];
	_ =	sdelay $0x2  }
0xb8: {  	s31 =	sshll.u32 s1, $0xD;
	s1 =	sshrl.u32 s1, $0x2  }
0xb9: {  	s3 =	sand.u32 $0x4000, s31;
	s1 =	sadd.s32 s1, s30  }
0xba: {  	s0 =	sor.u32 s3, s0;
	s1 =	sshll.u32 s1, $0x11  }
0xbb: {  	s0 =	sor.u32 s1, s0  }
0xbc: {  	s0 =	sadd.s32 $0x8F2B, s0  }
0xbd: {  	[sflag:s0] =	ssyncadd.remote.s32 $0x1  }
0xbe: {  	_ =	sfence.sel $0xFFFF  }
0xbf: {  	[dreg:$0x0] =	wrdreg $0xFFFFFFFF;
	(pc) =	sbr.abs _section_cstart, $3  }
0xc0: {  	[dreg:$0x1] =	wrdreg $0xFFFFFFFF  }
0xc1: {  	_ =	task.clear_ibuf [dreg:s7], $0x2FFFF;
	_ =	strace $0x9FFFFFFF  }
0xc2: {  	(tm) =	ssettm $0x7FFFFFFF  }
0xc3: {  	_ =	shalt  }
tec
execute0_lowered:
.L_overlay_start_1:
0x0: {  	(tag) =	ssettag $0x1  }
0x1: {  	s0 =	rddreg [dreg:$0x0]  }
0x2: {  	s2 =	rddreg [dreg:$0x1];
	s3 =	simm.s32 $0x0  }
0x3: {  	s1 =	srdreg.scid;
	s4 =	stileid.u32;
	s19 =	simm.s32 $0x800  }
0x4: {  	s20 =	simm.s32 $0x1;
	s21 =	simm.s32 $0x2;
	s22 =	simm.s32 $0x1000  }
0x5: {  	s28 =	simm.s32 $0x1F000;
	s1 =	sand.u32 $0x1, s1;
	s5 =	sshll.u32 s4, $0x1  }
0x6: {  	[smem:$0x7FF] =	sst s3;
	s8 =	sor.u32 s1, s5;
	s17 =	ssub.s32 $0x2, s1  }
0x7: {  	s4 =	sadd.s32 $0xC00, s0;
	s7 =	smul.u32 $0x3D000, s8;
	s10 =	sshrl.u32 s17, $0x1  }
0x8: {  	s6 =	sadd.s32 $0x1C00, s0;
	s5 =	sadd.s32 $0x1400, s0;
	s0 =	ssub.s32 s17, s10  }
0x9: {  	_ =	strace $0x80000047;
	s9 =	sshrl.u32 s7, $0x3;
	s0 =	smax.u32 s0, $0x1  }
0xa: {  	s1 =	simm.s32 $0xF8;
	s12 =	sadd.s32 s2, s9;
	[dreg:$0xb] =	wrdreg s0  }
0xb: {  	p0 =	seq.s32 s8, $0x1F;
	s23 =	sadd.s32 $0xF4280, s12;
	[dreg:$0x3] =	wrdreg s12  }
0xc: {  	s8 =	smul.u32 $0x7A00, s8;
	s24 =	sadd.s32 $0x1E8500, s12;
	[dreg:$0x4] =	wrdreg s23  }
0xd: {  	s1 =	simm.s32 @!p0 $0xF4;
	s25 =	sadd.s32 $0x2DC780, s12;
	[dreg:$0x5] =	wrdreg s24  }
0xe: {  	s11 =	sshll.u32 s1, $0x7;
	s26 =	sadd.s32 $0x200, s12;
	[dreg:$0x6] =	wrdreg s25  }
.Ltmp0:
0xf: {  	s29 =	sadd.s32 $0xF4480, s12;
	[dreg:$0x7] =	wrdreg s26;
	(pc) =	sbr.rel .LBB2_1-.Ltmp0, $4  }
0x10: {  	s18 =	sadd.s32 s8, s11;
	s30 =	sadd.s32 $0x1E8700, s12;
	[dreg:$0x8] =	wrdreg s29  }
0x11: {  	v1 =	vlaneseq.u32;
	v3 =	vimm.s32 $0x0;
	s11 =	sshrl.u32 s1, $0x2;
	s31 =	sadd.s32 $0x2DC980, s12;
	[dreg:$0x9] =	wrdreg s30  }
0x12: {  	v4 =	vor.u32 $0x4000, v1;
	v5 =	vor.u32 $0x4010, v1;
	v6 =	vor.u32 $0x4020, v1;
	s1 =	simm.s32 $0x15000;
	[dreg:$0xa] =	wrdreg s31;
	s23 =	simm.s32 $0x5000  }
0x13: {  	v7 =	vor.u32 $0x4030, v1;
	v2 =	vmov s8;
	v0 =	vmov s18;
	s24 =	simm.s32 $0x9000;
	s25 =	simm.s32 $0x19000;
	s26 =	simm.s32 $0x1D000  }
.LBB2_17:
0x14: {  	s0 =	simm.s32 $0x40;
	s9 =	simm.s32 $0x3  }
0x15: {  	[hbm4b:s6+s0] =	stream.indirect.scatter [tilespmem:s26], [sflag:$0x3], $0x80, s28, s0, $0xb8;
	[tilespmem:$0x1F080] =	vst v63  }
0x16: {  	_ =	swait.ge [sflag:s9], $0x2000  }
0x17: {  	s3 =	sadd.s32 $0x1, s3;
	s31 =	rddreg [dreg:$0xb]  }
0x18: {  	p0 =	sne.s32 s3, s31  }
.Ltmp1:
0x19: {  	_ = 	snop;
	(pc) =	sbr.rel @!p0 .LBB2_18-.Ltmp1, $3  }
0x1a: {  	_ =	sdelay $0x1  }
0x1b: {  	[sflag:s9] =	ssyncset.done $0x0  }
0x1c: {  	[sflag:s9] =	ssyncadd.s32 $0xFFFFE000  }
.LBB2_1:
0x1d: {  	s0 =	simm.s32 $0x0;
	s17 =	simm.s32 $0x0;
	s10 =	simm.s32 $0x0  }
.LBB2_2:
0x1e: {  	s9 =	sshll.u32 s10, $0x8  }
0x1f: {  	s13 =	simm.s32 $0x0;
	s12 =	sadd.s32 s4, s9  }
0x20: {  	[tilespmem:s13], [sflag:$0x1] =	stream.linear.gather [hbm4b:s12+s13], $0x800, $0x38;
	[tilespmem:$0x1F080] =	vst v63  }
0x21: {  	s9 =	sadd.s32 s5, s9  }
0x22: {  	[tilespmem:s19], [sflag:$0x2] =	stream.linear.gather [hbm4b:s9+s13], $0x800, $0x38;
	[tilespmem:$0x1F080] =	vst v63  }
0x23: {  	_ =	swait.ge [sflag:s20], $0x800  }
0x24: {  	[sflag:s20] =	ssyncset.done $0x0  }
0x25: {  	[sflag:s20] =	ssyncadd.s32 $0xFFFFF800  }
0x26: {  	_ =	swait.ge [sflag:s21], $0x800  }
0x27: {  	[sflag:s21] =	ssyncset.done $0x0  }
0x28: {  	s31 =	simm.s32 $0x0;
	[sflag:s21] =	ssyncadd.s32 $0xFFFFF800  }
0x29: {  	v8 =	vld [tilespmem:s31+$0x0];
	_ =	sdelay $0x1  }
0x2a: {  	v9 =	vld [tilespmem:s31+$0x800];
	_ =	sdelay $0x2  }
0x2b: {  	v8 =	vmul.u32 $0x3E8, v8;
	_ =	sdelay $0x1  }
0x2c: {  	v8 =	vadd.s32 v9, v8  }
0x2d: {  	vm0 =	vge.s32 v8, v2;
	vm1 =	vlt.s32 v8, v0  }
0x2e: {  	vm0 =	vmand vm0, vm1  }
0x2f: {  	v62 =	vsel vm0, $0x1, v3  }
0x30: {  	(xrf0) =	vadd.scan.msk.s32 $0xffff, v62;
	_ =	sdelay $0x2  }
0x31: {  	v63 =	vmov s17  }
0x32: {  	v9 =	vadd.s32 $0xFFFFFFFF, v63  }
0x33: {  	v9 =	vbroadcast v9, $0x0  }
0x34: {  	v10, _, _ =	vpop (xrf0)  }
0x35: {  	v9 =	vadd.s32 v10, v9;
	(v2sf) =	vpush v10, $0xF;
	_ =	sdelay $0x4  }
0x36: {  	[tilespmem:v9+s22+$0x0] =	vst.idx.msk vm0, v8;
	v8 =	vor.u32 s0, v1  }
0x37: {  	s12 =	smov.u32 s0;
	s13 =	simm.s32 $0x10;
	s9 =	simm.s32 $0x80;
	[tilespmem:v9+s23+$0x0] =	vst.idx.msk vm0, v8  }
.LBB2_3:
0x38: {  	p0 =	sne.s32 s9, $0x1FC0;
	v8 =	vld [tilespmem:s13+$0x0];
	_ =	sdelay $0x1  }
0x39: {  	v9 =	vld [tilespmem:s13+$0x800];
	_ =	sdelay $0x2  }
0x3a: {  	v8 =	vmul.u32 $0x3E8, v8;
	_ =	sdelay $0x1  }
0x3b: {  	v8 =	vadd.s32 v9, v8  }
0x3c: {  	vm0 =	vge.s32 v8, v2;
	vm1 =	vlt.s32 v8, v0;
	s13 =	spop (v2sf)  }
0x3d: {  	vm0 =	vmand vm0, vm1;
	s17 =	sadd.s32 s17, s13  }
0x3e: {  	v9 =	vsel vm0, $0x1, v3;
	v10 =	vmov s17  }
0x3f: {  	v10 =	vadd.s32 $0xFFFFFFFF, v10;
	(xrf0) =	vadd.scan.msk.s32 $0xffff, v9  }
0x40: {  	v9 =	vbroadcast v10, $0x0;
	_ =	sdelay $0x4  }
0x41: {  	v10, _, _ =	vpop (xrf0)  }
0x42: {  	v9 =	vadd.s32 v10, v9;
	(v2sf) =	vpush v10, $0xF;
	_ =	sdelay $0x1  }
.Ltmp2:
0x43: {  	(pc) =	sbr.rel @p0 .LBB2_3-.Ltmp2, $4  }
0x44: {  	_ = 	snop  }
0x45: {  	s12 =	sadd.s32 $0x10, s12  }
0x46: {  	v10 =	vor.u32 s12, v1;
	[tilespmem:v9+s22+$0x0] =	vst.idx.msk vm0, v8  }
0x47: {  	s13 =	sshra.s32 s9, $0x2;
	s9 =	sadd.s32 $0x40, s9;
	[tilespmem:v9+s23+$0x0] =	vst.idx.msk vm0, v10  }
0x48: {  	v8 =	vld [tilespmem:s13+$0x0];
	_ =	sdelay $0x1  }
0x49: {  	v9 =	vld [tilespmem:s13+$0x800];
	_ =	sdelay $0x2  }
0x4a: {  	v8 =	vmul.u32 $0x3E8, v8;
	_ =	sdelay $0x1  }
0x4b: {  	v8 =	vadd.s32 v9, v8  }
0x4c: {  	vm0 =	vge.s32 v8, v2;
	vm1 =	vlt.s32 v8, v0  }
0x4d: {  	vm0 =	vmand vm0, vm1  }
0x4e: {  	v62 =	vsel vm0, $0x1, v3  }
0x4f: {  	(xrf0) =	vadd.scan.msk.s32 $0xffff, v62;
	_ =	sdelay $0x5  }
0x50: {  	v9, _, _ =	vpop (xrf0)  }
0x51: {  	(v2sf) =	vpush v9, $0xF;
	_ =	sdelay $0x3  }
0x52: {  	s9 =	spop (v2sf)  }
0x53: {  	s9 =	sadd.s32 s17, s9  }
0x54: {  	v10 =	vmov s9  }
0x55: {  	v10 =	vadd.s32 $0xFFFFFFFF, v10  }
0x56: {  	v10 =	vbroadcast v10, $0x0;
	_ =	sdelay $0x1  }
0x57: {  	s10 =	sadd.s32 $0x1, s10;
	v9 =	vadd.s32 v9, v10  }
0x58: {  	p0 =	sne.s32 s10, $0x8  }
.Ltmp3:
0x59: {  	_ = 	snop;
	(pc) =	sbr.rel @p0 .LBB2_2-.Ltmp3, $4  }
0x5a: {  	_ = 	snop  }
0x5b: {  	s12 =	sadd.s32 $0x10, s12  }
0x5c: {  	v63 =	vor.u32 s12, v1;
	[tilespmem:v9+s22+$0x0] =	vst.idx.msk vm0, v8;
	s31 =	spop (v2sf)  }
0x5d: {  	s0 =	sadd.s32 $0x800, s0;
	[tilespmem:v9+s23+$0x0] =	vst.idx.msk vm0, v63;
	s17 =	sadd.s32 s9, s31  }
0x5e: {  	[tilespmem:$0x1F000] =	vst v4  }
0x5f: {  	[tilespmem:$0x1F010] =	vst v5  }
0x60: {  	[tilespmem:$0x1F020] =	vst v6  }
0x61: {  	[tilespmem:$0x1F030] =	vst v7;
	s0 =	simm.s32 $0x0;
	s9 =	rddreg [dreg:$0x3]  }
0x62: {  	[tilespmem:s24], [sflag:$0x1] =	stream.linear.gather [hbm4b:s9+s0], $0x1000, $0x38;
	[tilespmem:$0x1F080] =	vst v63  }
0x63: {  	s13 =	rddreg [dreg:$0x4];
	s10 =	simm.s32 $0xA000  }
0x64: {  	[tilespmem:s10], [sflag:$0x1] =	stream.linear.gather [hbm4b:s13+s0], $0x1000, $0x38;
	[tilespmem:$0x1F080] =	vst v63  }
0x65: {  	s14 =	rddreg [dreg:$0x5];
	s15 =	simm.s32 $0xB000  }
0x66: {  	[tilespmem:s15], [sflag:$0x1] =	stream.linear.gather [hbm4b:s14+s0], $0x1000, $0x38;
	[tilespmem:$0x1F080] =	vst v63  }
0x67: {  	s16 =	rddreg [dreg:$0x6];
	s18 =	simm.s32 $0xC000  }
0x68: {  	[tilespmem:s18], [sflag:$0x1] =	stream.linear.gather [hbm4b:s16+s0], $0x1000, $0x38;
	[tilespmem:$0x1F080] =	vst v63  }
0x69: {  	s30 =	rddreg [dreg:$0x7];
	s31 =	simm.s32 $0xD000  }
0x6a: {  	[tilespmem:s31], [sflag:$0x1] =	stream.linear.gather [hbm4b:s30+s0], $0x1000, $0x38;
	[tilespmem:$0x1F080] =	vst v63  }
0x6b: {  	s12 =	rddreg [dreg:$0x8];
	s30 =	sadd.s32 $0xF, s17  }
0x6c: {  	s13 =	simm.s32 $0xE000;
	s14 =	rddreg [dreg:$0x9];
	s31 =	sshra.s32 s30, $0x1F  }
0x6d: {  	[tilespmem:s13], [sflag:$0x1] =	stream.linear.gather [hbm4b:s12+s0], $0x1000, $0x38;
	[tilespmem:$0x1F080] =	vst v63  }
.Ltmp4:
0x6e: {  	s15 =	simm.s32 $0xF000;
	s10 =	sshrl.u32 s31, $0x1C;
	(pc) =	sbr.rel .LBB2_6-.Ltmp4, $4  }
0x6f: {  	s16 =	rddreg [dreg:$0xa];
	s18 =	simm.s32 $0x10000;
	s10 =	sadd.s32 s10, s30  }
0x70: {  	[tilespmem:s15], [sflag:$0x1] =	stream.linear.gather [hbm4b:s14+s0], $0x1000, $0x38;
	[tilespmem:$0x1F080] =	vst v63  }
0x71: {  	p0 =	slt.s32 s30, $0x10;
	s29 =	sshra.s32 s10, $0x4;
	s10 =	simm.s32 $0x0  }
0x72: {  	[tilespmem:s18], [sflag:$0x1] =	stream.linear.gather [hbm4b:s16+s0], $0x1000, $0x38;
	[tilespmem:$0x1F080] =	vst v63  }
.LBB2_15:
0x73: {  	_ =	swait.ge @!p2 [sflag:s9], $0x2000  }
0x74: {  	[sflag:s9] =	ssyncset.done @!p2 $0x0  }
0x75: {  	[sflag:s9] =	ssyncadd.s32 @!p2 $0xFFFFE000  }
.LBB2_16:
0x76: {  	s10 =	sadd.s32 $0x1, s10  }
0x77: {  	p1 =	sne.s32 s10, s11  }
.Ltmp5:
0x78: {  	_ = 	snop;
	(pc) =	sbr.rel @!p1 .LBB2_17-.Ltmp5, $1  }
0x79: {  	_ =	sdelay $0x3  }
.LBB2_6:
0x7a: {  	_ =	swait.ge [sflag:s20], $0x1000  }
0x7b: {  	[sflag:s20] =	ssyncset.done $0x0  }
0x7c: {  	s9 =	sadd.s32 $0x2, s10;
	[sflag:s20] =	ssyncadd.s32 $0xFFFFF000  }
0x7d: {  	p1 =	sge.u32 s9, s11;
	_ =	swait.ge [sflag:s20], $0x1000  }
0x7e: {  	s12 =	smulhi.u32 @!p1 $0xAAAAAAAB, s9;
	[sflag:s20] =	ssyncset.done $0x0  }
0x7f: {  	[sflag:s20] =	ssyncadd.s32 $0xFFFFF000  }
0x80: {  	s12 =	sshrl.u32 @!p1 s12, $0x1;
	_ =	swait.ge [sflag:s20], $0x1000  }
0x81: {  	s12 =	smul.u32 @!p1 $0x3, s12;
	[sflag:s20] =	ssyncset.done $0x0  }
0x82: {  	s13 =	sshll.u32 @!p1 s9, $0xC;
	s14 =	simm.s32 @!p1 $0x0;
	[sflag:s20] =	ssyncadd.s32 $0xFFFFF000  }
0x83: {  	s9 =	ssub.s32 @!p1 s9, s12;
	s12 =	sadd.s32 @!p1 s7, s13;
	_ =	swait.ge [sflag:s20], $0x1000  }
0x84: {  	s9 =	sshll.u32 @!p1 s9, $0xE;
	s12 =	sshrl.u32 @!p1 s12, $0x3;
	[sflag:s20] =	ssyncset.done $0x0  }
0x85: {  	s13 =	sadd.s32 @!p1 $0x9000, s9;
	s12 =	sadd.s32 @!p1 s2, s12;
	[sflag:s20] =	ssyncadd.s32 $0xFFFFF000  }
0x86: {  	[tilespmem:s13], [sflag:$0x1] =	stream.linear.gather @!p1 [hbm4b:s12+s14], $0x1000, $0x38;
	[tilespmem:$0x1F080] =	vst v63  }
0x87: {  	s15 =	sadd.s32 @!p1 $0xF4280, s12;
	s13 =	sadd.s32 @!p1 $0xA000, s9  }
0x88: {  	[tilespmem:s13], [sflag:$0x1] =	stream.linear.gather @!p1 [hbm4b:s15+s14], $0x1000, $0x38;
	[tilespmem:$0x1F080] =	vst v63  }
.Ltmp6:
0x89: {  	_ = 	snop;
	(pc) =	sbr.rel @p0 .LBB2_16-.Ltmp6, $4  }
0x8a: {  	s13 =	sadd.s32 @!p1 $0xB000, s9;
	s15 =	sadd.s32 @!p1 $0x1E8500, s12  }
0x8b: {  	[tilespmem:s13], [sflag:$0x1] =	stream.linear.gather @!p1 [hbm4b:s15+s14], $0x1000, $0x38;
	[tilespmem:$0x1F080] =	vst v63  }
0x8c: {  	s9 =	sadd.s32 @!p1 $0xC000, s9;
	s12 =	sadd.s32 @!p1 $0x2DC780, s12  }
0x8d: {  	[tilespmem:s9], [sflag:$0x1] =	stream.linear.gather @!p1 [hbm4b:s12+s14], $0x1000, $0x38;
	[tilespmem:$0x1F080] =	vst v63  }
0x8e: {  	s9 =	smulhi.u32 $0xAAAAAAAB, s10;
	p2 =	sne.s32 s29, $0x1  }
.Ltmp7:
0x8f: {  	_ = 	snop;
	(pc) =	sbr.rel @!p2 .LBB2_8-.Ltmp7, $4  }
0x90: {  	s12 =	sshll.u32 s10, $0x9;
	s9 =	sshrl.u32 s9, $0x1  }
0x91: {  	s15 =	simm.s32 $0x1000;
	s14 =	sadd.s32 s8, s12;
	s9 =	smul.u32 $0x3, s9  }
0x92: {  	p1 =	por $0x0, $0x0;
	s12 =	simm.s32 $0x0;
	s31 =	sadd.s32 $0x200, s14  }
0x93: {  	v9 =	vld [tilespmem:s15+$0x0];
	v8 =	vmov s14;
	s14 =	simm.s32 $0x5000;
	v10 =	vmov s31;
	s13 =	ssub.s32 s10, s9;
	s9 =	sadd.s32 $0xFFFFFFFF, s29  }
0x94: {  	_ =	sdelay $0x3  }
0x95: {  	v11 =	vmov s17;
	vm0 =	vge.s32 v9, v8;
	vm1 =	vlt.s32 v9, v10  }
0x96: {  	vm2 =	vgt.s32 v11, v1;
	vm0 =	vmand vm0, vm1  }
0x97: {  	vm0 =	vmand vm2, vm0  }
0x98: {  	v11 =	vsel vm0, $0x1, v3  }
0x99: {  	(xrf0) =	vadd.scan.msk.s32 $0xffff, v11;
	_ =	sdelay $0x2  }
0x9a: {  	v11 =	vmov s12  }
0x9b: {  	v11 =	vadd.s32 $0xFFFFFFFF, v11  }
0x9c: {  	v11 =	vbroadcast v11, $0x0  }
0x9d: {  	v12, _, _ =	vpop (xrf0)  }
0x9e: {  	v11 =	vadd.s32 v12, v11;
	(v2sf) =	vpush v12, $0xF  }
0x9f: {  	v13 =	vld [tilespmem:s14+$0x0]  }
0xa0: {  	p2 =	sne.s32 s9, $0x1  }
.Ltmp8:
0xa1: {  	_ = 	snop;
	(pc) =	sbr.rel @!p2 .LBB2_10-.Ltmp8, $4  }
0xa2: {  	_ = 	snop  }
0xa3: {  	[tilespmem:v11+s1+$0x0] =	vst.idx.msk vm0, v9  }
0xa4: {  	s18 =	simm.s32 $0x1010;
	s9 =	sadd.s32 $0xFFFFFFFF, s9;
	p1 =	por $0x1, $0x1;
	[tilespmem:v11+s25+$0x0] =	vst.idx.msk vm0, v13  }
0xa5: {  	s31 =	smov.u32 s17;
	s16 =	simm.s32 $0x0;
	s15 =	simm.s32 $0x5000;
	v9 =	vld [tilespmem:s18+$0x0]  }
.LBB2_11:
0xa6: {  	p2 =	sne.s32 s9, $0x1;
	_ =	sdelay $0x2  }
0xa7: {  	s31 =	sadd.s32 $0xFFFFFFF0, s31  }
0xa8: {  	v11 =	vmov s31;
	vm0 =	vge.s32 v9, v8;
	vm1 =	vlt.s32 v9, v10  }
0xa9: {  	vm2 =	vgt.s32 v11, v1;
	vm0 =	vmand vm0, vm1  }
0xaa: {  	vm0 =	vmand vm2, vm0  }
0xab: {  	v11 =	vsel vm0, $0x1, v3;
	s30 =	spop (v2sf)  }
0xac: {  	(xrf0) =	vadd.scan.msk.s32 $0xffff, v11;
	s16 =	sadd.s32 s16, s30  }
0xad: {  	v11 =	vmov s16  }
0xae: {  	v11 =	vadd.s32 $0xFFFFFFFF, v11  }
0xaf: {  	v11 =	vbroadcast v11, $0x0;
	_ =	sdelay $0x2  }
0xb0: {  	v12, _, _ =	vpop (xrf0)  }
0xb1: {  	s15 =	sadd.s32 $0x10, s15;
	v11 =	vadd.s32 v12, v11;
	(v2sf) =	vpush v12, $0xF  }
0xb2: {  	v12 =	vld [tilespmem:s15+$0x0];
	_ =	sdelay $0x1  }
.Ltmp9:
0xb3: {  	(pc) =	sbr.rel @p2 .LBB2_11-.Ltmp9, $4  }
0xb4: {  	_ = 	snop  }
0xb5: {  	[tilespmem:v11+s1+$0x0] =	vst.idx.msk vm0, v9  }
0xb6: {  	s18 =	sadd.s32 $0x10, s18;
	[tilespmem:v11+s25+$0x0] =	vst.idx.msk vm0, v12  }
0xb7: {  	s9 =	sadd.s32 $0xFFFFFFFF, s9;
	v9 =	vld [tilespmem:s18+$0x0]  }
.LBB2_12:
0xb8: {  	_ =	sdelay $0x1  }
0xb9: {  	s9 =	sadd.s32 @p1 $0xFFFFFFF0, s31;
	s18 =	smov.u32 s17  }
0xba: {  	s18 =	smov.u32 @p1 s9  }
0xbb: {  	v11 =	vmov s18;
	vm0 =	vge.s32 v9, v8;
	vm1 =	vlt.s32 v9, v10  }
0xbc: {  	vm2 =	vgt.s32 v11, v1;
	vm0 =	vmand vm0, vm1  }
0xbd: {  	vm0 =	vmand vm2, vm0  }
0xbe: {  	v10 =	vsel vm0, $0x1, v3  }
0xbf: {  	(xrf0) =	vadd.scan.msk.s32 $0xffff, v10;
	_ =	sdelay $0x5  }
0xc0: {  	v10, _, _ =	vpop (xrf0)  }
0xc1: {  	(v2sf) =	vpush v10, $0xF;
	_ =	sdelay $0x8  }
0xc2: {  	s9 =	spop @p1 (v2sf)  }
0xc3: {  	s9 =	sadd.s32 @p1 s16, s9  }
0xc4: {  	s12 =	smov.u32 @p1 s9  }
0xc5: {  	v11 =	vmov s12  }
0xc6: {  	v11 =	vadd.s32 $0xFFFFFFFF, v11  }
0xc7: {  	s9 =	sadd.s32 @p1 $0x10, s15;
	v11 =	vbroadcast v11, $0x0  }
0xc8: {  	s14 =	smov.u32 @p1 s9;
	s31 =	spop (v2sf)  }
0xc9: {  	v10 =	vadd.s32 v10, v11;
	v11 =	vld [tilespmem:s14+$0x0];
	s14 =	sadd.s32 s12, s31  }
0xca: {  	s15 =	sadd.s32 $0xF, s14  }
0xcb: {  	p1 =	slt.s32 s15, $0x10  }
.Ltmp10:
0xcc: {  	_ = 	snop;
	(pc) =	sbr.rel @p1 .LBB2_16-.Ltmp10, $3  }
0xcd: {  	_ =	sdelay $0x1  }
0xce: {  	[tilespmem:v10+s1+$0x0] =	vst.idx.msk vm0, v9  }
0xcf: {  	[tilespmem:v10+s25+$0x0] =	vst.idx.msk vm0, v11  }
0xd0: {  	s12 =	simm.s32 $0x15000  }
0xd1: {  	v10 =	vld [tilespmem:s12+$0x0];
	_ =	sdelay $0x4  }
0xd2: {  	v9 =	vsub.s32 v10, v8  }
0xd3: {  	s9 =	sshll.u32 s13, $0xE;
	v11 =	vshll.u32 v9, $0x3  }
0xd4: {  	v12 =	vmov s14;
	v9 =	vmov s9;
	v16 =	vand.u32 $0xFFFFFC00, v11  }
0xd5: {  	vm0 =	vgt.s32 v12, v1;
	v17 =	vand.u32 $0x7F, v10;
	v10 =	vadd.s32 v9, v16  }
0xd6: {  	v10 =	vor.u32 v17, v10;
	_ =	sdelay $0x3  }
0xd7: {  	v13 =	vadd.s32 s0, v1  }
0xd8: {  	v15 =	vshll.u32 v13, $0x7;
	v11 =	vld.idx.msk [tilespmem:v10+s24+$0x0], vm0  }
0xd9: {  	v12 =	vor.u32 $0x80, v10;
	_ =	sdelay $0x2  }
0xda: {  	s30 =	simm.s32 $0x19000  }
0xdb: {  	v14 =	vld [tilespmem:s30+$0x0];
	[tilespmem:v15+s26+$0x0] =	vst.idx.msk vm0, v11  }
0xdc: {  	v11 =	vor.u32 $0x1, v15;
	v12 =	vld.idx.msk [tilespmem:v12+s24+$0x0], vm0  }
0xdd: {  	v18 =	vor.u32 $0x100, v10;
	_ =	sdelay $0x3  }
0xde: {  	[tilespmem:v11+s26+$0x0] =	vst.idx.msk vm0, v12  }
0xdf: {  	v11 =	vor.u32 $0x2, v15;
	v12 =	vld.idx.msk [tilespmem:v18+s24+$0x0], vm0  }
0xe0: {  	v32 =	vor.u32 $0x180, v10;
	_ =	sdelay $0x3  }
0xe1: {  	[tilespmem:v11+s26+$0x0] =	vst.idx.msk vm0, v12  }
0xe2: {  	v11 =	vor.u32 $0x3, v15;
	v12 =	vld.idx.msk [tilespmem:v32+s24+$0x0], vm0  }
0xe3: {  	v33 =	vor.u32 $0x200, v10;
	_ =	sdelay $0x3  }
0xe4: {  	[tilespmem:v11+s26+$0x0] =	vst.idx.msk vm0, v12  }
0xe5: {  	v11 =	vor.u32 $0x4, v15;
	v12 =	vld.idx.msk [tilespmem:v33+s24+$0x0], vm0  }
0xe6: {  	v34 =	vor.u32 $0x280, v10;
	_ =	sdelay $0x3  }
0xe7: {  	[tilespmem:v11+s26+$0x0] =	vst.idx.msk vm0, v12  }
0xe8: {  	v11 =	vor.u32 $0x5, v15;
	v12 =	vld.idx.msk [tilespmem:v34+s24+$0x0], vm0  }
0xe9: {  	v35 =	vor.u32 $0x300, v10;
	_ =	sdelay $0x3  }
0xea: {  	[tilespmem:v11+s26+$0x0] =	vst.idx.msk vm0, v12  }
0xeb: {  	v11 =	vor.u32 $0x6, v15;
	v12 =	vld.idx.msk [tilespmem:v35+s24+$0x0], vm0  }
0xec: {  	v36 =	vor.u32 $0x380, v10;
	_ =	sdelay $0x3  }
0xed: {  	v10 =	vor.u32 $0x1000, v9;
	[tilespmem:v11+s26+$0x0] =	vst.idx.msk vm0, v12  }
0xee: {  	v37 =	vadd.s32 v10, v16;
	v11 =	vor.u32 $0x7, v15;
	v12 =	vld.idx.msk [tilespmem:v36+s24+$0x0], vm0  }
0xef: {  	v18 =	vor.u32 v17, v37;
	_ =	sdelay $0x3  }
0xf0: {  	[tilespmem:v11+s26+$0x0] =	vst.idx.msk vm0, v12  }
0xf1: {  	v11 =	vor.u32 $0x8, v15;
	v12 =	vld.idx.msk [tilespmem:v18+s24+$0x0], vm0  }
0xf2: {  	v19 =	vor.u32 $0x80, v18;
	_ =	sdelay $0x3  }
0xf3: {  	[tilespmem:v11+s26+$0x0] =	vst.idx.msk vm0, v12  }
0xf4: {  	v11 =	vor.u32 $0x9, v15;
	v12 =	vld.idx.msk [tilespmem:v19+s24+$0x0], vm0  }
0xf5: {  	v38 =	vor.u32 $0x100, v18;
	_ =	sdelay $0x3  }
0xf6: {  	[tilespmem:v11+s26+$0x0] =	vst.idx.msk vm0, v12  }
0xf7: {  	v11 =	vor.u32 $0xA, v15;
	v12 =	vld.idx.msk [tilespmem:v38+s24+$0x0], vm0  }
0xf8: {  	v39 =	vor.u32 $0x180, v18;
	_ =	sdelay $0x3  }
0xf9: {  	[tilespmem:v11+s26+$0x0] =	vst.idx.msk vm0, v12  }
0xfa: {  	v11 =	vor.u32 $0xB, v15;
	v12 =	vld.idx.msk [tilespmem:v39+s24+$0x0], vm0  }
0xfb: {  	v40 =	vor.u32 $0x200, v18;
	_ =	sdelay $0x3  }
0xfc: {  	[tilespmem:v11+s26+$0x0] =	vst.idx.msk vm0, v12  }
0xfd: {  	v11 =	vor.u32 $0xC, v15;
	v12 =	vld.idx.msk [tilespmem:v40+s24+$0x0], vm0  }
0xfe: {  	v41 =	vor.u32 $0x280, v18;
	_ =	sdelay $0x3  }
0xff: {  	[tilespmem:v11+s26+$0x0] =	vst.idx.msk vm0, v12  }
0x100: {  	v11 =	vor.u32 $0xD, v15;
	v12 =	vld.idx.msk [tilespmem:v41+s24+$0x0], vm0  }
0x101: {  	v42 =	vor.u32 $0x300, v18;
	_ =	sdelay $0x3  }
0x102: {  	[tilespmem:v11+s26+$0x0] =	vst.idx.msk vm0, v12  }
0x103: {  	v12 =	vor.u32 $0xE, v15;
	v19 =	vld.idx.msk [tilespmem:v42+s24+$0x0], vm0  }
0x104: {  	v18 =	vor.u32 $0x380, v18;
	_ =	sdelay $0x3  }
0x105: {  	v11 =	vor.u32 $0x2000, v9;
	[tilespmem:v12+s26+$0x0] =	vst.idx.msk vm0, v19  }
0x106: {  	v43 =	vadd.s32 v11, v16;
	v12 =	vor.u32 $0xF, v15;
	v18 =	vld.idx.msk [tilespmem:v18+s24+$0x0], vm0  }
0x107: {  	v19 =	vor.u32 v17, v43;
	_ =	sdelay $0x3  }
0x108: {  	[tilespmem:v12+s26+$0x0] =	vst.idx.msk vm0, v18  }
0x109: {  	v12 =	vor.u32 $0x10, v15;
	v18 =	vld.idx.msk [tilespmem:v19+s24+$0x0], vm0  }
0x10a: {  	v20 =	vor.u32 $0x80, v19;
	_ =	sdelay $0x3  }
0x10b: {  	[tilespmem:v12+s26+$0x0] =	vst.idx.msk vm0, v18  }
0x10c: {  	v12 =	vor.u32 $0x11, v15;
	v18 =	vld.idx.msk [tilespmem:v20+s24+$0x0], vm0  }
0x10d: {  	v44 =	vor.u32 $0x100, v19;
	_ =	sdelay $0x3  }
0x10e: {  	[tilespmem:v12+s26+$0x0] =	vst.idx.msk vm0, v18  }
0x10f: {  	v12 =	vor.u32 $0x12, v15;
	v18 =	vld.idx.msk [tilespmem:v44+s24+$0x0], vm0  }
0x110: {  	v45 =	vor.u32 $0x180, v19;
	_ =	sdelay $0x3  }
0x111: {  	[tilespmem:v12+s26+$0x0] =	vst.idx.msk vm0, v18  }
0x112: {  	v12 =	vor.u32 $0x13, v15;
	v18 =	vld.idx.msk [tilespmem:v45+s24+$0x0], vm0  }
0x113: {  	v46 =	vor.u32 $0x200, v19;
	_ =	sdelay $0x3  }
0x114: {  	[tilespmem:v12+s26+$0x0] =	vst.idx.msk vm0, v18  }
0x115: {  	v12 =	vor.u32 $0x14, v15;
	v18 =	vld.idx.msk [tilespmem:v46+s24+$0x0], vm0  }
0x116: {  	v47 =	vor.u32 $0x280, v19;
	_ =	sdelay $0x3  }
0x117: {  	[tilespmem:v12+s26+$0x0] =	vst.idx.msk vm0, v18  }
0x118: {  	v12 =	vor.u32 $0x15, v15;
	v18 =	vld.idx.msk [tilespmem:v47+s24+$0x0], vm0  }
0x119: {  	v48 =	vor.u32 $0x300, v19;
	_ =	sdelay $0x3  }
0x11a: {  	[tilespmem:v12+s26+$0x0] =	vst.idx.msk vm0, v18  }
0x11b: {  	v49 =	vor.u32 $0x16, v15;
	v20 =	vld.idx.msk [tilespmem:v48+s24+$0x0], vm0  }
0x11c: {  	v19 =	vor.u32 $0x380, v19;
	_ =	sdelay $0x3  }
0x11d: {  	v12 =	vor.u32 $0x3000, v9;
	[tilespmem:v49+s26+$0x0] =	vst.idx.msk vm0, v20  }
0x11e: {  	v50 =	vor.u32 $0x17, v15;
	v16 =	vadd.s32 v12, v16;
	v19 =	vld.idx.msk [tilespmem:v19+s24+$0x0], vm0  }
0x11f: {  	v16 =	vor.u32 v17, v16;
	_ =	sdelay $0x3  }
0x120: {  	[tilespmem:v50+s26+$0x0] =	vst.idx.msk vm0, v19  }
0x121: {  	v51 =	vor.u32 $0x18, v15;
	v18 =	vld.idx.msk [tilespmem:v16+s24+$0x0], vm0  }
0x122: {  	v52 =	vor.u32 $0x80, v16;
	_ =	sdelay $0x3  }
0x123: {  	[tilespmem:v51+s26+$0x0] =	vst.idx.msk vm0, v18  }
0x124: {  	v53 =	vor.u32 $0x19, v15;
	v18 =	vld.idx.msk [tilespmem:v52+s24+$0x0], vm0  }
0x125: {  	v54 =	vor.u32 $0x100, v16;
	_ =	sdelay $0x3  }
0x126: {  	[tilespmem:v53+s26+$0x0] =	vst.idx.msk vm0, v18  }
0x127: {  	v55 =	vor.u32 $0x1A, v15;
	v18 =	vld.idx.msk [tilespmem:v54+s24+$0x0], vm0  }
0x128: {  	v56 =	vor.u32 $0x180, v16;
	_ =	sdelay $0x3  }
0x129: {  	[tilespmem:v55+s26+$0x0] =	vst.idx.msk vm0, v18  }
0x12a: {  	v57 =	vor.u32 $0x1B, v15;
	v18 =	vld.idx.msk [tilespmem:v56+s24+$0x0], vm0  }
0x12b: {  	v58 =	vor.u32 $0x200, v16;
	_ =	sdelay $0x3  }
0x12c: {  	[tilespmem:v57+s26+$0x0] =	vst.idx.msk vm0, v18  }
0x12d: {  	v59 =	vor.u32 $0x1C, v15;
	v18 =	vld.idx.msk [tilespmem:v58+s24+$0x0], vm0  }
0x12e: {  	v60 =	vor.u32 $0x280, v16;
	_ =	sdelay $0x3  }
0x12f: {  	[tilespmem:v59+s26+$0x0] =	vst.idx.msk vm0, v18  }
0x130: {  	v61 =	vor.u32 $0x1D, v15;
	v18 =	vld.idx.msk [tilespmem:v60+s24+$0x0], vm0  }
0x131: {  	v62 =	vor.u32 $0x300, v16;
	_ =	sdelay $0x3  }
0x132: {  	[tilespmem:v61+s26+$0x0] =	vst.idx.msk vm0, v18  }
0x133: {  	v63 =	vor.u32 $0x1E, v15;
	v18 =	vld.idx.msk [tilespmem:v62+s24+$0x0], vm0  }
0x134: {  	v16 =	vor.u32 $0x380, v16;
	_ =	sdelay $0x2  }
0x135: {  	s31 =	sshra.s32 s15, $0x1F  }
0x136: {  	s9 =	sshrl.u32 s31, $0x1C;
	[tilespmem:v63+s26+$0x0] =	vst.idx.msk vm0, v18  }
0x137: {  	p1 =	slt.s32 s14, $0x10;
	s9 =	sadd.s32 s9, s15;
	v15 =	vor.u32 $0x1F, v15;
	v16 =	vld.idx.msk [tilespmem:v16+s24+$0x0], vm0  }
0x138: {  	s13 =	sadd.s32 $0xFFFFFFF0, s14;
	s14 =	simm.s32 @!p1 $0x10;
	s9 =	sshra.s32 s9, $0x4  }
0x139: {  	s0 =	sadd.s32 s0, s14;
	s14 =	sadd.s32 $0xFFFFFFFF, s9  }
0x13a: {  	p1 =	sne.s32 s14, $0x0  }
.Ltmp11:
0x13b: {  	_ = 	snop;
	(pc) =	sbr.rel @!p1 .LBB2_15-.Ltmp11, $4  }
0x13c: {  	p2 =	slt.s32 s0, $0x31;
	[tilespmem:v15+s26+$0x0] =	vst.idx.msk vm0, v16  }
0x13d: {  	s16 =	simm.s32 @!p2 $0x1D000;
	s15 =	simm.s32 @!p2 $0x1F000;
	s9 =	simm.s32 @!p2 $0x40;
	[tilespmem:v13+s28+$0x0] =	vst.idx.msk vm0, v14  }
0x13e: {  	[hbm4b:s6+s9] =	stream.indirect.scatter @!p2 [tilespmem:s16], [sflag:$0x3], $0x80, s15, s9, $0xb8;
	[tilespmem:$0x1F080] =	vst v63  }
0x13f: {  	s0 =	simm.s32 @!p2 $0x0;
	s9 =	simm.s32 @!p2 $0x3;
	s15 =	simm.s32 $0x19010  }
.LBB2_14:
0x140: {  	s14 =	sadd.s32 $0xFFFFFFFF, s14;
	_ =	swait.ge @!p2 [sflag:s9], $0x2000;
	s12 =	sadd.s32 $0x10, s12  }
0x141: {  	p1 =	sne.s32 s14, $0x0;
	[sflag:s9] =	ssyncset.done @!p2 $0x0  }
0x142: {  	[sflag:s9] =	ssyncadd.s32 @!p2 $0xFFFFE000  }
0x143: {  	v13 =	vld [tilespmem:s12+$0x0];
	_ =	sdelay $0x4  }
0x144: {  	v14 =	vmov s13;
	v15 =	vsub.s32 v13, v8  }
0x145: {  	vm0 =	vgt.s32 v14, v1;
	v17 =	vand.u32 $0x7F, v13;
	v13 =	vshll.u32 v15, $0x3  }
0x146: {  	v18 =	vand.u32 $0xFFFFFC00, v13  }
0x147: {  	v13 =	vadd.s32 v9, v18;
	v14 =	vadd.s32 v12, v18  }
0x148: {  	v19 =	vor.u32 v17, v13;
	v16 =	vor.u32 v17, v14;
	_ =	sdelay $0x2  }
0x149: {  	v13 =	vadd.s32 s0, v1  }
0x14a: {  	v15 =	vshll.u32 v13, $0x7  }
0x14b: {  	v20 =	vld.idx.msk [tilespmem:v19+s24+$0x0], vm0  }
0x14c: {  	v21 =	vor.u32 $0x80, v19;
	_ =	sdelay $0x1  }
0x14d: {  	v14 =	vld [tilespmem:s15+$0x0];
	_ =	sdelay $0x2  }
0x14e: {  	[tilespmem:v15+s26+$0x0] =	vst.idx.msk vm0, v20;
	v20 =	vor.u32 $0x1, v15  }
0x14f: {  	v21 =	vld.idx.msk [tilespmem:v21+s24+$0x0], vm0  }
0x150: {  	v22 =	vor.u32 $0x100, v19;
	_ =	sdelay $0x4  }
0x151: {  	[tilespmem:v20+s26+$0x0] =	vst.idx.msk vm0, v21;
	v20 =	vor.u32 $0x2, v15  }
0x152: {  	v21 =	vld.idx.msk [tilespmem:v22+s24+$0x0], vm0  }
0x153: {  	v22 =	vor.u32 $0x180, v19;
	_ =	sdelay $0x4  }
0x154: {  	[tilespmem:v20+s26+$0x0] =	vst.idx.msk vm0, v21;
	v20 =	vor.u32 $0x3, v15  }
0x155: {  	v21 =	vld.idx.msk [tilespmem:v22+s24+$0x0], vm0  }
0x156: {  	v22 =	vor.u32 $0x200, v19;
	_ =	sdelay $0x4  }
0x157: {  	[tilespmem:v20+s26+$0x0] =	vst.idx.msk vm0, v21;
	v20 =	vor.u32 $0x4, v15  }
0x158: {  	v21 =	vld.idx.msk [tilespmem:v22+s24+$0x0], vm0  }
0x159: {  	v22 =	vor.u32 $0x280, v19;
	_ =	sdelay $0x4  }
0x15a: {  	[tilespmem:v20+s26+$0x0] =	vst.idx.msk vm0, v21;
	v20 =	vor.u32 $0x5, v15  }
0x15b: {  	v21 =	vld.idx.msk [tilespmem:v22+s24+$0x0], vm0  }
0x15c: {  	v22 =	vor.u32 $0x300, v19;
	_ =	sdelay $0x4  }
0x15d: {  	[tilespmem:v20+s26+$0x0] =	vst.idx.msk vm0, v21;
	v20 =	vor.u32 $0x6, v15  }
0x15e: {  	v21 =	vld.idx.msk [tilespmem:v22+s24+$0x0], vm0  }
0x15f: {  	v19 =	vor.u32 $0x380, v19;
	_ =	sdelay $0x4  }
0x160: {  	[tilespmem:v20+s26+$0x0] =	vst.idx.msk vm0, v21;
	v20 =	vor.u32 $0x7, v15  }
0x161: {  	v21 =	vadd.s32 v10, v18;
	v19 =	vld.idx.msk [tilespmem:v19+s24+$0x0], vm0  }
0x162: {  	v21 =	vor.u32 v17, v21;
	_ =	sdelay $0x4  }
0x163: {  	[tilespmem:v20+s26+$0x0] =	vst.idx.msk vm0, v19;
	v19 =	vor.u32 $0x8, v15  }
0x164: {  	v20 =	vld.idx.msk [tilespmem:v21+s24+$0x0], vm0  }
0x165: {  	v22 =	vor.u32 $0x80, v21;
	_ =	sdelay $0x4  }
0x166: {  	[tilespmem:v19+s26+$0x0] =	vst.idx.msk vm0, v20;
	v19 =	vor.u32 $0x9, v15  }
0x167: {  	v20 =	vld.idx.msk [tilespmem:v22+s24+$0x0], vm0  }
0x168: {  	v22 =	vor.u32 $0x100, v21;
	_ =	sdelay $0x4  }
0x169: {  	[tilespmem:v19+s26+$0x0] =	vst.idx.msk vm0, v20;
	v19 =	vor.u32 $0xA, v15  }
0x16a: {  	v20 =	vld.idx.msk [tilespmem:v22+s24+$0x0], vm0  }
0x16b: {  	v22 =	vor.u32 $0x180, v21;
	_ =	sdelay $0x4  }
0x16c: {  	[tilespmem:v19+s26+$0x0] =	vst.idx.msk vm0, v20;
	v19 =	vor.u32 $0xB, v15  }
0x16d: {  	v20 =	vld.idx.msk [tilespmem:v22+s24+$0x0], vm0  }
0x16e: {  	v22 =	vor.u32 $0x200, v21;
	_ =	sdelay $0x4  }
0x16f: {  	[tilespmem:v19+s26+$0x0] =	vst.idx.msk vm0, v20;
	v19 =	vor.u32 $0xC, v15  }
0x170: {  	v20 =	vld.idx.msk [tilespmem:v22+s24+$0x0], vm0  }
0x171: {  	v22 =	vor.u32 $0x280, v21;
	_ =	sdelay $0x4  }
0x172: {  	[tilespmem:v19+s26+$0x0] =	vst.idx.msk vm0, v20;
	v19 =	vor.u32 $0xD, v15  }
0x173: {  	v20 =	vld.idx.msk [tilespmem:v22+s24+$0x0], vm0  }
0x174: {  	v22 =	vor.u32 $0x300, v21;
	_ =	sdelay $0x4  }
0x175: {  	[tilespmem:v19+s26+$0x0] =	vst.idx.msk vm0, v20;
	v19 =	vor.u32 $0xE, v15  }
0x176: {  	v20 =	vld.idx.msk [tilespmem:v22+s24+$0x0], vm0  }
0x177: {  	v21 =	vor.u32 $0x380, v21;
	_ =	sdelay $0x4  }
0x178: {  	[tilespmem:v19+s26+$0x0] =	vst.idx.msk vm0, v20;
	v19 =	vor.u32 $0xF, v15  }
0x179: {  	v18 =	vadd.s32 v11, v18;
	v20 =	vld.idx.msk [tilespmem:v21+s24+$0x0], vm0  }
0x17a: {  	v17 =	vor.u32 v17, v18;
	_ =	sdelay $0x4  }
0x17b: {  	v18 =	vor.u32 $0x10, v15;
	[tilespmem:v19+s26+$0x0] =	vst.idx.msk vm0, v20  }
0x17c: {  	v19 =	vld.idx.msk [tilespmem:v17+s24+$0x0], vm0  }
0x17d: {  	v20 =	vor.u32 $0x80, v17;
	_ =	sdelay $0x4  }
0x17e: {  	[tilespmem:v18+s26+$0x0] =	vst.idx.msk vm0, v19;
	v18 =	vor.u32 $0x11, v15  }
0x17f: {  	v19 =	vld.idx.msk [tilespmem:v20+s24+$0x0], vm0  }
0x180: {  	v20 =	vor.u32 $0x100, v17;
	_ =	sdelay $0x4  }
0x181: {  	[tilespmem:v18+s26+$0x0] =	vst.idx.msk vm0, v19;
	v18 =	vor.u32 $0x12, v15  }
0x182: {  	v19 =	vld.idx.msk [tilespmem:v20+s24+$0x0], vm0  }
0x183: {  	v20 =	vor.u32 $0x180, v17;
	_ =	sdelay $0x4  }
0x184: {  	[tilespmem:v18+s26+$0x0] =	vst.idx.msk vm0, v19;
	v18 =	vor.u32 $0x13, v15  }
0x185: {  	v19 =	vld.idx.msk [tilespmem:v20+s24+$0x0], vm0  }
0x186: {  	v20 =	vor.u32 $0x200, v17;
	_ =	sdelay $0x4  }
0x187: {  	[tilespmem:v18+s26+$0x0] =	vst.idx.msk vm0, v19;
	v18 =	vor.u32 $0x14, v15  }
0x188: {  	v19 =	vld.idx.msk [tilespmem:v20+s24+$0x0], vm0  }
0x189: {  	v20 =	vor.u32 $0x280, v17;
	_ =	sdelay $0x4  }
0x18a: {  	[tilespmem:v18+s26+$0x0] =	vst.idx.msk vm0, v19;
	v18 =	vor.u32 $0x15, v15  }
0x18b: {  	v19 =	vld.idx.msk [tilespmem:v20+s24+$0x0], vm0  }
0x18c: {  	v20 =	vor.u32 $0x300, v17;
	_ =	sdelay $0x4  }
0x18d: {  	[tilespmem:v18+s26+$0x0] =	vst.idx.msk vm0, v19;
	v18 =	vor.u32 $0x16, v15  }
0x18e: {  	v19 =	vld.idx.msk [tilespmem:v20+s24+$0x0], vm0  }
0x18f: {  	v17 =	vor.u32 $0x380, v17;
	_ =	sdelay $0x4  }
0x190: {  	[tilespmem:v18+s26+$0x0] =	vst.idx.msk vm0, v19;
	v18 =	vor.u32 $0x17, v15  }
0x191: {  	v17 =	vld.idx.msk [tilespmem:v17+s24+$0x0], vm0;
	_ =	sdelay $0x5  }
0x192: {  	[tilespmem:v18+s26+$0x0] =	vst.idx.msk vm0, v17;
	v17 =	vor.u32 $0x18, v15  }
0x193: {  	v18 =	vld.idx.msk [tilespmem:v16+s24+$0x0], vm0  }
0x194: {  	v19 =	vor.u32 $0x80, v16;
	_ =	sdelay $0x4  }
0x195: {  	[tilespmem:v17+s26+$0x0] =	vst.idx.msk vm0, v18;
	v17 =	vor.u32 $0x19, v15  }
0x196: {  	v18 =	vld.idx.msk [tilespmem:v19+s24+$0x0], vm0  }
0x197: {  	v19 =	vor.u32 $0x100, v16;
	_ =	sdelay $0x4  }
0x198: {  	[tilespmem:v17+s26+$0x0] =	vst.idx.msk vm0, v18;
	v17 =	vor.u32 $0x1A, v15  }
0x199: {  	v18 =	vld.idx.msk [tilespmem:v19+s24+$0x0], vm0  }
0x19a: {  	v19 =	vor.u32 $0x180, v16;
	_ =	sdelay $0x4  }
0x19b: {  	[tilespmem:v17+s26+$0x0] =	vst.idx.msk vm0, v18;
	v17 =	vor.u32 $0x1B, v15  }
0x19c: {  	v18 =	vld.idx.msk [tilespmem:v19+s24+$0x0], vm0  }
0x19d: {  	v19 =	vor.u32 $0x200, v16;
	_ =	sdelay $0x4  }
0x19e: {  	[tilespmem:v17+s26+$0x0] =	vst.idx.msk vm0, v18;
	v17 =	vor.u32 $0x1C, v15  }
0x19f: {  	v18 =	vld.idx.msk [tilespmem:v19+s24+$0x0], vm0  }
0x1a0: {  	v19 =	vor.u32 $0x280, v16;
	_ =	sdelay $0x4  }
0x1a1: {  	[tilespmem:v17+s26+$0x0] =	vst.idx.msk vm0, v18;
	v17 =	vor.u32 $0x1D, v15  }
0x1a2: {  	v18 =	vld.idx.msk [tilespmem:v19+s24+$0x0], vm0  }
0x1a3: {  	v19 =	vor.u32 $0x300, v16;
	_ =	sdelay $0x4  }
0x1a4: {  	[tilespmem:v17+s26+$0x0] =	vst.idx.msk vm0, v18;
	v17 =	vor.u32 $0x1E, v15  }
0x1a5: {  	v18 =	vld.idx.msk [tilespmem:v19+s24+$0x0], vm0  }
0x1a6: {  	v16 =	vor.u32 $0x380, v16;
	_ =	sdelay $0x4  }
0x1a7: {  	v15 =	vor.u32 $0x1F, v15;
	[tilespmem:v17+s26+$0x0] =	vst.idx.msk vm0, v18  }
0x1a8: {  	v16 =	vld.idx.msk [tilespmem:v16+s24+$0x0], vm0  }
0x1a9: {  	p2 =	slt.s32 s13, $0x10;
	s9 =	smov.u32 s13  }
0x1aa: {  	s9 =	simm.s32 @!p2 $0x10  }
0x1ab: {  	s0 =	sadd.s32 s0, s9  }
.Ltmp12:
0x1ac: {  	p2 =	slt.s32 s0, $0x31;
	(pc) =	sbr.rel @p1 .LBB2_14-.Ltmp12, $4  }
0x1ad: {  	s16 =	simm.s32 @!p2 $0x40;
	s18 =	simm.s32 @!p2 $0x1F000;
	s30 =	simm.s32 @!p2 $0x1D000  }
0x1ae: {  	s0 =	simm.s32 @!p2 $0x0;
	[tilespmem:v15+s26+$0x0] =	vst.idx.msk vm0, v16  }
0x1af: {  	s13 =	sadd.s32 $0xFFFFFFF0, s13;
	s9 =	simm.s32 @!p2 $0x3;
	s15 =	sadd.s32 $0x10, s15;
	[tilespmem:v13+s28+$0x0] =	vst.idx.msk vm0, v14  }
0x1b0: {  	[hbm4b:s6+s16] =	stream.indirect.scatter @!p2 [tilespmem:s30], [sflag:$0x3], $0x80, s18, s16, $0xb8;
	[tilespmem:$0x1F080] =	vst v63  }
.Ltmp13:
0x1b1: {  	_ = 	snop;
	(pc) =	sbr.rel .LBB2_15-.Ltmp13, $1  }
0x1b2: {  	_ =	sdelay $0x3  }
.LBB2_8:
.Ltmp14:
0x1b3: {  	(pc) =	sbr.rel .LBB2_12-.Ltmp14, $2  }
0x1b4: {  	_ =	sdelay $0x2  }
0x1b5: {  	s31 =	smov.u32 s17;
	s16 =	simm.s32 $0x0;
	s15 =	simm.s32 $0x5000  }
.LBB2_10:
.Ltmp15:
0x1b6: {  	(pc) =	sbr.rel .LBB2_12-.Ltmp15, $2  }
0x1b7: {  	_ =	sdelay $0x2  }
0x1b8: {  	s31 =	smov.u32 s17;
	s16 =	simm.s32 $0x0;
	s15 =	simm.s32 $0x5000  }
.LBB2_18:
0x1b9: {  	_ =	sfence.sel $0x180000  }
0x1ba: {  	[bflag:$0x0] =	sbarrier.arrive $0xFFFF  }
0x1bb: {  	_ =	strace $0x90000047  }
0x1bc: {  	s0 =	stileid.u32;
	[bflag:$0x2] =	sbarrier.arrive $0xFFFF  }
0x1bd: {  	p0 =	sne.s32 s0, $0x0;
	s0 =	rddreg [dreg:$0x2]  }
0x1be: {  	s0 =	sadd.s32 @!p0 $0x100000, s0  }
0x1bf: {  	[sflag:s0] =	ssyncadd.tile.s32 @!p0 $0x1;
	_ =	shalt  }
.Lfunc_end2:
_tile_overlayer_lowered:
.L_overlay_start_2:
0x1c0: {  	(tag) =	ssettag $0x2  }
0x1c1: {  	s0 =	rddreg [dreg:$0x0];
	s2 =	stileid.u32  }
0x1c2: {  	s1 =	rddreg [dreg:$0x1];
	p0 =	sne.s32 s2, $0x0  }
0x1c3: {  	s3 =	rddreg [dreg:$0x2];
	[bflag:$0x3] =	sbarrier.arrive $0xFFFF;
	s2 =	simm.s32 @!p0 $0x1C04  }
0x1c4: {  	[timem:s3], [sflag:s2] =	dma.local @!p0 [hbm:s0], s1  }
0x1c5: {  	s0 =	simm.s32 @!p0 $0x4  }
0x1c6: {  	_ =	swait.ge @!p0 [sflag:s0], s1  }
0x1c7: {  	s1 =	ssub.s32 @!p0 $0x0, s1;
	[sflag:s0] =	ssyncset.done @!p0 $0x0  }
0x1c8: {  	[sflag:s0] =	ssyncadd.s32 @!p0 s1  }
0x1c9: {  	[bflag:$0x3] =	sbarrier.arrive $0xFFFF  }
0x1ca: {  	_ =	shalt  }

// kernel: kernel.7.cloned.1.call-start
scs
__scs_entry_jumppad:
0x0: {  	(pc) =	sbr.rel $0x88, $3  }
0x1: {  	(tag) =	ssettag $0x0;
	lr =	simm.s32 $0x1  }
0x2: {  	[smem:$0x3F9D] =	sst lr;
	_ =	strace $0xD0000000  }
0x3: {  	_ = 	snop  }
0x4: {  	_ = 	snop  }
0x5: {  	_ = 	snop  }
0x6: {  	_ = 	snop  }
0x7: {  	_ = 	snop  }
__scs_overlays_trampoline_lowered:
0x8: {  	[smem:$0x3FAC] =	sst s0  }
0x9: {  	[smem:$0x3FAD] =	sst s1  }
0xa: {  	[smem:$0x3FAE] =	sst s2  }
0xb: {  	[smem:$0x3FAF] =	sst s3  }
0xc: {  	[smem:$0x3FB0] =	sst s4  }
0xd: {  	[smem:$0x3FB1] =	sst s5  }
0xe: {  	[smem:$0x3FB2] =	sst s6  }
0xf: {  	[smem:$0x3FB3] =	sst s7  }
0x10: {  	[smem:$0x3FB4] =	sst s8  }
0x11: {  	[smem:$0x3FB5] =	sst s9;
	s0 =	simm.s32 @!p0 $0x0  }
0x12: {  	s1 =	sld [smem:$0x3F9B];
	s0 =	simm.s32 @p0 $0x1  }
0x13: {  	[smem:$0x3FB6] =	sst s0;
	s0 =	simm.s32 @!p1 $0x0  }
0x14: {  	s2 =	sld [smem:$0x3F9A];
	s0 =	simm.s32 @p1 $0x1  }
0x15: {  	[smem:$0x3FB7] =	sst s0;
	s0 =	simm.s32 @!p2 $0x0  }
0x16: {  	s3 =	sld [smem:$0x3FDB];
	s0 =	simm.s32 @p2 $0x1  }
0x17: {  	s4 =	simm.s32 $0x1BF5;
	[smem:$0x3FB9] =	sst s0  }
0x18: {  	s0 =	sld [smem:$0x3F9C];
	_ =	swait.ge [sflag:s4], $0x0  }
0x19: {  	s7 =	sld [smem:$0x3F9D]  }
0x1a: {  	s8 =	sadd.s32 $0xFFFFE003, lr  }
0x1b: {  	s9 =	sadd.s32 $0xFFFFFEF7, lr;
	s5 =	simm.s32 $0xFFFFFFFF;
	p2 =	slt.u32 s8, $0xFFFFF086  }
0x1c: {  	p1 =	slt.u32 s9, $0xF7A;
	s5 =	simm.s32 @!p2 $0x0  }
0x1d: {  	s5 =	simm.s32 @p1 $0x1;
	p0 =	seq.s32 s7, s2  }
0x1e: {  	s7 =	smul.u32 @!p0 $0xF7A, s2;
	p2 =	seq.s32 @!p0 s5, $0x0  }
0x1f: {  	s9 =	smul.u32 $0xF7A, s1;
	s8 =	simm.s32 @!p0 $0x1BF5;
	p2 =	por !p2, p0  }
0x20: {  	[sflag:s8] =	ssyncset.s32 @!p0 $0xFFFFF086;
	s6 =	sadd.s32 @!p0 s3, s7;
	s7 =	simm.s32 @!p0 $0x108  }
0x21: {  	s3 =	sadd.s32 s3, s9;
	s6 =	sadd.s32 @!p0 $0x88, s6;
	s7 =	simm.s32 @p2 $0x1082  }
0x22: {  	[simem:s7], [sflag:s8] =	dma.local @!p0 [hbm:s6], $0xF7A  }
0x23: {  	s9 =	sor.u32 $0xD0000000, s2;
	s6 =	simm.s32 $0x108;
	_ =	swait.ge @!p0 [sflag:s8], $0x0  }
0x24: {  	s3 =	sadd.s32 $0x88, s3;
	s6 =	simm.s32 @!p1 $0x1082;
	[sflag:s4] =	ssyncset.s32 $0xFFFFF086  }
0x25: {  	[simem:s6], [sflag:s4] =	dma.local [hbm:s3], $0xF7A  }
0x26: {  	[smem:$0x3F9D] =	sst s1;
	(tag) =	ssettag s2;
	_ =	strace s9  }
0x27: {  	s1 =	sld [smem:$0x3FAD]  }
0x28: {  	s2 =	sld [smem:$0x3FAE]  }
0x29: {  	s4 =	sld [smem:$0x3FB0]  }
0x2a: {  	p0 =	seq.s32 s5, $0x0;
	s5 =	sld [smem:$0x3FB1]  }
0x2b: {  	s6 =	sld [smem:$0x3FB2]  }
0x2c: {  	s7 =	sld [smem:$0x3FB3]  }
0x2d: {  	s3 =	simm.s32 $0x108;
	s8 =	sld [smem:$0x3FB4]  }
0x2e: {  	s3 =	simm.s32 @!p0 $0x1082;
	s9 =	sld [smem:$0x3FB5]  }
0x2f: {  	lr =	sadd.s32 s0, s3;
	s0 =	sld [smem:$0x3FAC]  }
0x30: {  	s3 =	sld [smem:$0x3FAF]  }
0x31: {  	[smem:$0x3FB8] =	sst s10  }
0x32: {  	s10 =	sld [smem:$0x3FB6];
	_ =	sdelay $0x3  }
0x33: {  	p0 =	seq.s32 s10, $0x1;
	s10 =	sld [smem:$0x3FB8];
	_ =	sdelay $0x3  }
0x34: {  	[smem:$0x3FB8] =	sst s10  }
0x35: {  	s10 =	sld [smem:$0x3FB7];
	_ =	sdelay $0x3  }
0x36: {  	p1 =	seq.s32 s10, $0x1;
	s10 =	sld [smem:$0x3FB8];
	_ =	sdelay $0x3  }
0x37: {  	[smem:$0x3FB8] =	sst s10  }
0x38: {  	s10 =	sld [smem:$0x3FB9]  }
0x39: {  	_ = 	snop;
	(pc) =	sbr.ind lr, $3  }
0x3a: {  	_ = 	snop  }
0x3b: {  	_ = 	snop  }
0x3c: {  	p2 =	seq.s32 s10, $0x1;
	s10 =	sld [smem:$0x3FB8]  }
0x3d: {  	_ =	shalt  }
0x3e: {  	_ =	shalt  }
0x3f: {  	_ =	shalt  }
0x40: {  	_ =	shalt  }
0x41: {  	_ =	shalt  }
0x42: {  	_ =	shalt  }
0x43: {  	_ =	shalt  }
0x44: {  	_ =	shalt  }
0x45: {  	_ =	shalt  }
0x46: {  	_ =	shalt  }
0x47: {  	_ =	shalt  }
0x48: {  	_ =	shalt  }
0x49: {  	_ =	shalt  }
0x4a: {  	_ =	shalt  }
0x4b: {  	_ =	shalt  }
0x4c: {  	_ =	shalt  }
0x4d: {  	_ =	shalt  }
0x4e: {  	_ =	shalt  }
0x4f: {  	_ =	shalt  }
0x50: {  	_ =	shalt  }
0x51: {  	_ =	shalt  }
0x52: {  	_ =	shalt  }
0x53: {  	_ =	shalt  }
0x54: {  	_ =	shalt  }
0x55: {  	_ =	shalt  }
0x56: {  	_ =	shalt  }
0x57: {  	_ =	shalt  }
0x58: {  	_ =	shalt  }
0x59: {  	_ =	shalt  }
0x5a: {  	_ =	shalt  }
0x5b: {  	_ =	shalt  }
0x5c: {  	_ =	shalt  }
0x5d: {  	_ =	shalt  }
0x5e: {  	_ =	shalt  }
0x5f: {  	_ =	shalt  }
0x60: {  	_ =	shalt  }
0x61: {  	_ =	shalt  }
0x62: {  	_ =	shalt  }
0x63: {  	_ =	shalt  }
0x64: {  	_ =	shalt  }
0x65: {  	_ =	shalt  }
0x66: {  	_ =	shalt  }
0x67: {  	_ =	shalt  }
0x68: {  	_ =	shalt  }
0x69: {  	_ =	shalt  }
0x6a: {  	_ =	shalt  }
0x6b: {  	_ =	shalt  }
0x6c: {  	_ =	shalt  }
0x6d: {  	_ =	shalt  }
0x6e: {  	_ =	shalt  }
0x6f: {  	_ =	shalt  }
0x70: {  	_ =	shalt  }
0x71: {  	_ =	shalt  }
0x72: {  	_ =	shalt  }
0x73: {  	_ =	shalt  }
0x74: {  	_ =	shalt  }
0x75: {  	_ =	shalt  }
0x76: {  	_ =	shalt  }
0x77: {  	_ =	shalt  }
0x78: {  	_ =	shalt  }
0x79: {  	_ =	shalt  }
0x7a: {  	_ =	shalt  }
0x7b: {  	_ =	shalt  }
0x7c: {  	_ =	shalt  }
0x7d: {  	_ =	shalt  }
0x7e: {  	_ =	shalt  }
0x7f: {  	_ =	shalt  }
0x80: {  	_ =	shalt  }
0x81: {  	_ =	shalt  }
0x82: {  	_ =	shalt  }
0x83: {  	_ =	shalt  }
0x84: {  	_ =	shalt  }
0x85: {  	_ =	shalt  }
0x86: {  	_ =	shalt  }
0x87: {  	_ =	shalt  }
.Lfunc_end0:
.L_simem_size_0:
called_computation.1_lowered:
.L_overlay_start_0:
0x88: {  	s2 =	sld [smem:$0x3FD9]  }
0x89: {  	s3 =	sld [smem:$0x3FFE];
	_ =	sdelay $0x1  }
0x8a: {  	s1 =	srdreg.scid  }
0x8b: {  	s0 =	sand.u32 $0x1, s1  }
0x8c: {  	s17 =	sshll.u32 s0, $0xA;
	s2 =	sadd.s32 s3, s2  }
0x8d: {  	s2 =	sadd.s32 s2, s17  }
0x8e: {  	[smem:$0x3FC4] =	sst s2  }
0x8f: {  	_ = 	snop  }
0x90: {  	s2 =	sld [smem:$0x3FD0];
	(tm) =	ssettm $0x1  }
0x91: {  	s18 =	sld [smem:$0x3FFB];
	_ =	sdelay $0x3  }
0x92: {  	_ =	strace s18  }
0x93: {  	s3 =	sld [smem:$0x3FFC];
	_ =	sdelay $0x3  }
0x94: {  	_ =	strace s3  }
0x95: {  	s3 =	sld [smem:$0x3FFD];
	_ =	sdelay $0x3  }
0x96: {  	_ =	strace s3  }
0x97: {  	_ =	strace $0x8FFFFFFF  }
0x98: {  	s19 =	sld [smem:$0x3FDB];
	_ =	sdelay $0x1  }
0x99: {  	s4 =	simm.s32 $_scs_section_size  }
0x9a: {  	s5 =	simm.s32 $_size__tile_overlayer_lowered;
	s6 =	simm.s32 $_tile_overlayer_lowered  }
0x9b: {  	s22 =	simm.s32 $0x1BFF;
	s21 =	sshll.u32 s6, $0x1;
	s3 =	sadd.s32 s4, s19  }
0x9c: {  	s7 =	simm.s32 $0x0;
	s20 =	sshll.u32 s5, $0x1;
	s5 =	sadd.s32 s21, s3  }
0x9d: {  	[timem:s7], [sflag:s22] =	dma.local [hbm:s5], s20  }
0x9e: {  	_ =	swait.ge [sflag:s22], s20  }
0x9f: {  	s4 =	ssub.s32 $0x0, s20;
	[sflag:s22] =	ssyncset.done $0x0  }
0xa0: {  	[sflag:s22] =	ssyncadd.s32 s4;
	_ =	sdelay $0x1  }
0xa1: {  	s23 =	simm.s32 $0x1B8B  }
0xa2: {  	_ =	swait.ge [sflag:s23], $0x1  }
0xa3: {  	[sflag:s23] =	ssyncset.done $0x0  }
0xa4: {  	s25 =	simm.s32 $0x1B8E;
	s24 =	sld [smem:$0x3FFE];
	[sflag:s23] =	ssyncadd.s32 $0xFFFFFFFF  }
0xa5: {  	s26 =	simm.s32 $execute0_lowered;
	[smem:$0x3FD2] =	sst s25  }
0xa6: {  	s5 =	sshll.u32 s26, $0x1;
	_ =	strace $0x80000049;
	[dreg:$0x1] =	wrdreg $0xFFFFFFFF  }
0xa7: {  	s28 =	simm.s32 $_size_execute0_lowered;
	s3 =	sadd.s32 s3, s5;
	[dreg:$0x0] =	wrdreg $0x0  }
0xa8: {  	s5 =	sshll.u32 s28, $0x1;
	[dreg:$0x2] =	wrdreg s3  }
0xa9: {  	[dreg:$0x3] =	wrdreg s5  }
0xaa: {  	[dreg:$0x4] =	wrdreg $0xC0  }
0xab: {  	_ =	task [dreg:s7], $0x5FFFF  }
0xac: {  	[dreg:$0x1] =	wrdreg $0xFFFFFFFF  }
0xad: {  	[dreg:$0x0] =	wrdreg $0x60  }
0xae: {  	[dreg:$0x2] =	wrdreg s24  }
0xaf: {  	[dreg:$0x3] =	wrdreg s2  }
0xb0: {  	[dreg:$0x4] =	wrdreg $0x9  }
0xb1: {  	_ =	task.clear_ibuf [dreg:s7], $0x5FFFF;
	_ =	strace $0x90000049  }
0xb2: {  	s29 =	simm.s32 $0x9;
	_ =	strace $0x8000004B  }
0xb3: {  	_ =	swait.ge [sflag:s29], $0x1  }
0xb4: {  	[sflag:s29] =	ssyncadd.s32 $0xFFFFFFFF  }
0xb5: {  	_ =	strace $0x9000004B  }
0xb6: {  	_ =	sfence  }
0xb7: {  	s30 =	sld [smem:$0x0];
	_ =	sdelay $0x2  }
0xb8: {  	s31 =	sshll.u32 s1, $0xD;
	s1 =	sshrl.u32 s1, $0x2  }
0xb9: {  	s3 =	sand.u32 $0x4000, s31;
	s1 =	sadd.s32 s1, s30  }
0xba: {  	s0 =	sor.u32 s3, s0;
	s1 =	sshll.u32 s1, $0x11  }
0xbb: {  	s0 =	sor.u32 s1, s0  }
0xbc: {  	s0 =	sadd.s32 $0x8F2B, s0  }
0xbd: {  	[sflag:s0] =	ssyncadd.remote.s32 $0x1  }
0xbe: {  	_ =	sfence.sel $0xFFFF  }
0xbf: {  	[dreg:$0x0] =	wrdreg $0xFFFFFFFF;
	(pc) =	sbr.abs _section_cstart, $3  }
0xc0: {  	[dreg:$0x1] =	wrdreg $0xFFFFFFFF  }
0xc1: {  	_ =	task.clear_ibuf [dreg:s7], $0x2FFFF;
	_ =	strace $0x9FFFFFFF  }
0xc2: {  	(tm) =	ssettm $0x7FFFFFFF  }
0xc3: {  	_ =	shalt  }
tec
execute0_lowered:
.L_overlay_start_1:
0x0: {  	(tag) =	ssettag $0x1  }
0x1: {  	s6 =	rddreg [dreg:$0x0]  }
0x2: {  	s11 =	rddreg [dreg:$0x1]  }
0x3: {  	s2 =	srdreg.scid;
	s0 =	rddreg [dreg:$0x2]  }
0x4: {  	s1 =	stileid.u32;
	s15 =	simm.s32 $0x3;
	s16 =	simm.s32 $0x10600  }
0x5: {  	s17 =	simm.s32 $0x11600;
	s18 =	simm.s32 $0x1;
	s19 =	simm.s32 $0x2  }
0x6: {  	s20 =	simm.s32 $0x1000;
	s21 =	simm.s32 $0x20000;
	s22 =	simm.s32 $0x12600  }
0x7: {  	s23 =	simm.s32 $0x0;
	s4 =	sand.u32 $0x1, s2;
	s2 =	simm.s32 $0x0  }
0x8: {  	s3 =	sshll.u32 s1, $0xA;
	s5 =	sshll.u32 s4, $0x9;
	[smem:$0x7FF] =	sst s2  }
0x9: {  	s8 =	ssub.s32 $0x2, s4;
	s4 =	sadd.s32 $0x43200, s6;
	s12 =	sor.u32 s5, s3  }
0xa: {  	_ =	strace $0x8000004A;
	s10 =	sshrl.u32 s8, $0x1;
	s5 =	sadd.s32 $0x42000, s6  }
0xb: {  	s3 =	sshrl.u32 s12, $0x3;
	s9 =	sshll.u32 s12, $0x4;
	s14 =	ssub.s32 s8, s10  }
0xc: {  	s11 =	sadd.s32 s11, s12;
	s7 =	sadd.s32 s3, s6;
	s3 =	sadd.s32 $0x42200, s6  }
0xd: {  	s13 =	sadd.s32 s9, s6;
	s12 =	smax.u32 s14, $0x1;
	s14 =	simm.s32 $0xFA00  }
0xe: {  	v0 =	vlaneseq.u32;
	s6 =	sadd.s32 $0xC00, s7;
	s7 =	sadd.s32 $0x1400, s7;
	s8 =	sadd.s32 $0x1C00, s13  }
0xf: {  	v0 =	vmul.u32 $0x80, v0;
	s9 =	sadd.s32 $0x1E00, s13;
	s10 =	sadd.s32 $0x2000, s13;
	s13 =	simm.s32 $0x7D00  }
.LBB2_1:
0x10: {  	[tilespmem:s2], [sflag:$0x1] =	stream.linear.gather [hbm4b:s3+s2], $0x7D00, $0x38;
	[tilespmem:$0x1E600] =	vst v63  }
0x11: {  	_ = 	snop  }
0x12: {  	[tilespmem:s13], [sflag:$0x1] =	stream.linear.gather [hbm4b:s4+s2], $0x7D00, $0x38;
	[tilespmem:$0x1E600] =	vst v63  }
0x13: {  	_ = 	snop  }
0x14: {  	[tilespmem:s14], [sflag:$0x1] =	stream.linear.gather [hbm4b:s5+s2], $0x800, $0x38;
	[tilespmem:$0x1E600] =	vst v63  }
0x15: {  	s24 =	simm.s32 $0x10200  }
0x16: {  	[tilespmem:s24], [sflag:$0x3] =	stream.linear.gather [hbm4b:s6+s2], $0x200, $0x38;
	[tilespmem:$0x1E600] =	vst v63  }
0x17: {  	_ =	swait.ge [sflag:s15], $0x200  }
0x18: {  	[sflag:s15] =	ssyncset.done $0x0  }
0x19: {  	s25 =	simm.s32 $0x10400;
	[sflag:s15] =	ssyncadd.s32 $0xFFFFFE00  }
0x1a: {  	[tilespmem:s25], [sflag:$0x3] =	stream.linear.gather [hbm4b:s7+s2], $0x200, $0x38;
	[tilespmem:$0x1E600] =	vst v63  }
0x1b: {  	_ =	swait.ge [sflag:s15], $0x200  }
0x1c: {  	[sflag:s15] =	ssyncset.done $0x0  }
0x1d: {  	[sflag:s15] =	ssyncadd.s32 $0xFFFFFE00  }
0x1e: {  	[tilespmem:s16], [sflag:$0x2] =	stream.linear.gather [hbm4b:s8+s2], $0x1000, $0x38;
	[tilespmem:$0x1E600] =	vst v63  }
0x1f: {  	_ = 	snop  }
0x20: {  	[tilespmem:s17], [sflag:$0x2] =	stream.linear.gather [hbm4b:s9+s2], $0x1000, $0x38;
	[tilespmem:$0x1E600] =	vst v63  }
0x21: {  	_ =	swait.ge [sflag:s18], $0x7D00  }
0x22: {  	[sflag:s18] =	ssyncset.done $0x0  }
0x23: {  	[sflag:s18] =	ssyncadd.s32 $0xFFFF8300  }
0x24: {  	_ =	swait.ge [sflag:s18], $0x7D00  }
0x25: {  	[sflag:s18] =	ssyncset.done $0x0  }
0x26: {  	s26 =	simm.s32 $0x0;
	s28 =	simm.s32 $0x0;
	[sflag:s18] =	ssyncadd.s32 $0xFFFF8300  }
.LBB2_2:
0x27: {  	v1 =	vld [tilespmem:s24+$0x0];
	_ =	sdelay $0x4  }
0x28: {  	v1 =	vshll.u32 v1, $0x5  }
0x29: {  	v2 =	vld [tilespmem:s25+$0x0];
	_ =	sdelay $0x3  }
0x2a: {  	v3 =	vld.idx.msk [tilespmem:v1+s2+$0x0], $0xffff  }
0x2b: {  	v2 =	vshll.u32 v2, $0x5;
	_ =	sdelay $0x1  }
0x2c: {  	s29 =	sand.u32 $0x70, s28;
	s30 =	sand.u32 $0xC00, s26  }
0x2d: {  	s29 =	sor.u32 s29, s30  }
0x2e: {  	[tilespmem:s29+$0x12600] =	vst v3  }
0x2f: {  	v3 =	vld.idx.msk [tilespmem:v2+s13+$0x0], $0xffff  }
0x30: {  	v4 =	vor.u32 $0x1, v1;
	_ =	sdelay $0x3  }
0x31: {  	[tilespmem:s29+$0x16600] =	vst v3  }
0x32: {  	v3 =	vld.idx.msk [tilespmem:v4+s2+$0x0], $0xffff  }
0x33: {  	v61 =	vor.u32 $0x1, v2;
	_ =	sdelay $0x2  }
0x34: {  	s30 =	sadd.s32 $0x12600, s29  }
0x35: {  	[tilespmem:s30+$0x80] =	vst v3  }
0x36: {  	v3 =	vld.idx.msk [tilespmem:v61+s13+$0x0], $0xffff  }
0x37: {  	v62 =	vor.u32 $0x2, v1;
	_ =	sdelay $0x3  }
0x38: {  	[tilespmem:s29+$0x16680] =	vst v3  }
0x39: {  	v3 =	vld.idx.msk [tilespmem:v62+s2+$0x0], $0xffff  }
0x3a: {  	v63 =	vor.u32 $0x2, v2;
	_ =	sdelay $0x3  }
0x3b: {  	[tilespmem:s30+$0x100] =	vst v3  }
0x3c: {  	v3 =	vld.idx.msk [tilespmem:v63+s13+$0x0], $0xffff  }
0x3d: {  	v8 =	vor.u32 $0x3, v1;
	_ =	sdelay $0x3  }
0x3e: {  	[tilespmem:s29+$0x16700] =	vst v3  }
0x3f: {  	v3 =	vld.idx.msk [tilespmem:v8+s2+$0x0], $0xffff  }
0x40: {  	v9 =	vor.u32 $0x3, v2;
	_ =	sdelay $0x3  }
0x41: {  	[tilespmem:s30+$0x180] =	vst v3  }
0x42: {  	v3 =	vld.idx.msk [tilespmem:v9+s13+$0x0], $0xffff  }
0x43: {  	v10 =	vor.u32 $0x4, v1;
	_ =	sdelay $0x3  }
0x44: {  	[tilespmem:s29+$0x16780] =	vst v3  }
0x45: {  	v3 =	vld.idx.msk [tilespmem:v10+s2+$0x0], $0xffff  }
0x46: {  	v11 =	vor.u32 $0x4, v2;
	_ =	sdelay $0x3  }
0x47: {  	[tilespmem:s30+$0x200] =	vst v3  }
0x48: {  	v3 =	vld.idx.msk [tilespmem:v11+s13+$0x0], $0xffff  }
0x49: {  	v12 =	vor.u32 $0x5, v1;
	_ =	sdelay $0x3  }
0x4a: {  	[tilespmem:s29+$0x16800] =	vst v3  }
0x4b: {  	v3 =	vld.idx.msk [tilespmem:v12+s2+$0x0], $0xffff  }
0x4c: {  	v13 =	vor.u32 $0x5, v2;
	_ =	sdelay $0x3  }
0x4d: {  	[tilespmem:s30+$0x280] =	vst v3  }
0x4e: {  	v3 =	vld.idx.msk [tilespmem:v13+s13+$0x0], $0xffff  }
0x4f: {  	v14 =	vor.u32 $0x6, v1;
	_ =	sdelay $0x3  }
0x50: {  	[tilespmem:s29+$0x16880] =	vst v3  }
0x51: {  	v3 =	vld.idx.msk [tilespmem:v14+s2+$0x0], $0xffff  }
0x52: {  	v15 =	vor.u32 $0x6, v2;
	_ =	sdelay $0x3  }
0x53: {  	[tilespmem:s30+$0x300] =	vst v3  }
0x54: {  	v3 =	vld.idx.msk [tilespmem:v15+s13+$0x0], $0xffff  }
0x55: {  	v16 =	vor.u32 $0x7, v1;
	_ =	sdelay $0x3  }
0x56: {  	[tilespmem:s29+$0x16900] =	vst v3  }
0x57: {  	v3 =	vld.idx.msk [tilespmem:v16+s2+$0x0], $0xffff  }
0x58: {  	v17 =	vor.u32 $0x7, v2;
	_ =	sdelay $0x1  }
0x59: {  	s31 =	sor.u32 s26, s28  }
0x5a: {  	s30 =	sor.u32 $0x380, s31  }
0x5b: {  	[tilespmem:s30+$0x12600] =	vst v3  }
0x5c: {  	v3 =	vld.idx.msk [tilespmem:v17+s13+$0x0], $0xffff  }
0x5d: {  	v18 =	vor.u32 $0x8, v1;
	_ =	sdelay $0x3  }
0x5e: {  	[tilespmem:s29+$0x16980] =	vst v3  }
0x5f: {  	v3 =	vld.idx.msk [tilespmem:v18+s2+$0x0], $0xffff  }
0x60: {  	v19 =	vor.u32 $0x8, v2;
	_ =	sdelay $0x3  }
0x61: {  	[tilespmem:s29+$0x13600] =	vst v3  }
0x62: {  	v3 =	vld.idx.msk [tilespmem:v19+s13+$0x0], $0xffff  }
0x63: {  	v20 =	vor.u32 $0x9, v1;
	_ =	sdelay $0x3  }
0x64: {  	[tilespmem:s29+$0x17600] =	vst v3  }
0x65: {  	v3 =	vld.idx.msk [tilespmem:v20+s2+$0x0], $0xffff  }
0x66: {  	v21 =	vor.u32 $0x9, v2;
	_ =	sdelay $0x3  }
0x67: {  	[tilespmem:s29+$0x13680] =	vst v3  }
0x68: {  	v3 =	vld.idx.msk [tilespmem:v21+s13+$0x0], $0xffff  }
0x69: {  	v22 =	vor.u32 $0xA, v1;
	_ =	sdelay $0x3  }
0x6a: {  	[tilespmem:s29+$0x17680] =	vst v3  }
0x6b: {  	v3 =	vld.idx.msk [tilespmem:v22+s2+$0x0], $0xffff  }
0x6c: {  	v23 =	vor.u32 $0xA, v2;
	_ =	sdelay $0x3  }
0x6d: {  	[tilespmem:s29+$0x13700] =	vst v3  }
0x6e: {  	v3 =	vld.idx.msk [tilespmem:v23+s13+$0x0], $0xffff  }
0x6f: {  	v24 =	vor.u32 $0xB, v1;
	_ =	sdelay $0x3  }
0x70: {  	[tilespmem:s29+$0x17700] =	vst v3  }
0x71: {  	v3 =	vld.idx.msk [tilespmem:v24+s2+$0x0], $0xffff  }
0x72: {  	v25 =	vor.u32 $0xB, v2;
	_ =	sdelay $0x3  }
0x73: {  	[tilespmem:s29+$0x13780] =	vst v3  }
0x74: {  	v3 =	vld.idx.msk [tilespmem:v25+s13+$0x0], $0xffff  }
0x75: {  	v26 =	vor.u32 $0xC, v1;
	_ =	sdelay $0x3  }
0x76: {  	[tilespmem:s29+$0x17780] =	vst v3  }
0x77: {  	v3 =	vld.idx.msk [tilespmem:v26+s2+$0x0], $0xffff  }
0x78: {  	v27 =	vor.u32 $0xC, v2;
	_ =	sdelay $0x3  }
0x79: {  	[tilespmem:s29+$0x13800] =	vst v3  }
0x7a: {  	v3 =	vld.idx.msk [tilespmem:v27+s13+$0x0], $0xffff  }
0x7b: {  	v28 =	vor.u32 $0xD, v1;
	_ =	sdelay $0x3  }
0x7c: {  	[tilespmem:s29+$0x17800] =	vst v3  }
0x7d: {  	v3 =	vld.idx.msk [tilespmem:v28+s2+$0x0], $0xffff  }
0x7e: {  	v29 =	vor.u32 $0xD, v2;
	_ =	sdelay $0x3  }
0x7f: {  	[tilespmem:s29+$0x13880] =	vst v3  }
0x80: {  	v3 =	vld.idx.msk [tilespmem:v29+s13+$0x0], $0xffff  }
0x81: {  	v30 =	vor.u32 $0xE, v1;
	_ =	sdelay $0x3  }
0x82: {  	[tilespmem:s29+$0x17880] =	vst v3  }
0x83: {  	v3 =	vld.idx.msk [tilespmem:v30+s2+$0x0], $0xffff  }
0x84: {  	v31 =	vor.u32 $0xE, v2;
	_ =	sdelay $0x3  }
0x85: {  	[tilespmem:s29+$0x13900] =	vst v3  }
0x86: {  	v3 =	vld.idx.msk [tilespmem:v31+s13+$0x0], $0xffff  }
0x87: {  	v32 =	vor.u32 $0xF, v1;
	_ =	sdelay $0x3  }
0x88: {  	[tilespmem:s29+$0x17900] =	vst v3  }
0x89: {  	v3 =	vld.idx.msk [tilespmem:v32+s2+$0x0], $0xffff  }
0x8a: {  	v33 =	vor.u32 $0xF, v2;
	_ =	sdelay $0x3  }
0x8b: {  	[tilespmem:s29+$0x13980] =	vst v3  }
0x8c: {  	v3 =	vld.idx.msk [tilespmem:v33+s13+$0x0], $0xffff  }
0x8d: {  	v34 =	vor.u32 $0x10, v1;
	_ =	sdelay $0x3  }
0x8e: {  	[tilespmem:s29+$0x17980] =	vst v3  }
0x8f: {  	v3 =	vld.idx.msk [tilespmem:v34+s2+$0x0], $0xffff  }
0x90: {  	v35 =	vor.u32 $0x10, v2;
	_ =	sdelay $0x3  }
0x91: {  	[tilespmem:s29+$0x14600] =	vst v3  }
0x92: {  	v3 =	vld.idx.msk [tilespmem:v35+s13+$0x0], $0xffff  }
0x93: {  	v36 =	vor.u32 $0x11, v1;
	_ =	sdelay $0x3  }
0x94: {  	[tilespmem:s29+$0x18600] =	vst v3  }
0x95: {  	v3 =	vld.idx.msk [tilespmem:v36+s2+$0x0], $0xffff  }
0x96: {  	v37 =	vor.u32 $0x11, v2;
	_ =	sdelay $0x3  }
0x97: {  	[tilespmem:s29+$0x14680] =	vst v3  }
0x98: {  	v3 =	vld.idx.msk [tilespmem:v37+s13+$0x0], $0xffff  }
0x99: {  	v38 =	vor.u32 $0x12, v1;
	_ =	sdelay $0x3  }
0x9a: {  	[tilespmem:s29+$0x18680] =	vst v3  }
0x9b: {  	v3 =	vld.idx.msk [tilespmem:v38+s2+$0x0], $0xffff  }
0x9c: {  	v39 =	vor.u32 $0x12, v2;
	_ =	sdelay $0x3  }
0x9d: {  	[tilespmem:s29+$0x14700] =	vst v3  }
0x9e: {  	v3 =	vld.idx.msk [tilespmem:v39+s13+$0x0], $0xffff  }
0x9f: {  	v40 =	vor.u32 $0x13, v1;
	_ =	sdelay $0x3  }
0xa0: {  	[tilespmem:s29+$0x18700] =	vst v3  }
0xa1: {  	v3 =	vld.idx.msk [tilespmem:v40+s2+$0x0], $0xffff  }
0xa2: {  	v41 =	vor.u32 $0x13, v2;
	_ =	sdelay $0x3  }
0xa3: {  	[tilespmem:s29+$0x14780] =	vst v3  }
0xa4: {  	v3 =	vld.idx.msk [tilespmem:v41+s13+$0x0], $0xffff  }
0xa5: {  	v42 =	vor.u32 $0x14, v1;
	_ =	sdelay $0x3  }
0xa6: {  	[tilespmem:s29+$0x18780] =	vst v3  }
0xa7: {  	v3 =	vld.idx.msk [tilespmem:v42+s2+$0x0], $0xffff  }
0xa8: {  	v43 =	vor.u32 $0x14, v2;
	_ =	sdelay $0x3  }
0xa9: {  	[tilespmem:s29+$0x14800] =	vst v3  }
0xaa: {  	v3 =	vld.idx.msk [tilespmem:v43+s13+$0x0], $0xffff  }
0xab: {  	v44 =	vor.u32 $0x15, v1;
	_ =	sdelay $0x3  }
0xac: {  	[tilespmem:s29+$0x18800] =	vst v3  }
0xad: {  	v3 =	vld.idx.msk [tilespmem:v44+s2+$0x0], $0xffff  }
0xae: {  	v45 =	vor.u32 $0x15, v2;
	_ =	sdelay $0x3  }
0xaf: {  	[tilespmem:s29+$0x14880] =	vst v3  }
0xb0: {  	v3 =	vld.idx.msk [tilespmem:v45+s13+$0x0], $0xffff  }
0xb1: {  	v46 =	vor.u32 $0x16, v1;
	_ =	sdelay $0x3  }
0xb2: {  	[tilespmem:s29+$0x18880] =	vst v3  }
0xb3: {  	v3 =	vld.idx.msk [tilespmem:v46+s2+$0x0], $0xffff  }
0xb4: {  	v47 =	vor.u32 $0x16, v2;
	_ =	sdelay $0x3  }
0xb5: {  	[tilespmem:s29+$0x14900] =	vst v3  }
0xb6: {  	v3 =	vld.idx.msk [tilespmem:v47+s13+$0x0], $0xffff  }
0xb7: {  	v48 =	vor.u32 $0x17, v1;
	_ =	sdelay $0x3  }
0xb8: {  	[tilespmem:s29+$0x18900] =	vst v3  }
0xb9: {  	v3 =	vld.idx.msk [tilespmem:v48+s2+$0x0], $0xffff  }
0xba: {  	v49 =	vor.u32 $0x17, v2;
	_ =	sdelay $0x3  }
0xbb: {  	[tilespmem:s29+$0x14980] =	vst v3  }
0xbc: {  	v3 =	vld.idx.msk [tilespmem:v49+s13+$0x0], $0xffff  }
0xbd: {  	v50 =	vor.u32 $0x18, v1;
	_ =	sdelay $0x3  }
0xbe: {  	[tilespmem:s29+$0x18980] =	vst v3  }
0xbf: {  	v3 =	vld.idx.msk [tilespmem:v50+s2+$0x0], $0xffff  }
0xc0: {  	v51 =	vor.u32 $0x18, v2;
	_ =	sdelay $0x3  }
0xc1: {  	[tilespmem:s29+$0x15600] =	vst v3  }
0xc2: {  	v3 =	vld.idx.msk [tilespmem:v51+s13+$0x0], $0xffff  }
0xc3: {  	v52 =	vor.u32 $0x19, v1;
	_ =	sdelay $0x3  }
0xc4: {  	[tilespmem:s29+$0x19600] =	vst v3  }
0xc5: {  	v3 =	vld.idx.msk [tilespmem:v52+s2+$0x0], $0xffff  }
0xc6: {  	v53 =	vor.u32 $0x19, v2;
	_ =	sdelay $0x3  }
0xc7: {  	[tilespmem:s29+$0x15680] =	vst v3  }
0xc8: {  	v3 =	vld.idx.msk [tilespmem:v53+s13+$0x0], $0xffff  }
0xc9: {  	v54 =	vor.u32 $0x1A, v1;
	_ =	sdelay $0x3  }
0xca: {  	[tilespmem:s29+$0x19680] =	vst v3  }
0xcb: {  	v3 =	vld.idx.msk [tilespmem:v54+s2+$0x0], $0xffff  }
0xcc: {  	v55 =	vor.u32 $0x1A, v2;
	_ =	sdelay $0x3  }
0xcd: {  	[tilespmem:s29+$0x15700] =	vst v3  }
0xce: {  	v3 =	vld.idx.msk [tilespmem:v55+s13+$0x0], $0xffff  }
0xcf: {  	v56 =	vor.u32 $0x1B, v1;
	_ =	sdelay $0x3  }
0xd0: {  	[tilespmem:s29+$0x19700] =	vst v3  }
0xd1: {  	v3 =	vld.idx.msk [tilespmem:v56+s2+$0x0], $0xffff  }
0xd2: {  	v57 =	vor.u32 $0x1B, v2;
	_ =	sdelay $0x3  }
0xd3: {  	[tilespmem:s29+$0x15780] =	vst v3  }
0xd4: {  	v3 =	vld.idx.msk [tilespmem:v57+s13+$0x0], $0xffff  }
0xd5: {  	v58 =	vor.u32 $0x1C, v1;
	_ =	sdelay $0x3  }
0xd6: {  	[tilespmem:s29+$0x19780] =	vst v3  }
0xd7: {  	v3 =	vld.idx.msk [tilespmem:v58+s2+$0x0], $0xffff  }
0xd8: {  	v59 =	vor.u32 $0x1C, v2;
	_ =	sdelay $0x3  }
0xd9: {  	[tilespmem:s29+$0x15800] =	vst v3  }
0xda: {  	v3 =	vld.idx.msk [tilespmem:v59+s13+$0x0], $0xffff  }
0xdb: {  	v60 =	vor.u32 $0x1D, v1;
	_ =	sdelay $0x3  }
0xdc: {  	[tilespmem:s29+$0x19800] =	vst v3  }
0xdd: {  	v3 =	vld.idx.msk [tilespmem:v60+s2+$0x0], $0xffff  }
0xde: {  	v61 =	vor.u32 $0x1D, v2;
	_ =	sdelay $0x3  }
0xdf: {  	[tilespmem:s29+$0x15880] =	vst v3  }
0xe0: {  	v3 =	vld.idx.msk [tilespmem:v61+s13+$0x0], $0xffff  }
0xe1: {  	v62 =	vor.u32 $0x1E, v1;
	_ =	sdelay $0x3  }
0xe2: {  	[tilespmem:s29+$0x19880] =	vst v3  }
0xe3: {  	v3 =	vld.idx.msk [tilespmem:v62+s2+$0x0], $0xffff  }
0xe4: {  	v63 =	vor.u32 $0x1E, v2;
	_ =	sdelay $0x3  }
0xe5: {  	[tilespmem:s29+$0x15900] =	vst v3  }
0xe6: {  	v3 =	vld.idx.msk [tilespmem:v63+s13+$0x0], $0xffff  }
0xe7: {  	v1 =	vor.u32 $0x1F, v1;
	_ =	sdelay $0x3  }
0xe8: {  	[tilespmem:s29+$0x19900] =	vst v3  }
0xe9: {  	v1 =	vld.idx.msk [tilespmem:v1+s2+$0x0], $0xffff  }
0xea: {  	v2 =	vor.u32 $0x1F, v2;
	_ =	sdelay $0x3  }
0xeb: {  	[tilespmem:s29+$0x15980] =	vst v1  }
0xec: {  	p0 =	sne.s32 s28, $0x1F0;
	v1 =	vld.idx.msk [tilespmem:v2+s13+$0x0], $0xffff  }
.Ltmp0:
0xed: {  	_ = 	snop;
	(pc) =	sbr.rel @p0 .LBB2_2-.Ltmp0, $3  }
0xee: {  	_ =	sdelay $0x1  }
0xef: {  	s26 =	sadd.s32 $0x80, s26  }
0xf0: {  	s24 =	sadd.s32 $0x10, s24;
	s25 =	sadd.s32 $0x10, s25;
	s28 =	sadd.s32 $0x10, s28;
	[tilespmem:s29+$0x19980] =	vst v1  }
0xf1: {  	_ =	swait.ge [sflag:s18], $0x800  }
0xf2: {  	[sflag:s18] =	ssyncset.done $0x0  }
0xf3: {  	s24 =	simm.s32 $0x0;
	[sflag:s18] =	ssyncadd.s32 $0xFFFFF800  }
.LBB2_4:
0xf4: {  	_ =	swait.ge [sflag:s19], $0x1000;
	s26 =	sshll.u32 s24, $0x8;
	s25 =	sand.u32 $0x1, s24  }
0xf5: {  	p0 =	por $0x1, $0x1;
	[sflag:s19] =	ssyncset.done $0x0;
	s26 =	sand.u32 $0xC00, s26  }
0xf6: {  	s28 =	sshll.u32 s25, $0xC;
	s29 =	sadd.s32 $0x1A600, s26;
	s30 =	sadd.s32 $0x1A680, s26  }
0xf7: {  	v1 =	vmov s28;
	s28 =	sadd.s32 $0x1A700, s26;
	s31 =	sadd.s32 $0x1A800, s26;
	v2 =	vmov s29;
	s29 =	sadd.s32 $0x1A780, s26;
	v3 =	vmov s30  }
0xf8: {  	v4 =	vmov s28;
	s28 =	sadd.s32 $0x1A880, s26;
	v6 =	vmov s31;
	s31 =	sadd.s32 $0x1A980, s26;
	v5 =	vmov s29;
	s29 =	sadd.s32 $0x1A900, s26  }
0xf9: {  	v7 =	vmov s28;
	s28 =	sadd.s32 $0x1B600, s26;
	v9 =	vmov s31;
	s31 =	sadd.s32 $0x1B700, s26;
	v8 =	vmov s29;
	s29 =	sadd.s32 $0x1B680, s26  }
0xfa: {  	v10 =	vmov s28;
	s28 =	sadd.s32 $0x1B780, s26;
	v12 =	vmov s31;
	s31 =	sadd.s32 $0x1B880, s26;
	v11 =	vmov s29;
	s29 =	sadd.s32 $0x1B800, s26  }
0xfb: {  	v13 =	vmov s28;
	s28 =	sadd.s32 $0x1B900, s26;
	v15 =	vmov s31;
	s31 =	sadd.s32 $0x1C600, s26;
	v14 =	vmov s29;
	s29 =	sadd.s32 $0x1B980, s26  }
0xfc: {  	v16 =	vmov s28;
	s28 =	sadd.s32 $0x1C680, s26;
	v18 =	vmov s31;
	s31 =	sadd.s32 $0x1C780, s26;
	v17 =	vmov s29;
	s29 =	sadd.s32 $0x1C700, s26  }
0xfd: {  	v19 =	vmov s28;
	s28 =	sadd.s32 $0x1C800, s26;
	v21 =	vmov s31;
	s31 =	sadd.s32 $0x1C900, s26;
	v20 =	vmov s29;
	s29 =	sadd.s32 $0x1C880, s26  }
0xfe: {  	v22 =	vmov s28;
	s28 =	sadd.s32 $0x1C980, s26;
	v24 =	vmov s31;
	s31 =	sadd.s32 $0x1D680, s26;
	v23 =	vmov s29;
	s29 =	sadd.s32 $0x1D600, s26  }
0xff: {  	v25 =	vmov s28;
	s28 =	sadd.s32 $0x1D700, s26;
	v27 =	vmov s31;
	s31 =	sadd.s32 $0x1D800, s26;
	v26 =	vmov s29;
	s29 =	sadd.s32 $0x1D780, s26  }
0x100: {  	v28 =	vmov s28;
	s28 =	sadd.s32 $0x1D880, s26;
	v30 =	vmov s31;
	s31 =	sadd.s32 $0x1D980, s26;
	v29 =	vmov s29;
	s29 =	sadd.s32 $0x1D900, s26  }
0x101: {  	[sflag:s19] =	ssyncadd.s32 $0xFFFFF000;
	v31 =	vmov s28;
	s26 =	sshll.u32 s24, $0x5;
	v33 =	vmov s31;
	s28 =	simm.s32 $0x0;
	v32 =	vmov s29  }
.LBB2_5:
0x102: {  	s29 =	sor.u32 s26, s28  }
0x103: {  	v34 =	vld [tilespmem:s29+$0x10200];
	_ =	sdelay $0x1  }
0x104: {  	v35 =	vld [tilespmem:s29+$0x10400];
	_ =	sdelay $0x2  }
0x105: {  	v34 =	vmul.u32 $0x3E8, v34;
	_ =	sdelay $0x1  }
0x106: {  	v62 =	vmov s28;
	v36 =	vadd.s32 v35, v34  }
0x107: {  	v34 =	vshll.u32 v62, $0x7;
	v35 =	vadd.s32 $0xFFF0BE00, v36  }
0x108: {  	v34 =	vor.u32 v0, v34;
	vm0 =	vgt.s32 v35, $0x0  }
0x109: {  	v37 =	vnsel vm0, $0x0, v35;
	v35 =	vor.u32 v1, v34  }
0x10a: {  	v34 =	vshll.u32 v37, $0x5;
	_ =	sdelay $0x3  }
0x10b: {  	v63 =	vld.idx.msk [tilespmem:v35+s16+$0x0], $0xffff  }
0x10c: {  	v38 =	vld.idx.msk [tilespmem:v34+s14+$0x0], $0xffff;
	_ =	sdelay $0x1  }
0x10d: {  	v39 =	vor.u32 $0x1, v35  }
0x10e: {  	v40 =	vor.u32 $0x1, v34  }
0x10f: {  	vm15 =	vgt.s32 v36, $0xF41FF  }
0x110: {  	s28 =	sand.u32 $0x70, s29;
	v36 =	vsel vm15, v38, v63  }
0x111: {  	[tilespmem:v2+s28+$0x0 ss:$0x1] =	vst.idx.msk $0xffff, v36  }
0x112: {  	v36 =	vld.idx.msk [tilespmem:v39+s16+$0x0], $0xffff  }
0x113: {  	v42 =	vld.idx.msk [tilespmem:v40+s14+$0x0], $0xffff;
	_ =	sdelay $0x1  }
0x114: {  	v43 =	vor.u32 $0x2, v35  }
0x115: {  	v44 =	vor.u32 $0x2, v34;
	_ =	sdelay $0x1  }
0x116: {  	v36 =	vsel vm15, v42, v36  }
0x117: {  	[tilespmem:v3+s28+$0x0 ss:$0x1] =	vst.idx.msk $0xffff, v36  }
0x118: {  	v36 =	vld.idx.msk [tilespmem:v43+s16+$0x0], $0xffff  }
0x119: {  	v45 =	vld.idx.msk [tilespmem:v44+s14+$0x0], $0xffff;
	_ =	sdelay $0x1  }
0x11a: {  	v46 =	vor.u32 $0x3, v35  }
0x11b: {  	v47 =	vor.u32 $0x3, v34;
	_ =	sdelay $0x1  }
0x11c: {  	v36 =	vsel vm15, v45, v36  }
0x11d: {  	[tilespmem:v4+s28+$0x0 ss:$0x1] =	vst.idx.msk $0xffff, v36  }
0x11e: {  	v36 =	vld.idx.msk [tilespmem:v46+s16+$0x0], $0xffff  }
0x11f: {  	v48 =	vld.idx.msk [tilespmem:v47+s14+$0x0], $0xffff;
	_ =	sdelay $0x1  }
0x120: {  	v49 =	vor.u32 $0x4, v35  }
0x121: {  	v50 =	vor.u32 $0x4, v34;
	_ =	sdelay $0x1  }
0x122: {  	v36 =	vsel vm15, v48, v36  }
0x123: {  	[tilespmem:v5+s28+$0x0 ss:$0x1] =	vst.idx.msk $0xffff, v36  }
0x124: {  	v36 =	vld.idx.msk [tilespmem:v49+s16+$0x0], $0xffff  }
0x125: {  	v51 =	vld.idx.msk [tilespmem:v50+s14+$0x0], $0xffff;
	_ =	sdelay $0x1  }
0x126: {  	v52 =	vor.u32 $0x5, v35  }
0x127: {  	v53 =	vor.u32 $0x5, v34;
	_ =	sdelay $0x1  }
0x128: {  	v36 =	vsel vm15, v51, v36  }
0x129: {  	[tilespmem:v6+s28+$0x0 ss:$0x1] =	vst.idx.msk $0xffff, v36  }
0x12a: {  	v36 =	vld.idx.msk [tilespmem:v52+s16+$0x0], $0xffff  }
0x12b: {  	v54 =	vld.idx.msk [tilespmem:v53+s14+$0x0], $0xffff;
	_ =	sdelay $0x1  }
0x12c: {  	v55 =	vor.u32 $0x6, v35  }
0x12d: {  	v56 =	vor.u32 $0x6, v34;
	_ =	sdelay $0x1  }
0x12e: {  	v36 =	vsel vm15, v54, v36  }
0x12f: {  	[tilespmem:v7+s28+$0x0 ss:$0x1] =	vst.idx.msk $0xffff, v36  }
0x130: {  	v36 =	vld.idx.msk [tilespmem:v55+s16+$0x0], $0xffff  }
0x131: {  	v57 =	vld.idx.msk [tilespmem:v56+s14+$0x0], $0xffff;
	_ =	sdelay $0x1  }
0x132: {  	v58 =	vor.u32 $0x7, v35  }
0x133: {  	v59 =	vor.u32 $0x7, v34;
	_ =	sdelay $0x1  }
0x134: {  	v36 =	vsel vm15, v57, v36  }
0x135: {  	[tilespmem:v8+s28+$0x0 ss:$0x1] =	vst.idx.msk $0xffff, v36  }
0x136: {  	v36 =	vld.idx.msk [tilespmem:v58+s16+$0x0], $0xffff  }
0x137: {  	v60 =	vld.idx.msk [tilespmem:v59+s14+$0x0], $0xffff;
	_ =	sdelay $0x1  }
0x138: {  	v61 =	vor.u32 $0x8, v35  }
0x139: {  	v62 =	vor.u32 $0x8, v34;
	_ =	sdelay $0x1  }
0x13a: {  	v36 =	vsel vm15, v60, v36  }
0x13b: {  	[tilespmem:v9+s28+$0x0 ss:$0x1] =	vst.idx.msk $0xffff, v36  }
0x13c: {  	v36 =	vld.idx.msk [tilespmem:v61+s16+$0x0], $0xffff  }
0x13d: {  	v63 =	vld.idx.msk [tilespmem:v62+s14+$0x0], $0xffff;
	_ =	sdelay $0x1  }
0x13e: {  	v42 =	vor.u32 $0x9, v35  }
0x13f: {  	v43 =	vor.u32 $0x9, v34;
	_ =	sdelay $0x1  }
0x140: {  	v36 =	vsel vm15, v63, v36  }
0x141: {  	[tilespmem:v10+s28+$0x0 ss:$0x1] =	vst.idx.msk $0xffff, v36  }
0x142: {  	v36 =	vld.idx.msk [tilespmem:v42+s16+$0x0], $0xffff  }
0x143: {  	v44 =	vld.idx.msk [tilespmem:v43+s14+$0x0], $0xffff;
	_ =	sdelay $0x1  }
0x144: {  	v45 =	vor.u32 $0xA, v35  }
0x145: {  	v46 =	vor.u32 $0xA, v34;
	_ =	sdelay $0x1  }
0x146: {  	v36 =	vsel vm15, v44, v36  }
0x147: {  	[tilespmem:v11+s28+$0x0 ss:$0x1] =	vst.idx.msk $0xffff, v36  }
0x148: {  	v36 =	vld.idx.msk [tilespmem:v45+s16+$0x0], $0xffff  }
0x149: {  	v47 =	vld.idx.msk [tilespmem:v46+s14+$0x0], $0xffff;
	_ =	sdelay $0x1  }
0x14a: {  	v48 =	vor.u32 $0xB, v35  }
0x14b: {  	v49 =	vor.u32 $0xB, v34;
	_ =	sdelay $0x1  }
0x14c: {  	v36 =	vsel vm15, v47, v36  }
0x14d: {  	[tilespmem:v12+s28+$0x0 ss:$0x1] =	vst.idx.msk $0xffff, v36  }
0x14e: {  	v36 =	vld.idx.msk [tilespmem:v48+s16+$0x0], $0xffff  }
0x14f: {  	v50 =	vld.idx.msk [tilespmem:v49+s14+$0x0], $0xffff;
	_ =	sdelay $0x1  }
0x150: {  	v51 =	vor.u32 $0xC, v35  }
0x151: {  	v52 =	vor.u32 $0xC, v34;
	_ =	sdelay $0x1  }
0x152: {  	v36 =	vsel vm15, v50, v36  }
0x153: {  	[tilespmem:v13+s28+$0x0 ss:$0x1] =	vst.idx.msk $0xffff, v36  }
0x154: {  	v36 =	vld.idx.msk [tilespmem:v51+s16+$0x0], $0xffff  }
0x155: {  	v53 =	vld.idx.msk [tilespmem:v52+s14+$0x0], $0xffff;
	_ =	sdelay $0x1  }
0x156: {  	v54 =	vor.u32 $0xD, v35  }
0x157: {  	v55 =	vor.u32 $0xD, v34;
	_ =	sdelay $0x1  }
0x158: {  	v36 =	vsel vm15, v53, v36  }
0x159: {  	[tilespmem:v14+s28+$0x0 ss:$0x1] =	vst.idx.msk $0xffff, v36  }
0x15a: {  	v36 =	vld.idx.msk [tilespmem:v54+s16+$0x0], $0xffff  }
0x15b: {  	v56 =	vld.idx.msk [tilespmem:v55+s14+$0x0], $0xffff;
	_ =	sdelay $0x1  }
0x15c: {  	v57 =	vor.u32 $0xE, v35  }
0x15d: {  	v58 =	vor.u32 $0xE, v34;
	_ =	sdelay $0x1  }
0x15e: {  	v36 =	vsel vm15, v56, v36  }
0x15f: {  	[tilespmem:v15+s28+$0x0 ss:$0x1] =	vst.idx.msk $0xffff, v36  }
0x160: {  	v36 =	vld.idx.msk [tilespmem:v57+s16+$0x0], $0xffff  }
0x161: {  	v59 =	vld.idx.msk [tilespmem:v58+s14+$0x0], $0xffff;
	_ =	sdelay $0x1  }
0x162: {  	v60 =	vor.u32 $0xF, v35  }
0x163: {  	v61 =	vor.u32 $0xF, v34;
	_ =	sdelay $0x1  }
0x164: {  	v36 =	vsel vm15, v59, v36  }
0x165: {  	[tilespmem:v16+s28+$0x0 ss:$0x1] =	vst.idx.msk $0xffff, v36  }
0x166: {  	v36 =	vld.idx.msk [tilespmem:v60+s16+$0x0], $0xffff  }
0x167: {  	v62 =	vld.idx.msk [tilespmem:v61+s14+$0x0], $0xffff;
	_ =	sdelay $0x1  }
0x168: {  	v63 =	vor.u32 $0x10, v35  }
0x169: {  	v42 =	vor.u32 $0x10, v34;
	_ =	sdelay $0x1  }
0x16a: {  	v36 =	vsel vm15, v62, v36  }
0x16b: {  	[tilespmem:v17+s28+$0x0 ss:$0x1] =	vst.idx.msk $0xffff, v36  }
0x16c: {  	v36 =	vld.idx.msk [tilespmem:v63+s16+$0x0], $0xffff  }
0x16d: {  	v43 =	vld.idx.msk [tilespmem:v42+s14+$0x0], $0xffff;
	_ =	sdelay $0x1  }
0x16e: {  	v44 =	vor.u32 $0x11, v35  }
0x16f: {  	v45 =	vor.u32 $0x11, v34;
	_ =	sdelay $0x1  }
0x170: {  	v36 =	vsel vm15, v43, v36  }
0x171: {  	[tilespmem:v18+s28+$0x0 ss:$0x1] =	vst.idx.msk $0xffff, v36  }
0x172: {  	v36 =	vld.idx.msk [tilespmem:v44+s16+$0x0], $0xffff  }
0x173: {  	v46 =	vld.idx.msk [tilespmem:v45+s14+$0x0], $0xffff;
	_ =	sdelay $0x1  }
0x174: {  	v47 =	vor.u32 $0x12, v35  }
0x175: {  	v48 =	vor.u32 $0x12, v34;
	_ =	sdelay $0x1  }
0x176: {  	v36 =	vsel vm15, v46, v36  }
0x177: {  	[tilespmem:v19+s28+$0x0 ss:$0x1] =	vst.idx.msk $0xffff, v36  }
0x178: {  	v36 =	vld.idx.msk [tilespmem:v47+s16+$0x0], $0xffff  }
0x179: {  	v49 =	vld.idx.msk [tilespmem:v48+s14+$0x0], $0xffff;
	_ =	sdelay $0x1  }
0x17a: {  	v50 =	vor.u32 $0x13, v35  }
0x17b: {  	v51 =	vor.u32 $0x13, v34;
	_ =	sdelay $0x1  }
0x17c: {  	v36 =	vsel vm15, v49, v36  }
0x17d: {  	[tilespmem:v20+s28+$0x0 ss:$0x1] =	vst.idx.msk $0xffff, v36  }
0x17e: {  	v36 =	vld.idx.msk [tilespmem:v50+s16+$0x0], $0xffff  }
0x17f: {  	v52 =	vld.idx.msk [tilespmem:v51+s14+$0x0], $0xffff;
	_ =	sdelay $0x1  }
0x180: {  	v53 =	vor.u32 $0x14, v35  }
0x181: {  	v54 =	vor.u32 $0x14, v34;
	_ =	sdelay $0x1  }
0x182: {  	v36 =	vsel vm15, v52, v36  }
0x183: {  	[tilespmem:v21+s28+$0x0 ss:$0x1] =	vst.idx.msk $0xffff, v36  }
0x184: {  	v36 =	vld.idx.msk [tilespmem:v53+s16+$0x0], $0xffff  }
0x185: {  	v55 =	vld.idx.msk [tilespmem:v54+s14+$0x0], $0xffff;
	_ =	sdelay $0x1  }
0x186: {  	v56 =	vor.u32 $0x15, v35  }
0x187: {  	v57 =	vor.u32 $0x15, v34;
	_ =	sdelay $0x1  }
0x188: {  	v36 =	vsel vm15, v55, v36  }
0x189: {  	[tilespmem:v22+s28+$0x0 ss:$0x1] =	vst.idx.msk $0xffff, v36  }
0x18a: {  	v36 =	vld.idx.msk [tilespmem:v56+s16+$0x0], $0xffff  }
0x18b: {  	v58 =	vld.idx.msk [tilespmem:v57+s14+$0x0], $0xffff;
	_ =	sdelay $0x1  }
0x18c: {  	v59 =	vor.u32 $0x16, v35  }
0x18d: {  	v60 =	vor.u32 $0x16, v34;
	_ =	sdelay $0x1  }
0x18e: {  	v36 =	vsel vm15, v58, v36  }
0x18f: {  	[tilespmem:v23+s28+$0x0 ss:$0x1] =	vst.idx.msk $0xffff, v36  }
0x190: {  	v36 =	vld.idx.msk [tilespmem:v59+s16+$0x0], $0xffff  }
0x191: {  	v61 =	vld.idx.msk [tilespmem:v60+s14+$0x0], $0xffff;
	_ =	sdelay $0x1  }
0x192: {  	v62 =	vor.u32 $0x17, v35  }
0x193: {  	v63 =	vor.u32 $0x17, v34;
	_ =	sdelay $0x1  }
0x194: {  	v36 =	vsel vm15, v61, v36  }
0x195: {  	[tilespmem:v24+s28+$0x0 ss:$0x1] =	vst.idx.msk $0xffff, v36  }
0x196: {  	v36 =	vld.idx.msk [tilespmem:v62+s16+$0x0], $0xffff  }
0x197: {  	v42 =	vld.idx.msk [tilespmem:v63+s14+$0x0], $0xffff;
	_ =	sdelay $0x1  }
0x198: {  	v43 =	vor.u32 $0x18, v35  }
0x199: {  	v44 =	vor.u32 $0x18, v34;
	_ =	sdelay $0x1  }
0x19a: {  	v36 =	vsel vm15, v42, v36  }
0x19b: {  	[tilespmem:v25+s28+$0x0 ss:$0x1] =	vst.idx.msk $0xffff, v36  }
0x19c: {  	v36 =	vld.idx.msk [tilespmem:v43+s16+$0x0], $0xffff  }
0x19d: {  	v45 =	vld.idx.msk [tilespmem:v44+s14+$0x0], $0xffff;
	_ =	sdelay $0x1  }
0x19e: {  	v46 =	vor.u32 $0x19, v35  }
0x19f: {  	v47 =	vor.u32 $0x19, v34;
	_ =	sdelay $0x1  }
0x1a0: {  	v36 =	vsel vm15, v45, v36  }
0x1a1: {  	[tilespmem:v26+s28+$0x0 ss:$0x1] =	vst.idx.msk $0xffff, v36  }
0x1a2: {  	v36 =	vld.idx.msk [tilespmem:v46+s16+$0x0], $0xffff  }
0x1a3: {  	v48 =	vld.idx.msk [tilespmem:v47+s14+$0x0], $0xffff;
	_ =	sdelay $0x1  }
0x1a4: {  	v49 =	vor.u32 $0x1A, v35  }
0x1a5: {  	v50 =	vor.u32 $0x1A, v34;
	_ =	sdelay $0x1  }
0x1a6: {  	v36 =	vsel vm15, v48, v36  }
0x1a7: {  	[tilespmem:v27+s28+$0x0 ss:$0x1] =	vst.idx.msk $0xffff, v36  }
0x1a8: {  	v36 =	vld.idx.msk [tilespmem:v49+s16+$0x0], $0xffff  }
0x1a9: {  	v51 =	vld.idx.msk [tilespmem:v50+s14+$0x0], $0xffff;
	_ =	sdelay $0x1  }
0x1aa: {  	v52 =	vor.u32 $0x1B, v35  }
0x1ab: {  	v53 =	vor.u32 $0x1B, v34;
	_ =	sdelay $0x1  }
0x1ac: {  	v36 =	vsel vm15, v51, v36  }
0x1ad: {  	[tilespmem:v28+s28+$0x0 ss:$0x1] =	vst.idx.msk $0xffff, v36  }
0x1ae: {  	v36 =	vld.idx.msk [tilespmem:v52+s16+$0x0], $0xffff  }
0x1af: {  	v54 =	vld.idx.msk [tilespmem:v53+s14+$0x0], $0xffff;
	_ =	sdelay $0x1  }
0x1b0: {  	v55 =	vor.u32 $0x1C, v35  }
0x1b1: {  	v56 =	vor.u32 $0x1C, v34;
	_ =	sdelay $0x1  }
0x1b2: {  	v36 =	vsel vm15, v54, v36  }
0x1b3: {  	[tilespmem:v29+s28+$0x0 ss:$0x1] =	vst.idx.msk $0xffff, v36  }
0x1b4: {  	v36 =	vld.idx.msk [tilespmem:v55+s16+$0x0], $0xffff  }
0x1b5: {  	v57 =	vld.idx.msk [tilespmem:v56+s14+$0x0], $0xffff;
	_ =	sdelay $0x1  }
0x1b6: {  	v58 =	vor.u32 $0x1D, v35  }
0x1b7: {  	v59 =	vor.u32 $0x1D, v34;
	_ =	sdelay $0x1  }
0x1b8: {  	v36 =	vsel vm15, v57, v36  }
0x1b9: {  	[tilespmem:v30+s28+$0x0 ss:$0x1] =	vst.idx.msk $0xffff, v36  }
0x1ba: {  	v36 =	vld.idx.msk [tilespmem:v58+s16+$0x0], $0xffff  }
0x1bb: {  	v60 =	vld.idx.msk [tilespmem:v59+s14+$0x0], $0xffff;
	_ =	sdelay $0x1  }
0x1bc: {  	v61 =	vor.u32 $0x1E, v35  }
0x1bd: {  	v62 =	vor.u32 $0x1E, v34;
	_ =	sdelay $0x1  }
0x1be: {  	v36 =	vsel vm15, v60, v36  }
0x1bf: {  	[tilespmem:v31+s28+$0x0 ss:$0x1] =	vst.idx.msk $0xffff, v36  }
0x1c0: {  	v36 =	vld.idx.msk [tilespmem:v61+s16+$0x0], $0xffff  }
0x1c1: {  	v63 =	vld.idx.msk [tilespmem:v62+s14+$0x0], $0xffff;
	_ =	sdelay $0x1  }
0x1c2: {  	v35 =	vor.u32 $0x1F, v35  }
0x1c3: {  	v34 =	vor.u32 $0x1F, v34;
	_ =	sdelay $0x1  }
0x1c4: {  	v36 =	vsel vm15, v63, v36  }
0x1c5: {  	[tilespmem:v32+s28+$0x0 ss:$0x1] =	vst.idx.msk $0xffff, v36  }
0x1c6: {  	v35 =	vld.idx.msk [tilespmem:v35+s16+$0x0], $0xffff  }
0x1c7: {  	v34 =	vld.idx.msk [tilespmem:v34+s14+$0x0], $0xffff  }
0x1c8: {  	p1 =	por p0, p0  }
.Ltmp1:
0x1c9: {  	_ = 	snop;
	(pc) =	sbr.rel @p1 .LBB2_5-.Ltmp1, $3  }
0x1ca: {  	_ =	sdelay $0x1  }
0x1cb: {  	v34 =	vsel vm15, v34, v35  }
0x1cc: {  	p0 =	por $0x0, $0x0;
	[tilespmem:v33+s28+$0x0 ss:$0x1] =	vst.idx.msk $0xffff, v34;
	s28 =	simm.s32 $0x10  }
0x1cd: {  	p0 =	sgt.u32 s24, $0xD  }
0x1ce: {  	s25 =	sshll.u32 @!p0 s25, $0xC;
	s26 =	sshll.u32 @!p0 s24, $0x9;
	s28 =	simm.s32 @!p0 $0x0  }
0x1cf: {  	s24 =	sadd.s32 $0x1, s24;
	s25 =	sor.u32 @!p0 $0x10600, s25;
	s26 =	sadd.s32 @!p0 s26, s10  }
0x1d0: {  	[tilespmem:s25], [sflag:$0x2] =	stream.linear.gather @!p0 [hbm4b:s26+s28], $0x1000, $0x38;
	[tilespmem:$0x1E600] =	vst v63  }
0x1d1: {  	p0 =	sne.s32 s24, $0x10  }
.Ltmp2:
0x1d2: {  	_ = 	snop;
	(pc) =	sbr.rel @p0 .LBB2_4-.Ltmp2, $1  }
0x1d3: {  	_ =	sdelay $0x3  }
0x1d4: {  	s23 =	sadd.s32 $0x1, s23  }
0x1d5: {  	p0 =	sne.s32 s23, s12  }
.Ltmp3:
0x1d6: {  	_ = 	snop;
	(pc) =	sbr.rel @p0 .LBB2_1-.Ltmp3, $4  }
0x1d7: {  	[hbm4b:s11+s20] =	stream.strided.scatter [tilespmem:s22], [sflag:$0x3], $0xC000, s21, s20, $0x38;
	[tilespmem:$0x1E600] =	vst v63  }
0x1d8: {  	_ =	swait.ge [sflag:s15], $0xC000  }
0x1d9: {  	[sflag:s15] =	ssyncset.done $0x0  }
0x1da: {  	[sflag:s15] =	ssyncadd.s32 $0xFFFF4000  }
0x1db: {  	_ =	sfence.sel $0x180000  }
0x1dc: {  	[bflag:$0x0] =	sbarrier.arrive $0xFFFF  }
0x1dd: {  	p0 =	sne.s32 s1, $0x0;
	_ =	strace $0x9000004A  }
0x1de: {  	s0 =	sadd.s32 @!p0 $0x100000, s0;
	[bflag:$0x2] =	sbarrier.arrive $0xFFFF  }
0x1df: {  	[sflag:s0] =	ssyncadd.tile.s32 @!p0 $0x1;
	_ =	shalt  }
.Lfunc_end2:
_tile_overlayer_lowered:
.L_overlay_start_2:
0x1e0: {  	(tag) =	ssettag $0x2  }
0x1e1: {  	s0 =	rddreg [dreg:$0x0];
	s2 =	stileid.u32  }
0x1e2: {  	s1 =	rddreg [dreg:$0x1];
	p0 =	sne.s32 s2, $0x0  }
0x1e3: {  	s3 =	rddreg [dreg:$0x2];
	[bflag:$0x3] =	sbarrier.arrive $0xFFFF;
	s2 =	simm.s32 @!p0 $0x1C03  }
0x1e4: {  	[timem:s3], [sflag:s2] =	dma.local @!p0 [hbm:s0], s1  }
0x1e5: {  	s0 =	simm.s32 @!p0 $0x3  }
0x1e6: {  	_ =	swait.ge @!p0 [sflag:s0], s1  }
0x1e7: {  	s1 =	ssub.s32 @!p0 $0x0, s1;
	[sflag:s0] =	ssyncset.done @!p0 $0x0  }
0x1e8: {  	[sflag:s0] =	ssyncadd.s32 @!p0 s1  }
0x1e9: {  	[bflag:$0x3] =	sbarrier.arrive $0xFFFF  }
0x1ea: {  	_ =	shalt  }

</sc_bundles>
